<compile_context>
chip_gen: v7x
topology: tpu7x:2x2x1
jax: 0.10.2.dev20260603
libtpu: 0.0.44.dev20260713+nightly
codegen_flags: <defaults>
</compile_context>

<pallas_src>
import functools
import math

import jax
import jax.numpy as jnp
from jax import lax
from jax.experimental import pallas as pl
from jax.experimental.pallas import tpu as pltpu
from jax.experimental.pallas import tpu_sc as plsc

EMB = 32
SCALE = math.sqrt(EMB)

NC, NS = 2, 16
NW = NC * NS
TB = 128
TC = 4


def _make_kernel(B0, T):
    blocks_per_w = B0 // (NW * TB)
    n_pairs = (T // TC) // 2
    tpad = -(-T // 16) * 16
    mesh = plsc.VectorSubcoreMesh(core_axis_name="c", subcore_axis_name="s")

    @functools.partial(
        pl.kernel,
        mesh=mesh,
        out_type=jax.ShapeDtypeStruct((T, EMB // 8, B0 // TB, 8, TB),
                                      jnp.float32),
        scratch_types=[
            pltpu.VMEM((TB, tpad), jnp.int32),
            pltpu.VMEM((T * TB,), jnp.int32),
            pltpu.VMEM((TC * TB, EMB), jnp.float32),
            pltpu.VMEM((TC * TB, EMB), jnp.float32),
            pltpu.VMEM((TC, EMB // 8, 8, TB + 1), jnp.float32),
            pltpu.VMEM((TC, EMB // 8, 8, TB + 1), jnp.float32),
            pltpu.SemaphoreType.DMA,
            pltpu.SemaphoreType.DMA,
            pltpu.SemaphoreType.DMA,
            pltpu.SemaphoreType.DMA,
        ],
        compiler_params=pltpu.CompilerParams(use_tc_tiling_on_sc=False,
                                             needs_layout_passes=False),
    )
    def body_kernel(tok_hbm, tab_hbm, out_hbm,
                    tokb, tokt, rows0, rows1, rt0, rt1,
                    sem_g0, sem_g1, sem_o0, sem_o1):
        wid = lax.axis_index("s") * NC + lax.axis_index("c")
        lanes = lax.iota(jnp.int32, 16)
        rvec = [(lanes + h) // 8 for h in (0, 16)]
        esvec = [(lanes + h) % 8 for h in (0, 16)]
        ttvec = [jnp.full((16,), tt, jnp.int32) for tt in range(TC)]

        def transpose_scale(rows, rt):
            def bbody(i, carry):
                for q in range(4):
                    b = i * 4 + q
                    bvec = jnp.full((16,), 0, jnp.int32) + b
                    for tt in range(TC):
                        for hi, h in enumerate((0, 16)):
                            v = rows[tt * TB + b, pl.ds(h, 16)]
                            plsc.store_scatter(
                                rt, [ttvec[tt], rvec[hi], esvec[hi], bvec],
                                v * SCALE)
                return carry
            lax.fori_loop(0, TB // 4, bbody, 0)

        def start_gather(tc, rows, sem):
            return pltpu.async_copy(
                tab_hbm.at[tokt.at[pl.ds(tc * (TC * TB), TC * TB)]],
                rows, sem)

        def write_out(t0, bblk, rt, sem):
            for tt in range(TC):
                pltpu.async_copy(rt.at[tt, :, :, pl.ds(0, TB)],
                                 out_hbm.at[t0 + tt, :, bblk], sem)

        def wait_out(rt, sem):
            for tt in range(TC):
                pltpu.make_async_copy(rt.at[tt, :, :, pl.ds(0, TB)],
                                      out_hbm.at[0, :, 0], sem).wait()

        def block_body(kb, carry):
            b0 = wid * (blocks_per_w * TB) + kb * TB
            bblk = wid * blocks_per_w + kb
            pltpu.sync_copy(tok_hbm.at[pl.ds(b0, TB)],
                            tokb.at[:, pl.ds(0, T)])

            def tbody(i, carry):
                tvec = lanes + i * 16
                msk = tvec < T
                for b in range(TB):
                    v = tokb[b, pl.ds(i * 16, 16)]
                    plsc.store_scatter(tokt, [tvec * TB + b], v, mask=msk)
                return carry

            lax.fori_loop(0, tpad // 16, tbody, 0)

            start_gather(0, rows0, sem_g0)

            def pair_body(g, carry):
                tc0 = 2 * g
                start_gather(tc0 + 1, rows1, sem_g1)
                pltpu.make_async_copy(
                    tab_hbm.at[tokt.at[pl.ds(0, TC * TB)]],
                    rows0, sem_g0).wait()

                @pl.when(g > 0)
                def _():
                    wait_out(rt0, sem_o0)
                transpose_scale(rows0, rt0)
                write_out(tc0 * TC, bblk, rt0, sem_o0)
                @pl.when(g < n_pairs - 1)
                def _():
                    start_gather(tc0 + 2, rows0, sem_g0)
                pltpu.make_async_copy(
                    tab_hbm.at[tokt.at[pl.ds(0, TC * TB)]],
                    rows1, sem_g1).wait()

                @pl.when(g > 0)
                def _():
                    wait_out(rt1, sem_o1)
                transpose_scale(rows1, rt1)
                write_out((tc0 + 1) * TC, bblk, rt1, sem_o1)
                return carry

            lax.fori_loop(0, n_pairs, pair_body, 0)
            wait_out(rt0, sem_o0)
            wait_out(rt1, sem_o1)
            return carry

        lax.fori_loop(0, blocks_per_w, block_body, 0)

    return body_kernel


def kernel(tokens, table):
    B0, T = tokens.shape
    o5 = _make_kernel(B0, T)(tokens.astype(jnp.int32), table)
    y = jnp.transpose(o5, (2, 4, 0, 1, 3))
    return y.reshape(B0, T, EMB)

# --- scband reference (transcript-rebuilt; emitter-appended) ---
"""Pipeline reference for scband-token-embedding-75076028334808 (READ-ONLY COPY).

The authoritative reference and input builder live on the scoring server;
editing this copy changes nothing except your own understanding.
"""

import jax, jax.numpy as jnp
import numpy as np
import math

VOCAB = 1000000
EMB = 32

def setup_inputs(seed: int = 0) -> dict:
    key = jax.random.key(seed)
    k_tok, k_tab = jax.random.split(key)
    tokens = jax.random.randint(k_tok, (16384, 200), 0, VOCAB, dtype=jnp.int64 if jax.config.jax_enable_x64 else jnp.int32)
    table = jax.random.normal(k_tab, (VOCAB, EMB), dtype=jnp.float32) * 0.02
    return {"tokens": tokens, "table": table}

def reference(tokens, table):
    # embedding lookup (gather) followed by scale by sqrt(emb_size)
    emb = jnp.take(table, tokens, axis=0)
    return emb * math.sqrt(EMB)

if __name__ == "__main__":
    import jax
    _d = setup_inputs()
    print(jax.jit(kernel)(*tuple(_d.values())))

</pallas_src>

<mosaic_0001>
#map = affine_map<(d0, d1) -> (0, 0)>
#map1 = affine_map<(d0, d1) -> (0, 0, 0, 0, 0)>
module attributes {stable_mosaic.version = 14 : i64} {
  func.func @body_kernel(%arg0: i32, %arg1: i32, %arg2: memref<16384x200xi32, #tpu.memory_space<hbm>>, %arg3: memref<1000000x32xf32, #tpu.memory_space<hbm>>, %arg4: memref<200x4x128x8x128xf32, #tpu.memory_space<hbm>>, %arg5: memref<128x208xi32, #tpu.memory_space<vmem>>, %arg6: memref<25600xi32, #tpu.memory_space<vmem>>, %arg7: memref<512x32xf32, #tpu.memory_space<vmem>>, %arg8: memref<512x32xf32, #tpu.memory_space<vmem>>, %arg9: memref<4x4x8x129xf32, #tpu.memory_space<vmem>>, %arg10: memref<4x4x8x129xf32, #tpu.memory_space<vmem>>, %arg11: memref<!tpu.dma_semaphore, #tpu.memory_space<semaphore_mem>>, %arg12: memref<!tpu.dma_semaphore, #tpu.memory_space<semaphore_mem>>, %arg13: memref<!tpu.dma_semaphore, #tpu.memory_space<semaphore_mem>>, %arg14: memref<!tpu.dma_semaphore, #tpu.memory_space<semaphore_mem>>) attributes {dimension_semantics = [#tpu.dimension_semantics<core_parallel>, #tpu.dimension_semantics<subcore_parallel>], iteration_bounds = array<i64: 2, 16>, scalar_prefetch = 0 : i64, scratch_operands = 10 : i64, tpu.core_type = #tpu.core_type<sc_vector_subcore>, window_params = [{transform_indices = #map}, {transform_indices = #map}, {transform_indices = #map1}]} {
    %mul3A = arith.constant 2 : i32
    %mul3A_0 = arith.muli %arg1, %mul3A : i32
    %add3A = arith.addi %mul3A_0, %arg0 : i32
    %iota3A = tpu.iota {dimensions = array<i32: 0>} : vector<16xi32>
    %add3A_1 = arith.constant 0 : i32
    %add3A_2 = vector.broadcast %add3A_1 : i32 to vector<16xi32>
    %add3A_3 = arith.addi %iota3A, %add3A_2 : vector<16xi32>
    %jit3A = arith.constant 8 : i32
    %div3A = vector.broadcast %jit3A : i32 to vector<16xi32>
    %div3A_4 = arith.divsi %add3A_3, %div3A : vector<16xi32>
    %sign3A = arith.constant 0 : i32
    %sign3A_5 = vector.broadcast %sign3A : i32 to vector<16xi32>
    %sign3A_6 = arith.cmpi sgt, %add3A_3, %sign3A_5 : vector<16xi32>
    %sign3A_7 = arith.extui %sign3A_6 : vector<16xi1> to vector<16xi32>
    %sign3A_8 = arith.constant 0 : i32
    %sign3A_9 = vector.broadcast %sign3A_8 : i32 to vector<16xi32>
    %sign3A_10 = arith.cmpi slt, %add3A_3, %sign3A_9 : vector<16xi32>
    %sign3A_11 = arith.extui %sign3A_10 : vector<16xi1> to vector<16xi32>
    %sign3A_12 = arith.subi %sign3A_7, %sign3A_11 : vector<16xi32>
    %sign3A_13 = arith.constant 0 : i32
    %sign3A_14 = arith.cmpi sgt, %jit3A, %sign3A_13 : i32
    %sign3A_15 = arith.extui %sign3A_14 : i1 to i32
    %sign3A_16 = arith.constant 0 : i32
    %sign3A_17 = arith.cmpi slt, %jit3A, %sign3A_16 : i32
    %sign3A_18 = arith.extui %sign3A_17 : i1 to i32
    %sign3A_19 = arith.subi %sign3A_15, %sign3A_18 : i32
    %ne3A = vector.broadcast %sign3A_19 : i32 to vector<16xi32>
    %ne3A_20 = arith.cmpi ne, %sign3A_12, %ne3A : vector<16xi32>
    %rem3A = vector.broadcast %jit3A : i32 to vector<16xi32>
    %rem3A_21 = arith.remsi %add3A_3, %rem3A : vector<16xi32>
    %ne3A_22 = arith.constant 0 : i32
    %ne3A_23 = vector.broadcast %ne3A_22 : i32 to vector<16xi32>
    %ne3A_24 = arith.cmpi ne, %rem3A_21, %ne3A_23 : vector<16xi32>
    %and3A = arith.andi %ne3A_20, %ne3A_24 : vector<16xi1>
    %sub3A = arith.constant 1 : i32
    %sub3A_25 = vector.broadcast %sub3A : i32 to vector<16xi32>
    %sub3A_26 = arith.subi %div3A_4, %sub3A_25 : vector<16xi32>
    %select_n3A = arith.select %and3A, %sub3A_26, %div3A_4 : vector<16xi1>, vector<16xi32>
    %add3A_27 = arith.constant 16 : i32
    %add3A_28 = vector.broadcast %add3A_27 : i32 to vector<16xi32>
    %add3A_29 = arith.addi %iota3A, %add3A_28 : vector<16xi32>
    %jit3A_30 = arith.constant 8 : i32
    %div3A_31 = vector.broadcast %jit3A_30 : i32 to vector<16xi32>
    %div3A_32 = arith.divsi %add3A_29, %div3A_31 : vector<16xi32>
    %sign3A_33 = arith.constant 0 : i32
    %sign3A_34 = vector.broadcast %sign3A_33 : i32 to vector<16xi32>
    %sign3A_35 = arith.cmpi sgt, %add3A_29, %sign3A_34 : vector<16xi32>
    %sign3A_36 = arith.extui %sign3A_35 : vector<16xi1> to vector<16xi32>
    %sign3A_37 = arith.constant 0 : i32
    %sign3A_38 = vector.broadcast %sign3A_37 : i32 to vector<16xi32>
    %sign3A_39 = arith.cmpi slt, %add3A_29, %sign3A_38 : vector<16xi32>
    %sign3A_40 = arith.extui %sign3A_39 : vector<16xi1> to vector<16xi32>
    %sign3A_41 = arith.subi %sign3A_36, %sign3A_40 : vector<16xi32>
    %sign3A_42 = arith.constant 0 : i32
    %sign3A_43 = arith.cmpi sgt, %jit3A_30, %sign3A_42 : i32
    %sign3A_44 = arith.extui %sign3A_43 : i1 to i32
    %sign3A_45 = arith.constant 0 : i32
    %sign3A_46 = arith.cmpi slt, %jit3A_30, %sign3A_45 : i32
    %sign3A_47 = arith.extui %sign3A_46 : i1 to i32
    %sign3A_48 = arith.subi %sign3A_44, %sign3A_47 : i32
    %ne3A_49 = vector.broadcast %sign3A_48 : i32 to vector<16xi32>
    %ne3A_50 = arith.cmpi ne, %sign3A_41, %ne3A_49 : vector<16xi32>
    %rem3A_51 = vector.broadcast %jit3A_30 : i32 to vector<16xi32>
    %rem3A_52 = arith.remsi %add3A_29, %rem3A_51 : vector<16xi32>
    %ne3A_53 = arith.constant 0 : i32
    %ne3A_54 = vector.broadcast %ne3A_53 : i32 to vector<16xi32>
    %ne3A_55 = arith.cmpi ne, %rem3A_52, %ne3A_54 : vector<16xi32>
    %and3A_56 = arith.andi %ne3A_50, %ne3A_55 : vector<16xi1>
    %sub3A_57 = arith.constant 1 : i32
    %sub3A_58 = vector.broadcast %sub3A_57 : i32 to vector<16xi32>
    %sub3A_59 = arith.subi %div3A_32, %sub3A_58 : vector<16xi32>
    %select_n3A_60 = arith.select %and3A_56, %sub3A_59, %div3A_32 : vector<16xi1>, vector<16xi32>
    %add3A_61 = arith.constant 0 : i32
    %add3A_62 = vector.broadcast %add3A_61 : i32 to vector<16xi32>
    %add3A_63 = arith.addi %iota3A, %add3A_62 : vector<16xi32>
    %jit3A_64 = arith.constant 8 : i32
    %eq3A = arith.constant 0 : i32
    %eq3A_65 = arith.cmpi eq, %jit3A_64, %eq3A : i32
    %jit3A_66 = arith.constant 1 : i32
    %select_n3A_67 = arith.select %eq3A_65, %jit3A_66, %jit3A_64 : i32
    %rem3A_68 = vector.broadcast %select_n3A_67 : i32 to vector<16xi32>
    %rem3A_69 = arith.remsi %add3A_63, %rem3A_68 : vector<16xi32>
    %ne3A_70 = arith.constant 0 : i32
    %ne3A_71 = vector.broadcast %ne3A_70 : i32 to vector<16xi32>
    %ne3A_72 = arith.cmpi ne, %rem3A_69, %ne3A_71 : vector<16xi32>
    %lt3A = arith.constant 0 : i32
    %lt3A_73 = vector.broadcast %lt3A : i32 to vector<16xi32>
    %lt3A_74 = arith.cmpi slt, %rem3A_69, %lt3A_73 : vector<16xi32>
    %lt3A_75 = arith.constant 0 : i32
    %lt3A_76 = arith.cmpi slt, %select_n3A_67, %lt3A_75 : i32
    %ne3A_77 = vector.broadcast %lt3A_76 : i1 to vector<16xi1>
    %ne3A_78 = vector.broadcast %ne3A_77 : vector<16xi1> to vector<16xi1>
    %ne3A_79 = arith.xori %lt3A_74, %ne3A_78 : vector<16xi1>
    %and3A_80 = arith.andi %ne3A_79, %ne3A_72 : vector<16xi1>
    %add3A_81 = vector.broadcast %select_n3A_67 : i32 to vector<16xi32>
    %add3A_82 = arith.addi %rem3A_69, %add3A_81 : vector<16xi32>
    %select_n3A_83 = arith.select %and3A_80, %add3A_82, %rem3A_69 : vector<16xi1>, vector<16xi32>
    %add3A_84 = arith.constant 16 : i32
    %add3A_85 = vector.broadcast %add3A_84 : i32 to vector<16xi32>
    %add3A_86 = arith.addi %iota3A, %add3A_85 : vector<16xi32>
    %jit3A_87 = arith.constant 8 : i32
    %eq3A_88 = arith.constant 0 : i32
    %eq3A_89 = arith.cmpi eq, %jit3A_87, %eq3A_88 : i32
    %jit3A_90 = arith.constant 1 : i32
    %select_n3A_91 = arith.select %eq3A_89, %jit3A_90, %jit3A_87 : i32
    %rem3A_92 = vector.broadcast %select_n3A_91 : i32 to vector<16xi32>
    %rem3A_93 = arith.remsi %add3A_86, %rem3A_92 : vector<16xi32>
    %ne3A_94 = arith.constant 0 : i32
    %ne3A_95 = vector.broadcast %ne3A_94 : i32 to vector<16xi32>
    %ne3A_96 = arith.cmpi ne, %rem3A_93, %ne3A_95 : vector<16xi32>
    %lt3A_97 = arith.constant 0 : i32
    %lt3A_98 = vector.broadcast %lt3A_97 : i32 to vector<16xi32>
    %lt3A_99 = arith.cmpi slt, %rem3A_93, %lt3A_98 : vector<16xi32>
    %lt3A_100 = arith.constant 0 : i32
    %lt3A_101 = arith.cmpi slt, %select_n3A_91, %lt3A_100 : i32
    %ne3A_102 = vector.broadcast %lt3A_101 : i1 to vector<16xi1>
    %ne3A_103 = vector.broadcast %ne3A_102 : vector<16xi1> to vector<16xi1>
    %ne3A_104 = arith.xori %lt3A_99, %ne3A_103 : vector<16xi1>
    %and3A_105 = arith.andi %ne3A_104, %ne3A_96 : vector<16xi1>
    %add3A_106 = vector.broadcast %select_n3A_91 : i32 to vector<16xi32>
    %add3A_107 = arith.addi %rem3A_93, %add3A_106 : vector<16xi32>
    %select_n3A_108 = arith.select %and3A_105, %add3A_107, %rem3A_93 : vector<16xi1>, vector<16xi32>
    %broadcast_in_dim3A = arith.constant 0 : i32
    %broadcast_in_dim3A_109 = vector.broadcast %broadcast_in_dim3A : i32 to vector<16xi32>
    %broadcast_in_dim3A_110 = arith.constant 1 : i32
    %broadcast_in_dim3A_111 = vector.broadcast %broadcast_in_dim3A_110 : i32 to vector<16xi32>
    %broadcast_in_dim3A_112 = arith.constant 2 : i32
    %broadcast_in_dim3A_113 = vector.broadcast %broadcast_in_dim3A_112 : i32 to vector<16xi32>
    %broadcast_in_dim3A_114 = arith.constant 3 : i32
    %broadcast_in_dim3A_115 = vector.broadcast %broadcast_in_dim3A_114 : i32 to vector<16xi32>
    %scan3A = arith.constant 0 : i32
    %scan3A_116 = arith.constant 0 : i32
    %scan3A_117 = arith.constant 4 : i32
    %scan3A_118 = arith.addi %scan3A_116, %scan3A_117 : i32
    %scan3A_119 = arith.constant 1 : i32
    scf.for %scan3A_121 = %scan3A_116 to %scan3A_118 step %scan3A_119  : i32 {
      %mul3A_122 = arith.constant 512 : i32
      %mul3A_123 = arith.muli %add3A, %mul3A_122 : i32
      %mul3A_124 = arith.constant 128 : i32
      %mul3A_125 = arith.muli %scan3A_121, %mul3A_124 : i32
      %add3A_126 = arith.addi %mul3A_123, %mul3A_125 : i32
      %mul3A_127 = arith.constant 4 : i32
      %mul3A_128 = arith.muli %add3A, %mul3A_127 : i32
      %add3A_129 = arith.addi %mul3A_128, %scan3A_121 : i32
      "tpu.region"() ({
        %run_scoped3A = tpu.sem_alloc : memref<!tpu.dma_semaphore, #tpu.memory_space<semaphore_mem>>
        %dma_start3A_329 = arith.constant 0 : i32
        %dma_start3A_330 = arith.constant 0 : i32
        %dma_start3A_331 = tpu.memref_slice %arg5[%dma_start3A_329, %dma_start3A_330] : memref<128x208xi32, #tpu.memory_space<vmem>> -> memref<128x200xi32, #tpu.memory_space<vmem>>
        %dma_start3A_332 = arith.constant 0 : i32
        %dma_start3A_333 = tpu.memref_slice %arg2[%add3A_126, %dma_start3A_332] : memref<16384x200xi32, #tpu.memory_space<hbm>> -> memref<128x200xi32, #tpu.memory_space<hbm>>
        %dma_start3A_334 = arith.constant 0 : i32
        %dma_start3A_335 = arith.constant 0 : i32
        %dma_start3A_336 = tpu.memref_slice %arg5[%dma_start3A_334, %dma_start3A_335] : memref<128x208xi32, #tpu.memory_space<vmem>> -> memref<128x200xi32, #tpu.memory_space<vmem>>
        %dma_start3A_337 = arith.constant 0 : i32
        %dma_start3A_338 = tpu.memref_slice %arg2[%add3A_126, %dma_start3A_337] : memref<16384x200xi32, #tpu.memory_space<hbm>> -> memref<128x200xi32, #tpu.memory_space<hbm>>
        tpu.enqueue_dma source(%dma_start3A_338 : memref<128x200xi32, #tpu.memory_space<hbm>>) target(%dma_start3A_336 : memref<128x200xi32, #tpu.memory_space<vmem>>) target_semaphore(%run_scoped3A : memref<!tpu.dma_semaphore, #tpu.memory_space<semaphore_mem>>)
        %dma_wait3A_339 = arith.constant 0 : i32
        %dma_wait3A_340 = arith.constant 0 : i32
        %dma_wait3A_341 = tpu.memref_slice %arg5[%dma_wait3A_339, %dma_wait3A_340] : memref<128x208xi32, #tpu.memory_space<vmem>> -> memref<128x200xi32, #tpu.memory_space<vmem>>
        %dma_wait3A_342 = arith.constant 0 : i32
        %dma_wait3A_343 = tpu.memref_slice %arg2[%add3A_126, %dma_wait3A_342] : memref<16384x200xi32, #tpu.memory_space<hbm>> -> memref<128x200xi32, #tpu.memory_space<hbm>>
        %dma_wait3A_344 = arith.constant 0 : i32
        %dma_wait3A_345 = arith.constant 0 : i32
        %dma_wait3A_346 = tpu.memref_slice %arg5[%dma_wait3A_344, %dma_wait3A_345] : memref<128x208xi32, #tpu.memory_space<vmem>> -> memref<128x200xi32, #tpu.memory_space<vmem>>
        %dma_wait3A_347 = arith.constant 0 : i32
        %dma_wait3A_348 = tpu.memref_slice %arg2[%add3A_126, %dma_wait3A_347] : memref<16384x200xi32, #tpu.memory_space<hbm>> -> memref<128x200xi32, #tpu.memory_space<hbm>>
        tpu.wait_dma2 semaphore(%run_scoped3A : memref<!tpu.dma_semaphore, #tpu.memory_space<semaphore_mem>>) src(%dma_wait3A_348 : memref<128x200xi32, #tpu.memory_space<hbm>>) dst(%dma_wait3A_346 : memref<128x200xi32, #tpu.memory_space<vmem>>)
        tpu.yield
      }) : () -> ()
      %scan3A_130 = arith.constant 0 : i32
      %scan3A_131 = arith.constant 0 : i32
      %scan3A_132 = arith.constant 13 : i32
      %scan3A_133 = arith.addi %scan3A_131, %scan3A_132 : i32
      %scan3A_134 = arith.constant 1 : i32
      scf.for %scan3A_329 = %scan3A_131 to %scan3A_133 step %scan3A_134  : i32 {
        %mul3A_330 = arith.constant 16 : i32
        %mul3A_331 = arith.muli %scan3A_329, %mul3A_330 : i32
        %add3A_332 = vector.broadcast %mul3A_331 : i32 to vector<16xi32>
        %add3A_333 = arith.addi %iota3A, %add3A_332 : vector<16xi32>
        %lt3A_334 = arith.constant 200 : i32
        %lt3A_335 = vector.broadcast %lt3A_334 : i32 to vector<16xi32>
        %lt3A_336 = arith.cmpi slt, %add3A_333, %lt3A_335 : vector<16xi32>
        %mul3A_337 = arith.constant 16 : i32
        %mul3A_338 = arith.muli %scan3A_329, %mul3A_337 : i32
        %get3A = arith.constant 0 : i32
        %get3A_339 = arith.index_cast %get3A : i32 to index
        %get3A_340 = arith.index_cast %mul3A_338 : i32 to index
        %get3A_341 = tpu.vector_load %arg5[%get3A_339, %get3A_340] {strides = array<i32>} : memref<128x208xi32, #tpu.memory_space<vmem>>, vector<16xi32>,
        %mul3A_342 = arith.constant 128 : i32
        %mul3A_343 = vector.broadcast %mul3A_342 : i32 to vector<16xi32>
        %mul3A_344 = arith.muli %add3A_333, %mul3A_343 : vector<16xi32>
        %add3A_345 = arith.constant 0 : i32
        %add3A_346 = vector.broadcast %add3A_345 : i32 to vector<16xi32>
        %add3A_347 = arith.addi %mul3A_344, %add3A_346 : vector<16xi32>
        tpu.vector_store_idx %arg6[%add3A_347], %get3A_341 masked %lt3A_336 : memref<25600xi32, #tpu.memory_space<vmem>>[vector<16xi32>], vector<16xi32>, vector<16xi1>
        %mul3A_348 = arith.constant 16 : i32
        %mul3A_349 = arith.muli %scan3A_329, %mul3A_348 : i32
        %get3A_350 = arith.constant 1 : i32
        %get3A_351 = arith.index_cast %get3A_350 : i32 to index
        %get3A_352 = arith.index_cast %mul3A_349 : i32 to index
        %get3A_353 = tpu.vector_load %arg5[%get3A_351, %get3A_352] {strides = array<i32>} : memref<128x208xi32, #tpu.memory_space<vmem>>, vector<16xi32>,
        %mul3A_354 = arith.constant 128 : i32
        %mul3A_355 = vector.broadcast %mul3A_354 : i32 to vector<16xi32>
        %mul3A_356 = arith.muli %add3A_333, %mul3A_355 : vector<16xi32>
        %add3A_357 = arith.constant 1 : i32
        %add3A_358 = vector.broadcast %add3A_357 : i32 to vector<16xi32>
        %add3A_359 = arith.addi %mul3A_356, %add3A_358 : vector<16xi32>
        tpu.vector_store_idx %arg6[%add3A_359], %get3A_353 masked %lt3A_336 : memref<25600xi32, #tpu.memory_space<vmem>>[vector<16xi32>], vector<16xi32>, vector<16xi1>
        %mul3A_360 = arith.constant 16 : i32
        %mul3A_361 = arith.muli %scan3A_329, %mul3A_360 : i32
        %get3A_362 = arith.constant 2 : i32
        %get3A_363 = arith.index_cast %get3A_362 : i32 to index
        %get3A_364 = arith.index_cast %mul3A_361 : i32 to index
        %get3A_365 = tpu.vector_load %arg5[%get3A_363, %get3A_364] {strides = array<i32>} : memref<128x208xi32, #tpu.memory_space<vmem>>, vector<16xi32>,
        %mul3A_366 = arith.constant 128 : i32
        %mul3A_367 = vector.broadcast %mul3A_366 : i32 to vector<16xi32>
        %mul3A_368 = arith.muli %add3A_333, %mul3A_367 : vector<16xi32>
        %add3A_369 = arith.constant 2 : i32
        %add3A_370 = vector.broadcast %add3A_369 : i32 to vector<16xi32>
        %add3A_371 = arith.addi %mul3A_368, %add3A_370 : vector<16xi32>
        tpu.vector_store_idx %arg6[%add3A_371], %get3A_365 masked %lt3A_336 : memref<25600xi32, #tpu.memory_space<vmem>>[vector<16xi32>], vector<16xi32>, vector<16xi1>
        %mul3A_372 = arith.constant 16 : i32
        %mul3A_373 = arith.muli %scan3A_329, %mul3A_372 : i32
        %get3A_374 = arith.constant 3 : i32
        %get3A_375 = arith.index_cast %get3A_374 : i32 to index
        %get3A_376 = arith.index_cast %mul3A_373 : i32 to index
        %get3A_377 = tpu.vector_load %arg5[%get3A_375, %get3A_376] {strides = array<i32>} : memref<128x208xi32, #tpu.memory_space<vmem>>, vector<16xi32>,
        %mul3A_378 = arith.constant 128 : i32
        %mul3A_379 = vector.broadcast %mul3A_378 : i32 to vector<16xi32>
        %mul3A_380 = arith.muli %add3A_333, %mul3A_379 : vector<16xi32>
        %add3A_381 = arith.constant 3 : i32
        %add3A_382 = vector.broadcast %add3A_381 : i32 to vector<16xi32>
        %add3A_383 = arith.addi %mul3A_380, %add3A_382 : vector<16xi32>
        tpu.vector_store_idx %arg6[%add3A_383], %get3A_377 masked %lt3A_336 : memref<25600xi32, #tpu.memory_space<vmem>>[vector<16xi32>], vector<16xi32>, vector<16xi1>
        %mul3A_384 = arith.constant 16 : i32
        %mul3A_385 = arith.muli %scan3A_329, %mul3A_384 : i32
        %get3A_386 = arith.constant 4 : i32
        %get3A_387 = arith.index_cast %get3A_386 : i32 to index
        %get3A_388 = arith.index_cast %mul3A_385 : i32 to index
        %get3A_389 = tpu.vector_load %arg5[%get3A_387, %get3A_388] {strides = array<i32>} : memref<128x208xi32, #tpu.memory_space<vmem>>, vector<16xi32>,
        %mul3A_390 = arith.constant 128 : i32
        %mul3A_391 = vector.broadcast %mul3A_390 : i32 to vector<16xi32>
        %mul3A_392 = arith.muli %add3A_333, %mul3A_391 : vector<16xi32>
        %add3A_393 = arith.constant 4 : i32
        %add3A_394 = vector.broadcast %add3A_393 : i32 to vector<16xi32>
        %add3A_395 = arith.addi %mul3A_392, %add3A_394 : vector<16xi32>
        tpu.vector_store_idx %arg6[%add3A_395], %get3A_389 masked %lt3A_336 : memref<25600xi32, #tpu.memory_space<vmem>>[vector<16xi32>], vector<16xi32>, vector<16xi1>
        %mul3A_396 = arith.constant 16 : i32
        %mul3A_397 = arith.muli %scan3A_329, %mul3A_396 : i32
        %get3A_398 = arith.constant 5 : i32
        %get3A_399 = arith.index_cast %get3A_398 : i32 to index
        %get3A_400 = arith.index_cast %mul3A_397 : i32 to index
        %get3A_401 = tpu.vector_load %arg5[%get3A_399, %get3A_400] {strides = array<i32>} : memref<128x208xi32, #tpu.memory_space<vmem>>, vector<16xi32>,
        %mul3A_402 = arith.constant 128 : i32
        %mul3A_403 = vector.broadcast %mul3A_402 : i32 to vector<16xi32>
        %mul3A_404 = arith.muli %add3A_333, %mul3A_403 : vector<16xi32>
        %add3A_405 = arith.constant 5 : i32
        %add3A_406 = vector.broadcast %add3A_405 : i32 to vector<16xi32>
        %add3A_407 = arith.addi %mul3A_404, %add3A_406 : vector<16xi32>
        tpu.vector_store_idx %arg6[%add3A_407], %get3A_401 masked %lt3A_336 : memref<25600xi32, #tpu.memory_space<vmem>>[vector<16xi32>], vector<16xi32>, vector<16xi1>
        %mul3A_408 = arith.constant 16 : i32
        %mul3A_409 = arith.muli %scan3A_329, %mul3A_408 : i32
        %get3A_410 = arith.constant 6 : i32
        %get3A_411 = arith.index_cast %get3A_410 : i32 to index
        %get3A_412 = arith.index_cast %mul3A_409 : i32 to index
        %get3A_413 = tpu.vector_load %arg5[%get3A_411, %get3A_412] {strides = array<i32>} : memref<128x208xi32, #tpu.memory_space<vmem>>, vector<16xi32>,
        %mul3A_414 = arith.constant 128 : i32
        %mul3A_415 = vector.broadcast %mul3A_414 : i32 to vector<16xi32>
        %mul3A_416 = arith.muli %add3A_333, %mul3A_415 : vector<16xi32>
        %add3A_417 = arith.constant 6 : i32
        %add3A_418 = vector.broadcast %add3A_417 : i32 to vector<16xi32>
        %add3A_419 = arith.addi %mul3A_416, %add3A_418 : vector<16xi32>
        tpu.vector_store_idx %arg6[%add3A_419], %get3A_413 masked %lt3A_336 : memref<25600xi32, #tpu.memory_space<vmem>>[vector<16xi32>], vector<16xi32>, vector<16xi1>
        %mul3A_420 = arith.constant 16 : i32
        %mul3A_421 = arith.muli %scan3A_329, %mul3A_420 : i32
        %get3A_422 = arith.constant 7 : i32
        %get3A_423 = arith.index_cast %get3A_422 : i32 to index
        %get3A_424 = arith.index_cast %mul3A_421 : i32 to index
        %get3A_425 = tpu.vector_load %arg5[%get3A_423, %get3A_424] {strides = array<i32>} : memref<128x208xi32, #tpu.memory_space<vmem>>, vector<16xi32>,
        %mul3A_426 = arith.constant 128 : i32
        %mul3A_427 = vector.broadcast %mul3A_426 : i32 to vector<16xi32>
        %mul3A_428 = arith.muli %add3A_333, %mul3A_427 : vector<16xi32>
        %add3A_429 = arith.constant 7 : i32
        %add3A_430 = vector.broadcast %add3A_429 : i32 to vector<16xi32>
        %add3A_431 = arith.addi %mul3A_428, %add3A_430 : vector<16xi32>
        tpu.vector_store_idx %arg6[%add3A_431], %get3A_425 masked %lt3A_336 : memref<25600xi32, #tpu.memory_space<vmem>>[vector<16xi32>], vector<16xi32>, vector<16xi1>
        %mul3A_432 = arith.constant 16 : i32
        %mul3A_433 = arith.muli %scan3A_329, %mul3A_432 : i32
        %get3A_434 = arith.constant 8 : i32
        %get3A_435 = arith.index_cast %get3A_434 : i32 to index
        %get3A_436 = arith.index_cast %mul3A_433 : i32 to index
        %get3A_437 = tpu.vector_load %arg5[%get3A_435, %get3A_436] {strides = array<i32>} : memref<128x208xi32, #tpu.memory_space<vmem>>, vector<16xi32>,
        %mul3A_438 = arith.constant 128 : i32
        %mul3A_439 = vector.broadcast %mul3A_438 : i32 to vector<16xi32>
        %mul3A_440 = arith.muli %add3A_333, %mul3A_439 : vector<16xi32>
        %add3A_441 = arith.constant 8 : i32
        %add3A_442 = vector.broadcast %add3A_441 : i32 to vector<16xi32>
        %add3A_443 = arith.addi %mul3A_440, %add3A_442 : vector<16xi32>
        tpu.vector_store_idx %arg6[%add3A_443], %get3A_437 masked %lt3A_336 : memref<25600xi32, #tpu.memory_space<vmem>>[vector<16xi32>], vector<16xi32>, vector<16xi1>
        %mul3A_444 = arith.constant 16 : i32
        %mul3A_445 = arith.muli %scan3A_329, %mul3A_444 : i32
        %get3A_446 = arith.constant 9 : i32
        %get3A_447 = arith.index_cast %get3A_446 : i32 to index
        %get3A_448 = arith.index_cast %mul3A_445 : i32 to index
        %get3A_449 = tpu.vector_load %arg5[%get3A_447, %get3A_448] {strides = array<i32>} : memref<128x208xi32, #tpu.memory_space<vmem>>, vector<16xi32>,
        %mul3A_450 = arith.constant 128 : i32
        %mul3A_451 = vector.broadcast %mul3A_450 : i32 to vector<16xi32>
        %mul3A_452 = arith.muli %add3A_333, %mul3A_451 : vector<16xi32>
        %add3A_453 = arith.constant 9 : i32
        %add3A_454 = vector.broadcast %add3A_453 : i32 to vector<16xi32>
        %add3A_455 = arith.addi %mul3A_452, %add3A_454 : vector<16xi32>
        tpu.vector_store_idx %arg6[%add3A_455], %get3A_449 masked %lt3A_336 : memref<25600xi32, #tpu.memory_space<vmem>>[vector<16xi32>], vector<16xi32>, vector<16xi1>
        %mul3A_456 = arith.constant 16 : i32
        %mul3A_457 = arith.muli %scan3A_329, %mul3A_456 : i32
        %get3A_458 = arith.constant 10 : i32
        %get3A_459 = arith.index_cast %get3A_458 : i32 to index
        %get3A_460 = arith.index_cast %mul3A_457 : i32 to index
        %get3A_461 = tpu.vector_load %arg5[%get3A_459, %get3A_460] {strides = array<i32>} : memref<128x208xi32, #tpu.memory_space<vmem>>, vector<16xi32>,
        %mul3A_462 = arith.constant 128 : i32
        %mul3A_463 = vector.broadcast %mul3A_462 : i32 to vector<16xi32>
        %mul3A_464 = arith.muli %add3A_333, %mul3A_463 : vector<16xi32>
        %add3A_465 = arith.constant 10 : i32
        %add3A_466 = vector.broadcast %add3A_465 : i32 to vector<16xi32>
        %add3A_467 = arith.addi %mul3A_464, %add3A_466 : vector<16xi32>
        tpu.vector_store_idx %arg6[%add3A_467], %get3A_461 masked %lt3A_336 : memref<25600xi32, #tpu.memory_space<vmem>>[vector<16xi32>], vector<16xi32>, vector<16xi1>
        %mul3A_468 = arith.constant 16 : i32
        %mul3A_469 = arith.muli %scan3A_329, %mul3A_468 : i32
        %get3A_470 = arith.constant 11 : i32
        %get3A_471 = arith.index_cast %get3A_470 : i32 to index
        %get3A_472 = arith.index_cast %mul3A_469 : i32 to index
        %get3A_473 = tpu.vector_load %arg5[%get3A_471, %get3A_472] {strides = array<i32>} : memref<128x208xi32, #tpu.memory_space<vmem>>, vector<16xi32>,
        %mul3A_474 = arith.constant 128 : i32
        %mul3A_475 = vector.broadcast %mul3A_474 : i32 to vector<16xi32>
        %mul3A_476 = arith.muli %add3A_333, %mul3A_475 : vector<16xi32>
        %add3A_477 = arith.constant 11 : i32
        %add3A_478 = vector.broadcast %add3A_477 : i32 to vector<16xi32>
        %add3A_479 = arith.addi %mul3A_476, %add3A_478 : vector<16xi32>
        tpu.vector_store_idx %arg6[%add3A_479], %get3A_473 masked %lt3A_336 : memref<25600xi32, #tpu.memory_space<vmem>>[vector<16xi32>], vector<16xi32>, vector<16xi1>
        %mul3A_480 = arith.constant 16 : i32
        %mul3A_481 = arith.muli %scan3A_329, %mul3A_480 : i32
        %get3A_482 = arith.constant 12 : i32
        %get3A_483 = arith.index_cast %get3A_482 : i32 to index
        %get3A_484 = arith.index_cast %mul3A_481 : i32 to index
        %get3A_485 = tpu.vector_load %arg5[%get3A_483, %get3A_484] {strides = array<i32>} : memref<128x208xi32, #tpu.memory_space<vmem>>, vector<16xi32>,
        %mul3A_486 = arith.constant 128 : i32
        %mul3A_487 = vector.broadcast %mul3A_486 : i32 to vector<16xi32>
        %mul3A_488 = arith.muli %add3A_333, %mul3A_487 : vector<16xi32>
        %add3A_489 = arith.constant 12 : i32
        %add3A_490 = vector.broadcast %add3A_489 : i32 to vector<16xi32>
        %add3A_491 = arith.addi %mul3A_488, %add3A_490 : vector<16xi32>
        tpu.vector_store_idx %arg6[%add3A_491], %get3A_485 masked %lt3A_336 : memref<25600xi32, #tpu.memory_space<vmem>>[vector<16xi32>], vector<16xi32>, vector<16xi1>
        %mul3A_492 = arith.constant 16 : i32
        %mul3A_493 = arith.muli %scan3A_329, %mul3A_492 : i32
        %get3A_494 = arith.constant 13 : i32
        %get3A_495 = arith.index_cast %get3A_494 : i32 to index
        %get3A_496 = arith.index_cast %mul3A_493 : i32 to index
        %get3A_497 = tpu.vector_load %arg5[%get3A_495, %get3A_496] {strides = array<i32>} : memref<128x208xi32, #tpu.memory_space<vmem>>, vector<16xi32>,
        %mul3A_498 = arith.constant 128 : i32
        %mul3A_499 = vector.broadcast %mul3A_498 : i32 to vector<16xi32>
        %mul3A_500 = arith.muli %add3A_333, %mul3A_499 : vector<16xi32>
        %add3A_501 = arith.constant 13 : i32
        %add3A_502 = vector.broadcast %add3A_501 : i32 to vector<16xi32>
        %add3A_503 = arith.addi %mul3A_500, %add3A_502 : vector<16xi32>
        tpu.vector_store_idx %arg6[%add3A_503], %get3A_497 masked %lt3A_336 : memref<25600xi32, #tpu.memory_space<vmem>>[vector<16xi32>], vector<16xi32>, vector<16xi1>
        %mul3A_504 = arith.constant 16 : i32
        %mul3A_505 = arith.muli %scan3A_329, %mul3A_504 : i32
        %get3A_506 = arith.constant 14 : i32
        %get3A_507 = arith.index_cast %get3A_506 : i32 to index
        %get3A_508 = arith.index_cast %mul3A_505 : i32 to index
        %get3A_509 = tpu.vector_load %arg5[%get3A_507, %get3A_508] {strides = array<i32>} : memref<128x208xi32, #tpu.memory_space<vmem>>, vector<16xi32>,
        %mul3A_510 = arith.constant 128 : i32
        %mul3A_511 = vector.broadcast %mul3A_510 : i32 to vector<16xi32>
        %mul3A_512 = arith.muli %add3A_333, %mul3A_511 : vector<16xi32>
        %add3A_513 = arith.constant 14 : i32
        %add3A_514 = vector.broadcast %add3A_513 : i32 to vector<16xi32>
        %add3A_515 = arith.addi %mul3A_512, %add3A_514 : vector<16xi32>
        tpu.vector_store_idx %arg6[%add3A_515], %get3A_509 masked %lt3A_336 : memref<25600xi32, #tpu.memory_space<vmem>>[vector<16xi32>], vector<16xi32>, vector<16xi1>
        %mul3A_516 = arith.constant 16 : i32
        %mul3A_517 = arith.muli %scan3A_329, %mul3A_516 : i32
        %get3A_518 = arith.constant 15 : i32
        %get3A_519 = arith.index_cast %get3A_518 : i32 to index
        %get3A_520 = arith.index_cast %mul3A_517 : i32 to index
        %get3A_521 = tpu.vector_load %arg5[%get3A_519, %get3A_520] {strides = array<i32>} : memref<128x208xi32, #tpu.memory_space<vmem>>, vector<16xi32>,
        %mul3A_522 = arith.constant 128 : i32
        %mul3A_523 = vector.broadcast %mul3A_522 : i32 to vector<16xi32>
        %mul3A_524 = arith.muli %add3A_333, %mul3A_523 : vector<16xi32>
        %add3A_525 = arith.constant 15 : i32
        %add3A_526 = vector.broadcast %add3A_525 : i32 to vector<16xi32>
        %add3A_527 = arith.addi %mul3A_524, %add3A_526 : vector<16xi32>
        tpu.vector_store_idx %arg6[%add3A_527], %get3A_521 masked %lt3A_336 : memref<25600xi32, #tpu.memory_space<vmem>>[vector<16xi32>], vector<16xi32>, vector<16xi1>
        %mul3A_528 = arith.constant 16 : i32
        %mul3A_529 = arith.muli %scan3A_329, %mul3A_528 : i32
        %get3A_530 = arith.constant 16 : i32
        %get3A_531 = arith.index_cast %get3A_530 : i32 to index
        %get3A_532 = arith.index_cast %mul3A_529 : i32 to index
        %get3A_533 = tpu.vector_load %arg5[%get3A_531, %get3A_532] {strides = array<i32>} : memref<128x208xi32, #tpu.memory_space<vmem>>, vector<16xi32>,
        %mul3A_534 = arith.constant 128 : i32
        %mul3A_535 = vector.broadcast %mul3A_534 : i32 to vector<16xi32>
        %mul3A_536 = arith.muli %add3A_333, %mul3A_535 : vector<16xi32>
        %add3A_537 = arith.constant 16 : i32
        %add3A_538 = vector.broadcast %add3A_537 : i32 to vector<16xi32>
        %add3A_539 = arith.addi %mul3A_536, %add3A_538 : vector<16xi32>
        tpu.vector_store_idx %arg6[%add3A_539], %get3A_533 masked %lt3A_336 : memref<25600xi32, #tpu.memory_space<vmem>>[vector<16xi32>], vector<16xi32>, vector<16xi1>
        %mul3A_540 = arith.constant 16 : i32
        %mul3A_541 = arith.muli %scan3A_329, %mul3A_540 : i32
        %get3A_542 = arith.constant 17 : i32
        %get3A_543 = arith.index_cast %get3A_542 : i32 to index
        %get3A_544 = arith.index_cast %mul3A_541 : i32 to index
        %get3A_545 = tpu.vector_load %arg5[%get3A_543, %get3A_544] {strides = array<i32>} : memref<128x208xi32, #tpu.memory_space<vmem>>, vector<16xi32>,
        %mul3A_546 = arith.constant 128 : i32
        %mul3A_547 = vector.broadcast %mul3A_546 : i32 to vector<16xi32>
        %mul3A_548 = arith.muli %add3A_333, %mul3A_547 : vector<16xi32>
        %add3A_549 = arith.constant 17 : i32
        %add3A_550 = vector.broadcast %add3A_549 : i32 to vector<16xi32>
        %add3A_551 = arith.addi %mul3A_548, %add3A_550 : vector<16xi32>
        tpu.vector_store_idx %arg6[%add3A_551], %get3A_545 masked %lt3A_336 : memref<25600xi32, #tpu.memory_space<vmem>>[vector<16xi32>], vector<16xi32>, vector<16xi1>
        %mul3A_552 = arith.constant 16 : i32
        %mul3A_553 = arith.muli %scan3A_329, %mul3A_552 : i32
        %get3A_554 = arith.constant 18 : i32
        %get3A_555 = arith.index_cast %get3A_554 : i32 to index
        %get3A_556 = arith.index_cast %mul3A_553 : i32 to index
        %get3A_557 = tpu.vector_load %arg5[%get3A_555, %get3A_556] {strides = array<i32>} : memref<128x208xi32, #tpu.memory_space<vmem>>, vector<16xi32>,
        %mul3A_558 = arith.constant 128 : i32
        %mul3A_559 = vector.broadcast %mul3A_558 : i32 to vector<16xi32>
        %mul3A_560 = arith.muli %add3A_333, %mul3A_559 : vector<16xi32>
        %add3A_561 = arith.constant 18 : i32
        %add3A_562 = vector.broadcast %add3A_561 : i32 to vector<16xi32>
        %add3A_563 = arith.addi %mul3A_560, %add3A_562 : vector<16xi32>
        tpu.vector_store_idx %arg6[%add3A_563], %get3A_557 masked %lt3A_336 : memref<25600xi32, #tpu.memory_space<vmem>>[vector<16xi32>], vector<16xi32>, vector<16xi1>
        %mul3A_564 = arith.constant 16 : i32
        %mul3A_565 = arith.muli %scan3A_329, %mul3A_564 : i32
        %get3A_566 = arith.constant 19 : i32
        %get3A_567 = arith.index_cast %get3A_566 : i32 to index
        %get3A_568 = arith.index_cast %mul3A_565 : i32 to index
        %get3A_569 = tpu.vector_load %arg5[%get3A_567, %get3A_568] {strides = array<i32>} : memref<128x208xi32, #tpu.memory_space<vmem>>, vector<16xi32>,
        %mul3A_570 = arith.constant 128 : i32
        %mul3A_571 = vector.broadcast %mul3A_570 : i32 to vector<16xi32>
        %mul3A_572 = arith.muli %add3A_333, %mul3A_571 : vector<16xi32>
        %add3A_573 = arith.constant 19 : i32
        %add3A_574 = vector.broadcast %add3A_573 : i32 to vector<16xi32>
        %add3A_575 = arith.addi %mul3A_572, %add3A_574 : vector<16xi32>
        tpu.vector_store_idx %arg6[%add3A_575], %get3A_569 masked %lt3A_336 : memref<25600xi32, #tpu.memory_space<vmem>>[vector<16xi32>], vector<16xi32>, vector<16xi1>
        %mul3A_576 = arith.constant 16 : i32
        %mul3A_577 = arith.muli %scan3A_329, %mul3A_576 : i32
        %get3A_578 = arith.constant 20 : i32
        %get3A_579 = arith.index_cast %get3A_578 : i32 to index
        %get3A_580 = arith.index_cast %mul3A_577 : i32 to index
        %get3A_581 = tpu.vector_load %arg5[%get3A_579, %get3A_580] {strides = array<i32>} : memref<128x208xi32, #tpu.memory_space<vmem>>, vector<16xi32>,
        %mul3A_582 = arith.constant 128 : i32
        %mul3A_583 = vector.broadcast %mul3A_582 : i32 to vector<16xi32>
        %mul3A_584 = arith.muli %add3A_333, %mul3A_583 : vector<16xi32>
        %add3A_585 = arith.constant 20 : i32
        %add3A_586 = vector.broadcast %add3A_585 : i32 to vector<16xi32>
        %add3A_587 = arith.addi %mul3A_584, %add3A_586 : vector<16xi32>
        tpu.vector_store_idx %arg6[%add3A_587], %get3A_581 masked %lt3A_336 : memref<25600xi32, #tpu.memory_space<vmem>>[vector<16xi32>], vector<16xi32>, vector<16xi1>
        %mul3A_588 = arith.constant 16 : i32
        %mul3A_589 = arith.muli %scan3A_329, %mul3A_588 : i32
        %get3A_590 = arith.constant 21 : i32
        %get3A_591 = arith.index_cast %get3A_590 : i32 to index
        %get3A_592 = arith.index_cast %mul3A_589 : i32 to index
        %get3A_593 = tpu.vector_load %arg5[%get3A_591, %get3A_592] {strides = array<i32>} : memref<128x208xi32, #tpu.memory_space<vmem>>, vector<16xi32>,
        %mul3A_594 = arith.constant 128 : i32
        %mul3A_595 = vector.broadcast %mul3A_594 : i32 to vector<16xi32>
        %mul3A_596 = arith.muli %add3A_333, %mul3A_595 : vector<16xi32>
        %add3A_597 = arith.constant 21 : i32
        %add3A_598 = vector.broadcast %add3A_597 : i32 to vector<16xi32>
        %add3A_599 = arith.addi %mul3A_596, %add3A_598 : vector<16xi32>
        tpu.vector_store_idx %arg6[%add3A_599], %get3A_593 masked %lt3A_336 : memref<25600xi32, #tpu.memory_space<vmem>>[vector<16xi32>], vector<16xi32>, vector<16xi1>
        %mul3A_600 = arith.constant 16 : i32
        %mul3A_601 = arith.muli %scan3A_329, %mul3A_600 : i32
        %get3A_602 = arith.constant 22 : i32
        %get3A_603 = arith.index_cast %get3A_602 : i32 to index
        %get3A_604 = arith.index_cast %mul3A_601 : i32 to index
        %get3A_605 = tpu.vector_load %arg5[%get3A_603, %get3A_604] {strides = array<i32>} : memref<128x208xi32, #tpu.memory_space<vmem>>, vector<16xi32>,
        %mul3A_606 = arith.constant 128 : i32
        %mul3A_607 = vector.broadcast %mul3A_606 : i32 to vector<16xi32>
        %mul3A_608 = arith.muli %add3A_333, %mul3A_607 : vector<16xi32>
        %add3A_609 = arith.constant 22 : i32
        %add3A_610 = vector.broadcast %add3A_609 : i32 to vector<16xi32>
        %add3A_611 = arith.addi %mul3A_608, %add3A_610 : vector<16xi32>
        tpu.vector_store_idx %arg6[%add3A_611], %get3A_605 masked %lt3A_336 : memref<25600xi32, #tpu.memory_space<vmem>>[vector<16xi32>], vector<16xi32>, vector<16xi1>
        %mul3A_612 = arith.constant 16 : i32
        %mul3A_613 = arith.muli %scan3A_329, %mul3A_612 : i32
        %get3A_614 = arith.constant 23 : i32
        %get3A_615 = arith.index_cast %get3A_614 : i32 to index
        %get3A_616 = arith.index_cast %mul3A_613 : i32 to index
        %get3A_617 = tpu.vector_load %arg5[%get3A_615, %get3A_616] {strides = array<i32>} : memref<128x208xi32, #tpu.memory_space<vmem>>, vector<16xi32>,
        %mul3A_618 = arith.constant 128 : i32
        %mul3A_619 = vector.broadcast %mul3A_618 : i32 to vector<16xi32>
        %mul3A_620 = arith.muli %add3A_333, %mul3A_619 : vector<16xi32>
        %add3A_621 = arith.constant 23 : i32
        %add3A_622 = vector.broadcast %add3A_621 : i32 to vector<16xi32>
        %add3A_623 = arith.addi %mul3A_620, %add3A_622 : vector<16xi32>
        tpu.vector_store_idx %arg6[%add3A_623], %get3A_617 masked %lt3A_336 : memref<25600xi32, #tpu.memory_space<vmem>>[vector<16xi32>], vector<16xi32>, vector<16xi1>
        %mul3A_624 = arith.constant 16 : i32
        %mul3A_625 = arith.muli %scan3A_329, %mul3A_624 : i32
        %get3A_626 = arith.constant 24 : i32
        %get3A_627 = arith.index_cast %get3A_626 : i32 to index
        %get3A_628 = arith.index_cast %mul3A_625 : i32 to index
        %get3A_629 = tpu.vector_load %arg5[%get3A_627, %get3A_628] {strides = array<i32>} : memref<128x208xi32, #tpu.memory_space<vmem>>, vector<16xi32>,
        %mul3A_630 = arith.constant 128 : i32
        %mul3A_631 = vector.broadcast %mul3A_630 : i32 to vector<16xi32>
        %mul3A_632 = arith.muli %add3A_333, %mul3A_631 : vector<16xi32>
        %add3A_633 = arith.constant 24 : i32
        %add3A_634 = vector.broadcast %add3A_633 : i32 to vector<16xi32>
        %add3A_635 = arith.addi %mul3A_632, %add3A_634 : vector<16xi32>
        tpu.vector_store_idx %arg6[%add3A_635], %get3A_629 masked %lt3A_336 : memref<25600xi32, #tpu.memory_space<vmem>>[vector<16xi32>], vector<16xi32>, vector<16xi1>
        %mul3A_636 = arith.constant 16 : i32
        %mul3A_637 = arith.muli %scan3A_329, %mul3A_636 : i32
        %get3A_638 = arith.constant 25 : i32
        %get3A_639 = arith.index_cast %get3A_638 : i32 to index
        %get3A_640 = arith.index_cast %mul3A_637 : i32 to index
        %get3A_641 = tpu.vector_load %arg5[%get3A_639, %get3A_640] {strides = array<i32>} : memref<128x208xi32, #tpu.memory_space<vmem>>, vector<16xi32>,
        %mul3A_642 = arith.constant 128 : i32
        %mul3A_643 = vector.broadcast %mul3A_642 : i32 to vector<16xi32>
        %mul3A_644 = arith.muli %add3A_333, %mul3A_643 : vector<16xi32>
        %add3A_645 = arith.constant 25 : i32
        %add3A_646 = vector.broadcast %add3A_645 : i32 to vector<16xi32>
        %add3A_647 = arith.addi %mul3A_644, %add3A_646 : vector<16xi32>
        tpu.vector_store_idx %arg6[%add3A_647], %get3A_641 masked %lt3A_336 : memref<25600xi32, #tpu.memory_space<vmem>>[vector<16xi32>], vector<16xi32>, vector<16xi1>
        %mul3A_648 = arith.constant 16 : i32
        %mul3A_649 = arith.muli %scan3A_329, %mul3A_648 : i32
        %get3A_650 = arith.constant 26 : i32
        %get3A_651 = arith.index_cast %get3A_650 : i32 to index
        %get3A_652 = arith.index_cast %mul3A_649 : i32 to index
        %get3A_653 = tpu.vector_load %arg5[%get3A_651, %get3A_652] {strides = array<i32>} : memref<128x208xi32, #tpu.memory_space<vmem>>, vector<16xi32>,
        %mul3A_654 = arith.constant 128 : i32
        %mul3A_655 = vector.broadcast %mul3A_654 : i32 to vector<16xi32>
        %mul3A_656 = arith.muli %add3A_333, %mul3A_655 : vector<16xi32>
        %add3A_657 = arith.constant 26 : i32
        %add3A_658 = vector.broadcast %add3A_657 : i32 to vector<16xi32>
        %add3A_659 = arith.addi %mul3A_656, %add3A_658 : vector<16xi32>
        tpu.vector_store_idx %arg6[%add3A_659], %get3A_653 masked %lt3A_336 : memref<25600xi32, #tpu.memory_space<vmem>>[vector<16xi32>], vector<16xi32>, vector<16xi1>
        %mul3A_660 = arith.constant 16 : i32
        %mul3A_661 = arith.muli %scan3A_329, %mul3A_660 : i32
        %get3A_662 = arith.constant 27 : i32
        %get3A_663 = arith.index_cast %get3A_662 : i32 to index
        %get3A_664 = arith.index_cast %mul3A_661 : i32 to index
        %get3A_665 = tpu.vector_load %arg5[%get3A_663, %get3A_664] {strides = array<i32>} : memref<128x208xi32, #tpu.memory_space<vmem>>, vector<16xi32>,
        %mul3A_666 = arith.constant 128 : i32
        %mul3A_667 = vector.broadcast %mul3A_666 : i32 to vector<16xi32>
        %mul3A_668 = arith.muli %add3A_333, %mul3A_667 : vector<16xi32>
        %add3A_669 = arith.constant 27 : i32
        %add3A_670 = vector.broadcast %add3A_669 : i32 to vector<16xi32>
        %add3A_671 = arith.addi %mul3A_668, %add3A_670 : vector<16xi32>
        tpu.vector_store_idx %arg6[%add3A_671], %get3A_665 masked %lt3A_336 : memref<25600xi32, #tpu.memory_space<vmem>>[vector<16xi32>], vector<16xi32>, vector<16xi1>
        %mul3A_672 = arith.constant 16 : i32
        %mul3A_673 = arith.muli %scan3A_329, %mul3A_672 : i32
        %get3A_674 = arith.constant 28 : i32
        %get3A_675 = arith.index_cast %get3A_674 : i32 to index
        %get3A_676 = arith.index_cast %mul3A_673 : i32 to index
        %get3A_677 = tpu.vector_load %arg5[%get3A_675, %get3A_676] {strides = array<i32>} : memref<128x208xi32, #tpu.memory_space<vmem>>, vector<16xi32>,
        %mul3A_678 = arith.constant 128 : i32
        %mul3A_679 = vector.broadcast %mul3A_678 : i32 to vector<16xi32>
        %mul3A_680 = arith.muli %add3A_333, %mul3A_679 : vector<16xi32>
        %add3A_681 = arith.constant 28 : i32
        %add3A_682 = vector.broadcast %add3A_681 : i32 to vector<16xi32>
        %add3A_683 = arith.addi %mul3A_680, %add3A_682 : vector<16xi32>
        tpu.vector_store_idx %arg6[%add3A_683], %get3A_677 masked %lt3A_336 : memref<25600xi32, #tpu.memory_space<vmem>>[vector<16xi32>], vector<16xi32>, vector<16xi1>
        %mul3A_684 = arith.constant 16 : i32
        %mul3A_685 = arith.muli %scan3A_329, %mul3A_684 : i32
        %get3A_686 = arith.constant 29 : i32
        %get3A_687 = arith.index_cast %get3A_686 : i32 to index
        %get3A_688 = arith.index_cast %mul3A_685 : i32 to index
        %get3A_689 = tpu.vector_load %arg5[%get3A_687, %get3A_688] {strides = array<i32>} : memref<128x208xi32, #tpu.memory_space<vmem>>, vector<16xi32>,
        %mul3A_690 = arith.constant 128 : i32
        %mul3A_691 = vector.broadcast %mul3A_690 : i32 to vector<16xi32>
        %mul3A_692 = arith.muli %add3A_333, %mul3A_691 : vector<16xi32>
        %add3A_693 = arith.constant 29 : i32
        %add3A_694 = vector.broadcast %add3A_693 : i32 to vector<16xi32>
        %add3A_695 = arith.addi %mul3A_692, %add3A_694 : vector<16xi32>
        tpu.vector_store_idx %arg6[%add3A_695], %get3A_689 masked %lt3A_336 : memref<25600xi32, #tpu.memory_space<vmem>>[vector<16xi32>], vector<16xi32>, vector<16xi1>
        %mul3A_696 = arith.constant 16 : i32
        %mul3A_697 = arith.muli %scan3A_329, %mul3A_696 : i32
        %get3A_698 = arith.constant 30 : i32
        %get3A_699 = arith.index_cast %get3A_698 : i32 to index
        %get3A_700 = arith.index_cast %mul3A_697 : i32 to index
        %get3A_701 = tpu.vector_load %arg5[%get3A_699, %get3A_700] {strides = array<i32>} : memref<128x208xi32, #tpu.memory_space<vmem>>, vector<16xi32>,
        %mul3A_702 = arith.constant 128 : i32
        %mul3A_703 = vector.broadcast %mul3A_702 : i32 to vector<16xi32>
        %mul3A_704 = arith.muli %add3A_333, %mul3A_703 : vector<16xi32>
        %add3A_705 = arith.constant 30 : i32
        %add3A_706 = vector.broadcast %add3A_705 : i32 to vector<16xi32>
        %add3A_707 = arith.addi %mul3A_704, %add3A_706 : vector<16xi32>
        tpu.vector_store_idx %arg6[%add3A_707], %get3A_701 masked %lt3A_336 : memref<25600xi32, #tpu.memory_space<vmem>>[vector<16xi32>], vector<16xi32>, vector<16xi1>
        %mul3A_708 = arith.constant 16 : i32
        %mul3A_709 = arith.muli %scan3A_329, %mul3A_708 : i32
        %get3A_710 = arith.constant 31 : i32
        %get3A_711 = arith.index_cast %get3A_710 : i32 to index
        %get3A_712 = arith.index_cast %mul3A_709 : i32 to index
        %get3A_713 = tpu.vector_load %arg5[%get3A_711, %get3A_712] {strides = array<i32>} : memref<128x208xi32, #tpu.memory_space<vmem>>, vector<16xi32>,
        %mul3A_714 = arith.constant 128 : i32
        %mul3A_715 = vector.broadcast %mul3A_714 : i32 to vector<16xi32>
        %mul3A_716 = arith.muli %add3A_333, %mul3A_715 : vector<16xi32>
        %add3A_717 = arith.constant 31 : i32
        %add3A_718 = vector.broadcast %add3A_717 : i32 to vector<16xi32>
        %add3A_719 = arith.addi %mul3A_716, %add3A_718 : vector<16xi32>
        tpu.vector_store_idx %arg6[%add3A_719], %get3A_713 masked %lt3A_336 : memref<25600xi32, #tpu.memory_space<vmem>>[vector<16xi32>], vector<16xi32>, vector<16xi1>
        %mul3A_720 = arith.constant 16 : i32
        %mul3A_721 = arith.muli %scan3A_329, %mul3A_720 : i32
        %get3A_722 = arith.constant 32 : i32
        %get3A_723 = arith.index_cast %get3A_722 : i32 to index
        %get3A_724 = arith.index_cast %mul3A_721 : i32 to index
        %get3A_725 = tpu.vector_load %arg5[%get3A_723, %get3A_724] {strides = array<i32>} : memref<128x208xi32, #tpu.memory_space<vmem>>, vector<16xi32>,
        %mul3A_726 = arith.constant 128 : i32
        %mul3A_727 = vector.broadcast %mul3A_726 : i32 to vector<16xi32>
        %mul3A_728 = arith.muli %add3A_333, %mul3A_727 : vector<16xi32>
        %add3A_729 = arith.constant 32 : i32
        %add3A_730 = vector.broadcast %add3A_729 : i32 to vector<16xi32>
        %add3A_731 = arith.addi %mul3A_728, %add3A_730 : vector<16xi32>
        tpu.vector_store_idx %arg6[%add3A_731], %get3A_725 masked %lt3A_336 : memref<25600xi32, #tpu.memory_space<vmem>>[vector<16xi32>], vector<16xi32>, vector<16xi1>
        %mul3A_732 = arith.constant 16 : i32
        %mul3A_733 = arith.muli %scan3A_329, %mul3A_732 : i32
        %get3A_734 = arith.constant 33 : i32
        %get3A_735 = arith.index_cast %get3A_734 : i32 to index
        %get3A_736 = arith.index_cast %mul3A_733 : i32 to index
        %get3A_737 = tpu.vector_load %arg5[%get3A_735, %get3A_736] {strides = array<i32>} : memref<128x208xi32, #tpu.memory_space<vmem>>, vector<16xi32>,
        %mul3A_738 = arith.constant 128 : i32
        %mul3A_739 = vector.broadcast %mul3A_738 : i32 to vector<16xi32>
        %mul3A_740 = arith.muli %add3A_333, %mul3A_739 : vector<16xi32>
        %add3A_741 = arith.constant 33 : i32
        %add3A_742 = vector.broadcast %add3A_741 : i32 to vector<16xi32>
        %add3A_743 = arith.addi %mul3A_740, %add3A_742 : vector<16xi32>
        tpu.vector_store_idx %arg6[%add3A_743], %get3A_737 masked %lt3A_336 : memref<25600xi32, #tpu.memory_space<vmem>>[vector<16xi32>], vector<16xi32>, vector<16xi1>
        %mul3A_744 = arith.constant 16 : i32
        %mul3A_745 = arith.muli %scan3A_329, %mul3A_744 : i32
        %get3A_746 = arith.constant 34 : i32
        %get3A_747 = arith.index_cast %get3A_746 : i32 to index
        %get3A_748 = arith.index_cast %mul3A_745 : i32 to index
        %get3A_749 = tpu.vector_load %arg5[%get3A_747, %get3A_748] {strides = array<i32>} : memref<128x208xi32, #tpu.memory_space<vmem>>, vector<16xi32>,
        %mul3A_750 = arith.constant 128 : i32
        %mul3A_751 = vector.broadcast %mul3A_750 : i32 to vector<16xi32>
        %mul3A_752 = arith.muli %add3A_333, %mul3A_751 : vector<16xi32>
        %add3A_753 = arith.constant 34 : i32
        %add3A_754 = vector.broadcast %add3A_753 : i32 to vector<16xi32>
        %add3A_755 = arith.addi %mul3A_752, %add3A_754 : vector<16xi32>
        tpu.vector_store_idx %arg6[%add3A_755], %get3A_749 masked %lt3A_336 : memref<25600xi32, #tpu.memory_space<vmem>>[vector<16xi32>], vector<16xi32>, vector<16xi1>
        %mul3A_756 = arith.constant 16 : i32
        %mul3A_757 = arith.muli %scan3A_329, %mul3A_756 : i32
        %get3A_758 = arith.constant 35 : i32
        %get3A_759 = arith.index_cast %get3A_758 : i32 to index
        %get3A_760 = arith.index_cast %mul3A_757 : i32 to index
        %get3A_761 = tpu.vector_load %arg5[%get3A_759, %get3A_760] {strides = array<i32>} : memref<128x208xi32, #tpu.memory_space<vmem>>, vector<16xi32>,
        %mul3A_762 = arith.constant 128 : i32
        %mul3A_763 = vector.broadcast %mul3A_762 : i32 to vector<16xi32>
        %mul3A_764 = arith.muli %add3A_333, %mul3A_763 : vector<16xi32>
        %add3A_765 = arith.constant 35 : i32
        %add3A_766 = vector.broadcast %add3A_765 : i32 to vector<16xi32>
        %add3A_767 = arith.addi %mul3A_764, %add3A_766 : vector<16xi32>
        tpu.vector_store_idx %arg6[%add3A_767], %get3A_761 masked %lt3A_336 : memref<25600xi32, #tpu.memory_space<vmem>>[vector<16xi32>], vector<16xi32>, vector<16xi1>
        %mul3A_768 = arith.constant 16 : i32
        %mul3A_769 = arith.muli %scan3A_329, %mul3A_768 : i32
        %get3A_770 = arith.constant 36 : i32
        %get3A_771 = arith.index_cast %get3A_770 : i32 to index
        %get3A_772 = arith.index_cast %mul3A_769 : i32 to index
        %get3A_773 = tpu.vector_load %arg5[%get3A_771, %get3A_772] {strides = array<i32>} : memref<128x208xi32, #tpu.memory_space<vmem>>, vector<16xi32>,
        %mul3A_774 = arith.constant 128 : i32
        %mul3A_775 = vector.broadcast %mul3A_774 : i32 to vector<16xi32>
        %mul3A_776 = arith.muli %add3A_333, %mul3A_775 : vector<16xi32>
        %add3A_777 = arith.constant 36 : i32
        %add3A_778 = vector.broadcast %add3A_777 : i32 to vector<16xi32>
        %add3A_779 = arith.addi %mul3A_776, %add3A_778 : vector<16xi32>
        tpu.vector_store_idx %arg6[%add3A_779], %get3A_773 masked %lt3A_336 : memref<25600xi32, #tpu.memory_space<vmem>>[vector<16xi32>], vector<16xi32>, vector<16xi1>
        %mul3A_780 = arith.constant 16 : i32
        %mul3A_781 = arith.muli %scan3A_329, %mul3A_780 : i32
        %get3A_782 = arith.constant 37 : i32
        %get3A_783 = arith.index_cast %get3A_782 : i32 to index
        %get3A_784 = arith.index_cast %mul3A_781 : i32 to index
        %get3A_785 = tpu.vector_load %arg5[%get3A_783, %get3A_784] {strides = array<i32>} : memref<128x208xi32, #tpu.memory_space<vmem>>, vector<16xi32>,
        %mul3A_786 = arith.constant 128 : i32
        %mul3A_787 = vector.broadcast %mul3A_786 : i32 to vector<16xi32>
        %mul3A_788 = arith.muli %add3A_333, %mul3A_787 : vector<16xi32>
        %add3A_789 = arith.constant 37 : i32
        %add3A_790 = vector.broadcast %add3A_789 : i32 to vector<16xi32>
        %add3A_791 = arith.addi %mul3A_788, %add3A_790 : vector<16xi32>
        tpu.vector_store_idx %arg6[%add3A_791], %get3A_785 masked %lt3A_336 : memref<25600xi32, #tpu.memory_space<vmem>>[vector<16xi32>], vector<16xi32>, vector<16xi1>
        %mul3A_792 = arith.constant 16 : i32
        %mul3A_793 = arith.muli %scan3A_329, %mul3A_792 : i32
        %get3A_794 = arith.constant 38 : i32
        %get3A_795 = arith.index_cast %get3A_794 : i32 to index
        %get3A_796 = arith.index_cast %mul3A_793 : i32 to index
        %get3A_797 = tpu.vector_load %arg5[%get3A_795, %get3A_796] {strides = array<i32>} : memref<128x208xi32, #tpu.memory_space<vmem>>, vector<16xi32>,
        %mul3A_798 = arith.constant 128 : i32
        %mul3A_799 = vector.broadcast %mul3A_798 : i32 to vector<16xi32>
        %mul3A_800 = arith.muli %add3A_333, %mul3A_799 : vector<16xi32>
        %add3A_801 = arith.constant 38 : i32
        %add3A_802 = vector.broadcast %add3A_801 : i32 to vector<16xi32>
        %add3A_803 = arith.addi %mul3A_800, %add3A_802 : vector<16xi32>
        tpu.vector_store_idx %arg6[%add3A_803], %get3A_797 masked %lt3A_336 : memref<25600xi32, #tpu.memory_space<vmem>>[vector<16xi32>], vector<16xi32>, vector<16xi1>
        %mul3A_804 = arith.constant 16 : i32
        %mul3A_805 = arith.muli %scan3A_329, %mul3A_804 : i32
        %get3A_806 = arith.constant 39 : i32
        %get3A_807 = arith.index_cast %get3A_806 : i32 to index
        %get3A_808 = arith.index_cast %mul3A_805 : i32 to index
        %get3A_809 = tpu.vector_load %arg5[%get3A_807, %get3A_808] {strides = array<i32>} : memref<128x208xi32, #tpu.memory_space<vmem>>, vector<16xi32>,
        %mul3A_810 = arith.constant 128 : i32
        %mul3A_811 = vector.broadcast %mul3A_810 : i32 to vector<16xi32>
        %mul3A_812 = arith.muli %add3A_333, %mul3A_811 : vector<16xi32>
        %add3A_813 = arith.constant 39 : i32
        %add3A_814 = vector.broadcast %add3A_813 : i32 to vector<16xi32>
        %add3A_815 = arith.addi %mul3A_812, %add3A_814 : vector<16xi32>
        tpu.vector_store_idx %arg6[%add3A_815], %get3A_809 masked %lt3A_336 : memref<25600xi32, #tpu.memory_space<vmem>>[vector<16xi32>], vector<16xi32>, vector<16xi1>
        %mul3A_816 = arith.constant 16 : i32
        %mul3A_817 = arith.muli %scan3A_329, %mul3A_816 : i32
        %get3A_818 = arith.constant 40 : i32
        %get3A_819 = arith.index_cast %get3A_818 : i32 to index
        %get3A_820 = arith.index_cast %mul3A_817 : i32 to index
        %get3A_821 = tpu.vector_load %arg5[%get3A_819, %get3A_820] {strides = array<i32>} : memref<128x208xi32, #tpu.memory_space<vmem>>, vector<16xi32>,
        %mul3A_822 = arith.constant 128 : i32
        %mul3A_823 = vector.broadcast %mul3A_822 : i32 to vector<16xi32>
        %mul3A_824 = arith.muli %add3A_333, %mul3A_823 : vector<16xi32>
        %add3A_825 = arith.constant 40 : i32
        %add3A_826 = vector.broadcast %add3A_825 : i32 to vector<16xi32>
        %add3A_827 = arith.addi %mul3A_824, %add3A_826 : vector<16xi32>
        tpu.vector_store_idx %arg6[%add3A_827], %get3A_821 masked %lt3A_336 : memref<25600xi32, #tpu.memory_space<vmem>>[vector<16xi32>], vector<16xi32>, vector<16xi1>
        %mul3A_828 = arith.constant 16 : i32
        %mul3A_829 = arith.muli %scan3A_329, %mul3A_828 : i32
        %get3A_830 = arith.constant 41 : i32
        %get3A_831 = arith.index_cast %get3A_830 : i32 to index
        %get3A_832 = arith.index_cast %mul3A_829 : i32 to index
        %get3A_833 = tpu.vector_load %arg5[%get3A_831, %get3A_832] {strides = array<i32>} : memref<128x208xi32, #tpu.memory_space<vmem>>, vector<16xi32>,
        %mul3A_834 = arith.constant 128 : i32
        %mul3A_835 = vector.broadcast %mul3A_834 : i32 to vector<16xi32>
        %mul3A_836 = arith.muli %add3A_333, %mul3A_835 : vector<16xi32>
        %add3A_837 = arith.constant 41 : i32
        %add3A_838 = vector.broadcast %add3A_837 : i32 to vector<16xi32>
        %add3A_839 = arith.addi %mul3A_836, %add3A_838 : vector<16xi32>
        tpu.vector_store_idx %arg6[%add3A_839], %get3A_833 masked %lt3A_336 : memref<25600xi32, #tpu.memory_space<vmem>>[vector<16xi32>], vector<16xi32>, vector<16xi1>
        %mul3A_840 = arith.constant 16 : i32
        %mul3A_841 = arith.muli %scan3A_329, %mul3A_840 : i32
        %get3A_842 = arith.constant 42 : i32
        %get3A_843 = arith.index_cast %get3A_842 : i32 to index
        %get3A_844 = arith.index_cast %mul3A_841 : i32 to index
        %get3A_845 = tpu.vector_load %arg5[%get3A_843, %get3A_844] {strides = array<i32>} : memref<128x208xi32, #tpu.memory_space<vmem>>, vector<16xi32>,
        %mul3A_846 = arith.constant 128 : i32
        %mul3A_847 = vector.broadcast %mul3A_846 : i32 to vector<16xi32>
        %mul3A_848 = arith.muli %add3A_333, %mul3A_847 : vector<16xi32>
        %add3A_849 = arith.constant 42 : i32
        %add3A_850 = vector.broadcast %add3A_849 : i32 to vector<16xi32>
        %add3A_851 = arith.addi %mul3A_848, %add3A_850 : vector<16xi32>
        tpu.vector_store_idx %arg6[%add3A_851], %get3A_845 masked %lt3A_336 : memref<25600xi32, #tpu.memory_space<vmem>>[vector<16xi32>], vector<16xi32>, vector<16xi1>
        %mul3A_852 = arith.constant 16 : i32
        %mul3A_853 = arith.muli %scan3A_329, %mul3A_852 : i32
        %get3A_854 = arith.constant 43 : i32
        %get3A_855 = arith.index_cast %get3A_854 : i32 to index
        %get3A_856 = arith.index_cast %mul3A_853 : i32 to index
        %get3A_857 = tpu.vector_load %arg5[%get3A_855, %get3A_856] {strides = array<i32>} : memref<128x208xi32, #tpu.memory_space<vmem>>, vector<16xi32>,
        %mul3A_858 = arith.constant 128 : i32
        %mul3A_859 = vector.broadcast %mul3A_858 : i32 to vector<16xi32>
        %mul3A_860 = arith.muli %add3A_333, %mul3A_859 : vector<16xi32>
        %add3A_861 = arith.constant 43 : i32
        %add3A_862 = vector.broadcast %add3A_861 : i32 to vector<16xi32>
        %add3A_863 = arith.addi %mul3A_860, %add3A_862 : vector<16xi32>
        tpu.vector_store_idx %arg6[%add3A_863], %get3A_857 masked %lt3A_336 : memref<25600xi32, #tpu.memory_space<vmem>>[vector<16xi32>], vector<16xi32>, vector<16xi1>
        %mul3A_864 = arith.constant 16 : i32
        %mul3A_865 = arith.muli %scan3A_329, %mul3A_864 : i32
        %get3A_866 = arith.constant 44 : i32
        %get3A_867 = arith.index_cast %get3A_866 : i32 to index
        %get3A_868 = arith.index_cast %mul3A_865 : i32 to index
        %get3A_869 = tpu.vector_load %arg5[%get3A_867, %get3A_868] {strides = array<i32>} : memref<128x208xi32, #tpu.memory_space<vmem>>, vector<16xi32>,
        %mul3A_870 = arith.constant 128 : i32
        %mul3A_871 = vector.broadcast %mul3A_870 : i32 to vector<16xi32>
        %mul3A_872 = arith.muli %add3A_333, %mul3A_871 : vector<16xi32>
        %add3A_873 = arith.constant 44 : i32
        %add3A_874 = vector.broadcast %add3A_873 : i32 to vector<16xi32>
        %add3A_875 = arith.addi %mul3A_872, %add3A_874 : vector<16xi32>
        tpu.vector_store_idx %arg6[%add3A_875], %get3A_869 masked %lt3A_336 : memref<25600xi32, #tpu.memory_space<vmem>>[vector<16xi32>], vector<16xi32>, vector<16xi1>
        %mul3A_876 = arith.constant 16 : i32
        %mul3A_877 = arith.muli %scan3A_329, %mul3A_876 : i32
        %get3A_878 = arith.constant 45 : i32
        %get3A_879 = arith.index_cast %get3A_878 : i32 to index
        %get3A_880 = arith.index_cast %mul3A_877 : i32 to index
        %get3A_881 = tpu.vector_load %arg5[%get3A_879, %get3A_880] {strides = array<i32>} : memref<128x208xi32, #tpu.memory_space<vmem>>, vector<16xi32>,
        %mul3A_882 = arith.constant 128 : i32
        %mul3A_883 = vector.broadcast %mul3A_882 : i32 to vector<16xi32>
        %mul3A_884 = arith.muli %add3A_333, %mul3A_883 : vector<16xi32>
        %add3A_885 = arith.constant 45 : i32
        %add3A_886 = vector.broadcast %add3A_885 : i32 to vector<16xi32>
        %add3A_887 = arith.addi %mul3A_884, %add3A_886 : vector<16xi32>
        tpu.vector_store_idx %arg6[%add3A_887], %get3A_881 masked %lt3A_336 : memref<25600xi32, #tpu.memory_space<vmem>>[vector<16xi32>], vector<16xi32>, vector<16xi1>
        %mul3A_888 = arith.constant 16 : i32
        %mul3A_889 = arith.muli %scan3A_329, %mul3A_888 : i32
        %get3A_890 = arith.constant 46 : i32
        %get3A_891 = arith.index_cast %get3A_890 : i32 to index
        %get3A_892 = arith.index_cast %mul3A_889 : i32 to index
        %get3A_893 = tpu.vector_load %arg5[%get3A_891, %get3A_892] {strides = array<i32>} : memref<128x208xi32, #tpu.memory_space<vmem>>, vector<16xi32>,
        %mul3A_894 = arith.constant 128 : i32
        %mul3A_895 = vector.broadcast %mul3A_894 : i32 to vector<16xi32>
        %mul3A_896 = arith.muli %add3A_333, %mul3A_895 : vector<16xi32>
        %add3A_897 = arith.constant 46 : i32
        %add3A_898 = vector.broadcast %add3A_897 : i32 to vector<16xi32>
        %add3A_899 = arith.addi %mul3A_896, %add3A_898 : vector<16xi32>
        tpu.vector_store_idx %arg6[%add3A_899], %get3A_893 masked %lt3A_336 : memref<25600xi32, #tpu.memory_space<vmem>>[vector<16xi32>], vector<16xi32>, vector<16xi1>
        %mul3A_900 = arith.constant 16 : i32
        %mul3A_901 = arith.muli %scan3A_329, %mul3A_900 : i32
        %get3A_902 = arith.constant 47 : i32
        %get3A_903 = arith.index_cast %get3A_902 : i32 to index
        %get3A_904 = arith.index_cast %mul3A_901 : i32 to index
        %get3A_905 = tpu.vector_load %arg5[%get3A_903, %get3A_904] {strides = array<i32>} : memref<128x208xi32, #tpu.memory_space<vmem>>, vector<16xi32>,
        %mul3A_906 = arith.constant 128 : i32
        %mul3A_907 = vector.broadcast %mul3A_906 : i32 to vector<16xi32>
        %mul3A_908 = arith.muli %add3A_333, %mul3A_907 : vector<16xi32>
        %add3A_909 = arith.constant 47 : i32
        %add3A_910 = vector.broadcast %add3A_909 : i32 to vector<16xi32>
        %add3A_911 = arith.addi %mul3A_908, %add3A_910 : vector<16xi32>
        tpu.vector_store_idx %arg6[%add3A_911], %get3A_905 masked %lt3A_336 : memref<25600xi32, #tpu.memory_space<vmem>>[vector<16xi32>], vector<16xi32>, vector<16xi1>
        %mul3A_912 = arith.constant 16 : i32
        %mul3A_913 = arith.muli %scan3A_329, %mul3A_912 : i32
        %get3A_914 = arith.constant 48 : i32
        %get3A_915 = arith.index_cast %get3A_914 : i32 to index
        %get3A_916 = arith.index_cast %mul3A_913 : i32 to index
        %get3A_917 = tpu.vector_load %arg5[%get3A_915, %get3A_916] {strides = array<i32>} : memref<128x208xi32, #tpu.memory_space<vmem>>, vector<16xi32>,
        %mul3A_918 = arith.constant 128 : i32
        %mul3A_919 = vector.broadcast %mul3A_918 : i32 to vector<16xi32>
        %mul3A_920 = arith.muli %add3A_333, %mul3A_919 : vector<16xi32>
        %add3A_921 = arith.constant 48 : i32
        %add3A_922 = vector.broadcast %add3A_921 : i32 to vector<16xi32>
        %add3A_923 = arith.addi %mul3A_920, %add3A_922 : vector<16xi32>
        tpu.vector_store_idx %arg6[%add3A_923], %get3A_917 masked %lt3A_336 : memref<25600xi32, #tpu.memory_space<vmem>>[vector<16xi32>], vector<16xi32>, vector<16xi1>
        %mul3A_924 = arith.constant 16 : i32
        %mul3A_925 = arith.muli %scan3A_329, %mul3A_924 : i32
        %get3A_926 = arith.constant 49 : i32
        %get3A_927 = arith.index_cast %get3A_926 : i32 to index
        %get3A_928 = arith.index_cast %mul3A_925 : i32 to index
        %get3A_929 = tpu.vector_load %arg5[%get3A_927, %get3A_928] {strides = array<i32>} : memref<128x208xi32, #tpu.memory_space<vmem>>, vector<16xi32>,
        %mul3A_930 = arith.constant 128 : i32
        %mul3A_931 = vector.broadcast %mul3A_930 : i32 to vector<16xi32>
        %mul3A_932 = arith.muli %add3A_333, %mul3A_931 : vector<16xi32>
        %add3A_933 = arith.constant 49 : i32
        %add3A_934 = vector.broadcast %add3A_933 : i32 to vector<16xi32>
        %add3A_935 = arith.addi %mul3A_932, %add3A_934 : vector<16xi32>
        tpu.vector_store_idx %arg6[%add3A_935], %get3A_929 masked %lt3A_336 : memref<25600xi32, #tpu.memory_space<vmem>>[vector<16xi32>], vector<16xi32>, vector<16xi1>
        %mul3A_936 = arith.constant 16 : i32
        %mul3A_937 = arith.muli %scan3A_329, %mul3A_936 : i32
        %get3A_938 = arith.constant 50 : i32
        %get3A_939 = arith.index_cast %get3A_938 : i32 to index
        %get3A_940 = arith.index_cast %mul3A_937 : i32 to index
        %get3A_941 = tpu.vector_load %arg5[%get3A_939, %get3A_940] {strides = array<i32>} : memref<128x208xi32, #tpu.memory_space<vmem>>, vector<16xi32>,
        %mul3A_942 = arith.constant 128 : i32
        %mul3A_943 = vector.broadcast %mul3A_942 : i32 to vector<16xi32>
        %mul3A_944 = arith.muli %add3A_333, %mul3A_943 : vector<16xi32>
        %add3A_945 = arith.constant 50 : i32
        %add3A_946 = vector.broadcast %add3A_945 : i32 to vector<16xi32>
        %add3A_947 = arith.addi %mul3A_944, %add3A_946 : vector<16xi32>
        tpu.vector_store_idx %arg6[%add3A_947], %get3A_941 masked %lt3A_336 : memref<25600xi32, #tpu.memory_space<vmem>>[vector<16xi32>], vector<16xi32>, vector<16xi1>
        %mul3A_948 = arith.constant 16 : i32
        %mul3A_949 = arith.muli %scan3A_329, %mul3A_948 : i32
        %get3A_950 = arith.constant 51 : i32
        %get3A_951 = arith.index_cast %get3A_950 : i32 to index
        %get3A_952 = arith.index_cast %mul3A_949 : i32 to index
        %get3A_953 = tpu.vector_load %arg5[%get3A_951, %get3A_952] {strides = array<i32>} : memref<128x208xi32, #tpu.memory_space<vmem>>, vector<16xi32>,
        %mul3A_954 = arith.constant 128 : i32
        %mul3A_955 = vector.broadcast %mul3A_954 : i32 to vector<16xi32>
        %mul3A_956 = arith.muli %add3A_333, %mul3A_955 : vector<16xi32>
        %add3A_957 = arith.constant 51 : i32
        %add3A_958 = vector.broadcast %add3A_957 : i32 to vector<16xi32>
        %add3A_959 = arith.addi %mul3A_956, %add3A_958 : vector<16xi32>
        tpu.vector_store_idx %arg6[%add3A_959], %get3A_953 masked %lt3A_336 : memref<25600xi32, #tpu.memory_space<vmem>>[vector<16xi32>], vector<16xi32>, vector<16xi1>
        %mul3A_960 = arith.constant 16 : i32
        %mul3A_961 = arith.muli %scan3A_329, %mul3A_960 : i32
        %get3A_962 = arith.constant 52 : i32
        %get3A_963 = arith.index_cast %get3A_962 : i32 to index
        %get3A_964 = arith.index_cast %mul3A_961 : i32 to index
        %get3A_965 = tpu.vector_load %arg5[%get3A_963, %get3A_964] {strides = array<i32>} : memref<128x208xi32, #tpu.memory_space<vmem>>, vector<16xi32>,
        %mul3A_966 = arith.constant 128 : i32
        %mul3A_967 = vector.broadcast %mul3A_966 : i32 to vector<16xi32>
        %mul3A_968 = arith.muli %add3A_333, %mul3A_967 : vector<16xi32>
        %add3A_969 = arith.constant 52 : i32
        %add3A_970 = vector.broadcast %add3A_969 : i32 to vector<16xi32>
        %add3A_971 = arith.addi %mul3A_968, %add3A_970 : vector<16xi32>
        tpu.vector_store_idx %arg6[%add3A_971], %get3A_965 masked %lt3A_336 : memref<25600xi32, #tpu.memory_space<vmem>>[vector<16xi32>], vector<16xi32>, vector<16xi1>
        %mul3A_972 = arith.constant 16 : i32
        %mul3A_973 = arith.muli %scan3A_329, %mul3A_972 : i32
        %get3A_974 = arith.constant 53 : i32
        %get3A_975 = arith.index_cast %get3A_974 : i32 to index
        %get3A_976 = arith.index_cast %mul3A_973 : i32 to index
        %get3A_977 = tpu.vector_load %arg5[%get3A_975, %get3A_976] {strides = array<i32>} : memref<128x208xi32, #tpu.memory_space<vmem>>, vector<16xi32>,
        %mul3A_978 = arith.constant 128 : i32
        %mul3A_979 = vector.broadcast %mul3A_978 : i32 to vector<16xi32>
        %mul3A_980 = arith.muli %add3A_333, %mul3A_979 : vector<16xi32>
        %add3A_981 = arith.constant 53 : i32
        %add3A_982 = vector.broadcast %add3A_981 : i32 to vector<16xi32>
        %add3A_983 = arith.addi %mul3A_980, %add3A_982 : vector<16xi32>
        tpu.vector_store_idx %arg6[%add3A_983], %get3A_977 masked %lt3A_336 : memref<25600xi32, #tpu.memory_space<vmem>>[vector<16xi32>], vector<16xi32>, vector<16xi1>
        %mul3A_984 = arith.constant 16 : i32
        %mul3A_985 = arith.muli %scan3A_329, %mul3A_984 : i32
        %get3A_986 = arith.constant 54 : i32
        %get3A_987 = arith.index_cast %get3A_986 : i32 to index
        %get3A_988 = arith.index_cast %mul3A_985 : i32 to index
        %get3A_989 = tpu.vector_load %arg5[%get3A_987, %get3A_988] {strides = array<i32>} : memref<128x208xi32, #tpu.memory_space<vmem>>, vector<16xi32>,
        %mul3A_990 = arith.constant 128 : i32
        %mul3A_991 = vector.broadcast %mul3A_990 : i32 to vector<16xi32>
        %mul3A_992 = arith.muli %add3A_333, %mul3A_991 : vector<16xi32>
        %add3A_993 = arith.constant 54 : i32
        %add3A_994 = vector.broadcast %add3A_993 : i32 to vector<16xi32>
        %add3A_995 = arith.addi %mul3A_992, %add3A_994 : vector<16xi32>
        tpu.vector_store_idx %arg6[%add3A_995], %get3A_989 masked %lt3A_336 : memref<25600xi32, #tpu.memory_space<vmem>>[vector<16xi32>], vector<16xi32>, vector<16xi1>
        %mul3A_996 = arith.constant 16 : i32
        %mul3A_997 = arith.muli %scan3A_329, %mul3A_996 : i32
        %get3A_998 = arith.constant 55 : i32
        %get3A_999 = arith.index_cast %get3A_998 : i32 to index
        %get3A_1000 = arith.index_cast %mul3A_997 : i32 to index
        %get3A_1001 = tpu.vector_load %arg5[%get3A_999, %get3A_1000] {strides = array<i32>} : memref<128x208xi32, #tpu.memory_space<vmem>>, vector<16xi32>,
        %mul3A_1002 = arith.constant 128 : i32
        %mul3A_1003 = vector.broadcast %mul3A_1002 : i32 to vector<16xi32>
        %mul3A_1004 = arith.muli %add3A_333, %mul3A_1003 : vector<16xi32>
        %add3A_1005 = arith.constant 55 : i32
        %add3A_1006 = vector.broadcast %add3A_1005 : i32 to vector<16xi32>
        %add3A_1007 = arith.addi %mul3A_1004, %add3A_1006 : vector<16xi32>
        tpu.vector_store_idx %arg6[%add3A_1007], %get3A_1001 masked %lt3A_336 : memref<25600xi32, #tpu.memory_space<vmem>>[vector<16xi32>], vector<16xi32>, vector<16xi1>
        %mul3A_1008 = arith.constant 16 : i32
        %mul3A_1009 = arith.muli %scan3A_329, %mul3A_1008 : i32
        %get3A_1010 = arith.constant 56 : i32
        %get3A_1011 = arith.index_cast %get3A_1010 : i32 to index
        %get3A_1012 = arith.index_cast %mul3A_1009 : i32 to index
        %get3A_1013 = tpu.vector_load %arg5[%get3A_1011, %get3A_1012] {strides = array<i32>} : memref<128x208xi32, #tpu.memory_space<vmem>>, vector<16xi32>,
        %mul3A_1014 = arith.constant 128 : i32
        %mul3A_1015 = vector.broadcast %mul3A_1014 : i32 to vector<16xi32>
        %mul3A_1016 = arith.muli %add3A_333, %mul3A_1015 : vector<16xi32>
        %add3A_1017 = arith.constant 56 : i32
        %add3A_1018 = vector.broadcast %add3A_1017 : i32 to vector<16xi32>
        %add3A_1019 = arith.addi %mul3A_1016, %add3A_1018 : vector<16xi32>
        tpu.vector_store_idx %arg6[%add3A_1019], %get3A_1013 masked %lt3A_336 : memref<25600xi32, #tpu.memory_space<vmem>>[vector<16xi32>], vector<16xi32>, vector<16xi1>
        %mul3A_1020 = arith.constant 16 : i32
        %mul3A_1021 = arith.muli %scan3A_329, %mul3A_1020 : i32
        %get3A_1022 = arith.constant 57 : i32
        %get3A_1023 = arith.index_cast %get3A_1022 : i32 to index
        %get3A_1024 = arith.index_cast %mul3A_1021 : i32 to index
        %get3A_1025 = tpu.vector_load %arg5[%get3A_1023, %get3A_1024] {strides = array<i32>} : memref<128x208xi32, #tpu.memory_space<vmem>>, vector<16xi32>,
        %mul3A_1026 = arith.constant 128 : i32
        %mul3A_1027 = vector.broadcast %mul3A_1026 : i32 to vector<16xi32>
        %mul3A_1028 = arith.muli %add3A_333, %mul3A_1027 : vector<16xi32>
        %add3A_1029 = arith.constant 57 : i32
        %add3A_1030 = vector.broadcast %add3A_1029 : i32 to vector<16xi32>
        %add3A_1031 = arith.addi %mul3A_1028, %add3A_1030 : vector<16xi32>
        tpu.vector_store_idx %arg6[%add3A_1031], %get3A_1025 masked %lt3A_336 : memref<25600xi32, #tpu.memory_space<vmem>>[vector<16xi32>], vector<16xi32>, vector<16xi1>
        %mul3A_1032 = arith.constant 16 : i32
        %mul3A_1033 = arith.muli %scan3A_329, %mul3A_1032 : i32
        %get3A_1034 = arith.constant 58 : i32
        %get3A_1035 = arith.index_cast %get3A_1034 : i32 to index
        %get3A_1036 = arith.index_cast %mul3A_1033 : i32 to index
        %get3A_1037 = tpu.vector_load %arg5[%get3A_1035, %get3A_1036] {strides = array<i32>} : memref<128x208xi32, #tpu.memory_space<vmem>>, vector<16xi32>,
        %mul3A_1038 = arith.constant 128 : i32
        %mul3A_1039 = vector.broadcast %mul3A_1038 : i32 to vector<16xi32>
        %mul3A_1040 = arith.muli %add3A_333, %mul3A_1039 : vector<16xi32>
        %add3A_1041 = arith.constant 58 : i32
        %add3A_1042 = vector.broadcast %add3A_1041 : i32 to vector<16xi32>
        %add3A_1043 = arith.addi %mul3A_1040, %add3A_1042 : vector<16xi32>
        tpu.vector_store_idx %arg6[%add3A_1043], %get3A_1037 masked %lt3A_336 : memref<25600xi32, #tpu.memory_space<vmem>>[vector<16xi32>], vector<16xi32>, vector<16xi1>
        %mul3A_1044 = arith.constant 16 : i32
        %mul3A_1045 = arith.muli %scan3A_329, %mul3A_1044 : i32
        %get3A_1046 = arith.constant 59 : i32
        %get3A_1047 = arith.index_cast %get3A_1046 : i32 to index
        %get3A_1048 = arith.index_cast %mul3A_1045 : i32 to index
        %get3A_1049 = tpu.vector_load %arg5[%get3A_1047, %get3A_1048] {strides = array<i32>} : memref<128x208xi32, #tpu.memory_space<vmem>>, vector<16xi32>,
        %mul3A_1050 = arith.constant 128 : i32
        %mul3A_1051 = vector.broadcast %mul3A_1050 : i32 to vector<16xi32>
        %mul3A_1052 = arith.muli %add3A_333, %mul3A_1051 : vector<16xi32>
        %add3A_1053 = arith.constant 59 : i32
        %add3A_1054 = vector.broadcast %add3A_1053 : i32 to vector<16xi32>
        %add3A_1055 = arith.addi %mul3A_1052, %add3A_1054 : vector<16xi32>
        tpu.vector_store_idx %arg6[%add3A_1055], %get3A_1049 masked %lt3A_336 : memref<25600xi32, #tpu.memory_space<vmem>>[vector<16xi32>], vector<16xi32>, vector<16xi1>
        %mul3A_1056 = arith.constant 16 : i32
        %mul3A_1057 = arith.muli %scan3A_329, %mul3A_1056 : i32
        %get3A_1058 = arith.constant 60 : i32
        %get3A_1059 = arith.index_cast %get3A_1058 : i32 to index
        %get3A_1060 = arith.index_cast %mul3A_1057 : i32 to index
        %get3A_1061 = tpu.vector_load %arg5[%get3A_1059, %get3A_1060] {strides = array<i32>} : memref<128x208xi32, #tpu.memory_space<vmem>>, vector<16xi32>,
        %mul3A_1062 = arith.constant 128 : i32
        %mul3A_1063 = vector.broadcast %mul3A_1062 : i32 to vector<16xi32>
        %mul3A_1064 = arith.muli %add3A_333, %mul3A_1063 : vector<16xi32>
        %add3A_1065 = arith.constant 60 : i32
        %add3A_1066 = vector.broadcast %add3A_1065 : i32 to vector<16xi32>
        %add3A_1067 = arith.addi %mul3A_1064, %add3A_1066 : vector<16xi32>
        tpu.vector_store_idx %arg6[%add3A_1067], %get3A_1061 masked %lt3A_336 : memref<25600xi32, #tpu.memory_space<vmem>>[vector<16xi32>], vector<16xi32>, vector<16xi1>
        %mul3A_1068 = arith.constant 16 : i32
        %mul3A_1069 = arith.muli %scan3A_329, %mul3A_1068 : i32
        %get3A_1070 = arith.constant 61 : i32
        %get3A_1071 = arith.index_cast %get3A_1070 : i32 to index
        %get3A_1072 = arith.index_cast %mul3A_1069 : i32 to index
        %get3A_1073 = tpu.vector_load %arg5[%get3A_1071, %get3A_1072] {strides = array<i32>} : memref<128x208xi32, #tpu.memory_space<vmem>>, vector<16xi32>,
        %mul3A_1074 = arith.constant 128 : i32
        %mul3A_1075 = vector.broadcast %mul3A_1074 : i32 to vector<16xi32>
        %mul3A_1076 = arith.muli %add3A_333, %mul3A_1075 : vector<16xi32>
        %add3A_1077 = arith.constant 61 : i32
        %add3A_1078 = vector.broadcast %add3A_1077 : i32 to vector<16xi32>
        %add3A_1079 = arith.addi %mul3A_1076, %add3A_1078 : vector<16xi32>
        tpu.vector_store_idx %arg6[%add3A_1079], %get3A_1073 masked %lt3A_336 : memref<25600xi32, #tpu.memory_space<vmem>>[vector<16xi32>], vector<16xi32>, vector<16xi1>
        %mul3A_1080 = arith.constant 16 : i32
        %mul3A_1081 = arith.muli %scan3A_329, %mul3A_1080 : i32
        %get3A_1082 = arith.constant 62 : i32
        %get3A_1083 = arith.index_cast %get3A_1082 : i32 to index
        %get3A_1084 = arith.index_cast %mul3A_1081 : i32 to index
        %get3A_1085 = tpu.vector_load %arg5[%get3A_1083, %get3A_1084] {strides = array<i32>} : memref<128x208xi32, #tpu.memory_space<vmem>>, vector<16xi32>,
        %mul3A_1086 = arith.constant 128 : i32
        %mul3A_1087 = vector.broadcast %mul3A_1086 : i32 to vector<16xi32>
        %mul3A_1088 = arith.muli %add3A_333, %mul3A_1087 : vector<16xi32>
        %add3A_1089 = arith.constant 62 : i32
        %add3A_1090 = vector.broadcast %add3A_1089 : i32 to vector<16xi32>
        %add3A_1091 = arith.addi %mul3A_1088, %add3A_1090 : vector<16xi32>
        tpu.vector_store_idx %arg6[%add3A_1091], %get3A_1085 masked %lt3A_336 : memref<25600xi32, #tpu.memory_space<vmem>>[vector<16xi32>], vector<16xi32>, vector<16xi1>
        %mul3A_1092 = arith.constant 16 : i32
        %mul3A_1093 = arith.muli %scan3A_329, %mul3A_1092 : i32
        %get3A_1094 = arith.constant 63 : i32
        %get3A_1095 = arith.index_cast %get3A_1094 : i32 to index
        %get3A_1096 = arith.index_cast %mul3A_1093 : i32 to index
        %get3A_1097 = tpu.vector_load %arg5[%get3A_1095, %get3A_1096] {strides = array<i32>} : memref<128x208xi32, #tpu.memory_space<vmem>>, vector<16xi32>,
        %mul3A_1098 = arith.constant 128 : i32
        %mul3A_1099 = vector.broadcast %mul3A_1098 : i32 to vector<16xi32>
        %mul3A_1100 = arith.muli %add3A_333, %mul3A_1099 : vector<16xi32>
        %add3A_1101 = arith.constant 63 : i32
        %add3A_1102 = vector.broadcast %add3A_1101 : i32 to vector<16xi32>
        %add3A_1103 = arith.addi %mul3A_1100, %add3A_1102 : vector<16xi32>
        tpu.vector_store_idx %arg6[%add3A_1103], %get3A_1097 masked %lt3A_336 : memref<25600xi32, #tpu.memory_space<vmem>>[vector<16xi32>], vector<16xi32>, vector<16xi1>
        %mul3A_1104 = arith.constant 16 : i32
        %mul3A_1105 = arith.muli %scan3A_329, %mul3A_1104 : i32
        %get3A_1106 = arith.constant 64 : i32
        %get3A_1107 = arith.index_cast %get3A_1106 : i32 to index
        %get3A_1108 = arith.index_cast %mul3A_1105 : i32 to index
        %get3A_1109 = tpu.vector_load %arg5[%get3A_1107, %get3A_1108] {strides = array<i32>} : memref<128x208xi32, #tpu.memory_space<vmem>>, vector<16xi32>,
        %mul3A_1110 = arith.constant 128 : i32
        %mul3A_1111 = vector.broadcast %mul3A_1110 : i32 to vector<16xi32>
        %mul3A_1112 = arith.muli %add3A_333, %mul3A_1111 : vector<16xi32>
        %add3A_1113 = arith.constant 64 : i32
        %add3A_1114 = vector.broadcast %add3A_1113 : i32 to vector<16xi32>
        %add3A_1115 = arith.addi %mul3A_1112, %add3A_1114 : vector<16xi32>
        tpu.vector_store_idx %arg6[%add3A_1115], %get3A_1109 masked %lt3A_336 : memref<25600xi32, #tpu.memory_space<vmem>>[vector<16xi32>], vector<16xi32>, vector<16xi1>
        %mul3A_1116 = arith.constant 16 : i32
        %mul3A_1117 = arith.muli %scan3A_329, %mul3A_1116 : i32
        %get3A_1118 = arith.constant 65 : i32
        %get3A_1119 = arith.index_cast %get3A_1118 : i32 to index
        %get3A_1120 = arith.index_cast %mul3A_1117 : i32 to index
        %get3A_1121 = tpu.vector_load %arg5[%get3A_1119, %get3A_1120] {strides = array<i32>} : memref<128x208xi32, #tpu.memory_space<vmem>>, vector<16xi32>,
        %mul3A_1122 = arith.constant 128 : i32
        %mul3A_1123 = vector.broadcast %mul3A_1122 : i32 to vector<16xi32>
        %mul3A_1124 = arith.muli %add3A_333, %mul3A_1123 : vector<16xi32>
        %add3A_1125 = arith.constant 65 : i32
        %add3A_1126 = vector.broadcast %add3A_1125 : i32 to vector<16xi32>
        %add3A_1127 = arith.addi %mul3A_1124, %add3A_1126 : vector<16xi32>
        tpu.vector_store_idx %arg6[%add3A_1127], %get3A_1121 masked %lt3A_336 : memref<25600xi32, #tpu.memory_space<vmem>>[vector<16xi32>], vector<16xi32>, vector<16xi1>
        %mul3A_1128 = arith.constant 16 : i32
        %mul3A_1129 = arith.muli %scan3A_329, %mul3A_1128 : i32
        %get3A_1130 = arith.constant 66 : i32
        %get3A_1131 = arith.index_cast %get3A_1130 : i32 to index
        %get3A_1132 = arith.index_cast %mul3A_1129 : i32 to index
        %get3A_1133 = tpu.vector_load %arg5[%get3A_1131, %get3A_1132] {strides = array<i32>} : memref<128x208xi32, #tpu.memory_space<vmem>>, vector<16xi32>,
        %mul3A_1134 = arith.constant 128 : i32
        %mul3A_1135 = vector.broadcast %mul3A_1134 : i32 to vector<16xi32>
        %mul3A_1136 = arith.muli %add3A_333, %mul3A_1135 : vector<16xi32>
        %add3A_1137 = arith.constant 66 : i32
        %add3A_1138 = vector.broadcast %add3A_1137 : i32 to vector<16xi32>
        %add3A_1139 = arith.addi %mul3A_1136, %add3A_1138 : vector<16xi32>
        tpu.vector_store_idx %arg6[%add3A_1139], %get3A_1133 masked %lt3A_336 : memref<25600xi32, #tpu.memory_space<vmem>>[vector<16xi32>], vector<16xi32>, vector<16xi1>
        %mul3A_1140 = arith.constant 16 : i32
        %mul3A_1141 = arith.muli %scan3A_329, %mul3A_1140 : i32
        %get3A_1142 = arith.constant 67 : i32
        %get3A_1143 = arith.index_cast %get3A_1142 : i32 to index
        %get3A_1144 = arith.index_cast %mul3A_1141 : i32 to index
        %get3A_1145 = tpu.vector_load %arg5[%get3A_1143, %get3A_1144] {strides = array<i32>} : memref<128x208xi32, #tpu.memory_space<vmem>>, vector<16xi32>,
        %mul3A_1146 = arith.constant 128 : i32
        %mul3A_1147 = vector.broadcast %mul3A_1146 : i32 to vector<16xi32>
        %mul3A_1148 = arith.muli %add3A_333, %mul3A_1147 : vector<16xi32>
        %add3A_1149 = arith.constant 67 : i32
        %add3A_1150 = vector.broadcast %add3A_1149 : i32 to vector<16xi32>
        %add3A_1151 = arith.addi %mul3A_1148, %add3A_1150 : vector<16xi32>
        tpu.vector_store_idx %arg6[%add3A_1151], %get3A_1145 masked %lt3A_336 : memref<25600xi32, #tpu.memory_space<vmem>>[vector<16xi32>], vector<16xi32>, vector<16xi1>
        %mul3A_1152 = arith.constant 16 : i32
        %mul3A_1153 = arith.muli %scan3A_329, %mul3A_1152 : i32
        %get3A_1154 = arith.constant 68 : i32
        %get3A_1155 = arith.index_cast %get3A_1154 : i32 to index
        %get3A_1156 = arith.index_cast %mul3A_1153 : i32 to index
        %get3A_1157 = tpu.vector_load %arg5[%get3A_1155, %get3A_1156] {strides = array<i32>} : memref<128x208xi32, #tpu.memory_space<vmem>>, vector<16xi32>,
        %mul3A_1158 = arith.constant 128 : i32
        %mul3A_1159 = vector.broadcast %mul3A_1158 : i32 to vector<16xi32>
        %mul3A_1160 = arith.muli %add3A_333, %mul3A_1159 : vector<16xi32>
        %add3A_1161 = arith.constant 68 : i32
        %add3A_1162 = vector.broadcast %add3A_1161 : i32 to vector<16xi32>
        %add3A_1163 = arith.addi %mul3A_1160, %add3A_1162 : vector<16xi32>
        tpu.vector_store_idx %arg6[%add3A_1163], %get3A_1157 masked %lt3A_336 : memref<25600xi32, #tpu.memory_space<vmem>>[vector<16xi32>], vector<16xi32>, vector<16xi1>
        %mul3A_1164 = arith.constant 16 : i32
        %mul3A_1165 = arith.muli %scan3A_329, %mul3A_1164 : i32
        %get3A_1166 = arith.constant 69 : i32
        %get3A_1167 = arith.index_cast %get3A_1166 : i32 to index
        %get3A_1168 = arith.index_cast %mul3A_1165 : i32 to index
        %get3A_1169 = tpu.vector_load %arg5[%get3A_1167, %get3A_1168] {strides = array<i32>} : memref<128x208xi32, #tpu.memory_space<vmem>>, vector<16xi32>,
        %mul3A_1170 = arith.constant 128 : i32
        %mul3A_1171 = vector.broadcast %mul3A_1170 : i32 to vector<16xi32>
        %mul3A_1172 = arith.muli %add3A_333, %mul3A_1171 : vector<16xi32>
        %add3A_1173 = arith.constant 69 : i32
        %add3A_1174 = vector.broadcast %add3A_1173 : i32 to vector<16xi32>
        %add3A_1175 = arith.addi %mul3A_1172, %add3A_1174 : vector<16xi32>
        tpu.vector_store_idx %arg6[%add3A_1175], %get3A_1169 masked %lt3A_336 : memref<25600xi32, #tpu.memory_space<vmem>>[vector<16xi32>], vector<16xi32>, vector<16xi1>
        %mul3A_1176 = arith.constant 16 : i32
        %mul3A_1177 = arith.muli %scan3A_329, %mul3A_1176 : i32
        %get3A_1178 = arith.constant 70 : i32
        %get3A_1179 = arith.index_cast %get3A_1178 : i32 to index
        %get3A_1180 = arith.index_cast %mul3A_1177 : i32 to index
        %get3A_1181 = tpu.vector_load %arg5[%get3A_1179, %get3A_1180] {strides = array<i32>} : memref<128x208xi32, #tpu.memory_space<vmem>>, vector<16xi32>,
        %mul3A_1182 = arith.constant 128 : i32
        %mul3A_1183 = vector.broadcast %mul3A_1182 : i32 to vector<16xi32>
        %mul3A_1184 = arith.muli %add3A_333, %mul3A_1183 : vector<16xi32>
        %add3A_1185 = arith.constant 70 : i32
        %add3A_1186 = vector.broadcast %add3A_1185 : i32 to vector<16xi32>
        %add3A_1187 = arith.addi %mul3A_1184, %add3A_1186 : vector<16xi32>
        tpu.vector_store_idx %arg6[%add3A_1187], %get3A_1181 masked %lt3A_336 : memref<25600xi32, #tpu.memory_space<vmem>>[vector<16xi32>], vector<16xi32>, vector<16xi1>
        %mul3A_1188 = arith.constant 16 : i32
        %mul3A_1189 = arith.muli %scan3A_329, %mul3A_1188 : i32
        %get3A_1190 = arith.constant 71 : i32
        %get3A_1191 = arith.index_cast %get3A_1190 : i32 to index
        %get3A_1192 = arith.index_cast %mul3A_1189 : i32 to index
        %get3A_1193 = tpu.vector_load %arg5[%get3A_1191, %get3A_1192] {strides = array<i32>} : memref<128x208xi32, #tpu.memory_space<vmem>>, vector<16xi32>,
        %mul3A_1194 = arith.constant 128 : i32
        %mul3A_1195 = vector.broadcast %mul3A_1194 : i32 to vector<16xi32>
        %mul3A_1196 = arith.muli %add3A_333, %mul3A_1195 : vector<16xi32>
        %add3A_1197 = arith.constant 71 : i32
        %add3A_1198 = vector.broadcast %add3A_1197 : i32 to vector<16xi32>
        %add3A_1199 = arith.addi %mul3A_1196, %add3A_1198 : vector<16xi32>
        tpu.vector_store_idx %arg6[%add3A_1199], %get3A_1193 masked %lt3A_336 : memref<25600xi32, #tpu.memory_space<vmem>>[vector<16xi32>], vector<16xi32>, vector<16xi1>
        %mul3A_1200 = arith.constant 16 : i32
        %mul3A_1201 = arith.muli %scan3A_329, %mul3A_1200 : i32
        %get3A_1202 = arith.constant 72 : i32
        %get3A_1203 = arith.index_cast %get3A_1202 : i32 to index
        %get3A_1204 = arith.index_cast %mul3A_1201 : i32 to index
        %get3A_1205 = tpu.vector_load %arg5[%get3A_1203, %get3A_1204] {strides = array<i32>} : memref<128x208xi32, #tpu.memory_space<vmem>>, vector<16xi32>,
        %mul3A_1206 = arith.constant 128 : i32
        %mul3A_1207 = vector.broadcast %mul3A_1206 : i32 to vector<16xi32>
        %mul3A_1208 = arith.muli %add3A_333, %mul3A_1207 : vector<16xi32>
        %add3A_1209 = arith.constant 72 : i32
        %add3A_1210 = vector.broadcast %add3A_1209 : i32 to vector<16xi32>
        %add3A_1211 = arith.addi %mul3A_1208, %add3A_1210 : vector<16xi32>
        tpu.vector_store_idx %arg6[%add3A_1211], %get3A_1205 masked %lt3A_336 : memref<25600xi32, #tpu.memory_space<vmem>>[vector<16xi32>], vector<16xi32>, vector<16xi1>
        %mul3A_1212 = arith.constant 16 : i32
        %mul3A_1213 = arith.muli %scan3A_329, %mul3A_1212 : i32
        %get3A_1214 = arith.constant 73 : i32
        %get3A_1215 = arith.index_cast %get3A_1214 : i32 to index
        %get3A_1216 = arith.index_cast %mul3A_1213 : i32 to index
        %get3A_1217 = tpu.vector_load %arg5[%get3A_1215, %get3A_1216] {strides = array<i32>} : memref<128x208xi32, #tpu.memory_space<vmem>>, vector<16xi32>,
        %mul3A_1218 = arith.constant 128 : i32
        %mul3A_1219 = vector.broadcast %mul3A_1218 : i32 to vector<16xi32>
        %mul3A_1220 = arith.muli %add3A_333, %mul3A_1219 : vector<16xi32>
        %add3A_1221 = arith.constant 73 : i32
        %add3A_1222 = vector.broadcast %add3A_1221 : i32 to vector<16xi32>
        %add3A_1223 = arith.addi %mul3A_1220, %add3A_1222 : vector<16xi32>
        tpu.vector_store_idx %arg6[%add3A_1223], %get3A_1217 masked %lt3A_336 : memref<25600xi32, #tpu.memory_space<vmem>>[vector<16xi32>], vector<16xi32>, vector<16xi1>
        %mul3A_1224 = arith.constant 16 : i32
        %mul3A_1225 = arith.muli %scan3A_329, %mul3A_1224 : i32
        %get3A_1226 = arith.constant 74 : i32
        %get3A_1227 = arith.index_cast %get3A_1226 : i32 to index
        %get3A_1228 = arith.index_cast %mul3A_1225 : i32 to index
        %get3A_1229 = tpu.vector_load %arg5[%get3A_1227, %get3A_1228] {strides = array<i32>} : memref<128x208xi32, #tpu.memory_space<vmem>>, vector<16xi32>,
        %mul3A_1230 = arith.constant 128 : i32
        %mul3A_1231 = vector.broadcast %mul3A_1230 : i32 to vector<16xi32>
        %mul3A_1232 = arith.muli %add3A_333, %mul3A_1231 : vector<16xi32>
        %add3A_1233 = arith.constant 74 : i32
        %add3A_1234 = vector.broadcast %add3A_1233 : i32 to vector<16xi32>
        %add3A_1235 = arith.addi %mul3A_1232, %add3A_1234 : vector<16xi32>
        tpu.vector_store_idx %arg6[%add3A_1235], %get3A_1229 masked %lt3A_336 : memref<25600xi32, #tpu.memory_space<vmem>>[vector<16xi32>], vector<16xi32>, vector<16xi1>
        %mul3A_1236 = arith.constant 16 : i32
        %mul3A_1237 = arith.muli %scan3A_329, %mul3A_1236 : i32
        %get3A_1238 = arith.constant 75 : i32
        %get3A_1239 = arith.index_cast %get3A_1238 : i32 to index
        %get3A_1240 = arith.index_cast %mul3A_1237 : i32 to index
        %get3A_1241 = tpu.vector_load %arg5[%get3A_1239, %get3A_1240] {strides = array<i32>} : memref<128x208xi32, #tpu.memory_space<vmem>>, vector<16xi32>,
        %mul3A_1242 = arith.constant 128 : i32
        %mul3A_1243 = vector.broadcast %mul3A_1242 : i32 to vector<16xi32>
        %mul3A_1244 = arith.muli %add3A_333, %mul3A_1243 : vector<16xi32>
        %add3A_1245 = arith.constant 75 : i32
        %add3A_1246 = vector.broadcast %add3A_1245 : i32 to vector<16xi32>
        %add3A_1247 = arith.addi %mul3A_1244, %add3A_1246 : vector<16xi32>
        tpu.vector_store_idx %arg6[%add3A_1247], %get3A_1241 masked %lt3A_336 : memref<25600xi32, #tpu.memory_space<vmem>>[vector<16xi32>], vector<16xi32>, vector<16xi1>
        %mul3A_1248 = arith.constant 16 : i32
        %mul3A_1249 = arith.muli %scan3A_329, %mul3A_1248 : i32
        %get3A_1250 = arith.constant 76 : i32
        %get3A_1251 = arith.index_cast %get3A_1250 : i32 to index
        %get3A_1252 = arith.index_cast %mul3A_1249 : i32 to index
        %get3A_1253 = tpu.vector_load %arg5[%get3A_1251, %get3A_1252] {strides = array<i32>} : memref<128x208xi32, #tpu.memory_space<vmem>>, vector<16xi32>,
        %mul3A_1254 = arith.constant 128 : i32
        %mul3A_1255 = vector.broadcast %mul3A_1254 : i32 to vector<16xi32>
        %mul3A_1256 = arith.muli %add3A_333, %mul3A_1255 : vector<16xi32>
        %add3A_1257 = arith.constant 76 : i32
        %add3A_1258 = vector.broadcast %add3A_1257 : i32 to vector<16xi32>
        %add3A_1259 = arith.addi %mul3A_1256, %add3A_1258 : vector<16xi32>
        tpu.vector_store_idx %arg6[%add3A_1259], %get3A_1253 masked %lt3A_336 : memref<25600xi32, #tpu.memory_space<vmem>>[vector<16xi32>], vector<16xi32>, vector<16xi1>
        %mul3A_1260 = arith.constant 16 : i32
        %mul3A_1261 = arith.muli %scan3A_329, %mul3A_1260 : i32
        %get3A_1262 = arith.constant 77 : i32
        %get3A_1263 = arith.index_cast %get3A_1262 : i32 to index
        %get3A_1264 = arith.index_cast %mul3A_1261 : i32 to index
        %get3A_1265 = tpu.vector_load %arg5[%get3A_1263, %get3A_1264] {strides = array<i32>} : memref<128x208xi32, #tpu.memory_space<vmem>>, vector<16xi32>,
        %mul3A_1266 = arith.constant 128 : i32
        %mul3A_1267 = vector.broadcast %mul3A_1266 : i32 to vector<16xi32>
        %mul3A_1268 = arith.muli %add3A_333, %mul3A_1267 : vector<16xi32>
        %add3A_1269 = arith.constant 77 : i32
        %add3A_1270 = vector.broadcast %add3A_1269 : i32 to vector<16xi32>
        %add3A_1271 = arith.addi %mul3A_1268, %add3A_1270 : vector<16xi32>
        tpu.vector_store_idx %arg6[%add3A_1271], %get3A_1265 masked %lt3A_336 : memref<25600xi32, #tpu.memory_space<vmem>>[vector<16xi32>], vector<16xi32>, vector<16xi1>
        %mul3A_1272 = arith.constant 16 : i32
        %mul3A_1273 = arith.muli %scan3A_329, %mul3A_1272 : i32
        %get3A_1274 = arith.constant 78 : i32
        %get3A_1275 = arith.index_cast %get3A_1274 : i32 to index
        %get3A_1276 = arith.index_cast %mul3A_1273 : i32 to index
        %get3A_1277 = tpu.vector_load %arg5[%get3A_1275, %get3A_1276] {strides = array<i32>} : memref<128x208xi32, #tpu.memory_space<vmem>>, vector<16xi32>,
        %mul3A_1278 = arith.constant 128 : i32
        %mul3A_1279 = vector.broadcast %mul3A_1278 : i32 to vector<16xi32>
        %mul3A_1280 = arith.muli %add3A_333, %mul3A_1279 : vector<16xi32>
        %add3A_1281 = arith.constant 78 : i32
        %add3A_1282 = vector.broadcast %add3A_1281 : i32 to vector<16xi32>
        %add3A_1283 = arith.addi %mul3A_1280, %add3A_1282 : vector<16xi32>
        tpu.vector_store_idx %arg6[%add3A_1283], %get3A_1277 masked %lt3A_336 : memref<25600xi32, #tpu.memory_space<vmem>>[vector<16xi32>], vector<16xi32>, vector<16xi1>
        %mul3A_1284 = arith.constant 16 : i32
        %mul3A_1285 = arith.muli %scan3A_329, %mul3A_1284 : i32
        %get3A_1286 = arith.constant 79 : i32
        %get3A_1287 = arith.index_cast %get3A_1286 : i32 to index
        %get3A_1288 = arith.index_cast %mul3A_1285 : i32 to index
        %get3A_1289 = tpu.vector_load %arg5[%get3A_1287, %get3A_1288] {strides = array<i32>} : memref<128x208xi32, #tpu.memory_space<vmem>>, vector<16xi32>,
        %mul3A_1290 = arith.constant 128 : i32
        %mul3A_1291 = vector.broadcast %mul3A_1290 : i32 to vector<16xi32>
        %mul3A_1292 = arith.muli %add3A_333, %mul3A_1291 : vector<16xi32>
        %add3A_1293 = arith.constant 79 : i32
        %add3A_1294 = vector.broadcast %add3A_1293 : i32 to vector<16xi32>
        %add3A_1295 = arith.addi %mul3A_1292, %add3A_1294 : vector<16xi32>
        tpu.vector_store_idx %arg6[%add3A_1295], %get3A_1289 masked %lt3A_336 : memref<25600xi32, #tpu.memory_space<vmem>>[vector<16xi32>], vector<16xi32>, vector<16xi1>
        %mul3A_1296 = arith.constant 16 : i32
        %mul3A_1297 = arith.muli %scan3A_329, %mul3A_1296 : i32
        %get3A_1298 = arith.constant 80 : i32
        %get3A_1299 = arith.index_cast %get3A_1298 : i32 to index
        %get3A_1300 = arith.index_cast %mul3A_1297 : i32 to index
        %get3A_1301 = tpu.vector_load %arg5[%get3A_1299, %get3A_1300] {strides = array<i32>} : memref<128x208xi32, #tpu.memory_space<vmem>>, vector<16xi32>,
        %mul3A_1302 = arith.constant 128 : i32
        %mul3A_1303 = vector.broadcast %mul3A_1302 : i32 to vector<16xi32>
        %mul3A_1304 = arith.muli %add3A_333, %mul3A_1303 : vector<16xi32>
        %add3A_1305 = arith.constant 80 : i32
        %add3A_1306 = vector.broadcast %add3A_1305 : i32 to vector<16xi32>
        %add3A_1307 = arith.addi %mul3A_1304, %add3A_1306 : vector<16xi32>
        tpu.vector_store_idx %arg6[%add3A_1307], %get3A_1301 masked %lt3A_336 : memref<25600xi32, #tpu.memory_space<vmem>>[vector<16xi32>], vector<16xi32>, vector<16xi1>
        %mul3A_1308 = arith.constant 16 : i32
        %mul3A_1309 = arith.muli %scan3A_329, %mul3A_1308 : i32
        %get3A_1310 = arith.constant 81 : i32
        %get3A_1311 = arith.index_cast %get3A_1310 : i32 to index
        %get3A_1312 = arith.index_cast %mul3A_1309 : i32 to index
        %get3A_1313 = tpu.vector_load %arg5[%get3A_1311, %get3A_1312] {strides = array<i32>} : memref<128x208xi32, #tpu.memory_space<vmem>>, vector<16xi32>,
        %mul3A_1314 = arith.constant 128 : i32
        %mul3A_1315 = vector.broadcast %mul3A_1314 : i32 to vector<16xi32>
        %mul3A_1316 = arith.muli %add3A_333, %mul3A_1315 : vector<16xi32>
        %add3A_1317 = arith.constant 81 : i32
        %add3A_1318 = vector.broadcast %add3A_1317 : i32 to vector<16xi32>
        %add3A_1319 = arith.addi %mul3A_1316, %add3A_1318 : vector<16xi32>
        tpu.vector_store_idx %arg6[%add3A_1319], %get3A_1313 masked %lt3A_336 : memref<25600xi32, #tpu.memory_space<vmem>>[vector<16xi32>], vector<16xi32>, vector<16xi1>
        %mul3A_1320 = arith.constant 16 : i32
        %mul3A_1321 = arith.muli %scan3A_329, %mul3A_1320 : i32
        %get3A_1322 = arith.constant 82 : i32
        %get3A_1323 = arith.index_cast %get3A_1322 : i32 to index
        %get3A_1324 = arith.index_cast %mul3A_1321 : i32 to index
        %get3A_1325 = tpu.vector_load %arg5[%get3A_1323, %get3A_1324] {strides = array<i32>} : memref<128x208xi32, #tpu.memory_space<vmem>>, vector<16xi32>,
        %mul3A_1326 = arith.constant 128 : i32
        %mul3A_1327 = vector.broadcast %mul3A_1326 : i32 to vector<16xi32>
        %mul3A_1328 = arith.muli %add3A_333, %mul3A_1327 : vector<16xi32>
        %add3A_1329 = arith.constant 82 : i32
        %add3A_1330 = vector.broadcast %add3A_1329 : i32 to vector<16xi32>
        %add3A_1331 = arith.addi %mul3A_1328, %add3A_1330 : vector<16xi32>
        tpu.vector_store_idx %arg6[%add3A_1331], %get3A_1325 masked %lt3A_336 : memref<25600xi32, #tpu.memory_space<vmem>>[vector<16xi32>], vector<16xi32>, vector<16xi1>
        %mul3A_1332 = arith.constant 16 : i32
        %mul3A_1333 = arith.muli %scan3A_329, %mul3A_1332 : i32
        %get3A_1334 = arith.constant 83 : i32
        %get3A_1335 = arith.index_cast %get3A_1334 : i32 to index
        %get3A_1336 = arith.index_cast %mul3A_1333 : i32 to index
        %get3A_1337 = tpu.vector_load %arg5[%get3A_1335, %get3A_1336] {strides = array<i32>} : memref<128x208xi32, #tpu.memory_space<vmem>>, vector<16xi32>,
        %mul3A_1338 = arith.constant 128 : i32
        %mul3A_1339 = vector.broadcast %mul3A_1338 : i32 to vector<16xi32>
        %mul3A_1340 = arith.muli %add3A_333, %mul3A_1339 : vector<16xi32>
        %add3A_1341 = arith.constant 83 : i32
        %add3A_1342 = vector.broadcast %add3A_1341 : i32 to vector<16xi32>
        %add3A_1343 = arith.addi %mul3A_1340, %add3A_1342 : vector<16xi32>
        tpu.vector_store_idx %arg6[%add3A_1343], %get3A_1337 masked %lt3A_336 : memref<25600xi32, #tpu.memory_space<vmem>>[vector<16xi32>], vector<16xi32>, vector<16xi1>
        %mul3A_1344 = arith.constant 16 : i32
        %mul3A_1345 = arith.muli %scan3A_329, %mul3A_1344 : i32
        %get3A_1346 = arith.constant 84 : i32
        %get3A_1347 = arith.index_cast %get3A_1346 : i32 to index
        %get3A_1348 = arith.index_cast %mul3A_1345 : i32 to index
        %get3A_1349 = tpu.vector_load %arg5[%get3A_1347, %get3A_1348] {strides = array<i32>} : memref<128x208xi32, #tpu.memory_space<vmem>>, vector<16xi32>,
        %mul3A_1350 = arith.constant 128 : i32
        %mul3A_1351 = vector.broadcast %mul3A_1350 : i32 to vector<16xi32>
        %mul3A_1352 = arith.muli %add3A_333, %mul3A_1351 : vector<16xi32>
        %add3A_1353 = arith.constant 84 : i32
        %add3A_1354 = vector.broadcast %add3A_1353 : i32 to vector<16xi32>
        %add3A_1355 = arith.addi %mul3A_1352, %add3A_1354 : vector<16xi32>
        tpu.vector_store_idx %arg6[%add3A_1355], %get3A_1349 masked %lt3A_336 : memref<25600xi32, #tpu.memory_space<vmem>>[vector<16xi32>], vector<16xi32>, vector<16xi1>
        %mul3A_1356 = arith.constant 16 : i32
        %mul3A_1357 = arith.muli %scan3A_329, %mul3A_1356 : i32
        %get3A_1358 = arith.constant 85 : i32
        %get3A_1359 = arith.index_cast %get3A_1358 : i32 to index
        %get3A_1360 = arith.index_cast %mul3A_1357 : i32 to index
        %get3A_1361 = tpu.vector_load %arg5[%get3A_1359, %get3A_1360] {strides = array<i32>} : memref<128x208xi32, #tpu.memory_space<vmem>>, vector<16xi32>,
        %mul3A_1362 = arith.constant 128 : i32
        %mul3A_1363 = vector.broadcast %mul3A_1362 : i32 to vector<16xi32>
        %mul3A_1364 = arith.muli %add3A_333, %mul3A_1363 : vector<16xi32>
        %add3A_1365 = arith.constant 85 : i32
        %add3A_1366 = vector.broadcast %add3A_1365 : i32 to vector<16xi32>
        %add3A_1367 = arith.addi %mul3A_1364, %add3A_1366 : vector<16xi32>
        tpu.vector_store_idx %arg6[%add3A_1367], %get3A_1361 masked %lt3A_336 : memref<25600xi32, #tpu.memory_space<vmem>>[vector<16xi32>], vector<16xi32>, vector<16xi1>
        %mul3A_1368 = arith.constant 16 : i32
        %mul3A_1369 = arith.muli %scan3A_329, %mul3A_1368 : i32
        %get3A_1370 = arith.constant 86 : i32
        %get3A_1371 = arith.index_cast %get3A_1370 : i32 to index
        %get3A_1372 = arith.index_cast %mul3A_1369 : i32 to index
        %get3A_1373 = tpu.vector_load %arg5[%get3A_1371, %get3A_1372] {strides = array<i32>} : memref<128x208xi32, #tpu.memory_space<vmem>>, vector<16xi32>,
        %mul3A_1374 = arith.constant 128 : i32
        %mul3A_1375 = vector.broadcast %mul3A_1374 : i32 to vector<16xi32>
        %mul3A_1376 = arith.muli %add3A_333, %mul3A_1375 : vector<16xi32>
        %add3A_1377 = arith.constant 86 : i32
        %add3A_1378 = vector.broadcast %add3A_1377 : i32 to vector<16xi32>
        %add3A_1379 = arith.addi %mul3A_1376, %add3A_1378 : vector<16xi32>
        tpu.vector_store_idx %arg6[%add3A_1379], %get3A_1373 masked %lt3A_336 : memref<25600xi32, #tpu.memory_space<vmem>>[vector<16xi32>], vector<16xi32>, vector<16xi1>
        %mul3A_1380 = arith.constant 16 : i32
        %mul3A_1381 = arith.muli %scan3A_329, %mul3A_1380 : i32
        %get3A_1382 = arith.constant 87 : i32
        %get3A_1383 = arith.index_cast %get3A_1382 : i32 to index
        %get3A_1384 = arith.index_cast %mul3A_1381 : i32 to index
        %get3A_1385 = tpu.vector_load %arg5[%get3A_1383, %get3A_1384] {strides = array<i32>} : memref<128x208xi32, #tpu.memory_space<vmem>>, vector<16xi32>,
        %mul3A_1386 = arith.constant 128 : i32
        %mul3A_1387 = vector.broadcast %mul3A_1386 : i32 to vector<16xi32>
        %mul3A_1388 = arith.muli %add3A_333, %mul3A_1387 : vector<16xi32>
        %add3A_1389 = arith.constant 87 : i32
        %add3A_1390 = vector.broadcast %add3A_1389 : i32 to vector<16xi32>
        %add3A_1391 = arith.addi %mul3A_1388, %add3A_1390 : vector<16xi32>
        tpu.vector_store_idx %arg6[%add3A_1391], %get3A_1385 masked %lt3A_336 : memref<25600xi32, #tpu.memory_space<vmem>>[vector<16xi32>], vector<16xi32>, vector<16xi1>
        %mul3A_1392 = arith.constant 16 : i32
        %mul3A_1393 = arith.muli %scan3A_329, %mul3A_1392 : i32
        %get3A_1394 = arith.constant 88 : i32
        %get3A_1395 = arith.index_cast %get3A_1394 : i32 to index
        %get3A_1396 = arith.index_cast %mul3A_1393 : i32 to index
        %get3A_1397 = tpu.vector_load %arg5[%get3A_1395, %get3A_1396] {strides = array<i32>} : memref<128x208xi32, #tpu.memory_space<vmem>>, vector<16xi32>,
        %mul3A_1398 = arith.constant 128 : i32
        %mul3A_1399 = vector.broadcast %mul3A_1398 : i32 to vector<16xi32>
        %mul3A_1400 = arith.muli %add3A_333, %mul3A_1399 : vector<16xi32>
        %add3A_1401 = arith.constant 88 : i32
        %add3A_1402 = vector.broadcast %add3A_1401 : i32 to vector<16xi32>
        %add3A_1403 = arith.addi %mul3A_1400, %add3A_1402 : vector<16xi32>
        tpu.vector_store_idx %arg6[%add3A_1403], %get3A_1397 masked %lt3A_336 : memref<25600xi32, #tpu.memory_space<vmem>>[vector<16xi32>], vector<16xi32>, vector<16xi1>
        %mul3A_1404 = arith.constant 16 : i32
        %mul3A_1405 = arith.muli %scan3A_329, %mul3A_1404 : i32
        %get3A_1406 = arith.constant 89 : i32
        %get3A_1407 = arith.index_cast %get3A_1406 : i32 to index
        %get3A_1408 = arith.index_cast %mul3A_1405 : i32 to index
        %get3A_1409 = tpu.vector_load %arg5[%get3A_1407, %get3A_1408] {strides = array<i32>} : memref<128x208xi32, #tpu.memory_space<vmem>>, vector<16xi32>,
        %mul3A_1410 = arith.constant 128 : i32
        %mul3A_1411 = vector.broadcast %mul3A_1410 : i32 to vector<16xi32>
        %mul3A_1412 = arith.muli %add3A_333, %mul3A_1411 : vector<16xi32>
        %add3A_1413 = arith.constant 89 : i32
        %add3A_1414 = vector.broadcast %add3A_1413 : i32 to vector<16xi32>
        %add3A_1415 = arith.addi %mul3A_1412, %add3A_1414 : vector<16xi32>
        tpu.vector_store_idx %arg6[%add3A_1415], %get3A_1409 masked %lt3A_336 : memref<25600xi32, #tpu.memory_space<vmem>>[vector<16xi32>], vector<16xi32>, vector<16xi1>
        %mul3A_1416 = arith.constant 16 : i32
        %mul3A_1417 = arith.muli %scan3A_329, %mul3A_1416 : i32
        %get3A_1418 = arith.constant 90 : i32
        %get3A_1419 = arith.index_cast %get3A_1418 : i32 to index
        %get3A_1420 = arith.index_cast %mul3A_1417 : i32 to index
        %get3A_1421 = tpu.vector_load %arg5[%get3A_1419, %get3A_1420] {strides = array<i32>} : memref<128x208xi32, #tpu.memory_space<vmem>>, vector<16xi32>,
        %mul3A_1422 = arith.constant 128 : i32
        %mul3A_1423 = vector.broadcast %mul3A_1422 : i32 to vector<16xi32>
        %mul3A_1424 = arith.muli %add3A_333, %mul3A_1423 : vector<16xi32>
        %add3A_1425 = arith.constant 90 : i32
        %add3A_1426 = vector.broadcast %add3A_1425 : i32 to vector<16xi32>
        %add3A_1427 = arith.addi %mul3A_1424, %add3A_1426 : vector<16xi32>
        tpu.vector_store_idx %arg6[%add3A_1427], %get3A_1421 masked %lt3A_336 : memref<25600xi32, #tpu.memory_space<vmem>>[vector<16xi32>], vector<16xi32>, vector<16xi1>
        %mul3A_1428 = arith.constant 16 : i32
        %mul3A_1429 = arith.muli %scan3A_329, %mul3A_1428 : i32
        %get3A_1430 = arith.constant 91 : i32
        %get3A_1431 = arith.index_cast %get3A_1430 : i32 to index
        %get3A_1432 = arith.index_cast %mul3A_1429 : i32 to index
        %get3A_1433 = tpu.vector_load %arg5[%get3A_1431, %get3A_1432] {strides = array<i32>} : memref<128x208xi32, #tpu.memory_space<vmem>>, vector<16xi32>,
        %mul3A_1434 = arith.constant 128 : i32
        %mul3A_1435 = vector.broadcast %mul3A_1434 : i32 to vector<16xi32>
        %mul3A_1436 = arith.muli %add3A_333, %mul3A_1435 : vector<16xi32>
        %add3A_1437 = arith.constant 91 : i32
        %add3A_1438 = vector.broadcast %add3A_1437 : i32 to vector<16xi32>
        %add3A_1439 = arith.addi %mul3A_1436, %add3A_1438 : vector<16xi32>
        tpu.vector_store_idx %arg6[%add3A_1439], %get3A_1433 masked %lt3A_336 : memref<25600xi32, #tpu.memory_space<vmem>>[vector<16xi32>], vector<16xi32>, vector<16xi1>
        %mul3A_1440 = arith.constant 16 : i32
        %mul3A_1441 = arith.muli %scan3A_329, %mul3A_1440 : i32
        %get3A_1442 = arith.constant 92 : i32
        %get3A_1443 = arith.index_cast %get3A_1442 : i32 to index
        %get3A_1444 = arith.index_cast %mul3A_1441 : i32 to index
        %get3A_1445 = tpu.vector_load %arg5[%get3A_1443, %get3A_1444] {strides = array<i32>} : memref<128x208xi32, #tpu.memory_space<vmem>>, vector<16xi32>,
        %mul3A_1446 = arith.constant 128 : i32
        %mul3A_1447 = vector.broadcast %mul3A_1446 : i32 to vector<16xi32>
        %mul3A_1448 = arith.muli %add3A_333, %mul3A_1447 : vector<16xi32>
        %add3A_1449 = arith.constant 92 : i32
        %add3A_1450 = vector.broadcast %add3A_1449 : i32 to vector<16xi32>
        %add3A_1451 = arith.addi %mul3A_1448, %add3A_1450 : vector<16xi32>
        tpu.vector_store_idx %arg6[%add3A_1451], %get3A_1445 masked %lt3A_336 : memref<25600xi32, #tpu.memory_space<vmem>>[vector<16xi32>], vector<16xi32>, vector<16xi1>
        %mul3A_1452 = arith.constant 16 : i32
        %mul3A_1453 = arith.muli %scan3A_329, %mul3A_1452 : i32
        %get3A_1454 = arith.constant 93 : i32
        %get3A_1455 = arith.index_cast %get3A_1454 : i32 to index
        %get3A_1456 = arith.index_cast %mul3A_1453 : i32 to index
        %get3A_1457 = tpu.vector_load %arg5[%get3A_1455, %get3A_1456] {strides = array<i32>} : memref<128x208xi32, #tpu.memory_space<vmem>>, vector<16xi32>,
        %mul3A_1458 = arith.constant 128 : i32
        %mul3A_1459 = vector.broadcast %mul3A_1458 : i32 to vector<16xi32>
        %mul3A_1460 = arith.muli %add3A_333, %mul3A_1459 : vector<16xi32>
        %add3A_1461 = arith.constant 93 : i32
        %add3A_1462 = vector.broadcast %add3A_1461 : i32 to vector<16xi32>
        %add3A_1463 = arith.addi %mul3A_1460, %add3A_1462 : vector<16xi32>
        tpu.vector_store_idx %arg6[%add3A_1463], %get3A_1457 masked %lt3A_336 : memref<25600xi32, #tpu.memory_space<vmem>>[vector<16xi32>], vector<16xi32>, vector<16xi1>
        %mul3A_1464 = arith.constant 16 : i32
        %mul3A_1465 = arith.muli %scan3A_329, %mul3A_1464 : i32
        %get3A_1466 = arith.constant 94 : i32
        %get3A_1467 = arith.index_cast %get3A_1466 : i32 to index
        %get3A_1468 = arith.index_cast %mul3A_1465 : i32 to index
        %get3A_1469 = tpu.vector_load %arg5[%get3A_1467, %get3A_1468] {strides = array<i32>} : memref<128x208xi32, #tpu.memory_space<vmem>>, vector<16xi32>,
        %mul3A_1470 = arith.constant 128 : i32
        %mul3A_1471 = vector.broadcast %mul3A_1470 : i32 to vector<16xi32>
        %mul3A_1472 = arith.muli %add3A_333, %mul3A_1471 : vector<16xi32>
        %add3A_1473 = arith.constant 94 : i32
        %add3A_1474 = vector.broadcast %add3A_1473 : i32 to vector<16xi32>
        %add3A_1475 = arith.addi %mul3A_1472, %add3A_1474 : vector<16xi32>
        tpu.vector_store_idx %arg6[%add3A_1475], %get3A_1469 masked %lt3A_336 : memref<25600xi32, #tpu.memory_space<vmem>>[vector<16xi32>], vector<16xi32>, vector<16xi1>
        %mul3A_1476 = arith.constant 16 : i32
        %mul3A_1477 = arith.muli %scan3A_329, %mul3A_1476 : i32
        %get3A_1478 = arith.constant 95 : i32
        %get3A_1479 = arith.index_cast %get3A_1478 : i32 to index
        %get3A_1480 = arith.index_cast %mul3A_1477 : i32 to index
        %get3A_1481 = tpu.vector_load %arg5[%get3A_1479, %get3A_1480] {strides = array<i32>} : memref<128x208xi32, #tpu.memory_space<vmem>>, vector<16xi32>,
        %mul3A_1482 = arith.constant 128 : i32
        %mul3A_1483 = vector.broadcast %mul3A_1482 : i32 to vector<16xi32>
        %mul3A_1484 = arith.muli %add3A_333, %mul3A_1483 : vector<16xi32>
        %add3A_1485 = arith.constant 95 : i32
        %add3A_1486 = vector.broadcast %add3A_1485 : i32 to vector<16xi32>
        %add3A_1487 = arith.addi %mul3A_1484, %add3A_1486 : vector<16xi32>
        tpu.vector_store_idx %arg6[%add3A_1487], %get3A_1481 masked %lt3A_336 : memref<25600xi32, #tpu.memory_space<vmem>>[vector<16xi32>], vector<16xi32>, vector<16xi1>
        %mul3A_1488 = arith.constant 16 : i32
        %mul3A_1489 = arith.muli %scan3A_329, %mul3A_1488 : i32
        %get3A_1490 = arith.constant 96 : i32
        %get3A_1491 = arith.index_cast %get3A_1490 : i32 to index
        %get3A_1492 = arith.index_cast %mul3A_1489 : i32 to index
        %get3A_1493 = tpu.vector_load %arg5[%get3A_1491, %get3A_1492] {strides = array<i32>} : memref<128x208xi32, #tpu.memory_space<vmem>>, vector<16xi32>,
        %mul3A_1494 = arith.constant 128 : i32
        %mul3A_1495 = vector.broadcast %mul3A_1494 : i32 to vector<16xi32>
        %mul3A_1496 = arith.muli %add3A_333, %mul3A_1495 : vector<16xi32>
        %add3A_1497 = arith.constant 96 : i32
        %add3A_1498 = vector.broadcast %add3A_1497 : i32 to vector<16xi32>
        %add3A_1499 = arith.addi %mul3A_1496, %add3A_1498 : vector<16xi32>
        tpu.vector_store_idx %arg6[%add3A_1499], %get3A_1493 masked %lt3A_336 : memref<25600xi32, #tpu.memory_space<vmem>>[vector<16xi32>], vector<16xi32>, vector<16xi1>
        %mul3A_1500 = arith.constant 16 : i32
        %mul3A_1501 = arith.muli %scan3A_329, %mul3A_1500 : i32
        %get3A_1502 = arith.constant 97 : i32
        %get3A_1503 = arith.index_cast %get3A_1502 : i32 to index
        %get3A_1504 = arith.index_cast %mul3A_1501 : i32 to index
        %get3A_1505 = tpu.vector_load %arg5[%get3A_1503, %get3A_1504] {strides = array<i32>} : memref<128x208xi32, #tpu.memory_space<vmem>>, vector<16xi32>,
        %mul3A_1506 = arith.constant 128 : i32
        %mul3A_1507 = vector.broadcast %mul3A_1506 : i32 to vector<16xi32>
        %mul3A_1508 = arith.muli %add3A_333, %mul3A_1507 : vector<16xi32>
        %add3A_1509 = arith.constant 97 : i32
        %add3A_1510 = vector.broadcast %add3A_1509 : i32 to vector<16xi32>
        %add3A_1511 = arith.addi %mul3A_1508, %add3A_1510 : vector<16xi32>
        tpu.vector_store_idx %arg6[%add3A_1511], %get3A_1505 masked %lt3A_336 : memref<25600xi32, #tpu.memory_space<vmem>>[vector<16xi32>], vector<16xi32>, vector<16xi1>
        %mul3A_1512 = arith.constant 16 : i32
        %mul3A_1513 = arith.muli %scan3A_329, %mul3A_1512 : i32
        %get3A_1514 = arith.constant 98 : i32
        %get3A_1515 = arith.index_cast %get3A_1514 : i32 to index
        %get3A_1516 = arith.index_cast %mul3A_1513 : i32 to index
        %get3A_1517 = tpu.vector_load %arg5[%get3A_1515, %get3A_1516] {strides = array<i32>} : memref<128x208xi32, #tpu.memory_space<vmem>>, vector<16xi32>,
        %mul3A_1518 = arith.constant 128 : i32
        %mul3A_1519 = vector.broadcast %mul3A_1518 : i32 to vector<16xi32>
        %mul3A_1520 = arith.muli %add3A_333, %mul3A_1519 : vector<16xi32>
        %add3A_1521 = arith.constant 98 : i32
        %add3A_1522 = vector.broadcast %add3A_1521 : i32 to vector<16xi32>
        %add3A_1523 = arith.addi %mul3A_1520, %add3A_1522 : vector<16xi32>
        tpu.vector_store_idx %arg6[%add3A_1523], %get3A_1517 masked %lt3A_336 : memref<25600xi32, #tpu.memory_space<vmem>>[vector<16xi32>], vector<16xi32>, vector<16xi1>
        %mul3A_1524 = arith.constant 16 : i32
        %mul3A_1525 = arith.muli %scan3A_329, %mul3A_1524 : i32
        %get3A_1526 = arith.constant 99 : i32
        %get3A_1527 = arith.index_cast %get3A_1526 : i32 to index
        %get3A_1528 = arith.index_cast %mul3A_1525 : i32 to index
        %get3A_1529 = tpu.vector_load %arg5[%get3A_1527, %get3A_1528] {strides = array<i32>} : memref<128x208xi32, #tpu.memory_space<vmem>>, vector<16xi32>,
        %mul3A_1530 = arith.constant 128 : i32
        %mul3A_1531 = vector.broadcast %mul3A_1530 : i32 to vector<16xi32>
        %mul3A_1532 = arith.muli %add3A_333, %mul3A_1531 : vector<16xi32>
        %add3A_1533 = arith.constant 99 : i32
        %add3A_1534 = vector.broadcast %add3A_1533 : i32 to vector<16xi32>
        %add3A_1535 = arith.addi %mul3A_1532, %add3A_1534 : vector<16xi32>
        tpu.vector_store_idx %arg6[%add3A_1535], %get3A_1529 masked %lt3A_336 : memref<25600xi32, #tpu.memory_space<vmem>>[vector<16xi32>], vector<16xi32>, vector<16xi1>
        %mul3A_1536 = arith.constant 16 : i32
        %mul3A_1537 = arith.muli %scan3A_329, %mul3A_1536 : i32
        %get3A_1538 = arith.constant 100 : i32
        %get3A_1539 = arith.index_cast %get3A_1538 : i32 to index
        %get3A_1540 = arith.index_cast %mul3A_1537 : i32 to index
        %get3A_1541 = tpu.vector_load %arg5[%get3A_1539, %get3A_1540] {strides = array<i32>} : memref<128x208xi32, #tpu.memory_space<vmem>>, vector<16xi32>,
        %mul3A_1542 = arith.constant 128 : i32
        %mul3A_1543 = vector.broadcast %mul3A_1542 : i32 to vector<16xi32>
        %mul3A_1544 = arith.muli %add3A_333, %mul3A_1543 : vector<16xi32>
        %add3A_1545 = arith.constant 100 : i32
        %add3A_1546 = vector.broadcast %add3A_1545 : i32 to vector<16xi32>
        %add3A_1547 = arith.addi %mul3A_1544, %add3A_1546 : vector<16xi32>
        tpu.vector_store_idx %arg6[%add3A_1547], %get3A_1541 masked %lt3A_336 : memref<25600xi32, #tpu.memory_space<vmem>>[vector<16xi32>], vector<16xi32>, vector<16xi1>
        %mul3A_1548 = arith.constant 16 : i32
        %mul3A_1549 = arith.muli %scan3A_329, %mul3A_1548 : i32
        %get3A_1550 = arith.constant 101 : i32
        %get3A_1551 = arith.index_cast %get3A_1550 : i32 to index
        %get3A_1552 = arith.index_cast %mul3A_1549 : i32 to index
        %get3A_1553 = tpu.vector_load %arg5[%get3A_1551, %get3A_1552] {strides = array<i32>} : memref<128x208xi32, #tpu.memory_space<vmem>>, vector<16xi32>,
        %mul3A_1554 = arith.constant 128 : i32
        %mul3A_1555 = vector.broadcast %mul3A_1554 : i32 to vector<16xi32>
        %mul3A_1556 = arith.muli %add3A_333, %mul3A_1555 : vector<16xi32>
        %add3A_1557 = arith.constant 101 : i32
        %add3A_1558 = vector.broadcast %add3A_1557 : i32 to vector<16xi32>
        %add3A_1559 = arith.addi %mul3A_1556, %add3A_1558 : vector<16xi32>
        tpu.vector_store_idx %arg6[%add3A_1559], %get3A_1553 masked %lt3A_336 : memref<25600xi32, #tpu.memory_space<vmem>>[vector<16xi32>], vector<16xi32>, vector<16xi1>
        %mul3A_1560 = arith.constant 16 : i32
        %mul3A_1561 = arith.muli %scan3A_329, %mul3A_1560 : i32
        %get3A_1562 = arith.constant 102 : i32
        %get3A_1563 = arith.index_cast %get3A_1562 : i32 to index
        %get3A_1564 = arith.index_cast %mul3A_1561 : i32 to index
        %get3A_1565 = tpu.vector_load %arg5[%get3A_1563, %get3A_1564] {strides = array<i32>} : memref<128x208xi32, #tpu.memory_space<vmem>>, vector<16xi32>,
        %mul3A_1566 = arith.constant 128 : i32
        %mul3A_1567 = vector.broadcast %mul3A_1566 : i32 to vector<16xi32>
        %mul3A_1568 = arith.muli %add3A_333, %mul3A_1567 : vector<16xi32>
        %add3A_1569 = arith.constant 102 : i32
        %add3A_1570 = vector.broadcast %add3A_1569 : i32 to vector<16xi32>
        %add3A_1571 = arith.addi %mul3A_1568, %add3A_1570 : vector<16xi32>
        tpu.vector_store_idx %arg6[%add3A_1571], %get3A_1565 masked %lt3A_336 : memref<25600xi32, #tpu.memory_space<vmem>>[vector<16xi32>], vector<16xi32>, vector<16xi1>
        %mul3A_1572 = arith.constant 16 : i32
        %mul3A_1573 = arith.muli %scan3A_329, %mul3A_1572 : i32
        %get3A_1574 = arith.constant 103 : i32
        %get3A_1575 = arith.index_cast %get3A_1574 : i32 to index
        %get3A_1576 = arith.index_cast %mul3A_1573 : i32 to index
        %get3A_1577 = tpu.vector_load %arg5[%get3A_1575, %get3A_1576] {strides = array<i32>} : memref<128x208xi32, #tpu.memory_space<vmem>>, vector<16xi32>,
        %mul3A_1578 = arith.constant 128 : i32
        %mul3A_1579 = vector.broadcast %mul3A_1578 : i32 to vector<16xi32>
        %mul3A_1580 = arith.muli %add3A_333, %mul3A_1579 : vector<16xi32>
        %add3A_1581 = arith.constant 103 : i32
        %add3A_1582 = vector.broadcast %add3A_1581 : i32 to vector<16xi32>
        %add3A_1583 = arith.addi %mul3A_1580, %add3A_1582 : vector<16xi32>
        tpu.vector_store_idx %arg6[%add3A_1583], %get3A_1577 masked %lt3A_336 : memref<25600xi32, #tpu.memory_space<vmem>>[vector<16xi32>], vector<16xi32>, vector<16xi1>
        %mul3A_1584 = arith.constant 16 : i32
        %mul3A_1585 = arith.muli %scan3A_329, %mul3A_1584 : i32
        %get3A_1586 = arith.constant 104 : i32
        %get3A_1587 = arith.index_cast %get3A_1586 : i32 to index
        %get3A_1588 = arith.index_cast %mul3A_1585 : i32 to index
        %get3A_1589 = tpu.vector_load %arg5[%get3A_1587, %get3A_1588] {strides = array<i32>} : memref<128x208xi32, #tpu.memory_space<vmem>>, vector<16xi32>,
        %mul3A_1590 = arith.constant 128 : i32
        %mul3A_1591 = vector.broadcast %mul3A_1590 : i32 to vector<16xi32>
        %mul3A_1592 = arith.muli %add3A_333, %mul3A_1591 : vector<16xi32>
        %add3A_1593 = arith.constant 104 : i32
        %add3A_1594 = vector.broadcast %add3A_1593 : i32 to vector<16xi32>
        %add3A_1595 = arith.addi %mul3A_1592, %add3A_1594 : vector<16xi32>
        tpu.vector_store_idx %arg6[%add3A_1595], %get3A_1589 masked %lt3A_336 : memref<25600xi32, #tpu.memory_space<vmem>>[vector<16xi32>], vector<16xi32>, vector<16xi1>
        %mul3A_1596 = arith.constant 16 : i32
        %mul3A_1597 = arith.muli %scan3A_329, %mul3A_1596 : i32
        %get3A_1598 = arith.constant 105 : i32
        %get3A_1599 = arith.index_cast %get3A_1598 : i32 to index
        %get3A_1600 = arith.index_cast %mul3A_1597 : i32 to index
        %get3A_1601 = tpu.vector_load %arg5[%get3A_1599, %get3A_1600] {strides = array<i32>} : memref<128x208xi32, #tpu.memory_space<vmem>>, vector<16xi32>,
        %mul3A_1602 = arith.constant 128 : i32
        %mul3A_1603 = vector.broadcast %mul3A_1602 : i32 to vector<16xi32>
        %mul3A_1604 = arith.muli %add3A_333, %mul3A_1603 : vector<16xi32>
        %add3A_1605 = arith.constant 105 : i32
        %add3A_1606 = vector.broadcast %add3A_1605 : i32 to vector<16xi32>
        %add3A_1607 = arith.addi %mul3A_1604, %add3A_1606 : vector<16xi32>
        tpu.vector_store_idx %arg6[%add3A_1607], %get3A_1601 masked %lt3A_336 : memref<25600xi32, #tpu.memory_space<vmem>>[vector<16xi32>], vector<16xi32>, vector<16xi1>
        %mul3A_1608 = arith.constant 16 : i32
        %mul3A_1609 = arith.muli %scan3A_329, %mul3A_1608 : i32
        %get3A_1610 = arith.constant 106 : i32
        %get3A_1611 = arith.index_cast %get3A_1610 : i32 to index
        %get3A_1612 = arith.index_cast %mul3A_1609 : i32 to index
        %get3A_1613 = tpu.vector_load %arg5[%get3A_1611, %get3A_1612] {strides = array<i32>} : memref<128x208xi32, #tpu.memory_space<vmem>>, vector<16xi32>,
        %mul3A_1614 = arith.constant 128 : i32
        %mul3A_1615 = vector.broadcast %mul3A_1614 : i32 to vector<16xi32>
        %mul3A_1616 = arith.muli %add3A_333, %mul3A_1615 : vector<16xi32>
        %add3A_1617 = arith.constant 106 : i32
        %add3A_1618 = vector.broadcast %add3A_1617 : i32 to vector<16xi32>
        %add3A_1619 = arith.addi %mul3A_1616, %add3A_1618 : vector<16xi32>
        tpu.vector_store_idx %arg6[%add3A_1619], %get3A_1613 masked %lt3A_336 : memref<25600xi32, #tpu.memory_space<vmem>>[vector<16xi32>], vector<16xi32>, vector<16xi1>
        %mul3A_1620 = arith.constant 16 : i32
        %mul3A_1621 = arith.muli %scan3A_329, %mul3A_1620 : i32
        %get3A_1622 = arith.constant 107 : i32
        %get3A_1623 = arith.index_cast %get3A_1622 : i32 to index
        %get3A_1624 = arith.index_cast %mul3A_1621 : i32 to index
        %get3A_1625 = tpu.vector_load %arg5[%get3A_1623, %get3A_1624] {strides = array<i32>} : memref<128x208xi32, #tpu.memory_space<vmem>>, vector<16xi32>,
        %mul3A_1626 = arith.constant 128 : i32
        %mul3A_1627 = vector.broadcast %mul3A_1626 : i32 to vector<16xi32>
        %mul3A_1628 = arith.muli %add3A_333, %mul3A_1627 : vector<16xi32>
        %add3A_1629 = arith.constant 107 : i32
        %add3A_1630 = vector.broadcast %add3A_1629 : i32 to vector<16xi32>
        %add3A_1631 = arith.addi %mul3A_1628, %add3A_1630 : vector<16xi32>
        tpu.vector_store_idx %arg6[%add3A_1631], %get3A_1625 masked %lt3A_336 : memref<25600xi32, #tpu.memory_space<vmem>>[vector<16xi32>], vector<16xi32>, vector<16xi1>
        %mul3A_1632 = arith.constant 16 : i32
        %mul3A_1633 = arith.muli %scan3A_329, %mul3A_1632 : i32
        %get3A_1634 = arith.constant 108 : i32
        %get3A_1635 = arith.index_cast %get3A_1634 : i32 to index
        %get3A_1636 = arith.index_cast %mul3A_1633 : i32 to index
        %get3A_1637 = tpu.vector_load %arg5[%get3A_1635, %get3A_1636] {strides = array<i32>} : memref<128x208xi32, #tpu.memory_space<vmem>>, vector<16xi32>,
        %mul3A_1638 = arith.constant 128 : i32
        %mul3A_1639 = vector.broadcast %mul3A_1638 : i32 to vector<16xi32>
        %mul3A_1640 = arith.muli %add3A_333, %mul3A_1639 : vector<16xi32>
        %add3A_1641 = arith.constant 108 : i32
        %add3A_1642 = vector.broadcast %add3A_1641 : i32 to vector<16xi32>
        %add3A_1643 = arith.addi %mul3A_1640, %add3A_1642 : vector<16xi32>
        tpu.vector_store_idx %arg6[%add3A_1643], %get3A_1637 masked %lt3A_336 : memref<25600xi32, #tpu.memory_space<vmem>>[vector<16xi32>], vector<16xi32>, vector<16xi1>
        %mul3A_1644 = arith.constant 16 : i32
        %mul3A_1645 = arith.muli %scan3A_329, %mul3A_1644 : i32
        %get3A_1646 = arith.constant 109 : i32
        %get3A_1647 = arith.index_cast %get3A_1646 : i32 to index
        %get3A_1648 = arith.index_cast %mul3A_1645 : i32 to index
        %get3A_1649 = tpu.vector_load %arg5[%get3A_1647, %get3A_1648] {strides = array<i32>} : memref<128x208xi32, #tpu.memory_space<vmem>>, vector<16xi32>,
        %mul3A_1650 = arith.constant 128 : i32
        %mul3A_1651 = vector.broadcast %mul3A_1650 : i32 to vector<16xi32>
        %mul3A_1652 = arith.muli %add3A_333, %mul3A_1651 : vector<16xi32>
        %add3A_1653 = arith.constant 109 : i32
        %add3A_1654 = vector.broadcast %add3A_1653 : i32 to vector<16xi32>
        %add3A_1655 = arith.addi %mul3A_1652, %add3A_1654 : vector<16xi32>
        tpu.vector_store_idx %arg6[%add3A_1655], %get3A_1649 masked %lt3A_336 : memref<25600xi32, #tpu.memory_space<vmem>>[vector<16xi32>], vector<16xi32>, vector<16xi1>
        %mul3A_1656 = arith.constant 16 : i32
        %mul3A_1657 = arith.muli %scan3A_329, %mul3A_1656 : i32
        %get3A_1658 = arith.constant 110 : i32
        %get3A_1659 = arith.index_cast %get3A_1658 : i32 to index
        %get3A_1660 = arith.index_cast %mul3A_1657 : i32 to index
        %get3A_1661 = tpu.vector_load %arg5[%get3A_1659, %get3A_1660] {strides = array<i32>} : memref<128x208xi32, #tpu.memory_space<vmem>>, vector<16xi32>,
        %mul3A_1662 = arith.constant 128 : i32
        %mul3A_1663 = vector.broadcast %mul3A_1662 : i32 to vector<16xi32>
        %mul3A_1664 = arith.muli %add3A_333, %mul3A_1663 : vector<16xi32>
        %add3A_1665 = arith.constant 110 : i32
        %add3A_1666 = vector.broadcast %add3A_1665 : i32 to vector<16xi32>
        %add3A_1667 = arith.addi %mul3A_1664, %add3A_1666 : vector<16xi32>
        tpu.vector_store_idx %arg6[%add3A_1667], %get3A_1661 masked %lt3A_336 : memref<25600xi32, #tpu.memory_space<vmem>>[vector<16xi32>], vector<16xi32>, vector<16xi1>
        %mul3A_1668 = arith.constant 16 : i32
        %mul3A_1669 = arith.muli %scan3A_329, %mul3A_1668 : i32
        %get3A_1670 = arith.constant 111 : i32
        %get3A_1671 = arith.index_cast %get3A_1670 : i32 to index
        %get3A_1672 = arith.index_cast %mul3A_1669 : i32 to index
        %get3A_1673 = tpu.vector_load %arg5[%get3A_1671, %get3A_1672] {strides = array<i32>} : memref<128x208xi32, #tpu.memory_space<vmem>>, vector<16xi32>,
        %mul3A_1674 = arith.constant 128 : i32
        %mul3A_1675 = vector.broadcast %mul3A_1674 : i32 to vector<16xi32>
        %mul3A_1676 = arith.muli %add3A_333, %mul3A_1675 : vector<16xi32>
        %add3A_1677 = arith.constant 111 : i32
        %add3A_1678 = vector.broadcast %add3A_1677 : i32 to vector<16xi32>
        %add3A_1679 = arith.addi %mul3A_1676, %add3A_1678 : vector<16xi32>
        tpu.vector_store_idx %arg6[%add3A_1679], %get3A_1673 masked %lt3A_336 : memref<25600xi32, #tpu.memory_space<vmem>>[vector<16xi32>], vector<16xi32>, vector<16xi1>
        %mul3A_1680 = arith.constant 16 : i32
        %mul3A_1681 = arith.muli %scan3A_329, %mul3A_1680 : i32
        %get3A_1682 = arith.constant 112 : i32
        %get3A_1683 = arith.index_cast %get3A_1682 : i32 to index
        %get3A_1684 = arith.index_cast %mul3A_1681 : i32 to index
        %get3A_1685 = tpu.vector_load %arg5[%get3A_1683, %get3A_1684] {strides = array<i32>} : memref<128x208xi32, #tpu.memory_space<vmem>>, vector<16xi32>,
        %mul3A_1686 = arith.constant 128 : i32
        %mul3A_1687 = vector.broadcast %mul3A_1686 : i32 to vector<16xi32>
        %mul3A_1688 = arith.muli %add3A_333, %mul3A_1687 : vector<16xi32>
        %add3A_1689 = arith.constant 112 : i32
        %add3A_1690 = vector.broadcast %add3A_1689 : i32 to vector<16xi32>
        %add3A_1691 = arith.addi %mul3A_1688, %add3A_1690 : vector<16xi32>
        tpu.vector_store_idx %arg6[%add3A_1691], %get3A_1685 masked %lt3A_336 : memref<25600xi32, #tpu.memory_space<vmem>>[vector<16xi32>], vector<16xi32>, vector<16xi1>
        %mul3A_1692 = arith.constant 16 : i32
        %mul3A_1693 = arith.muli %scan3A_329, %mul3A_1692 : i32
        %get3A_1694 = arith.constant 113 : i32
        %get3A_1695 = arith.index_cast %get3A_1694 : i32 to index
        %get3A_1696 = arith.index_cast %mul3A_1693 : i32 to index
        %get3A_1697 = tpu.vector_load %arg5[%get3A_1695, %get3A_1696] {strides = array<i32>} : memref<128x208xi32, #tpu.memory_space<vmem>>, vector<16xi32>,
        %mul3A_1698 = arith.constant 128 : i32
        %mul3A_1699 = vector.broadcast %mul3A_1698 : i32 to vector<16xi32>
        %mul3A_1700 = arith.muli %add3A_333, %mul3A_1699 : vector<16xi32>
        %add3A_1701 = arith.constant 113 : i32
        %add3A_1702 = vector.broadcast %add3A_1701 : i32 to vector<16xi32>
        %add3A_1703 = arith.addi %mul3A_1700, %add3A_1702 : vector<16xi32>
        tpu.vector_store_idx %arg6[%add3A_1703], %get3A_1697 masked %lt3A_336 : memref<25600xi32, #tpu.memory_space<vmem>>[vector<16xi32>], vector<16xi32>, vector<16xi1>
        %mul3A_1704 = arith.constant 16 : i32
        %mul3A_1705 = arith.muli %scan3A_329, %mul3A_1704 : i32
        %get3A_1706 = arith.constant 114 : i32
        %get3A_1707 = arith.index_cast %get3A_1706 : i32 to index
        %get3A_1708 = arith.index_cast %mul3A_1705 : i32 to index
        %get3A_1709 = tpu.vector_load %arg5[%get3A_1707, %get3A_1708] {strides = array<i32>} : memref<128x208xi32, #tpu.memory_space<vmem>>, vector<16xi32>,
        %mul3A_1710 = arith.constant 128 : i32
        %mul3A_1711 = vector.broadcast %mul3A_1710 : i32 to vector<16xi32>
        %mul3A_1712 = arith.muli %add3A_333, %mul3A_1711 : vector<16xi32>
        %add3A_1713 = arith.constant 114 : i32
        %add3A_1714 = vector.broadcast %add3A_1713 : i32 to vector<16xi32>
        %add3A_1715 = arith.addi %mul3A_1712, %add3A_1714 : vector<16xi32>
        tpu.vector_store_idx %arg6[%add3A_1715], %get3A_1709 masked %lt3A_336 : memref<25600xi32, #tpu.memory_space<vmem>>[vector<16xi32>], vector<16xi32>, vector<16xi1>
        %mul3A_1716 = arith.constant 16 : i32
        %mul3A_1717 = arith.muli %scan3A_329, %mul3A_1716 : i32
        %get3A_1718 = arith.constant 115 : i32
        %get3A_1719 = arith.index_cast %get3A_1718 : i32 to index
        %get3A_1720 = arith.index_cast %mul3A_1717 : i32 to index
        %get3A_1721 = tpu.vector_load %arg5[%get3A_1719, %get3A_1720] {strides = array<i32>} : memref<128x208xi32, #tpu.memory_space<vmem>>, vector<16xi32>,
        %mul3A_1722 = arith.constant 128 : i32
        %mul3A_1723 = vector.broadcast %mul3A_1722 : i32 to vector<16xi32>
        %mul3A_1724 = arith.muli %add3A_333, %mul3A_1723 : vector<16xi32>
        %add3A_1725 = arith.constant 115 : i32
        %add3A_1726 = vector.broadcast %add3A_1725 : i32 to vector<16xi32>
        %add3A_1727 = arith.addi %mul3A_1724, %add3A_1726 : vector<16xi32>
        tpu.vector_store_idx %arg6[%add3A_1727], %get3A_1721 masked %lt3A_336 : memref<25600xi32, #tpu.memory_space<vmem>>[vector<16xi32>], vector<16xi32>, vector<16xi1>
        %mul3A_1728 = arith.constant 16 : i32
        %mul3A_1729 = arith.muli %scan3A_329, %mul3A_1728 : i32
        %get3A_1730 = arith.constant 116 : i32
        %get3A_1731 = arith.index_cast %get3A_1730 : i32 to index
        %get3A_1732 = arith.index_cast %mul3A_1729 : i32 to index
        %get3A_1733 = tpu.vector_load %arg5[%get3A_1731, %get3A_1732] {strides = array<i32>} : memref<128x208xi32, #tpu.memory_space<vmem>>, vector<16xi32>,
        %mul3A_1734 = arith.constant 128 : i32
        %mul3A_1735 = vector.broadcast %mul3A_1734 : i32 to vector<16xi32>
        %mul3A_1736 = arith.muli %add3A_333, %mul3A_1735 : vector<16xi32>
        %add3A_1737 = arith.constant 116 : i32
        %add3A_1738 = vector.broadcast %add3A_1737 : i32 to vector<16xi32>
        %add3A_1739 = arith.addi %mul3A_1736, %add3A_1738 : vector<16xi32>
        tpu.vector_store_idx %arg6[%add3A_1739], %get3A_1733 masked %lt3A_336 : memref<25600xi32, #tpu.memory_space<vmem>>[vector<16xi32>], vector<16xi32>, vector<16xi1>
        %mul3A_1740 = arith.constant 16 : i32
        %mul3A_1741 = arith.muli %scan3A_329, %mul3A_1740 : i32
        %get3A_1742 = arith.constant 117 : i32
        %get3A_1743 = arith.index_cast %get3A_1742 : i32 to index
        %get3A_1744 = arith.index_cast %mul3A_1741 : i32 to index
        %get3A_1745 = tpu.vector_load %arg5[%get3A_1743, %get3A_1744] {strides = array<i32>} : memref<128x208xi32, #tpu.memory_space<vmem>>, vector<16xi32>,
        %mul3A_1746 = arith.constant 128 : i32
        %mul3A_1747 = vector.broadcast %mul3A_1746 : i32 to vector<16xi32>
        %mul3A_1748 = arith.muli %add3A_333, %mul3A_1747 : vector<16xi32>
        %add3A_1749 = arith.constant 117 : i32
        %add3A_1750 = vector.broadcast %add3A_1749 : i32 to vector<16xi32>
        %add3A_1751 = arith.addi %mul3A_1748, %add3A_1750 : vector<16xi32>
        tpu.vector_store_idx %arg6[%add3A_1751], %get3A_1745 masked %lt3A_336 : memref<25600xi32, #tpu.memory_space<vmem>>[vector<16xi32>], vector<16xi32>, vector<16xi1>
        %mul3A_1752 = arith.constant 16 : i32
        %mul3A_1753 = arith.muli %scan3A_329, %mul3A_1752 : i32
        %get3A_1754 = arith.constant 118 : i32
        %get3A_1755 = arith.index_cast %get3A_1754 : i32 to index
        %get3A_1756 = arith.index_cast %mul3A_1753 : i32 to index
        %get3A_1757 = tpu.vector_load %arg5[%get3A_1755, %get3A_1756] {strides = array<i32>} : memref<128x208xi32, #tpu.memory_space<vmem>>, vector<16xi32>,
        %mul3A_1758 = arith.constant 128 : i32
        %mul3A_1759 = vector.broadcast %mul3A_1758 : i32 to vector<16xi32>
        %mul3A_1760 = arith.muli %add3A_333, %mul3A_1759 : vector<16xi32>
        %add3A_1761 = arith.constant 118 : i32
        %add3A_1762 = vector.broadcast %add3A_1761 : i32 to vector<16xi32>
        %add3A_1763 = arith.addi %mul3A_1760, %add3A_1762 : vector<16xi32>
        tpu.vector_store_idx %arg6[%add3A_1763], %get3A_1757 masked %lt3A_336 : memref<25600xi32, #tpu.memory_space<vmem>>[vector<16xi32>], vector<16xi32>, vector<16xi1>
        %mul3A_1764 = arith.constant 16 : i32
        %mul3A_1765 = arith.muli %scan3A_329, %mul3A_1764 : i32
        %get3A_1766 = arith.constant 119 : i32
        %get3A_1767 = arith.index_cast %get3A_1766 : i32 to index
        %get3A_1768 = arith.index_cast %mul3A_1765 : i32 to index
        %get3A_1769 = tpu.vector_load %arg5[%get3A_1767, %get3A_1768] {strides = array<i32>} : memref<128x208xi32, #tpu.memory_space<vmem>>, vector<16xi32>,
        %mul3A_1770 = arith.constant 128 : i32
        %mul3A_1771 = vector.broadcast %mul3A_1770 : i32 to vector<16xi32>
        %mul3A_1772 = arith.muli %add3A_333, %mul3A_1771 : vector<16xi32>
        %add3A_1773 = arith.constant 119 : i32
        %add3A_1774 = vector.broadcast %add3A_1773 : i32 to vector<16xi32>
        %add3A_1775 = arith.addi %mul3A_1772, %add3A_1774 : vector<16xi32>
        tpu.vector_store_idx %arg6[%add3A_1775], %get3A_1769 masked %lt3A_336 : memref<25600xi32, #tpu.memory_space<vmem>>[vector<16xi32>], vector<16xi32>, vector<16xi1>
        %mul3A_1776 = arith.constant 16 : i32
        %mul3A_1777 = arith.muli %scan3A_329, %mul3A_1776 : i32
        %get3A_1778 = arith.constant 120 : i32
        %get3A_1779 = arith.index_cast %get3A_1778 : i32 to index
        %get3A_1780 = arith.index_cast %mul3A_1777 : i32 to index
        %get3A_1781 = tpu.vector_load %arg5[%get3A_1779, %get3A_1780] {strides = array<i32>} : memref<128x208xi32, #tpu.memory_space<vmem>>, vector<16xi32>,
        %mul3A_1782 = arith.constant 128 : i32
        %mul3A_1783 = vector.broadcast %mul3A_1782 : i32 to vector<16xi32>
        %mul3A_1784 = arith.muli %add3A_333, %mul3A_1783 : vector<16xi32>
        %add3A_1785 = arith.constant 120 : i32
        %add3A_1786 = vector.broadcast %add3A_1785 : i32 to vector<16xi32>
        %add3A_1787 = arith.addi %mul3A_1784, %add3A_1786 : vector<16xi32>
        tpu.vector_store_idx %arg6[%add3A_1787], %get3A_1781 masked %lt3A_336 : memref<25600xi32, #tpu.memory_space<vmem>>[vector<16xi32>], vector<16xi32>, vector<16xi1>
        %mul3A_1788 = arith.constant 16 : i32
        %mul3A_1789 = arith.muli %scan3A_329, %mul3A_1788 : i32
        %get3A_1790 = arith.constant 121 : i32
        %get3A_1791 = arith.index_cast %get3A_1790 : i32 to index
        %get3A_1792 = arith.index_cast %mul3A_1789 : i32 to index
        %get3A_1793 = tpu.vector_load %arg5[%get3A_1791, %get3A_1792] {strides = array<i32>} : memref<128x208xi32, #tpu.memory_space<vmem>>, vector<16xi32>,
        %mul3A_1794 = arith.constant 128 : i32
        %mul3A_1795 = vector.broadcast %mul3A_1794 : i32 to vector<16xi32>
        %mul3A_1796 = arith.muli %add3A_333, %mul3A_1795 : vector<16xi32>
        %add3A_1797 = arith.constant 121 : i32
        %add3A_1798 = vector.broadcast %add3A_1797 : i32 to vector<16xi32>
        %add3A_1799 = arith.addi %mul3A_1796, %add3A_1798 : vector<16xi32>
        tpu.vector_store_idx %arg6[%add3A_1799], %get3A_1793 masked %lt3A_336 : memref<25600xi32, #tpu.memory_space<vmem>>[vector<16xi32>], vector<16xi32>, vector<16xi1>
        %mul3A_1800 = arith.constant 16 : i32
        %mul3A_1801 = arith.muli %scan3A_329, %mul3A_1800 : i32
        %get3A_1802 = arith.constant 122 : i32
        %get3A_1803 = arith.index_cast %get3A_1802 : i32 to index
        %get3A_1804 = arith.index_cast %mul3A_1801 : i32 to index
        %get3A_1805 = tpu.vector_load %arg5[%get3A_1803, %get3A_1804] {strides = array<i32>} : memref<128x208xi32, #tpu.memory_space<vmem>>, vector<16xi32>,
        %mul3A_1806 = arith.constant 128 : i32
        %mul3A_1807 = vector.broadcast %mul3A_1806 : i32 to vector<16xi32>
        %mul3A_1808 = arith.muli %add3A_333, %mul3A_1807 : vector<16xi32>
        %add3A_1809 = arith.constant 122 : i32
        %add3A_1810 = vector.broadcast %add3A_1809 : i32 to vector<16xi32>
        %add3A_1811 = arith.addi %mul3A_1808, %add3A_1810 : vector<16xi32>
        tpu.vector_store_idx %arg6[%add3A_1811], %get3A_1805 masked %lt3A_336 : memref<25600xi32, #tpu.memory_space<vmem>>[vector<16xi32>], vector<16xi32>, vector<16xi1>
        %mul3A_1812 = arith.constant 16 : i32
        %mul3A_1813 = arith.muli %scan3A_329, %mul3A_1812 : i32
        %get3A_1814 = arith.constant 123 : i32
        %get3A_1815 = arith.index_cast %get3A_1814 : i32 to index
        %get3A_1816 = arith.index_cast %mul3A_1813 : i32 to index
        %get3A_1817 = tpu.vector_load %arg5[%get3A_1815, %get3A_1816] {strides = array<i32>} : memref<128x208xi32, #tpu.memory_space<vmem>>, vector<16xi32>,
        %mul3A_1818 = arith.constant 128 : i32
        %mul3A_1819 = vector.broadcast %mul3A_1818 : i32 to vector<16xi32>
        %mul3A_1820 = arith.muli %add3A_333, %mul3A_1819 : vector<16xi32>
        %add3A_1821 = arith.constant 123 : i32
        %add3A_1822 = vector.broadcast %add3A_1821 : i32 to vector<16xi32>
        %add3A_1823 = arith.addi %mul3A_1820, %add3A_1822 : vector<16xi32>
        tpu.vector_store_idx %arg6[%add3A_1823], %get3A_1817 masked %lt3A_336 : memref<25600xi32, #tpu.memory_space<vmem>>[vector<16xi32>], vector<16xi32>, vector<16xi1>
        %mul3A_1824 = arith.constant 16 : i32
        %mul3A_1825 = arith.muli %scan3A_329, %mul3A_1824 : i32
        %get3A_1826 = arith.constant 124 : i32
        %get3A_1827 = arith.index_cast %get3A_1826 : i32 to index
        %get3A_1828 = arith.index_cast %mul3A_1825 : i32 to index
        %get3A_1829 = tpu.vector_load %arg5[%get3A_1827, %get3A_1828] {strides = array<i32>} : memref<128x208xi32, #tpu.memory_space<vmem>>, vector<16xi32>,
        %mul3A_1830 = arith.constant 128 : i32
        %mul3A_1831 = vector.broadcast %mul3A_1830 : i32 to vector<16xi32>
        %mul3A_1832 = arith.muli %add3A_333, %mul3A_1831 : vector<16xi32>
        %add3A_1833 = arith.constant 124 : i32
        %add3A_1834 = vector.broadcast %add3A_1833 : i32 to vector<16xi32>
        %add3A_1835 = arith.addi %mul3A_1832, %add3A_1834 : vector<16xi32>
        tpu.vector_store_idx %arg6[%add3A_1835], %get3A_1829 masked %lt3A_336 : memref<25600xi32, #tpu.memory_space<vmem>>[vector<16xi32>], vector<16xi32>, vector<16xi1>
        %mul3A_1836 = arith.constant 16 : i32
        %mul3A_1837 = arith.muli %scan3A_329, %mul3A_1836 : i32
        %get3A_1838 = arith.constant 125 : i32
        %get3A_1839 = arith.index_cast %get3A_1838 : i32 to index
        %get3A_1840 = arith.index_cast %mul3A_1837 : i32 to index
        %get3A_1841 = tpu.vector_load %arg5[%get3A_1839, %get3A_1840] {strides = array<i32>} : memref<128x208xi32, #tpu.memory_space<vmem>>, vector<16xi32>,
        %mul3A_1842 = arith.constant 128 : i32
        %mul3A_1843 = vector.broadcast %mul3A_1842 : i32 to vector<16xi32>
        %mul3A_1844 = arith.muli %add3A_333, %mul3A_1843 : vector<16xi32>
        %add3A_1845 = arith.constant 125 : i32
        %add3A_1846 = vector.broadcast %add3A_1845 : i32 to vector<16xi32>
        %add3A_1847 = arith.addi %mul3A_1844, %add3A_1846 : vector<16xi32>
        tpu.vector_store_idx %arg6[%add3A_1847], %get3A_1841 masked %lt3A_336 : memref<25600xi32, #tpu.memory_space<vmem>>[vector<16xi32>], vector<16xi32>, vector<16xi1>
        %mul3A_1848 = arith.constant 16 : i32
        %mul3A_1849 = arith.muli %scan3A_329, %mul3A_1848 : i32
        %get3A_1850 = arith.constant 126 : i32
        %get3A_1851 = arith.index_cast %get3A_1850 : i32 to index
        %get3A_1852 = arith.index_cast %mul3A_1849 : i32 to index
        %get3A_1853 = tpu.vector_load %arg5[%get3A_1851, %get3A_1852] {strides = array<i32>} : memref<128x208xi32, #tpu.memory_space<vmem>>, vector<16xi32>,
        %mul3A_1854 = arith.constant 128 : i32
        %mul3A_1855 = vector.broadcast %mul3A_1854 : i32 to vector<16xi32>
        %mul3A_1856 = arith.muli %add3A_333, %mul3A_1855 : vector<16xi32>
        %add3A_1857 = arith.constant 126 : i32
        %add3A_1858 = vector.broadcast %add3A_1857 : i32 to vector<16xi32>
        %add3A_1859 = arith.addi %mul3A_1856, %add3A_1858 : vector<16xi32>
        tpu.vector_store_idx %arg6[%add3A_1859], %get3A_1853 masked %lt3A_336 : memref<25600xi32, #tpu.memory_space<vmem>>[vector<16xi32>], vector<16xi32>, vector<16xi1>
        %mul3A_1860 = arith.constant 16 : i32
        %mul3A_1861 = arith.muli %scan3A_329, %mul3A_1860 : i32
        %get3A_1862 = arith.constant 127 : i32
        %get3A_1863 = arith.index_cast %get3A_1862 : i32 to index
        %get3A_1864 = arith.index_cast %mul3A_1861 : i32 to index
        %get3A_1865 = tpu.vector_load %arg5[%get3A_1863, %get3A_1864] {strides = array<i32>} : memref<128x208xi32, #tpu.memory_space<vmem>>, vector<16xi32>,
        %mul3A_1866 = arith.constant 128 : i32
        %mul3A_1867 = vector.broadcast %mul3A_1866 : i32 to vector<16xi32>
        %mul3A_1868 = arith.muli %add3A_333, %mul3A_1867 : vector<16xi32>
        %add3A_1869 = arith.constant 127 : i32
        %add3A_1870 = vector.broadcast %add3A_1869 : i32 to vector<16xi32>
        %add3A_1871 = arith.addi %mul3A_1868, %add3A_1870 : vector<16xi32>
        tpu.vector_store_idx %arg6[%add3A_1871], %get3A_1865 masked %lt3A_336 : memref<25600xi32, #tpu.memory_space<vmem>>[vector<16xi32>], vector<16xi32>, vector<16xi1>
      }
      %scan3A_135 = arith.constant 13 : i32
      %dma_start3A = arith.constant 0 : i32
      %dma_start3A_136 = tpu.memref_slice %arg6[%dma_start3A] : memref<25600xi32, #tpu.memory_space<vmem>> -> memref<512xi32, #tpu.memory_space<vmem>>
      %dma_start3A_137 = arith.constant 0 : i32
      %dma_start3A_138 = arith.constant 0 : i32
      %dma_start3A_139 = tpu.memref_slice %arg3[%dma_start3A_137, %dma_start3A_138] : memref<1000000x32xf32, #tpu.memory_space<hbm>> -> memref<1000000x32xf32, #tpu.memory_space<hbm>>
      tpu.enqueue_indirect_dma source(%dma_start3A_139 : memref<1000000x32xf32, #tpu.memory_space<hbm>>) target(%arg7 : memref<512x32xf32, #tpu.memory_space<vmem>>) offsets(%dma_start3A_136 : memref<512xi32, #tpu.memory_space<vmem>>) semaphore(%arg11 : memref<!tpu.dma_semaphore, #tpu.memory_space<semaphore_mem>>)
      %scan3A_140 = arith.constant 0 : i32
      %scan3A_141 = arith.constant 0 : i32
      %scan3A_142 = arith.constant 25 : i32
      %scan3A_143 = arith.addi %scan3A_141, %scan3A_142 : i32
      %scan3A_144 = arith.constant 1 : i32
      scf.for %scan3A_329 = %scan3A_141 to %scan3A_143 step %scan3A_144  : i32 {
        %mul3A_330 = arith.constant 2 : i32
        %mul3A_331 = arith.muli %mul3A_330, %scan3A_329 : i32
        %add3A_332 = arith.constant 1 : i32
        %add3A_333 = arith.addi %mul3A_331, %add3A_332 : i32
        %mul3A_334 = arith.constant 512 : i32
        %mul3A_335 = arith.muli %add3A_333, %mul3A_334 : i32
        %dma_start3A_336 = tpu.memref_slice %arg6[%mul3A_335] : memref<25600xi32, #tpu.memory_space<vmem>> -> memref<512xi32, #tpu.memory_space<vmem>>
        %dma_start3A_337 = arith.constant 0 : i32
        %dma_start3A_338 = arith.constant 0 : i32
        %dma_start3A_339 = tpu.memref_slice %arg3[%dma_start3A_337, %dma_start3A_338] : memref<1000000x32xf32, #tpu.memory_space<hbm>> -> memref<1000000x32xf32, #tpu.memory_space<hbm>>
        tpu.enqueue_indirect_dma source(%dma_start3A_339 : memref<1000000x32xf32, #tpu.memory_space<hbm>>) target(%arg8 : memref<512x32xf32, #tpu.memory_space<vmem>>) offsets(%dma_start3A_336 : memref<512xi32, #tpu.memory_space<vmem>>) semaphore(%arg12 : memref<!tpu.dma_semaphore, #tpu.memory_space<semaphore_mem>>)
        %dma_wait3A_340 = arith.constant 0 : i32
        %dma_wait3A_341 = tpu.memref_slice %arg6[%dma_wait3A_340] : memref<25600xi32, #tpu.memory_space<vmem>> -> memref<512xi32, #tpu.memory_space<vmem>>
        %dma_wait3A_342 = arith.constant 0 : i32
        %dma_wait3A_343 = arith.constant 0 : i32
        %dma_wait3A_344 = tpu.memref_slice %arg3[%dma_wait3A_342, %dma_wait3A_343] : memref<1000000x32xf32, #tpu.memory_space<hbm>> -> memref<1000000x32xf32, #tpu.memory_space<hbm>>
        tpu.wait_indirect_dma semaphore(%arg11 : memref<!tpu.dma_semaphore, #tpu.memory_space<semaphore_mem>>) src(%dma_wait3A_344 : memref<1000000x32xf32, #tpu.memory_space<hbm>>) dst(%arg7 : memref<512x32xf32, #tpu.memory_space<vmem>>)
        %gt3A = arith.constant 0 : i32
        %gt3A_345 = arith.cmpi sgt, %scan3A_329, %gt3A : i32
        %convert_element_type3A = arith.extui %gt3A_345 : i1 to i32
        %cond3A = arith.constant 0 : i32
        %cond3A_346 = arith.cmpi ne, %convert_element_type3A, %cond3A : i32
        scf.if %cond3A_346 {
          %dma_wait3A_564 = arith.constant 0 : i32
          %dma_wait3A_565 = arith.constant 0 : i32
          %dma_wait3A_566 = arith.constant 0 : i32
          %dma_wait3A_567 = arith.constant 0 : i32
          %dma_wait3A_568 = arith.constant 0 : i32
          %dma_wait3A_569 = arith.constant 0 : i32
          %dma_wait3A_570 = tpu.memref_slice %arg9[%dma_wait3A_564, %dma_wait3A_567, %dma_wait3A_568, %dma_wait3A_569] : memref<4x4x8x129xf32, #tpu.memory_space<vmem>> -> memref<1x4x8x128xf32, #tpu.memory_space<vmem>>
          %dma_wait3A_571 = tpu.memref_squeeze %dma_wait3A_570 : memref<1x4x8x128xf32, #tpu.memory_space<vmem>> -> memref<4x8x128xf32, #tpu.memory_space<vmem>>
          %dma_wait3A_572 = arith.constant 0 : i32
          %dma_wait3A_573 = arith.constant 0 : i32
          %dma_wait3A_574 = arith.constant 0 : i32
          %dma_wait3A_575 = tpu.memref_slice %arg4[%dma_wait3A_565, %dma_wait3A_572, %dma_wait3A_566, %dma_wait3A_573, %dma_wait3A_574] : memref<200x4x128x8x128xf32, #tpu.memory_space<hbm>> -> memref<1x4x1x8x128xf32, #tpu.memory_space<hbm>>
          %dma_wait3A_576 = tpu.memref_squeeze %dma_wait3A_575 : memref<1x4x1x8x128xf32, #tpu.memory_space<hbm>> -> memref<4x8x128xf32, #tpu.memory_space<hbm>>
          %dma_wait3A_577 = arith.constant 0 : i32
          %dma_wait3A_578 = arith.constant 0 : i32
          %dma_wait3A_579 = arith.constant 0 : i32
          %dma_wait3A_580 = tpu.memref_slice %arg4[%dma_wait3A_565, %dma_wait3A_577, %dma_wait3A_566, %dma_wait3A_578, %dma_wait3A_579] : memref<200x4x128x8x128xf32, #tpu.memory_space<hbm>> -> memref<1x4x1x8x128xf32, #tpu.memory_space<hbm>>
          %dma_wait3A_581 = tpu.memref_squeeze %dma_wait3A_580 : memref<1x4x1x8x128xf32, #tpu.memory_space<hbm>> -> memref<4x8x128xf32, #tpu.memory_space<hbm>>
          %dma_wait3A_582 = arith.constant 0 : i32
          %dma_wait3A_583 = arith.constant 0 : i32
          %dma_wait3A_584 = arith.constant 0 : i32
          %dma_wait3A_585 = tpu.memref_slice %arg9[%dma_wait3A_564, %dma_wait3A_582, %dma_wait3A_583, %dma_wait3A_584] : memref<4x4x8x129xf32, #tpu.memory_space<vmem>> -> memref<1x4x8x128xf32, #tpu.memory_space<vmem>>
          %dma_wait3A_586 = tpu.memref_squeeze %dma_wait3A_585 : memref<1x4x8x128xf32, #tpu.memory_space<vmem>> -> memref<4x8x128xf32, #tpu.memory_space<vmem>>
          tpu.wait_dma2 semaphore(%arg13 : memref<!tpu.dma_semaphore, #tpu.memory_space<semaphore_mem>>) src(%dma_wait3A_586 : memref<4x8x128xf32, #tpu.memory_space<vmem>>) dst(%dma_wait3A_581 : memref<4x8x128xf32, #tpu.memory_space<hbm>>)
          %dma_wait3A_587 = arith.constant 1 : i32
          %dma_wait3A_588 = arith.constant 0 : i32
          %dma_wait3A_589 = arith.constant 0 : i32
          %dma_wait3A_590 = arith.constant 0 : i32
          %dma_wait3A_591 = arith.constant 0 : i32
          %dma_wait3A_592 = arith.constant 0 : i32
          %dma_wait3A_593 = tpu.memref_slice %arg9[%dma_wait3A_587, %dma_wait3A_590, %dma_wait3A_591, %dma_wait3A_592] : memref<4x4x8x129xf32, #tpu.memory_space<vmem>> -> memref<1x4x8x128xf32, #tpu.memory_space<vmem>>
          %dma_wait3A_594 = tpu.memref_squeeze %dma_wait3A_593 : memref<1x4x8x128xf32, #tpu.memory_space<vmem>> -> memref<4x8x128xf32, #tpu.memory_space<vmem>>
          %dma_wait3A_595 = arith.constant 0 : i32
          %dma_wait3A_596 = arith.constant 0 : i32
          %dma_wait3A_597 = arith.constant 0 : i32
          %dma_wait3A_598 = tpu.memref_slice %arg4[%dma_wait3A_588, %dma_wait3A_595, %dma_wait3A_589, %dma_wait3A_596, %dma_wait3A_597] : memref<200x4x128x8x128xf32, #tpu.memory_space<hbm>> -> memref<1x4x1x8x128xf32, #tpu.memory_space<hbm>>
          %dma_wait3A_599 = tpu.memref_squeeze %dma_wait3A_598 : memref<1x4x1x8x128xf32, #tpu.memory_space<hbm>> -> memref<4x8x128xf32, #tpu.memory_space<hbm>>
          %dma_wait3A_600 = arith.constant 0 : i32
          %dma_wait3A_601 = arith.constant 0 : i32
          %dma_wait3A_602 = arith.constant 0 : i32
          %dma_wait3A_603 = tpu.memref_slice %arg4[%dma_wait3A_588, %dma_wait3A_600, %dma_wait3A_589, %dma_wait3A_601, %dma_wait3A_602] : memref<200x4x128x8x128xf32, #tpu.memory_space<hbm>> -> memref<1x4x1x8x128xf32, #tpu.memory_space<hbm>>
          %dma_wait3A_604 = tpu.memref_squeeze %dma_wait3A_603 : memref<1x4x1x8x128xf32, #tpu.memory_space<hbm>> -> memref<4x8x128xf32, #tpu.memory_space<hbm>>
          %dma_wait3A_605 = arith.constant 0 : i32
          %dma_wait3A_606 = arith.constant 0 : i32
          %dma_wait3A_607 = arith.constant 0 : i32
          %dma_wait3A_608 = tpu.memref_slice %arg9[%dma_wait3A_587, %dma_wait3A_605, %dma_wait3A_606, %dma_wait3A_607] : memref<4x4x8x129xf32, #tpu.memory_space<vmem>> -> memref<1x4x8x128xf32, #tpu.memory_space<vmem>>
          %dma_wait3A_609 = tpu.memref_squeeze %dma_wait3A_608 : memref<1x4x8x128xf32, #tpu.memory_space<vmem>> -> memref<4x8x128xf32, #tpu.memory_space<vmem>>
          tpu.wait_dma2 semaphore(%arg13 : memref<!tpu.dma_semaphore, #tpu.memory_space<semaphore_mem>>) src(%dma_wait3A_609 : memref<4x8x128xf32, #tpu.memory_space<vmem>>) dst(%dma_wait3A_604 : memref<4x8x128xf32, #tpu.memory_space<hbm>>)
          %dma_wait3A_610 = arith.constant 2 : i32
          %dma_wait3A_611 = arith.constant 0 : i32
          %dma_wait3A_612 = arith.constant 0 : i32
          %dma_wait3A_613 = arith.constant 0 : i32
          %dma_wait3A_614 = arith.constant 0 : i32
          %dma_wait3A_615 = arith.constant 0 : i32
          %dma_wait3A_616 = tpu.memref_slice %arg9[%dma_wait3A_610, %dma_wait3A_613, %dma_wait3A_614, %dma_wait3A_615] : memref<4x4x8x129xf32, #tpu.memory_space<vmem>> -> memref<1x4x8x128xf32, #tpu.memory_space<vmem>>
          %dma_wait3A_617 = tpu.memref_squeeze %dma_wait3A_616 : memref<1x4x8x128xf32, #tpu.memory_space<vmem>> -> memref<4x8x128xf32, #tpu.memory_space<vmem>>
          %dma_wait3A_618 = arith.constant 0 : i32
          %dma_wait3A_619 = arith.constant 0 : i32
          %dma_wait3A_620 = arith.constant 0 : i32
          %dma_wait3A_621 = tpu.memref_slice %arg4[%dma_wait3A_611, %dma_wait3A_618, %dma_wait3A_612, %dma_wait3A_619, %dma_wait3A_620] : memref<200x4x128x8x128xf32, #tpu.memory_space<hbm>> -> memref<1x4x1x8x128xf32, #tpu.memory_space<hbm>>
          %dma_wait3A_622 = tpu.memref_squeeze %dma_wait3A_621 : memref<1x4x1x8x128xf32, #tpu.memory_space<hbm>> -> memref<4x8x128xf32, #tpu.memory_space<hbm>>
          %dma_wait3A_623 = arith.constant 0 : i32
          %dma_wait3A_624 = arith.constant 0 : i32
          %dma_wait3A_625 = arith.constant 0 : i32
          %dma_wait3A_626 = tpu.memref_slice %arg4[%dma_wait3A_611, %dma_wait3A_623, %dma_wait3A_612, %dma_wait3A_624, %dma_wait3A_625] : memref<200x4x128x8x128xf32, #tpu.memory_space<hbm>> -> memref<1x4x1x8x128xf32, #tpu.memory_space<hbm>>
          %dma_wait3A_627 = tpu.memref_squeeze %dma_wait3A_626 : memref<1x4x1x8x128xf32, #tpu.memory_space<hbm>> -> memref<4x8x128xf32, #tpu.memory_space<hbm>>
          %dma_wait3A_628 = arith.constant 0 : i32
          %dma_wait3A_629 = arith.constant 0 : i32
          %dma_wait3A_630 = arith.constant 0 : i32
          %dma_wait3A_631 = tpu.memref_slice %arg9[%dma_wait3A_610, %dma_wait3A_628, %dma_wait3A_629, %dma_wait3A_630] : memref<4x4x8x129xf32, #tpu.memory_space<vmem>> -> memref<1x4x8x128xf32, #tpu.memory_space<vmem>>
          %dma_wait3A_632 = tpu.memref_squeeze %dma_wait3A_631 : memref<1x4x8x128xf32, #tpu.memory_space<vmem>> -> memref<4x8x128xf32, #tpu.memory_space<vmem>>
          tpu.wait_dma2 semaphore(%arg13 : memref<!tpu.dma_semaphore, #tpu.memory_space<semaphore_mem>>) src(%dma_wait3A_632 : memref<4x8x128xf32, #tpu.memory_space<vmem>>) dst(%dma_wait3A_627 : memref<4x8x128xf32, #tpu.memory_space<hbm>>)
          %dma_wait3A_633 = arith.constant 3 : i32
          %dma_wait3A_634 = arith.constant 0 : i32
          %dma_wait3A_635 = arith.constant 0 : i32
          %dma_wait3A_636 = arith.constant 0 : i32
          %dma_wait3A_637 = arith.constant 0 : i32
          %dma_wait3A_638 = arith.constant 0 : i32
          %dma_wait3A_639 = tpu.memref_slice %arg9[%dma_wait3A_633, %dma_wait3A_636, %dma_wait3A_637, %dma_wait3A_638] : memref<4x4x8x129xf32, #tpu.memory_space<vmem>> -> memref<1x4x8x128xf32, #tpu.memory_space<vmem>>
          %dma_wait3A_640 = tpu.memref_squeeze %dma_wait3A_639 : memref<1x4x8x128xf32, #tpu.memory_space<vmem>> -> memref<4x8x128xf32, #tpu.memory_space<vmem>>
          %dma_wait3A_641 = arith.constant 0 : i32
          %dma_wait3A_642 = arith.constant 0 : i32
          %dma_wait3A_643 = arith.constant 0 : i32
          %dma_wait3A_644 = tpu.memref_slice %arg4[%dma_wait3A_634, %dma_wait3A_641, %dma_wait3A_635, %dma_wait3A_642, %dma_wait3A_643] : memref<200x4x128x8x128xf32, #tpu.memory_space<hbm>> -> memref<1x4x1x8x128xf32, #tpu.memory_space<hbm>>
          %dma_wait3A_645 = tpu.memref_squeeze %dma_wait3A_644 : memref<1x4x1x8x128xf32, #tpu.memory_space<hbm>> -> memref<4x8x128xf32, #tpu.memory_space<hbm>>
          %dma_wait3A_646 = arith.constant 0 : i32
          %dma_wait3A_647 = arith.constant 0 : i32
          %dma_wait3A_648 = arith.constant 0 : i32
          %dma_wait3A_649 = tpu.memref_slice %arg4[%dma_wait3A_634, %dma_wait3A_646, %dma_wait3A_635, %dma_wait3A_647, %dma_wait3A_648] : memref<200x4x128x8x128xf32, #tpu.memory_space<hbm>> -> memref<1x4x1x8x128xf32, #tpu.memory_space<hbm>>
          %dma_wait3A_650 = tpu.memref_squeeze %dma_wait3A_649 : memref<1x4x1x8x128xf32, #tpu.memory_space<hbm>> -> memref<4x8x128xf32, #tpu.memory_space<hbm>>
          %dma_wait3A_651 = arith.constant 0 : i32
          %dma_wait3A_652 = arith.constant 0 : i32
          %dma_wait3A_653 = arith.constant 0 : i32
          %dma_wait3A_654 = tpu.memref_slice %arg9[%dma_wait3A_633, %dma_wait3A_651, %dma_wait3A_652, %dma_wait3A_653] : memref<4x4x8x129xf32, #tpu.memory_space<vmem>> -> memref<1x4x8x128xf32, #tpu.memory_space<vmem>>
          %dma_wait3A_655 = tpu.memref_squeeze %dma_wait3A_654 : memref<1x4x8x128xf32, #tpu.memory_space<vmem>> -> memref<4x8x128xf32, #tpu.memory_space<vmem>>
          tpu.wait_dma2 semaphore(%arg13 : memref<!tpu.dma_semaphore, #tpu.memory_space<semaphore_mem>>) src(%dma_wait3A_655 : memref<4x8x128xf32, #tpu.memory_space<vmem>>) dst(%dma_wait3A_650 : memref<4x8x128xf32, #tpu.memory_space<hbm>>)
        } else {
        }
        %scan3A_347 = arith.constant 0 : i32
        %scan3A_348 = arith.constant 0 : i32
        %scan3A_349 = arith.constant 32 : i32
        %scan3A_350 = arith.addi %scan3A_348, %scan3A_349 : i32
        %scan3A_351 = arith.constant 1 : i32
        scf.for %scan3A_564 = %scan3A_348 to %scan3A_350 step %scan3A_351  : i32 {
          %mul3A_565 = arith.constant 4 : i32
          %mul3A_566 = arith.muli %scan3A_564, %mul3A_565 : i32
          %add3A_567 = arith.constant 0 : i32
          %add3A_568 = arith.addi %mul3A_566, %add3A_567 : i32
          %broadcast_in_dim3A_569 = arith.constant 0 : i32
          %broadcast_in_dim3A_570 = vector.broadcast %broadcast_in_dim3A_569 : i32 to vector<16xi32>
          %add3A_571 = vector.broadcast %add3A_568 : i32 to vector<16xi32>
          %add3A_572 = arith.addi %broadcast_in_dim3A_570, %add3A_571 : vector<16xi32>
          %add3A_573 = arith.constant 0 : i32
          %add3A_574 = arith.addi %add3A_573, %add3A_568 : i32
          %get3A = arith.index_cast %add3A_574 : i32 to index
          %get3A_575 = arith.constant 0 : index
          %get3A_576 = tpu.vector_load %arg7[%get3A, %get3A_575] {strides = array<i32>} : memref<512x32xf32, #tpu.memory_space<vmem>>, vector<16xf32>,
          %mul3A_577 = arith.constant 5.65685415 : f32
          %mul3A_578 = vector.broadcast %mul3A_577 : f32 to vector<16xf32>
          %mul3A_579 = arith.mulf %get3A_576, %mul3A_578 : vector<16xf32>
          tpu.vector_store_idx %arg9[%broadcast_in_dim3A_109, %select_n3A, %select_n3A_83, %add3A_572], %mul3A_579 : memref<4x4x8x129xf32, #tpu.memory_space<vmem>>[vector<16xi32>, vector<16xi32>, vector<16xi32>, vector<16xi32>], vector<16xf32>,
          %add3A_580 = arith.constant 0 : i32
          %add3A_581 = arith.addi %add3A_580, %add3A_568 : i32
          %get3A_582 = arith.index_cast %add3A_581 : i32 to index
          %get3A_583 = arith.constant 16 : index
          %get3A_584 = tpu.vector_load %arg7[%get3A_582, %get3A_583] {strides = array<i32>} : memref<512x32xf32, #tpu.memory_space<vmem>>, vector<16xf32>,
          %mul3A_585 = arith.constant 5.65685415 : f32
          %mul3A_586 = vector.broadcast %mul3A_585 : f32 to vector<16xf32>
          %mul3A_587 = arith.mulf %get3A_584, %mul3A_586 : vector<16xf32>
          tpu.vector_store_idx %arg9[%broadcast_in_dim3A_109, %select_n3A_60, %select_n3A_108, %add3A_572], %mul3A_587 : memref<4x4x8x129xf32, #tpu.memory_space<vmem>>[vector<16xi32>, vector<16xi32>, vector<16xi32>, vector<16xi32>], vector<16xf32>,
          %add3A_588 = arith.constant 128 : i32
          %add3A_589 = arith.addi %add3A_588, %add3A_568 : i32
          %get3A_590 = arith.index_cast %add3A_589 : i32 to index
          %get3A_591 = arith.constant 0 : index
          %get3A_592 = tpu.vector_load %arg7[%get3A_590, %get3A_591] {strides = array<i32>} : memref<512x32xf32, #tpu.memory_space<vmem>>, vector<16xf32>,
          %mul3A_593 = arith.constant 5.65685415 : f32
          %mul3A_594 = vector.broadcast %mul3A_593 : f32 to vector<16xf32>
          %mul3A_595 = arith.mulf %get3A_592, %mul3A_594 : vector<16xf32>
          tpu.vector_store_idx %arg9[%broadcast_in_dim3A_111, %select_n3A, %select_n3A_83, %add3A_572], %mul3A_595 : memref<4x4x8x129xf32, #tpu.memory_space<vmem>>[vector<16xi32>, vector<16xi32>, vector<16xi32>, vector<16xi32>], vector<16xf32>,
          %add3A_596 = arith.constant 128 : i32
          %add3A_597 = arith.addi %add3A_596, %add3A_568 : i32
          %get3A_598 = arith.index_cast %add3A_597 : i32 to index
          %get3A_599 = arith.constant 16 : index
          %get3A_600 = tpu.vector_load %arg7[%get3A_598, %get3A_599] {strides = array<i32>} : memref<512x32xf32, #tpu.memory_space<vmem>>, vector<16xf32>,
          %mul3A_601 = arith.constant 5.65685415 : f32
          %mul3A_602 = vector.broadcast %mul3A_601 : f32 to vector<16xf32>
          %mul3A_603 = arith.mulf %get3A_600, %mul3A_602 : vector<16xf32>
          tpu.vector_store_idx %arg9[%broadcast_in_dim3A_111, %select_n3A_60, %select_n3A_108, %add3A_572], %mul3A_603 : memref<4x4x8x129xf32, #tpu.memory_space<vmem>>[vector<16xi32>, vector<16xi32>, vector<16xi32>, vector<16xi32>], vector<16xf32>,
          %add3A_604 = arith.constant 256 : i32
          %add3A_605 = arith.addi %add3A_604, %add3A_568 : i32
          %get3A_606 = arith.index_cast %add3A_605 : i32 to index
          %get3A_607 = arith.constant 0 : index
          %get3A_608 = tpu.vector_load %arg7[%get3A_606, %get3A_607] {strides = array<i32>} : memref<512x32xf32, #tpu.memory_space<vmem>>, vector<16xf32>,
          %mul3A_609 = arith.constant 5.65685415 : f32
          %mul3A_610 = vector.broadcast %mul3A_609 : f32 to vector<16xf32>
          %mul3A_611 = arith.mulf %get3A_608, %mul3A_610 : vector<16xf32>
          tpu.vector_store_idx %arg9[%broadcast_in_dim3A_113, %select_n3A, %select_n3A_83, %add3A_572], %mul3A_611 : memref<4x4x8x129xf32, #tpu.memory_space<vmem>>[vector<16xi32>, vector<16xi32>, vector<16xi32>, vector<16xi32>], vector<16xf32>,
          %add3A_612 = arith.constant 256 : i32
          %add3A_613 = arith.addi %add3A_612, %add3A_568 : i32
          %get3A_614 = arith.index_cast %add3A_613 : i32 to index
          %get3A_615 = arith.constant 16 : index
          %get3A_616 = tpu.vector_load %arg7[%get3A_614, %get3A_615] {strides = array<i32>} : memref<512x32xf32, #tpu.memory_space<vmem>>, vector<16xf32>,
          %mul3A_617 = arith.constant 5.65685415 : f32
          %mul3A_618 = vector.broadcast %mul3A_617 : f32 to vector<16xf32>
          %mul3A_619 = arith.mulf %get3A_616, %mul3A_618 : vector<16xf32>
          tpu.vector_store_idx %arg9[%broadcast_in_dim3A_113, %select_n3A_60, %select_n3A_108, %add3A_572], %mul3A_619 : memref<4x4x8x129xf32, #tpu.memory_space<vmem>>[vector<16xi32>, vector<16xi32>, vector<16xi32>, vector<16xi32>], vector<16xf32>,
          %add3A_620 = arith.constant 384 : i32
          %add3A_621 = arith.addi %add3A_620, %add3A_568 : i32
          %get3A_622 = arith.index_cast %add3A_621 : i32 to index
          %get3A_623 = arith.constant 0 : index
          %get3A_624 = tpu.vector_load %arg7[%get3A_622, %get3A_623] {strides = array<i32>} : memref<512x32xf32, #tpu.memory_space<vmem>>, vector<16xf32>,
          %mul3A_625 = arith.constant 5.65685415 : f32
          %mul3A_626 = vector.broadcast %mul3A_625 : f32 to vector<16xf32>
          %mul3A_627 = arith.mulf %get3A_624, %mul3A_626 : vector<16xf32>
          tpu.vector_store_idx %arg9[%broadcast_in_dim3A_115, %select_n3A, %select_n3A_83, %add3A_572], %mul3A_627 : memref<4x4x8x129xf32, #tpu.memory_space<vmem>>[vector<16xi32>, vector<16xi32>, vector<16xi32>, vector<16xi32>], vector<16xf32>,
          %add3A_628 = arith.constant 384 : i32
          %add3A_629 = arith.addi %add3A_628, %add3A_568 : i32
          %get3A_630 = arith.index_cast %add3A_629 : i32 to index
          %get3A_631 = arith.constant 16 : index
          %get3A_632 = tpu.vector_load %arg7[%get3A_630, %get3A_631] {strides = array<i32>} : memref<512x32xf32, #tpu.memory_space<vmem>>, vector<16xf32>,
          %mul3A_633 = arith.constant 5.65685415 : f32
          %mul3A_634 = vector.broadcast %mul3A_633 : f32 to vector<16xf32>
          %mul3A_635 = arith.mulf %get3A_632, %mul3A_634 : vector<16xf32>
          tpu.vector_store_idx %arg9[%broadcast_in_dim3A_115, %select_n3A_60, %select_n3A_108, %add3A_572], %mul3A_635 : memref<4x4x8x129xf32, #tpu.memory_space<vmem>>[vector<16xi32>, vector<16xi32>, vector<16xi32>, vector<16xi32>], vector<16xf32>,
          %mul3A_636 = arith.constant 4 : i32
          %mul3A_637 = arith.muli %scan3A_564, %mul3A_636 : i32
          %add3A_638 = arith.constant 1 : i32
          %add3A_639 = arith.addi %mul3A_637, %add3A_638 : i32
          %broadcast_in_dim3A_640 = arith.constant 0 : i32
          %broadcast_in_dim3A_641 = vector.broadcast %broadcast_in_dim3A_640 : i32 to vector<16xi32>
          %add3A_642 = vector.broadcast %add3A_639 : i32 to vector<16xi32>
          %add3A_643 = arith.addi %broadcast_in_dim3A_641, %add3A_642 : vector<16xi32>
          %add3A_644 = arith.constant 0 : i32
          %add3A_645 = arith.addi %add3A_644, %add3A_639 : i32
          %get3A_646 = arith.index_cast %add3A_645 : i32 to index
          %get3A_647 = arith.constant 0 : index
          %get3A_648 = tpu.vector_load %arg7[%get3A_646, %get3A_647] {strides = array<i32>} : memref<512x32xf32, #tpu.memory_space<vmem>>, vector<16xf32>,
          %mul3A_649 = arith.constant 5.65685415 : f32
          %mul3A_650 = vector.broadcast %mul3A_649 : f32 to vector<16xf32>
          %mul3A_651 = arith.mulf %get3A_648, %mul3A_650 : vector<16xf32>
          tpu.vector_store_idx %arg9[%broadcast_in_dim3A_109, %select_n3A, %select_n3A_83, %add3A_643], %mul3A_651 : memref<4x4x8x129xf32, #tpu.memory_space<vmem>>[vector<16xi32>, vector<16xi32>, vector<16xi32>, vector<16xi32>], vector<16xf32>,
          %add3A_652 = arith.constant 0 : i32
          %add3A_653 = arith.addi %add3A_652, %add3A_639 : i32
          %get3A_654 = arith.index_cast %add3A_653 : i32 to index
          %get3A_655 = arith.constant 16 : index
          %get3A_656 = tpu.vector_load %arg7[%get3A_654, %get3A_655] {strides = array<i32>} : memref<512x32xf32, #tpu.memory_space<vmem>>, vector<16xf32>,
          %mul3A_657 = arith.constant 5.65685415 : f32
          %mul3A_658 = vector.broadcast %mul3A_657 : f32 to vector<16xf32>
          %mul3A_659 = arith.mulf %get3A_656, %mul3A_658 : vector<16xf32>
          tpu.vector_store_idx %arg9[%broadcast_in_dim3A_109, %select_n3A_60, %select_n3A_108, %add3A_643], %mul3A_659 : memref<4x4x8x129xf32, #tpu.memory_space<vmem>>[vector<16xi32>, vector<16xi32>, vector<16xi32>, vector<16xi32>], vector<16xf32>,
          %add3A_660 = arith.constant 128 : i32
          %add3A_661 = arith.addi %add3A_660, %add3A_639 : i32
          %get3A_662 = arith.index_cast %add3A_661 : i32 to index
          %get3A_663 = arith.constant 0 : index
          %get3A_664 = tpu.vector_load %arg7[%get3A_662, %get3A_663] {strides = array<i32>} : memref<512x32xf32, #tpu.memory_space<vmem>>, vector<16xf32>,
          %mul3A_665 = arith.constant 5.65685415 : f32
          %mul3A_666 = vector.broadcast %mul3A_665 : f32 to vector<16xf32>
          %mul3A_667 = arith.mulf %get3A_664, %mul3A_666 : vector<16xf32>
          tpu.vector_store_idx %arg9[%broadcast_in_dim3A_111, %select_n3A, %select_n3A_83, %add3A_643], %mul3A_667 : memref<4x4x8x129xf32, #tpu.memory_space<vmem>>[vector<16xi32>, vector<16xi32>, vector<16xi32>, vector<16xi32>], vector<16xf32>,
          %add3A_668 = arith.constant 128 : i32
          %add3A_669 = arith.addi %add3A_668, %add3A_639 : i32
          %get3A_670 = arith.index_cast %add3A_669 : i32 to index
          %get3A_671 = arith.constant 16 : index
          %get3A_672 = tpu.vector_load %arg7[%get3A_670, %get3A_671] {strides = array<i32>} : memref<512x32xf32, #tpu.memory_space<vmem>>, vector<16xf32>,
          %mul3A_673 = arith.constant 5.65685415 : f32
          %mul3A_674 = vector.broadcast %mul3A_673 : f32 to vector<16xf32>
          %mul3A_675 = arith.mulf %get3A_672, %mul3A_674 : vector<16xf32>
          tpu.vector_store_idx %arg9[%broadcast_in_dim3A_111, %select_n3A_60, %select_n3A_108, %add3A_643], %mul3A_675 : memref<4x4x8x129xf32, #tpu.memory_space<vmem>>[vector<16xi32>, vector<16xi32>, vector<16xi32>, vector<16xi32>], vector<16xf32>,
          %add3A_676 = arith.constant 256 : i32
          %add3A_677 = arith.addi %add3A_676, %add3A_639 : i32
          %get3A_678 = arith.index_cast %add3A_677 : i32 to index
          %get3A_679 = arith.constant 0 : index
          %get3A_680 = tpu.vector_load %arg7[%get3A_678, %get3A_679] {strides = array<i32>} : memref<512x32xf32, #tpu.memory_space<vmem>>, vector<16xf32>,
          %mul3A_681 = arith.constant 5.65685415 : f32
          %mul3A_682 = vector.broadcast %mul3A_681 : f32 to vector<16xf32>
          %mul3A_683 = arith.mulf %get3A_680, %mul3A_682 : vector<16xf32>
          tpu.vector_store_idx %arg9[%broadcast_in_dim3A_113, %select_n3A, %select_n3A_83, %add3A_643], %mul3A_683 : memref<4x4x8x129xf32, #tpu.memory_space<vmem>>[vector<16xi32>, vector<16xi32>, vector<16xi32>, vector<16xi32>], vector<16xf32>,
          %add3A_684 = arith.constant 256 : i32
          %add3A_685 = arith.addi %add3A_684, %add3A_639 : i32
          %get3A_686 = arith.index_cast %add3A_685 : i32 to index
          %get3A_687 = arith.constant 16 : index
          %get3A_688 = tpu.vector_load %arg7[%get3A_686, %get3A_687] {strides = array<i32>} : memref<512x32xf32, #tpu.memory_space<vmem>>, vector<16xf32>,
          %mul3A_689 = arith.constant 5.65685415 : f32
          %mul3A_690 = vector.broadcast %mul3A_689 : f32 to vector<16xf32>
          %mul3A_691 = arith.mulf %get3A_688, %mul3A_690 : vector<16xf32>
          tpu.vector_store_idx %arg9[%broadcast_in_dim3A_113, %select_n3A_60, %select_n3A_108, %add3A_643], %mul3A_691 : memref<4x4x8x129xf32, #tpu.memory_space<vmem>>[vector<16xi32>, vector<16xi32>, vector<16xi32>, vector<16xi32>], vector<16xf32>,
          %add3A_692 = arith.constant 384 : i32
          %add3A_693 = arith.addi %add3A_692, %add3A_639 : i32
          %get3A_694 = arith.index_cast %add3A_693 : i32 to index
          %get3A_695 = arith.constant 0 : index
          %get3A_696 = tpu.vector_load %arg7[%get3A_694, %get3A_695] {strides = array<i32>} : memref<512x32xf32, #tpu.memory_space<vmem>>, vector<16xf32>,
          %mul3A_697 = arith.constant 5.65685415 : f32
          %mul3A_698 = vector.broadcast %mul3A_697 : f32 to vector<16xf32>
          %mul3A_699 = arith.mulf %get3A_696, %mul3A_698 : vector<16xf32>
          tpu.vector_store_idx %arg9[%broadcast_in_dim3A_115, %select_n3A, %select_n3A_83, %add3A_643], %mul3A_699 : memref<4x4x8x129xf32, #tpu.memory_space<vmem>>[vector<16xi32>, vector<16xi32>, vector<16xi32>, vector<16xi32>], vector<16xf32>,
          %add3A_700 = arith.constant 384 : i32
          %add3A_701 = arith.addi %add3A_700, %add3A_639 : i32
          %get3A_702 = arith.index_cast %add3A_701 : i32 to index
          %get3A_703 = arith.constant 16 : index
          %get3A_704 = tpu.vector_load %arg7[%get3A_702, %get3A_703] {strides = array<i32>} : memref<512x32xf32, #tpu.memory_space<vmem>>, vector<16xf32>,
          %mul3A_705 = arith.constant 5.65685415 : f32
          %mul3A_706 = vector.broadcast %mul3A_705 : f32 to vector<16xf32>
          %mul3A_707 = arith.mulf %get3A_704, %mul3A_706 : vector<16xf32>
          tpu.vector_store_idx %arg9[%broadcast_in_dim3A_115, %select_n3A_60, %select_n3A_108, %add3A_643], %mul3A_707 : memref<4x4x8x129xf32, #tpu.memory_space<vmem>>[vector<16xi32>, vector<16xi32>, vector<16xi32>, vector<16xi32>], vector<16xf32>,
          %mul3A_708 = arith.constant 4 : i32
          %mul3A_709 = arith.muli %scan3A_564, %mul3A_708 : i32
          %add3A_710 = arith.constant 2 : i32
          %add3A_711 = arith.addi %mul3A_709, %add3A_710 : i32
          %broadcast_in_dim3A_712 = arith.constant 0 : i32
          %broadcast_in_dim3A_713 = vector.broadcast %broadcast_in_dim3A_712 : i32 to vector<16xi32>
          %add3A_714 = vector.broadcast %add3A_711 : i32 to vector<16xi32>
          %add3A_715 = arith.addi %broadcast_in_dim3A_713, %add3A_714 : vector<16xi32>
          %add3A_716 = arith.constant 0 : i32
          %add3A_717 = arith.addi %add3A_716, %add3A_711 : i32
          %get3A_718 = arith.index_cast %add3A_717 : i32 to index
          %get3A_719 = arith.constant 0 : index
          %get3A_720 = tpu.vector_load %arg7[%get3A_718, %get3A_719] {strides = array<i32>} : memref<512x32xf32, #tpu.memory_space<vmem>>, vector<16xf32>,
          %mul3A_721 = arith.constant 5.65685415 : f32
          %mul3A_722 = vector.broadcast %mul3A_721 : f32 to vector<16xf32>
          %mul3A_723 = arith.mulf %get3A_720, %mul3A_722 : vector<16xf32>
          tpu.vector_store_idx %arg9[%broadcast_in_dim3A_109, %select_n3A, %select_n3A_83, %add3A_715], %mul3A_723 : memref<4x4x8x129xf32, #tpu.memory_space<vmem>>[vector<16xi32>, vector<16xi32>, vector<16xi32>, vector<16xi32>], vector<16xf32>,
          %add3A_724 = arith.constant 0 : i32
          %add3A_725 = arith.addi %add3A_724, %add3A_711 : i32
          %get3A_726 = arith.index_cast %add3A_725 : i32 to index
          %get3A_727 = arith.constant 16 : index
          %get3A_728 = tpu.vector_load %arg7[%get3A_726, %get3A_727] {strides = array<i32>} : memref<512x32xf32, #tpu.memory_space<vmem>>, vector<16xf32>,
          %mul3A_729 = arith.constant 5.65685415 : f32
          %mul3A_730 = vector.broadcast %mul3A_729 : f32 to vector<16xf32>
          %mul3A_731 = arith.mulf %get3A_728, %mul3A_730 : vector<16xf32>
          tpu.vector_store_idx %arg9[%broadcast_in_dim3A_109, %select_n3A_60, %select_n3A_108, %add3A_715], %mul3A_731 : memref<4x4x8x129xf32, #tpu.memory_space<vmem>>[vector<16xi32>, vector<16xi32>, vector<16xi32>, vector<16xi32>], vector<16xf32>,
          %add3A_732 = arith.constant 128 : i32
          %add3A_733 = arith.addi %add3A_732, %add3A_711 : i32
          %get3A_734 = arith.index_cast %add3A_733 : i32 to index
          %get3A_735 = arith.constant 0 : index
          %get3A_736 = tpu.vector_load %arg7[%get3A_734, %get3A_735] {strides = array<i32>} : memref<512x32xf32, #tpu.memory_space<vmem>>, vector<16xf32>,
          %mul3A_737 = arith.constant 5.65685415 : f32
          %mul3A_738 = vector.broadcast %mul3A_737 : f32 to vector<16xf32>
          %mul3A_739 = arith.mulf %get3A_736, %mul3A_738 : vector<16xf32>
          tpu.vector_store_idx %arg9[%broadcast_in_dim3A_111, %select_n3A, %select_n3A_83, %add3A_715], %mul3A_739 : memref<4x4x8x129xf32, #tpu.memory_space<vmem>>[vector<16xi32>, vector<16xi32>, vector<16xi32>, vector<16xi32>], vector<16xf32>,
          %add3A_740 = arith.constant 128 : i32
          %add3A_741 = arith.addi %add3A_740, %add3A_711 : i32
          %get3A_742 = arith.index_cast %add3A_741 : i32 to index
          %get3A_743 = arith.constant 16 : index
          %get3A_744 = tpu.vector_load %arg7[%get3A_742, %get3A_743] {strides = array<i32>} : memref<512x32xf32, #tpu.memory_space<vmem>>, vector<16xf32>,
          %mul3A_745 = arith.constant 5.65685415 : f32
          %mul3A_746 = vector.broadcast %mul3A_745 : f32 to vector<16xf32>
          %mul3A_747 = arith.mulf %get3A_744, %mul3A_746 : vector<16xf32>
          tpu.vector_store_idx %arg9[%broadcast_in_dim3A_111, %select_n3A_60, %select_n3A_108, %add3A_715], %mul3A_747 : memref<4x4x8x129xf32, #tpu.memory_space<vmem>>[vector<16xi32>, vector<16xi32>, vector<16xi32>, vector<16xi32>], vector<16xf32>,
          %add3A_748 = arith.constant 256 : i32
          %add3A_749 = arith.addi %add3A_748, %add3A_711 : i32
          %get3A_750 = arith.index_cast %add3A_749 : i32 to index
          %get3A_751 = arith.constant 0 : index
          %get3A_752 = tpu.vector_load %arg7[%get3A_750, %get3A_751] {strides = array<i32>} : memref<512x32xf32, #tpu.memory_space<vmem>>, vector<16xf32>,
          %mul3A_753 = arith.constant 5.65685415 : f32
          %mul3A_754 = vector.broadcast %mul3A_753 : f32 to vector<16xf32>
          %mul3A_755 = arith.mulf %get3A_752, %mul3A_754 : vector<16xf32>
          tpu.vector_store_idx %arg9[%broadcast_in_dim3A_113, %select_n3A, %select_n3A_83, %add3A_715], %mul3A_755 : memref<4x4x8x129xf32, #tpu.memory_space<vmem>>[vector<16xi32>, vector<16xi32>, vector<16xi32>, vector<16xi32>], vector<16xf32>,
          %add3A_756 = arith.constant 256 : i32
          %add3A_757 = arith.addi %add3A_756, %add3A_711 : i32
          %get3A_758 = arith.index_cast %add3A_757 : i32 to index
          %get3A_759 = arith.constant 16 : index
          %get3A_760 = tpu.vector_load %arg7[%get3A_758, %get3A_759] {strides = array<i32>} : memref<512x32xf32, #tpu.memory_space<vmem>>, vector<16xf32>,
          %mul3A_761 = arith.constant 5.65685415 : f32
          %mul3A_762 = vector.broadcast %mul3A_761 : f32 to vector<16xf32>
          %mul3A_763 = arith.mulf %get3A_760, %mul3A_762 : vector<16xf32>
          tpu.vector_store_idx %arg9[%broadcast_in_dim3A_113, %select_n3A_60, %select_n3A_108, %add3A_715], %mul3A_763 : memref<4x4x8x129xf32, #tpu.memory_space<vmem>>[vector<16xi32>, vector<16xi32>, vector<16xi32>, vector<16xi32>], vector<16xf32>,
          %add3A_764 = arith.constant 384 : i32
          %add3A_765 = arith.addi %add3A_764, %add3A_711 : i32
          %get3A_766 = arith.index_cast %add3A_765 : i32 to index
          %get3A_767 = arith.constant 0 : index
          %get3A_768 = tpu.vector_load %arg7[%get3A_766, %get3A_767] {strides = array<i32>} : memref<512x32xf32, #tpu.memory_space<vmem>>, vector<16xf32>,
          %mul3A_769 = arith.constant 5.65685415 : f32
          %mul3A_770 = vector.broadcast %mul3A_769 : f32 to vector<16xf32>
          %mul3A_771 = arith.mulf %get3A_768, %mul3A_770 : vector<16xf32>
          tpu.vector_store_idx %arg9[%broadcast_in_dim3A_115, %select_n3A, %select_n3A_83, %add3A_715], %mul3A_771 : memref<4x4x8x129xf32, #tpu.memory_space<vmem>>[vector<16xi32>, vector<16xi32>, vector<16xi32>, vector<16xi32>], vector<16xf32>,
          %add3A_772 = arith.constant 384 : i32
          %add3A_773 = arith.addi %add3A_772, %add3A_711 : i32
          %get3A_774 = arith.index_cast %add3A_773 : i32 to index
          %get3A_775 = arith.constant 16 : index
          %get3A_776 = tpu.vector_load %arg7[%get3A_774, %get3A_775] {strides = array<i32>} : memref<512x32xf32, #tpu.memory_space<vmem>>, vector<16xf32>,
          %mul3A_777 = arith.constant 5.65685415 : f32
          %mul3A_778 = vector.broadcast %mul3A_777 : f32 to vector<16xf32>
          %mul3A_779 = arith.mulf %get3A_776, %mul3A_778 : vector<16xf32>
          tpu.vector_store_idx %arg9[%broadcast_in_dim3A_115, %select_n3A_60, %select_n3A_108, %add3A_715], %mul3A_779 : memref<4x4x8x129xf32, #tpu.memory_space<vmem>>[vector<16xi32>, vector<16xi32>, vector<16xi32>, vector<16xi32>], vector<16xf32>,
          %mul3A_780 = arith.constant 4 : i32
          %mul3A_781 = arith.muli %scan3A_564, %mul3A_780 : i32
          %add3A_782 = arith.constant 3 : i32
          %add3A_783 = arith.addi %mul3A_781, %add3A_782 : i32
          %broadcast_in_dim3A_784 = arith.constant 0 : i32
          %broadcast_in_dim3A_785 = vector.broadcast %broadcast_in_dim3A_784 : i32 to vector<16xi32>
          %add3A_786 = vector.broadcast %add3A_783 : i32 to vector<16xi32>
          %add3A_787 = arith.addi %broadcast_in_dim3A_785, %add3A_786 : vector<16xi32>
          %add3A_788 = arith.constant 0 : i32
          %add3A_789 = arith.addi %add3A_788, %add3A_783 : i32
          %get3A_790 = arith.index_cast %add3A_789 : i32 to index
          %get3A_791 = arith.constant 0 : index
          %get3A_792 = tpu.vector_load %arg7[%get3A_790, %get3A_791] {strides = array<i32>} : memref<512x32xf32, #tpu.memory_space<vmem>>, vector<16xf32>,
          %mul3A_793 = arith.constant 5.65685415 : f32
          %mul3A_794 = vector.broadcast %mul3A_793 : f32 to vector<16xf32>
          %mul3A_795 = arith.mulf %get3A_792, %mul3A_794 : vector<16xf32>
          tpu.vector_store_idx %arg9[%broadcast_in_dim3A_109, %select_n3A, %select_n3A_83, %add3A_787], %mul3A_795 : memref<4x4x8x129xf32, #tpu.memory_space<vmem>>[vector<16xi32>, vector<16xi32>, vector<16xi32>, vector<16xi32>], vector<16xf32>,
          %add3A_796 = arith.constant 0 : i32
          %add3A_797 = arith.addi %add3A_796, %add3A_783 : i32
          %get3A_798 = arith.index_cast %add3A_797 : i32 to index
          %get3A_799 = arith.constant 16 : index
          %get3A_800 = tpu.vector_load %arg7[%get3A_798, %get3A_799] {strides = array<i32>} : memref<512x32xf32, #tpu.memory_space<vmem>>, vector<16xf32>,
          %mul3A_801 = arith.constant 5.65685415 : f32
          %mul3A_802 = vector.broadcast %mul3A_801 : f32 to vector<16xf32>
          %mul3A_803 = arith.mulf %get3A_800, %mul3A_802 : vector<16xf32>
          tpu.vector_store_idx %arg9[%broadcast_in_dim3A_109, %select_n3A_60, %select_n3A_108, %add3A_787], %mul3A_803 : memref<4x4x8x129xf32, #tpu.memory_space<vmem>>[vector<16xi32>, vector<16xi32>, vector<16xi32>, vector<16xi32>], vector<16xf32>,
          %add3A_804 = arith.constant 128 : i32
          %add3A_805 = arith.addi %add3A_804, %add3A_783 : i32
          %get3A_806 = arith.index_cast %add3A_805 : i32 to index
          %get3A_807 = arith.constant 0 : index
          %get3A_808 = tpu.vector_load %arg7[%get3A_806, %get3A_807] {strides = array<i32>} : memref<512x32xf32, #tpu.memory_space<vmem>>, vector<16xf32>,
          %mul3A_809 = arith.constant 5.65685415 : f32
          %mul3A_810 = vector.broadcast %mul3A_809 : f32 to vector<16xf32>
          %mul3A_811 = arith.mulf %get3A_808, %mul3A_810 : vector<16xf32>
          tpu.vector_store_idx %arg9[%broadcast_in_dim3A_111, %select_n3A, %select_n3A_83, %add3A_787], %mul3A_811 : memref<4x4x8x129xf32, #tpu.memory_space<vmem>>[vector<16xi32>, vector<16xi32>, vector<16xi32>, vector<16xi32>], vector<16xf32>,
          %add3A_812 = arith.constant 128 : i32
          %add3A_813 = arith.addi %add3A_812, %add3A_783 : i32
          %get3A_814 = arith.index_cast %add3A_813 : i32 to index
          %get3A_815 = arith.constant 16 : index
          %get3A_816 = tpu.vector_load %arg7[%get3A_814, %get3A_815] {strides = array<i32>} : memref<512x32xf32, #tpu.memory_space<vmem>>, vector<16xf32>,
          %mul3A_817 = arith.constant 5.65685415 : f32
          %mul3A_818 = vector.broadcast %mul3A_817 : f32 to vector<16xf32>
          %mul3A_819 = arith.mulf %get3A_816, %mul3A_818 : vector<16xf32>
          tpu.vector_store_idx %arg9[%broadcast_in_dim3A_111, %select_n3A_60, %select_n3A_108, %add3A_787], %mul3A_819 : memref<4x4x8x129xf32, #tpu.memory_space<vmem>>[vector<16xi32>, vector<16xi32>, vector<16xi32>, vector<16xi32>], vector<16xf32>,
          %add3A_820 = arith.constant 256 : i32
          %add3A_821 = arith.addi %add3A_820, %add3A_783 : i32
          %get3A_822 = arith.index_cast %add3A_821 : i32 to index
          %get3A_823 = arith.constant 0 : index
          %get3A_824 = tpu.vector_load %arg7[%get3A_822, %get3A_823] {strides = array<i32>} : memref<512x32xf32, #tpu.memory_space<vmem>>, vector<16xf32>,
          %mul3A_825 = arith.constant 5.65685415 : f32
          %mul3A_826 = vector.broadcast %mul3A_825 : f32 to vector<16xf32>
          %mul3A_827 = arith.mulf %get3A_824, %mul3A_826 : vector<16xf32>
          tpu.vector_store_idx %arg9[%broadcast_in_dim3A_113, %select_n3A, %select_n3A_83, %add3A_787], %mul3A_827 : memref<4x4x8x129xf32, #tpu.memory_space<vmem>>[vector<16xi32>, vector<16xi32>, vector<16xi32>, vector<16xi32>], vector<16xf32>,
          %add3A_828 = arith.constant 256 : i32
          %add3A_829 = arith.addi %add3A_828, %add3A_783 : i32
          %get3A_830 = arith.index_cast %add3A_829 : i32 to index
          %get3A_831 = arith.constant 16 : index
          %get3A_832 = tpu.vector_load %arg7[%get3A_830, %get3A_831] {strides = array<i32>} : memref<512x32xf32, #tpu.memory_space<vmem>>, vector<16xf32>,
          %mul3A_833 = arith.constant 5.65685415 : f32
          %mul3A_834 = vector.broadcast %mul3A_833 : f32 to vector<16xf32>
          %mul3A_835 = arith.mulf %get3A_832, %mul3A_834 : vector<16xf32>
          tpu.vector_store_idx %arg9[%broadcast_in_dim3A_113, %select_n3A_60, %select_n3A_108, %add3A_787], %mul3A_835 : memref<4x4x8x129xf32, #tpu.memory_space<vmem>>[vector<16xi32>, vector<16xi32>, vector<16xi32>, vector<16xi32>], vector<16xf32>,
          %add3A_836 = arith.constant 384 : i32
          %add3A_837 = arith.addi %add3A_836, %add3A_783 : i32
          %get3A_838 = arith.index_cast %add3A_837 : i32 to index
          %get3A_839 = arith.constant 0 : index
          %get3A_840 = tpu.vector_load %arg7[%get3A_838, %get3A_839] {strides = array<i32>} : memref<512x32xf32, #tpu.memory_space<vmem>>, vector<16xf32>,
          %mul3A_841 = arith.constant 5.65685415 : f32
          %mul3A_842 = vector.broadcast %mul3A_841 : f32 to vector<16xf32>
          %mul3A_843 = arith.mulf %get3A_840, %mul3A_842 : vector<16xf32>
          tpu.vector_store_idx %arg9[%broadcast_in_dim3A_115, %select_n3A, %select_n3A_83, %add3A_787], %mul3A_843 : memref<4x4x8x129xf32, #tpu.memory_space<vmem>>[vector<16xi32>, vector<16xi32>, vector<16xi32>, vector<16xi32>], vector<16xf32>,
          %add3A_844 = arith.constant 384 : i32
          %add3A_845 = arith.addi %add3A_844, %add3A_783 : i32
          %get3A_846 = arith.index_cast %add3A_845 : i32 to index
          %get3A_847 = arith.constant 16 : index
          %get3A_848 = tpu.vector_load %arg7[%get3A_846, %get3A_847] {strides = array<i32>} : memref<512x32xf32, #tpu.memory_space<vmem>>, vector<16xf32>,
          %mul3A_849 = arith.constant 5.65685415 : f32
          %mul3A_850 = vector.broadcast %mul3A_849 : f32 to vector<16xf32>
          %mul3A_851 = arith.mulf %get3A_848, %mul3A_850 : vector<16xf32>
          tpu.vector_store_idx %arg9[%broadcast_in_dim3A_115, %select_n3A_60, %select_n3A_108, %add3A_787], %mul3A_851 : memref<4x4x8x129xf32, #tpu.memory_space<vmem>>[vector<16xi32>, vector<16xi32>, vector<16xi32>, vector<16xi32>], vector<16xf32>,
        }
        %scan3A_352 = arith.constant 32 : i32
        %mul3A_353 = arith.constant 4 : i32
        %mul3A_354 = arith.muli %mul3A_331, %mul3A_353 : i32
        %add3A_355 = arith.constant 0 : i32
        %add3A_356 = arith.addi %mul3A_354, %add3A_355 : i32
        %dma_start3A_357 = arith.constant 0 : i32
        %dma_start3A_358 = arith.constant 0 : i32
        %dma_start3A_359 = arith.constant 0 : i32
        %dma_start3A_360 = arith.constant 0 : i32
        %dma_start3A_361 = tpu.memref_slice %arg9[%dma_start3A_357, %dma_start3A_358, %dma_start3A_359, %dma_start3A_360] : memref<4x4x8x129xf32, #tpu.memory_space<vmem>> -> memref<1x4x8x128xf32, #tpu.memory_space<vmem>>
        %dma_start3A_362 = tpu.memref_squeeze %dma_start3A_361 : memref<1x4x8x128xf32, #tpu.memory_space<vmem>> -> memref<4x8x128xf32, #tpu.memory_space<vmem>>
        %dma_start3A_363 = arith.constant 0 : i32
        %dma_start3A_364 = arith.constant 0 : i32
        %dma_start3A_365 = arith.constant 0 : i32
        %dma_start3A_366 = tpu.memref_slice %arg4[%add3A_356, %dma_start3A_363, %add3A_129, %dma_start3A_364, %dma_start3A_365] : memref<200x4x128x8x128xf32, #tpu.memory_space<hbm>> -> memref<1x4x1x8x128xf32, #tpu.memory_space<hbm>>
        %dma_start3A_367 = tpu.memref_squeeze %dma_start3A_366 : memref<1x4x1x8x128xf32, #tpu.memory_space<hbm>> -> memref<4x8x128xf32, #tpu.memory_space<hbm>>
        %dma_start3A_368 = arith.constant 0 : i32
        %dma_start3A_369 = arith.constant 0 : i32
        %dma_start3A_370 = arith.constant 0 : i32
        %dma_start3A_371 = tpu.memref_slice %arg4[%add3A_356, %dma_start3A_368, %add3A_129, %dma_start3A_369, %dma_start3A_370] : memref<200x4x128x8x128xf32, #tpu.memory_space<hbm>> -> memref<1x4x1x8x128xf32, #tpu.memory_space<hbm>>
        %dma_start3A_372 = tpu.memref_squeeze %dma_start3A_371 : memref<1x4x1x8x128xf32, #tpu.memory_space<hbm>> -> memref<4x8x128xf32, #tpu.memory_space<hbm>>
        %dma_start3A_373 = arith.constant 0 : i32
        %dma_start3A_374 = arith.constant 0 : i32
        %dma_start3A_375 = arith.constant 0 : i32
        %dma_start3A_376 = tpu.memref_slice %arg9[%dma_start3A_357, %dma_start3A_373, %dma_start3A_374, %dma_start3A_375] : memref<4x4x8x129xf32, #tpu.memory_space<vmem>> -> memref<1x4x8x128xf32, #tpu.memory_space<vmem>>
        %dma_start3A_377 = tpu.memref_squeeze %dma_start3A_376 : memref<1x4x8x128xf32, #tpu.memory_space<vmem>> -> memref<4x8x128xf32, #tpu.memory_space<vmem>>
        tpu.enqueue_dma source(%dma_start3A_377 : memref<4x8x128xf32, #tpu.memory_space<vmem>>) target(%dma_start3A_372 : memref<4x8x128xf32, #tpu.memory_space<hbm>>) target_semaphore(%arg13 : memref<!tpu.dma_semaphore, #tpu.memory_space<semaphore_mem>>)
        %add3A_378 = arith.constant 1 : i32
        %add3A_379 = arith.addi %mul3A_354, %add3A_378 : i32
        %dma_start3A_380 = arith.constant 1 : i32
        %dma_start3A_381 = arith.constant 0 : i32
        %dma_start3A_382 = arith.constant 0 : i32
        %dma_start3A_383 = arith.constant 0 : i32
        %dma_start3A_384 = tpu.memref_slice %arg9[%dma_start3A_380, %dma_start3A_381, %dma_start3A_382, %dma_start3A_383] : memref<4x4x8x129xf32, #tpu.memory_space<vmem>> -> memref<1x4x8x128xf32, #tpu.memory_space<vmem>>
        %dma_start3A_385 = tpu.memref_squeeze %dma_start3A_384 : memref<1x4x8x128xf32, #tpu.memory_space<vmem>> -> memref<4x8x128xf32, #tpu.memory_space<vmem>>
        %dma_start3A_386 = arith.constant 0 : i32
        %dma_start3A_387 = arith.constant 0 : i32
        %dma_start3A_388 = arith.constant 0 : i32
        %dma_start3A_389 = tpu.memref_slice %arg4[%add3A_379, %dma_start3A_386, %add3A_129, %dma_start3A_387, %dma_start3A_388] : memref<200x4x128x8x128xf32, #tpu.memory_space<hbm>> -> memref<1x4x1x8x128xf32, #tpu.memory_space<hbm>>
        %dma_start3A_390 = tpu.memref_squeeze %dma_start3A_389 : memref<1x4x1x8x128xf32, #tpu.memory_space<hbm>> -> memref<4x8x128xf32, #tpu.memory_space<hbm>>
        %dma_start3A_391 = arith.constant 0 : i32
        %dma_start3A_392 = arith.constant 0 : i32
        %dma_start3A_393 = arith.constant 0 : i32
        %dma_start3A_394 = tpu.memref_slice %arg4[%add3A_379, %dma_start3A_391, %add3A_129, %dma_start3A_392, %dma_start3A_393] : memref<200x4x128x8x128xf32, #tpu.memory_space<hbm>> -> memref<1x4x1x8x128xf32, #tpu.memory_space<hbm>>
        %dma_start3A_395 = tpu.memref_squeeze %dma_start3A_394 : memref<1x4x1x8x128xf32, #tpu.memory_space<hbm>> -> memref<4x8x128xf32, #tpu.memory_space<hbm>>
        %dma_start3A_396 = arith.constant 0 : i32
        %dma_start3A_397 = arith.constant 0 : i32
        %dma_start3A_398 = arith.constant 0 : i32
        %dma_start3A_399 = tpu.memref_slice %arg9[%dma_start3A_380, %dma_start3A_396, %dma_start3A_397, %dma_start3A_398] : memref<4x4x8x129xf32, #tpu.memory_space<vmem>> -> memref<1x4x8x128xf32, #tpu.memory_space<vmem>>
        %dma_start3A_400 = tpu.memref_squeeze %dma_start3A_399 : memref<1x4x8x128xf32, #tpu.memory_space<vmem>> -> memref<4x8x128xf32, #tpu.memory_space<vmem>>
        tpu.enqueue_dma source(%dma_start3A_400 : memref<4x8x128xf32, #tpu.memory_space<vmem>>) target(%dma_start3A_395 : memref<4x8x128xf32, #tpu.memory_space<hbm>>) target_semaphore(%arg13 : memref<!tpu.dma_semaphore, #tpu.memory_space<semaphore_mem>>)
        %add3A_401 = arith.constant 2 : i32
        %add3A_402 = arith.addi %mul3A_354, %add3A_401 : i32
        %dma_start3A_403 = arith.constant 2 : i32
        %dma_start3A_404 = arith.constant 0 : i32
        %dma_start3A_405 = arith.constant 0 : i32
        %dma_start3A_406 = arith.constant 0 : i32
        %dma_start3A_407 = tpu.memref_slice %arg9[%dma_start3A_403, %dma_start3A_404, %dma_start3A_405, %dma_start3A_406] : memref<4x4x8x129xf32, #tpu.memory_space<vmem>> -> memref<1x4x8x128xf32, #tpu.memory_space<vmem>>
        %dma_start3A_408 = tpu.memref_squeeze %dma_start3A_407 : memref<1x4x8x128xf32, #tpu.memory_space<vmem>> -> memref<4x8x128xf32, #tpu.memory_space<vmem>>
        %dma_start3A_409 = arith.constant 0 : i32
        %dma_start3A_410 = arith.constant 0 : i32
        %dma_start3A_411 = arith.constant 0 : i32
        %dma_start3A_412 = tpu.memref_slice %arg4[%add3A_402, %dma_start3A_409, %add3A_129, %dma_start3A_410, %dma_start3A_411] : memref<200x4x128x8x128xf32, #tpu.memory_space<hbm>> -> memref<1x4x1x8x128xf32, #tpu.memory_space<hbm>>
        %dma_start3A_413 = tpu.memref_squeeze %dma_start3A_412 : memref<1x4x1x8x128xf32, #tpu.memory_space<hbm>> -> memref<4x8x128xf32, #tpu.memory_space<hbm>>
        %dma_start3A_414 = arith.constant 0 : i32
        %dma_start3A_415 = arith.constant 0 : i32
        %dma_start3A_416 = arith.constant 0 : i32
        %dma_start3A_417 = tpu.memref_slice %arg4[%add3A_402, %dma_start3A_414, %add3A_129, %dma_start3A_415, %dma_start3A_416] : memref<200x4x128x8x128xf32, #tpu.memory_space<hbm>> -> memref<1x4x1x8x128xf32, #tpu.memory_space<hbm>>
        %dma_start3A_418 = tpu.memref_squeeze %dma_start3A_417 : memref<1x4x1x8x128xf32, #tpu.memory_space<hbm>> -> memref<4x8x128xf32, #tpu.memory_space<hbm>>
        %dma_start3A_419 = arith.constant 0 : i32
        %dma_start3A_420 = arith.constant 0 : i32
        %dma_start3A_421 = arith.constant 0 : i32
        %dma_start3A_422 = tpu.memref_slice %arg9[%dma_start3A_403, %dma_start3A_419, %dma_start3A_420, %dma_start3A_421] : memref<4x4x8x129xf32, #tpu.memory_space<vmem>> -> memref<1x4x8x128xf32, #tpu.memory_space<vmem>>
        %dma_start3A_423 = tpu.memref_squeeze %dma_start3A_422 : memref<1x4x8x128xf32, #tpu.memory_space<vmem>> -> memref<4x8x128xf32, #tpu.memory_space<vmem>>
        tpu.enqueue_dma source(%dma_start3A_423 : memref<4x8x128xf32, #tpu.memory_space<vmem>>) target(%dma_start3A_418 : memref<4x8x128xf32, #tpu.memory_space<hbm>>) target_semaphore(%arg13 : memref<!tpu.dma_semaphore, #tpu.memory_space<semaphore_mem>>)
        %add3A_424 = arith.constant 3 : i32
        %add3A_425 = arith.addi %mul3A_354, %add3A_424 : i32
        %dma_start3A_426 = arith.constant 3 : i32
        %dma_start3A_427 = arith.constant 0 : i32
        %dma_start3A_428 = arith.constant 0 : i32
        %dma_start3A_429 = arith.constant 0 : i32
        %dma_start3A_430 = tpu.memref_slice %arg9[%dma_start3A_426, %dma_start3A_427, %dma_start3A_428, %dma_start3A_429] : memref<4x4x8x129xf32, #tpu.memory_space<vmem>> -> memref<1x4x8x128xf32, #tpu.memory_space<vmem>>
        %dma_start3A_431 = tpu.memref_squeeze %dma_start3A_430 : memref<1x4x8x128xf32, #tpu.memory_space<vmem>> -> memref<4x8x128xf32, #tpu.memory_space<vmem>>
        %dma_start3A_432 = arith.constant 0 : i32
        %dma_start3A_433 = arith.constant 0 : i32
        %dma_start3A_434 = arith.constant 0 : i32
        %dma_start3A_435 = tpu.memref_slice %arg4[%add3A_425, %dma_start3A_432, %add3A_129, %dma_start3A_433, %dma_start3A_434] : memref<200x4x128x8x128xf32, #tpu.memory_space<hbm>> -> memref<1x4x1x8x128xf32, #tpu.memory_space<hbm>>
        %dma_start3A_436 = tpu.memref_squeeze %dma_start3A_435 : memref<1x4x1x8x128xf32, #tpu.memory_space<hbm>> -> memref<4x8x128xf32, #tpu.memory_space<hbm>>
        %dma_start3A_437 = arith.constant 0 : i32
        %dma_start3A_438 = arith.constant 0 : i32
        %dma_start3A_439 = arith.constant 0 : i32
        %dma_start3A_440 = tpu.memref_slice %arg4[%add3A_425, %dma_start3A_437, %add3A_129, %dma_start3A_438, %dma_start3A_439] : memref<200x4x128x8x128xf32, #tpu.memory_space<hbm>> -> memref<1x4x1x8x128xf32, #tpu.memory_space<hbm>>
        %dma_start3A_441 = tpu.memref_squeeze %dma_start3A_440 : memref<1x4x1x8x128xf32, #tpu.memory_space<hbm>> -> memref<4x8x128xf32, #tpu.memory_space<hbm>>
        %dma_start3A_442 = arith.constant 0 : i32
        %dma_start3A_443 = arith.constant 0 : i32
        %dma_start3A_444 = arith.constant 0 : i32
        %dma_start3A_445 = tpu.memref_slice %arg9[%dma_start3A_426, %dma_start3A_442, %dma_start3A_443, %dma_start3A_444] : memref<4x4x8x129xf32, #tpu.memory_space<vmem>> -> memref<1x4x8x128xf32, #tpu.memory_space<vmem>>
        %dma_start3A_446 = tpu.memref_squeeze %dma_start3A_445 : memref<1x4x8x128xf32, #tpu.memory_space<vmem>> -> memref<4x8x128xf32, #tpu.memory_space<vmem>>
        tpu.enqueue_dma source(%dma_start3A_446 : memref<4x8x128xf32, #tpu.memory_space<vmem>>) target(%dma_start3A_441 : memref<4x8x128xf32, #tpu.memory_space<hbm>>) target_semaphore(%arg13 : memref<!tpu.dma_semaphore, #tpu.memory_space<semaphore_mem>>)
        %lt3A_447 = arith.constant 24 : i32
        %lt3A_448 = arith.cmpi slt, %scan3A_329, %lt3A_447 : i32
        %convert_element_type3A_449 = arith.extui %lt3A_448 : i1 to i32
        %cond3A_450 = arith.constant 0 : i32
        %cond3A_451 = arith.cmpi ne, %convert_element_type3A_449, %cond3A_450 : i32
        scf.if %cond3A_451 {
          %add3A_564 = arith.constant 2 : i32
          %add3A_565 = arith.addi %mul3A_331, %add3A_564 : i32
          %mul3A_566 = arith.constant 512 : i32
          %mul3A_567 = arith.muli %add3A_565, %mul3A_566 : i32
          %dma_start3A_568 = tpu.memref_slice %arg6[%mul3A_567] : memref<25600xi32, #tpu.memory_space<vmem>> -> memref<512xi32, #tpu.memory_space<vmem>>
          %dma_start3A_569 = arith.constant 0 : i32
          %dma_start3A_570 = arith.constant 0 : i32
          %dma_start3A_571 = tpu.memref_slice %arg3[%dma_start3A_569, %dma_start3A_570] : memref<1000000x32xf32, #tpu.memory_space<hbm>> -> memref<1000000x32xf32, #tpu.memory_space<hbm>>
          tpu.enqueue_indirect_dma source(%dma_start3A_571 : memref<1000000x32xf32, #tpu.memory_space<hbm>>) target(%arg7 : memref<512x32xf32, #tpu.memory_space<vmem>>) offsets(%dma_start3A_568 : memref<512xi32, #tpu.memory_space<vmem>>) semaphore(%arg11 : memref<!tpu.dma_semaphore, #tpu.memory_space<semaphore_mem>>)
        } else {
        }
        %dma_wait3A_452 = arith.constant 0 : i32
        %dma_wait3A_453 = tpu.memref_slice %arg6[%dma_wait3A_452] : memref<25600xi32, #tpu.memory_space<vmem>> -> memref<512xi32, #tpu.memory_space<vmem>>
        %dma_wait3A_454 = arith.constant 0 : i32
        %dma_wait3A_455 = arith.constant 0 : i32
        %dma_wait3A_456 = tpu.memref_slice %arg3[%dma_wait3A_454, %dma_wait3A_455] : memref<1000000x32xf32, #tpu.memory_space<hbm>> -> memref<1000000x32xf32, #tpu.memory_space<hbm>>
        tpu.wait_indirect_dma semaphore(%arg12 : memref<!tpu.dma_semaphore, #tpu.memory_space<semaphore_mem>>) src(%dma_wait3A_456 : memref<1000000x32xf32, #tpu.memory_space<hbm>>) dst(%arg8 : memref<512x32xf32, #tpu.memory_space<vmem>>)
        %gt3A_457 = arith.constant 0 : i32
        %gt3A_458 = arith.cmpi sgt, %scan3A_329, %gt3A_457 : i32
        %convert_element_type3A_459 = arith.extui %gt3A_458 : i1 to i32
        %cond3A_460 = arith.constant 0 : i32
        %cond3A_461 = arith.cmpi ne, %convert_element_type3A_459, %cond3A_460 : i32
        scf.if %cond3A_461 {
          %dma_wait3A_564 = arith.constant 0 : i32
          %dma_wait3A_565 = arith.constant 0 : i32
          %dma_wait3A_566 = arith.constant 0 : i32
          %dma_wait3A_567 = arith.constant 0 : i32
          %dma_wait3A_568 = arith.constant 0 : i32
          %dma_wait3A_569 = arith.constant 0 : i32
          %dma_wait3A_570 = tpu.memref_slice %arg10[%dma_wait3A_564, %dma_wait3A_567, %dma_wait3A_568, %dma_wait3A_569] : memref<4x4x8x129xf32, #tpu.memory_space<vmem>> -> memref<1x4x8x128xf32, #tpu.memory_space<vmem>>
          %dma_wait3A_571 = tpu.memref_squeeze %dma_wait3A_570 : memref<1x4x8x128xf32, #tpu.memory_space<vmem>> -> memref<4x8x128xf32, #tpu.memory_space<vmem>>
          %dma_wait3A_572 = arith.constant 0 : i32
          %dma_wait3A_573 = arith.constant 0 : i32
          %dma_wait3A_574 = arith.constant 0 : i32
          %dma_wait3A_575 = tpu.memref_slice %arg4[%dma_wait3A_565, %dma_wait3A_572, %dma_wait3A_566, %dma_wait3A_573, %dma_wait3A_574] : memref<200x4x128x8x128xf32, #tpu.memory_space<hbm>> -> memref<1x4x1x8x128xf32, #tpu.memory_space<hbm>>
          %dma_wait3A_576 = tpu.memref_squeeze %dma_wait3A_575 : memref<1x4x1x8x128xf32, #tpu.memory_space<hbm>> -> memref<4x8x128xf32, #tpu.memory_space<hbm>>
          %dma_wait3A_577 = arith.constant 0 : i32
          %dma_wait3A_578 = arith.constant 0 : i32
          %dma_wait3A_579 = arith.constant 0 : i32
          %dma_wait3A_580 = tpu.memref_slice %arg4[%dma_wait3A_565, %dma_wait3A_577, %dma_wait3A_566, %dma_wait3A_578, %dma_wait3A_579] : memref<200x4x128x8x128xf32, #tpu.memory_space<hbm>> -> memref<1x4x1x8x128xf32, #tpu.memory_space<hbm>>
          %dma_wait3A_581 = tpu.memref_squeeze %dma_wait3A_580 : memref<1x4x1x8x128xf32, #tpu.memory_space<hbm>> -> memref<4x8x128xf32, #tpu.memory_space<hbm>>
          %dma_wait3A_582 = arith.constant 0 : i32
          %dma_wait3A_583 = arith.constant 0 : i32
          %dma_wait3A_584 = arith.constant 0 : i32
          %dma_wait3A_585 = tpu.memref_slice %arg10[%dma_wait3A_564, %dma_wait3A_582, %dma_wait3A_583, %dma_wait3A_584] : memref<4x4x8x129xf32, #tpu.memory_space<vmem>> -> memref<1x4x8x128xf32, #tpu.memory_space<vmem>>
          %dma_wait3A_586 = tpu.memref_squeeze %dma_wait3A_585 : memref<1x4x8x128xf32, #tpu.memory_space<vmem>> -> memref<4x8x128xf32, #tpu.memory_space<vmem>>
          tpu.wait_dma2 semaphore(%arg14 : memref<!tpu.dma_semaphore, #tpu.memory_space<semaphore_mem>>) src(%dma_wait3A_586 : memref<4x8x128xf32, #tpu.memory_space<vmem>>) dst(%dma_wait3A_581 : memref<4x8x128xf32, #tpu.memory_space<hbm>>)
          %dma_wait3A_587 = arith.constant 1 : i32
          %dma_wait3A_588 = arith.constant 0 : i32
          %dma_wait3A_589 = arith.constant 0 : i32
          %dma_wait3A_590 = arith.constant 0 : i32
          %dma_wait3A_591 = arith.constant 0 : i32
          %dma_wait3A_592 = arith.constant 0 : i32
          %dma_wait3A_593 = tpu.memref_slice %arg10[%dma_wait3A_587, %dma_wait3A_590, %dma_wait3A_591, %dma_wait3A_592] : memref<4x4x8x129xf32, #tpu.memory_space<vmem>> -> memref<1x4x8x128xf32, #tpu.memory_space<vmem>>
          %dma_wait3A_594 = tpu.memref_squeeze %dma_wait3A_593 : memref<1x4x8x128xf32, #tpu.memory_space<vmem>> -> memref<4x8x128xf32, #tpu.memory_space<vmem>>
          %dma_wait3A_595 = arith.constant 0 : i32
          %dma_wait3A_596 = arith.constant 0 : i32
          %dma_wait3A_597 = arith.constant 0 : i32
          %dma_wait3A_598 = tpu.memref_slice %arg4[%dma_wait3A_588, %dma_wait3A_595, %dma_wait3A_589, %dma_wait3A_596, %dma_wait3A_597] : memref<200x4x128x8x128xf32, #tpu.memory_space<hbm>> -> memref<1x4x1x8x128xf32, #tpu.memory_space<hbm>>
          %dma_wait3A_599 = tpu.memref_squeeze %dma_wait3A_598 : memref<1x4x1x8x128xf32, #tpu.memory_space<hbm>> -> memref<4x8x128xf32, #tpu.memory_space<hbm>>
          %dma_wait3A_600 = arith.constant 0 : i32
          %dma_wait3A_601 = arith.constant 0 : i32
          %dma_wait3A_602 = arith.constant 0 : i32
          %dma_wait3A_603 = tpu.memref_slice %arg4[%dma_wait3A_588, %dma_wait3A_600, %dma_wait3A_589, %dma_wait3A_601, %dma_wait3A_602] : memref<200x4x128x8x128xf32, #tpu.memory_space<hbm>> -> memref<1x4x1x8x128xf32, #tpu.memory_space<hbm>>
          %dma_wait3A_604 = tpu.memref_squeeze %dma_wait3A_603 : memref<1x4x1x8x128xf32, #tpu.memory_space<hbm>> -> memref<4x8x128xf32, #tpu.memory_space<hbm>>
          %dma_wait3A_605 = arith.constant 0 : i32
          %dma_wait3A_606 = arith.constant 0 : i32
          %dma_wait3A_607 = arith.constant 0 : i32
          %dma_wait3A_608 = tpu.memref_slice %arg10[%dma_wait3A_587, %dma_wait3A_605, %dma_wait3A_606, %dma_wait3A_607] : memref<4x4x8x129xf32, #tpu.memory_space<vmem>> -> memref<1x4x8x128xf32, #tpu.memory_space<vmem>>
          %dma_wait3A_609 = tpu.memref_squeeze %dma_wait3A_608 : memref<1x4x8x128xf32, #tpu.memory_space<vmem>> -> memref<4x8x128xf32, #tpu.memory_space<vmem>>
          tpu.wait_dma2 semaphore(%arg14 : memref<!tpu.dma_semaphore, #tpu.memory_space<semaphore_mem>>) src(%dma_wait3A_609 : memref<4x8x128xf32, #tpu.memory_space<vmem>>) dst(%dma_wait3A_604 : memref<4x8x128xf32, #tpu.memory_space<hbm>>)
          %dma_wait3A_610 = arith.constant 2 : i32
          %dma_wait3A_611 = arith.constant 0 : i32
          %dma_wait3A_612 = arith.constant 0 : i32
          %dma_wait3A_613 = arith.constant 0 : i32
          %dma_wait3A_614 = arith.constant 0 : i32
          %dma_wait3A_615 = arith.constant 0 : i32
          %dma_wait3A_616 = tpu.memref_slice %arg10[%dma_wait3A_610, %dma_wait3A_613, %dma_wait3A_614, %dma_wait3A_615] : memref<4x4x8x129xf32, #tpu.memory_space<vmem>> -> memref<1x4x8x128xf32, #tpu.memory_space<vmem>>
          %dma_wait3A_617 = tpu.memref_squeeze %dma_wait3A_616 : memref<1x4x8x128xf32, #tpu.memory_space<vmem>> -> memref<4x8x128xf32, #tpu.memory_space<vmem>>
          %dma_wait3A_618 = arith.constant 0 : i32
          %dma_wait3A_619 = arith.constant 0 : i32
          %dma_wait3A_620 = arith.constant 0 : i32
          %dma_wait3A_621 = tpu.memref_slice %arg4[%dma_wait3A_611, %dma_wait3A_618, %dma_wait3A_612, %dma_wait3A_619, %dma_wait3A_620] : memref<200x4x128x8x128xf32, #tpu.memory_space<hbm>> -> memref<1x4x1x8x128xf32, #tpu.memory_space<hbm>>
          %dma_wait3A_622 = tpu.memref_squeeze %dma_wait3A_621 : memref<1x4x1x8x128xf32, #tpu.memory_space<hbm>> -> memref<4x8x128xf32, #tpu.memory_space<hbm>>
          %dma_wait3A_623 = arith.constant 0 : i32
          %dma_wait3A_624 = arith.constant 0 : i32
          %dma_wait3A_625 = arith.constant 0 : i32
          %dma_wait3A_626 = tpu.memref_slice %arg4[%dma_wait3A_611, %dma_wait3A_623, %dma_wait3A_612, %dma_wait3A_624, %dma_wait3A_625] : memref<200x4x128x8x128xf32, #tpu.memory_space<hbm>> -> memref<1x4x1x8x128xf32, #tpu.memory_space<hbm>>
          %dma_wait3A_627 = tpu.memref_squeeze %dma_wait3A_626 : memref<1x4x1x8x128xf32, #tpu.memory_space<hbm>> -> memref<4x8x128xf32, #tpu.memory_space<hbm>>
          %dma_wait3A_628 = arith.constant 0 : i32
          %dma_wait3A_629 = arith.constant 0 : i32
          %dma_wait3A_630 = arith.constant 0 : i32
          %dma_wait3A_631 = tpu.memref_slice %arg10[%dma_wait3A_610, %dma_wait3A_628, %dma_wait3A_629, %dma_wait3A_630] : memref<4x4x8x129xf32, #tpu.memory_space<vmem>> -> memref<1x4x8x128xf32, #tpu.memory_space<vmem>>
          %dma_wait3A_632 = tpu.memref_squeeze %dma_wait3A_631 : memref<1x4x8x128xf32, #tpu.memory_space<vmem>> -> memref<4x8x128xf32, #tpu.memory_space<vmem>>
          tpu.wait_dma2 semaphore(%arg14 : memref<!tpu.dma_semaphore, #tpu.memory_space<semaphore_mem>>) src(%dma_wait3A_632 : memref<4x8x128xf32, #tpu.memory_space<vmem>>) dst(%dma_wait3A_627 : memref<4x8x128xf32, #tpu.memory_space<hbm>>)
          %dma_wait3A_633 = arith.constant 3 : i32
          %dma_wait3A_634 = arith.constant 0 : i32
          %dma_wait3A_635 = arith.constant 0 : i32
          %dma_wait3A_636 = arith.constant 0 : i32
          %dma_wait3A_637 = arith.constant 0 : i32
          %dma_wait3A_638 = arith.constant 0 : i32
          %dma_wait3A_639 = tpu.memref_slice %arg10[%dma_wait3A_633, %dma_wait3A_636, %dma_wait3A_637, %dma_wait3A_638] : memref<4x4x8x129xf32, #tpu.memory_space<vmem>> -> memref<1x4x8x128xf32, #tpu.memory_space<vmem>>
          %dma_wait3A_640 = tpu.memref_squeeze %dma_wait3A_639 : memref<1x4x8x128xf32, #tpu.memory_space<vmem>> -> memref<4x8x128xf32, #tpu.memory_space<vmem>>
          %dma_wait3A_641 = arith.constant 0 : i32
          %dma_wait3A_642 = arith.constant 0 : i32
          %dma_wait3A_643 = arith.constant 0 : i32
          %dma_wait3A_644 = tpu.memref_slice %arg4[%dma_wait3A_634, %dma_wait3A_641, %dma_wait3A_635, %dma_wait3A_642, %dma_wait3A_643] : memref<200x4x128x8x128xf32, #tpu.memory_space<hbm>> -> memref<1x4x1x8x128xf32, #tpu.memory_space<hbm>>
          %dma_wait3A_645 = tpu.memref_squeeze %dma_wait3A_644 : memref<1x4x1x8x128xf32, #tpu.memory_space<hbm>> -> memref<4x8x128xf32, #tpu.memory_space<hbm>>
          %dma_wait3A_646 = arith.constant 0 : i32
          %dma_wait3A_647 = arith.constant 0 : i32
          %dma_wait3A_648 = arith.constant 0 : i32
          %dma_wait3A_649 = tpu.memref_slice %arg4[%dma_wait3A_634, %dma_wait3A_646, %dma_wait3A_635, %dma_wait3A_647, %dma_wait3A_648] : memref<200x4x128x8x128xf32, #tpu.memory_space<hbm>> -> memref<1x4x1x8x128xf32, #tpu.memory_space<hbm>>
          %dma_wait3A_650 = tpu.memref_squeeze %dma_wait3A_649 : memref<1x4x1x8x128xf32, #tpu.memory_space<hbm>> -> memref<4x8x128xf32, #tpu.memory_space<hbm>>
          %dma_wait3A_651 = arith.constant 0 : i32
          %dma_wait3A_652 = arith.constant 0 : i32
          %dma_wait3A_653 = arith.constant 0 : i32
          %dma_wait3A_654 = tpu.memref_slice %arg10[%dma_wait3A_633, %dma_wait3A_651, %dma_wait3A_652, %dma_wait3A_653] : memref<4x4x8x129xf32, #tpu.memory_space<vmem>> -> memref<1x4x8x128xf32, #tpu.memory_space<vmem>>
          %dma_wait3A_655 = tpu.memref_squeeze %dma_wait3A_654 : memref<1x4x8x128xf32, #tpu.memory_space<vmem>> -> memref<4x8x128xf32, #tpu.memory_space<vmem>>
          tpu.wait_dma2 semaphore(%arg14 : memref<!tpu.dma_semaphore, #tpu.memory_space<semaphore_mem>>) src(%dma_wait3A_655 : memref<4x8x128xf32, #tpu.memory_space<vmem>>) dst(%dma_wait3A_650 : memref<4x8x128xf32, #tpu.memory_space<hbm>>)
        } else {
        }
        %scan3A_462 = arith.constant 0 : i32
        %scan3A_463 = arith.constant 0 : i32
        %scan3A_464 = arith.constant 32 : i32
        %scan3A_465 = arith.addi %scan3A_463, %scan3A_464 : i32
        %scan3A_466 = arith.constant 1 : i32
        scf.for %scan3A_564 = %scan3A_463 to %scan3A_465 step %scan3A_466  : i32 {
          %mul3A_565 = arith.constant 4 : i32
          %mul3A_566 = arith.muli %scan3A_564, %mul3A_565 : i32
          %add3A_567 = arith.constant 0 : i32
          %add3A_568 = arith.addi %mul3A_566, %add3A_567 : i32
          %broadcast_in_dim3A_569 = arith.constant 0 : i32
          %broadcast_in_dim3A_570 = vector.broadcast %broadcast_in_dim3A_569 : i32 to vector<16xi32>
          %add3A_571 = vector.broadcast %add3A_568 : i32 to vector<16xi32>
          %add3A_572 = arith.addi %broadcast_in_dim3A_570, %add3A_571 : vector<16xi32>
          %add3A_573 = arith.constant 0 : i32
          %add3A_574 = arith.addi %add3A_573, %add3A_568 : i32
          %get3A = arith.index_cast %add3A_574 : i32 to index
          %get3A_575 = arith.constant 0 : index
          %get3A_576 = tpu.vector_load %arg8[%get3A, %get3A_575] {strides = array<i32>} : memref<512x32xf32, #tpu.memory_space<vmem>>, vector<16xf32>,
          %mul3A_577 = arith.constant 5.65685415 : f32
          %mul3A_578 = vector.broadcast %mul3A_577 : f32 to vector<16xf32>
          %mul3A_579 = arith.mulf %get3A_576, %mul3A_578 : vector<16xf32>
          tpu.vector_store_idx %arg10[%broadcast_in_dim3A_109, %select_n3A, %select_n3A_83, %add3A_572], %mul3A_579 : memref<4x4x8x129xf32, #tpu.memory_space<vmem>>[vector<16xi32>, vector<16xi32>, vector<16xi32>, vector<16xi32>], vector<16xf32>,
          %add3A_580 = arith.constant 0 : i32
          %add3A_581 = arith.addi %add3A_580, %add3A_568 : i32
          %get3A_582 = arith.index_cast %add3A_581 : i32 to index
          %get3A_583 = arith.constant 16 : index
          %get3A_584 = tpu.vector_load %arg8[%get3A_582, %get3A_583] {strides = array<i32>} : memref<512x32xf32, #tpu.memory_space<vmem>>, vector<16xf32>,
          %mul3A_585 = arith.constant 5.65685415 : f32
          %mul3A_586 = vector.broadcast %mul3A_585 : f32 to vector<16xf32>
          %mul3A_587 = arith.mulf %get3A_584, %mul3A_586 : vector<16xf32>
          tpu.vector_store_idx %arg10[%broadcast_in_dim3A_109, %select_n3A_60, %select_n3A_108, %add3A_572], %mul3A_587 : memref<4x4x8x129xf32, #tpu.memory_space<vmem>>[vector<16xi32>, vector<16xi32>, vector<16xi32>, vector<16xi32>], vector<16xf32>,
          %add3A_588 = arith.constant 128 : i32
          %add3A_589 = arith.addi %add3A_588, %add3A_568 : i32
          %get3A_590 = arith.index_cast %add3A_589 : i32 to index
          %get3A_591 = arith.constant 0 : index
          %get3A_592 = tpu.vector_load %arg8[%get3A_590, %get3A_591] {strides = array<i32>} : memref<512x32xf32, #tpu.memory_space<vmem>>, vector<16xf32>,
          %mul3A_593 = arith.constant 5.65685415 : f32
          %mul3A_594 = vector.broadcast %mul3A_593 : f32 to vector<16xf32>
          %mul3A_595 = arith.mulf %get3A_592, %mul3A_594 : vector<16xf32>
          tpu.vector_store_idx %arg10[%broadcast_in_dim3A_111, %select_n3A, %select_n3A_83, %add3A_572], %mul3A_595 : memref<4x4x8x129xf32, #tpu.memory_space<vmem>>[vector<16xi32>, vector<16xi32>, vector<16xi32>, vector<16xi32>], vector<16xf32>,
          %add3A_596 = arith.constant 128 : i32
          %add3A_597 = arith.addi %add3A_596, %add3A_568 : i32
          %get3A_598 = arith.index_cast %add3A_597 : i32 to index
          %get3A_599 = arith.constant 16 : index
          %get3A_600 = tpu.vector_load %arg8[%get3A_598, %get3A_599] {strides = array<i32>} : memref<512x32xf32, #tpu.memory_space<vmem>>, vector<16xf32>,
          %mul3A_601 = arith.constant 5.65685415 : f32
          %mul3A_602 = vector.broadcast %mul3A_601 : f32 to vector<16xf32>
          %mul3A_603 = arith.mulf %get3A_600, %mul3A_602 : vector<16xf32>
          tpu.vector_store_idx %arg10[%broadcast_in_dim3A_111, %select_n3A_60, %select_n3A_108, %add3A_572], %mul3A_603 : memref<4x4x8x129xf32, #tpu.memory_space<vmem>>[vector<16xi32>, vector<16xi32>, vector<16xi32>, vector<16xi32>], vector<16xf32>,
          %add3A_604 = arith.constant 256 : i32
          %add3A_605 = arith.addi %add3A_604, %add3A_568 : i32
          %get3A_606 = arith.index_cast %add3A_605 : i32 to index
          %get3A_607 = arith.constant 0 : index
          %get3A_608 = tpu.vector_load %arg8[%get3A_606, %get3A_607] {strides = array<i32>} : memref<512x32xf32, #tpu.memory_space<vmem>>, vector<16xf32>,
          %mul3A_609 = arith.constant 5.65685415 : f32
          %mul3A_610 = vector.broadcast %mul3A_609 : f32 to vector<16xf32>
          %mul3A_611 = arith.mulf %get3A_608, %mul3A_610 : vector<16xf32>
          tpu.vector_store_idx %arg10[%broadcast_in_dim3A_113, %select_n3A, %select_n3A_83, %add3A_572], %mul3A_611 : memref<4x4x8x129xf32, #tpu.memory_space<vmem>>[vector<16xi32>, vector<16xi32>, vector<16xi32>, vector<16xi32>], vector<16xf32>,
          %add3A_612 = arith.constant 256 : i32
          %add3A_613 = arith.addi %add3A_612, %add3A_568 : i32
          %get3A_614 = arith.index_cast %add3A_613 : i32 to index
          %get3A_615 = arith.constant 16 : index
          %get3A_616 = tpu.vector_load %arg8[%get3A_614, %get3A_615] {strides = array<i32>} : memref<512x32xf32, #tpu.memory_space<vmem>>, vector<16xf32>,
          %mul3A_617 = arith.constant 5.65685415 : f32
          %mul3A_618 = vector.broadcast %mul3A_617 : f32 to vector<16xf32>
          %mul3A_619 = arith.mulf %get3A_616, %mul3A_618 : vector<16xf32>
          tpu.vector_store_idx %arg10[%broadcast_in_dim3A_113, %select_n3A_60, %select_n3A_108, %add3A_572], %mul3A_619 : memref<4x4x8x129xf32, #tpu.memory_space<vmem>>[vector<16xi32>, vector<16xi32>, vector<16xi32>, vector<16xi32>], vector<16xf32>,
          %add3A_620 = arith.constant 384 : i32
          %add3A_621 = arith.addi %add3A_620, %add3A_568 : i32
          %get3A_622 = arith.index_cast %add3A_621 : i32 to index
          %get3A_623 = arith.constant 0 : index
          %get3A_624 = tpu.vector_load %arg8[%get3A_622, %get3A_623] {strides = array<i32>} : memref<512x32xf32, #tpu.memory_space<vmem>>, vector<16xf32>,
          %mul3A_625 = arith.constant 5.65685415 : f32
          %mul3A_626 = vector.broadcast %mul3A_625 : f32 to vector<16xf32>
          %mul3A_627 = arith.mulf %get3A_624, %mul3A_626 : vector<16xf32>
          tpu.vector_store_idx %arg10[%broadcast_in_dim3A_115, %select_n3A, %select_n3A_83, %add3A_572], %mul3A_627 : memref<4x4x8x129xf32, #tpu.memory_space<vmem>>[vector<16xi32>, vector<16xi32>, vector<16xi32>, vector<16xi32>], vector<16xf32>,
          %add3A_628 = arith.constant 384 : i32
          %add3A_629 = arith.addi %add3A_628, %add3A_568 : i32
          %get3A_630 = arith.index_cast %add3A_629 : i32 to index
          %get3A_631 = arith.constant 16 : index
          %get3A_632 = tpu.vector_load %arg8[%get3A_630, %get3A_631] {strides = array<i32>} : memref<512x32xf32, #tpu.memory_space<vmem>>, vector<16xf32>,
          %mul3A_633 = arith.constant 5.65685415 : f32
          %mul3A_634 = vector.broadcast %mul3A_633 : f32 to vector<16xf32>
          %mul3A_635 = arith.mulf %get3A_632, %mul3A_634 : vector<16xf32>
          tpu.vector_store_idx %arg10[%broadcast_in_dim3A_115, %select_n3A_60, %select_n3A_108, %add3A_572], %mul3A_635 : memref<4x4x8x129xf32, #tpu.memory_space<vmem>>[vector<16xi32>, vector<16xi32>, vector<16xi32>, vector<16xi32>], vector<16xf32>,
          %mul3A_636 = arith.constant 4 : i32
          %mul3A_637 = arith.muli %scan3A_564, %mul3A_636 : i32
          %add3A_638 = arith.constant 1 : i32
          %add3A_639 = arith.addi %mul3A_637, %add3A_638 : i32
          %broadcast_in_dim3A_640 = arith.constant 0 : i32
          %broadcast_in_dim3A_641 = vector.broadcast %broadcast_in_dim3A_640 : i32 to vector<16xi32>
          %add3A_642 = vector.broadcast %add3A_639 : i32 to vector<16xi32>
          %add3A_643 = arith.addi %broadcast_in_dim3A_641, %add3A_642 : vector<16xi32>
          %add3A_644 = arith.constant 0 : i32
          %add3A_645 = arith.addi %add3A_644, %add3A_639 : i32
          %get3A_646 = arith.index_cast %add3A_645 : i32 to index
          %get3A_647 = arith.constant 0 : index
          %get3A_648 = tpu.vector_load %arg8[%get3A_646, %get3A_647] {strides = array<i32>} : memref<512x32xf32, #tpu.memory_space<vmem>>, vector<16xf32>,
          %mul3A_649 = arith.constant 5.65685415 : f32
          %mul3A_650 = vector.broadcast %mul3A_649 : f32 to vector<16xf32>
          %mul3A_651 = arith.mulf %get3A_648, %mul3A_650 : vector<16xf32>
          tpu.vector_store_idx %arg10[%broadcast_in_dim3A_109, %select_n3A, %select_n3A_83, %add3A_643], %mul3A_651 : memref<4x4x8x129xf32, #tpu.memory_space<vmem>>[vector<16xi32>, vector<16xi32>, vector<16xi32>, vector<16xi32>], vector<16xf32>,
          %add3A_652 = arith.constant 0 : i32
          %add3A_653 = arith.addi %add3A_652, %add3A_639 : i32
          %get3A_654 = arith.index_cast %add3A_653 : i32 to index
          %get3A_655 = arith.constant 16 : index
          %get3A_656 = tpu.vector_load %arg8[%get3A_654, %get3A_655] {strides = array<i32>} : memref<512x32xf32, #tpu.memory_space<vmem>>, vector<16xf32>,
          %mul3A_657 = arith.constant 5.65685415 : f32
          %mul3A_658 = vector.broadcast %mul3A_657 : f32 to vector<16xf32>
          %mul3A_659 = arith.mulf %get3A_656, %mul3A_658 : vector<16xf32>
          tpu.vector_store_idx %arg10[%broadcast_in_dim3A_109, %select_n3A_60, %select_n3A_108, %add3A_643], %mul3A_659 : memref<4x4x8x129xf32, #tpu.memory_space<vmem>>[vector<16xi32>, vector<16xi32>, vector<16xi32>, vector<16xi32>], vector<16xf32>,
          %add3A_660 = arith.constant 128 : i32
          %add3A_661 = arith.addi %add3A_660, %add3A_639 : i32
          %get3A_662 = arith.index_cast %add3A_661 : i32 to index
          %get3A_663 = arith.constant 0 : index
          %get3A_664 = tpu.vector_load %arg8[%get3A_662, %get3A_663] {strides = array<i32>} : memref<512x32xf32, #tpu.memory_space<vmem>>, vector<16xf32>,
          %mul3A_665 = arith.constant 5.65685415 : f32
          %mul3A_666 = vector.broadcast %mul3A_665 : f32 to vector<16xf32>
          %mul3A_667 = arith.mulf %get3A_664, %mul3A_666 : vector<16xf32>
          tpu.vector_store_idx %arg10[%broadcast_in_dim3A_111, %select_n3A, %select_n3A_83, %add3A_643], %mul3A_667 : memref<4x4x8x129xf32, #tpu.memory_space<vmem>>[vector<16xi32>, vector<16xi32>, vector<16xi32>, vector<16xi32>], vector<16xf32>,
          %add3A_668 = arith.constant 128 : i32
          %add3A_669 = arith.addi %add3A_668, %add3A_639 : i32
          %get3A_670 = arith.index_cast %add3A_669 : i32 to index
          %get3A_671 = arith.constant 16 : index
          %get3A_672 = tpu.vector_load %arg8[%get3A_670, %get3A_671] {strides = array<i32>} : memref<512x32xf32, #tpu.memory_space<vmem>>, vector<16xf32>,
          %mul3A_673 = arith.constant 5.65685415 : f32
          %mul3A_674 = vector.broadcast %mul3A_673 : f32 to vector<16xf32>
          %mul3A_675 = arith.mulf %get3A_672, %mul3A_674 : vector<16xf32>
          tpu.vector_store_idx %arg10[%broadcast_in_dim3A_111, %select_n3A_60, %select_n3A_108, %add3A_643], %mul3A_675 : memref<4x4x8x129xf32, #tpu.memory_space<vmem>>[vector<16xi32>, vector<16xi32>, vector<16xi32>, vector<16xi32>], vector<16xf32>,
          %add3A_676 = arith.constant 256 : i32
          %add3A_677 = arith.addi %add3A_676, %add3A_639 : i32
          %get3A_678 = arith.index_cast %add3A_677 : i32 to index
          %get3A_679 = arith.constant 0 : index
          %get3A_680 = tpu.vector_load %arg8[%get3A_678, %get3A_679] {strides = array<i32>} : memref<512x32xf32, #tpu.memory_space<vmem>>, vector<16xf32>,
          %mul3A_681 = arith.constant 5.65685415 : f32
          %mul3A_682 = vector.broadcast %mul3A_681 : f32 to vector<16xf32>
          %mul3A_683 = arith.mulf %get3A_680, %mul3A_682 : vector<16xf32>
          tpu.vector_store_idx %arg10[%broadcast_in_dim3A_113, %select_n3A, %select_n3A_83, %add3A_643], %mul3A_683 : memref<4x4x8x129xf32, #tpu.memory_space<vmem>>[vector<16xi32>, vector<16xi32>, vector<16xi32>, vector<16xi32>], vector<16xf32>,
          %add3A_684 = arith.constant 256 : i32
          %add3A_685 = arith.addi %add3A_684, %add3A_639 : i32
          %get3A_686 = arith.index_cast %add3A_685 : i32 to index
          %get3A_687 = arith.constant 16 : index
          %get3A_688 = tpu.vector_load %arg8[%get3A_686, %get3A_687] {strides = array<i32>} : memref<512x32xf32, #tpu.memory_space<vmem>>, vector<16xf32>,
          %mul3A_689 = arith.constant 5.65685415 : f32
          %mul3A_690 = vector.broadcast %mul3A_689 : f32 to vector<16xf32>
          %mul3A_691 = arith.mulf %get3A_688, %mul3A_690 : vector<16xf32>
          tpu.vector_store_idx %arg10[%broadcast_in_dim3A_113, %select_n3A_60, %select_n3A_108, %add3A_643], %mul3A_691 : memref<4x4x8x129xf32, #tpu.memory_space<vmem>>[vector<16xi32>, vector<16xi32>, vector<16xi32>, vector<16xi32>], vector<16xf32>,
          %add3A_692 = arith.constant 384 : i32
          %add3A_693 = arith.addi %add3A_692, %add3A_639 : i32
          %get3A_694 = arith.index_cast %add3A_693 : i32 to index
          %get3A_695 = arith.constant 0 : index
          %get3A_696 = tpu.vector_load %arg8[%get3A_694, %get3A_695] {strides = array<i32>} : memref<512x32xf32, #tpu.memory_space<vmem>>, vector<16xf32>,
          %mul3A_697 = arith.constant 5.65685415 : f32
          %mul3A_698 = vector.broadcast %mul3A_697 : f32 to vector<16xf32>
          %mul3A_699 = arith.mulf %get3A_696, %mul3A_698 : vector<16xf32>
          tpu.vector_store_idx %arg10[%broadcast_in_dim3A_115, %select_n3A, %select_n3A_83, %add3A_643], %mul3A_699 : memref<4x4x8x129xf32, #tpu.memory_space<vmem>>[vector<16xi32>, vector<16xi32>, vector<16xi32>, vector<16xi32>], vector<16xf32>,
          %add3A_700 = arith.constant 384 : i32
          %add3A_701 = arith.addi %add3A_700, %add3A_639 : i32
          %get3A_702 = arith.index_cast %add3A_701 : i32 to index
          %get3A_703 = arith.constant 16 : index
          %get3A_704 = tpu.vector_load %arg8[%get3A_702, %get3A_703] {strides = array<i32>} : memref<512x32xf32, #tpu.memory_space<vmem>>, vector<16xf32>,
          %mul3A_705 = arith.constant 5.65685415 : f32
          %mul3A_706 = vector.broadcast %mul3A_705 : f32 to vector<16xf32>
          %mul3A_707 = arith.mulf %get3A_704, %mul3A_706 : vector<16xf32>
          tpu.vector_store_idx %arg10[%broadcast_in_dim3A_115, %select_n3A_60, %select_n3A_108, %add3A_643], %mul3A_707 : memref<4x4x8x129xf32, #tpu.memory_space<vmem>>[vector<16xi32>, vector<16xi32>, vector<16xi32>, vector<16xi32>], vector<16xf32>,
          %mul3A_708 = arith.constant 4 : i32
          %mul3A_709 = arith.muli %scan3A_564, %mul3A_708 : i32
          %add3A_710 = arith.constant 2 : i32
          %add3A_711 = arith.addi %mul3A_709, %add3A_710 : i32
          %broadcast_in_dim3A_712 = arith.constant 0 : i32
          %broadcast_in_dim3A_713 = vector.broadcast %broadcast_in_dim3A_712 : i32 to vector<16xi32>
          %add3A_714 = vector.broadcast %add3A_711 : i32 to vector<16xi32>
          %add3A_715 = arith.addi %broadcast_in_dim3A_713, %add3A_714 : vector<16xi32>
          %add3A_716 = arith.constant 0 : i32
          %add3A_717 = arith.addi %add3A_716, %add3A_711 : i32
          %get3A_718 = arith.index_cast %add3A_717 : i32 to index
          %get3A_719 = arith.constant 0 : index
          %get3A_720 = tpu.vector_load %arg8[%get3A_718, %get3A_719] {strides = array<i32>} : memref<512x32xf32, #tpu.memory_space<vmem>>, vector<16xf32>,
          %mul3A_721 = arith.constant 5.65685415 : f32
          %mul3A_722 = vector.broadcast %mul3A_721 : f32 to vector<16xf32>
          %mul3A_723 = arith.mulf %get3A_720, %mul3A_722 : vector<16xf32>
          tpu.vector_store_idx %arg10[%broadcast_in_dim3A_109, %select_n3A, %select_n3A_83, %add3A_715], %mul3A_723 : memref<4x4x8x129xf32, #tpu.memory_space<vmem>>[vector<16xi32>, vector<16xi32>, vector<16xi32>, vector<16xi32>], vector<16xf32>,
          %add3A_724 = arith.constant 0 : i32
          %add3A_725 = arith.addi %add3A_724, %add3A_711 : i32
          %get3A_726 = arith.index_cast %add3A_725 : i32 to index
          %get3A_727 = arith.constant 16 : index
          %get3A_728 = tpu.vector_load %arg8[%get3A_726, %get3A_727] {strides = array<i32>} : memref<512x32xf32, #tpu.memory_space<vmem>>, vector<16xf32>,
          %mul3A_729 = arith.constant 5.65685415 : f32
          %mul3A_730 = vector.broadcast %mul3A_729 : f32 to vector<16xf32>
          %mul3A_731 = arith.mulf %get3A_728, %mul3A_730 : vector<16xf32>
          tpu.vector_store_idx %arg10[%broadcast_in_dim3A_109, %select_n3A_60, %select_n3A_108, %add3A_715], %mul3A_731 : memref<4x4x8x129xf32, #tpu.memory_space<vmem>>[vector<16xi32>, vector<16xi32>, vector<16xi32>, vector<16xi32>], vector<16xf32>,
          %add3A_732 = arith.constant 128 : i32
          %add3A_733 = arith.addi %add3A_732, %add3A_711 : i32
          %get3A_734 = arith.index_cast %add3A_733 : i32 to index
          %get3A_735 = arith.constant 0 : index
          %get3A_736 = tpu.vector_load %arg8[%get3A_734, %get3A_735] {strides = array<i32>} : memref<512x32xf32, #tpu.memory_space<vmem>>, vector<16xf32>,
          %mul3A_737 = arith.constant 5.65685415 : f32
          %mul3A_738 = vector.broadcast %mul3A_737 : f32 to vector<16xf32>
          %mul3A_739 = arith.mulf %get3A_736, %mul3A_738 : vector<16xf32>
          tpu.vector_store_idx %arg10[%broadcast_in_dim3A_111, %select_n3A, %select_n3A_83, %add3A_715], %mul3A_739 : memref<4x4x8x129xf32, #tpu.memory_space<vmem>>[vector<16xi32>, vector<16xi32>, vector<16xi32>, vector<16xi32>], vector<16xf32>,
          %add3A_740 = arith.constant 128 : i32
          %add3A_741 = arith.addi %add3A_740, %add3A_711 : i32
          %get3A_742 = arith.index_cast %add3A_741 : i32 to index
          %get3A_743 = arith.constant 16 : index
          %get3A_744 = tpu.vector_load %arg8[%get3A_742, %get3A_743] {strides = array<i32>} : memref<512x32xf32, #tpu.memory_space<vmem>>, vector<16xf32>,
          %mul3A_745 = arith.constant 5.65685415 : f32
          %mul3A_746 = vector.broadcast %mul3A_745 : f32 to vector<16xf32>
          %mul3A_747 = arith.mulf %get3A_744, %mul3A_746 : vector<16xf32>
          tpu.vector_store_idx %arg10[%broadcast_in_dim3A_111, %select_n3A_60, %select_n3A_108, %add3A_715], %mul3A_747 : memref<4x4x8x129xf32, #tpu.memory_space<vmem>>[vector<16xi32>, vector<16xi32>, vector<16xi32>, vector<16xi32>], vector<16xf32>,
          %add3A_748 = arith.constant 256 : i32
          %add3A_749 = arith.addi %add3A_748, %add3A_711 : i32
          %get3A_750 = arith.index_cast %add3A_749 : i32 to index
          %get3A_751 = arith.constant 0 : index
          %get3A_752 = tpu.vector_load %arg8[%get3A_750, %get3A_751] {strides = array<i32>} : memref<512x32xf32, #tpu.memory_space<vmem>>, vector<16xf32>,
          %mul3A_753 = arith.constant 5.65685415 : f32
          %mul3A_754 = vector.broadcast %mul3A_753 : f32 to vector<16xf32>
          %mul3A_755 = arith.mulf %get3A_752, %mul3A_754 : vector<16xf32>
          tpu.vector_store_idx %arg10[%broadcast_in_dim3A_113, %select_n3A, %select_n3A_83, %add3A_715], %mul3A_755 : memref<4x4x8x129xf32, #tpu.memory_space<vmem>>[vector<16xi32>, vector<16xi32>, vector<16xi32>, vector<16xi32>], vector<16xf32>,
          %add3A_756 = arith.constant 256 : i32
          %add3A_757 = arith.addi %add3A_756, %add3A_711 : i32
          %get3A_758 = arith.index_cast %add3A_757 : i32 to index
          %get3A_759 = arith.constant 16 : index
          %get3A_760 = tpu.vector_load %arg8[%get3A_758, %get3A_759] {strides = array<i32>} : memref<512x32xf32, #tpu.memory_space<vmem>>, vector<16xf32>,
          %mul3A_761 = arith.constant 5.65685415 : f32
          %mul3A_762 = vector.broadcast %mul3A_761 : f32 to vector<16xf32>
          %mul3A_763 = arith.mulf %get3A_760, %mul3A_762 : vector<16xf32>
          tpu.vector_store_idx %arg10[%broadcast_in_dim3A_113, %select_n3A_60, %select_n3A_108, %add3A_715], %mul3A_763 : memref<4x4x8x129xf32, #tpu.memory_space<vmem>>[vector<16xi32>, vector<16xi32>, vector<16xi32>, vector<16xi32>], vector<16xf32>,
          %add3A_764 = arith.constant 384 : i32
          %add3A_765 = arith.addi %add3A_764, %add3A_711 : i32
          %get3A_766 = arith.index_cast %add3A_765 : i32 to index
          %get3A_767 = arith.constant 0 : index
          %get3A_768 = tpu.vector_load %arg8[%get3A_766, %get3A_767] {strides = array<i32>} : memref<512x32xf32, #tpu.memory_space<vmem>>, vector<16xf32>,
          %mul3A_769 = arith.constant 5.65685415 : f32
          %mul3A_770 = vector.broadcast %mul3A_769 : f32 to vector<16xf32>
          %mul3A_771 = arith.mulf %get3A_768, %mul3A_770 : vector<16xf32>
          tpu.vector_store_idx %arg10[%broadcast_in_dim3A_115, %select_n3A, %select_n3A_83, %add3A_715], %mul3A_771 : memref<4x4x8x129xf32, #tpu.memory_space<vmem>>[vector<16xi32>, vector<16xi32>, vector<16xi32>, vector<16xi32>], vector<16xf32>,
          %add3A_772 = arith.constant 384 : i32
          %add3A_773 = arith.addi %add3A_772, %add3A_711 : i32
          %get3A_774 = arith.index_cast %add3A_773 : i32 to index
          %get3A_775 = arith.constant 16 : index
          %get3A_776 = tpu.vector_load %arg8[%get3A_774, %get3A_775] {strides = array<i32>} : memref<512x32xf32, #tpu.memory_space<vmem>>, vector<16xf32>,
          %mul3A_777 = arith.constant 5.65685415 : f32
          %mul3A_778 = vector.broadcast %mul3A_777 : f32 to vector<16xf32>
          %mul3A_779 = arith.mulf %get3A_776, %mul3A_778 : vector<16xf32>
          tpu.vector_store_idx %arg10[%broadcast_in_dim3A_115, %select_n3A_60, %select_n3A_108, %add3A_715], %mul3A_779 : memref<4x4x8x129xf32, #tpu.memory_space<vmem>>[vector<16xi32>, vector<16xi32>, vector<16xi32>, vector<16xi32>], vector<16xf32>,
          %mul3A_780 = arith.constant 4 : i32
          %mul3A_781 = arith.muli %scan3A_564, %mul3A_780 : i32
          %add3A_782 = arith.constant 3 : i32
          %add3A_783 = arith.addi %mul3A_781, %add3A_782 : i32
          %broadcast_in_dim3A_784 = arith.constant 0 : i32
          %broadcast_in_dim3A_785 = vector.broadcast %broadcast_in_dim3A_784 : i32 to vector<16xi32>
          %add3A_786 = vector.broadcast %add3A_783 : i32 to vector<16xi32>
          %add3A_787 = arith.addi %broadcast_in_dim3A_785, %add3A_786 : vector<16xi32>
          %add3A_788 = arith.constant 0 : i32
          %add3A_789 = arith.addi %add3A_788, %add3A_783 : i32
          %get3A_790 = arith.index_cast %add3A_789 : i32 to index
          %get3A_791 = arith.constant 0 : index
          %get3A_792 = tpu.vector_load %arg8[%get3A_790, %get3A_791] {strides = array<i32>} : memref<512x32xf32, #tpu.memory_space<vmem>>, vector<16xf32>,
          %mul3A_793 = arith.constant 5.65685415 : f32
          %mul3A_794 = vector.broadcast %mul3A_793 : f32 to vector<16xf32>
          %mul3A_795 = arith.mulf %get3A_792, %mul3A_794 : vector<16xf32>
          tpu.vector_store_idx %arg10[%broadcast_in_dim3A_109, %select_n3A, %select_n3A_83, %add3A_787], %mul3A_795 : memref<4x4x8x129xf32, #tpu.memory_space<vmem>>[vector<16xi32>, vector<16xi32>, vector<16xi32>, vector<16xi32>], vector<16xf32>,
          %add3A_796 = arith.constant 0 : i32
          %add3A_797 = arith.addi %add3A_796, %add3A_783 : i32
          %get3A_798 = arith.index_cast %add3A_797 : i32 to index
          %get3A_799 = arith.constant 16 : index
          %get3A_800 = tpu.vector_load %arg8[%get3A_798, %get3A_799] {strides = array<i32>} : memref<512x32xf32, #tpu.memory_space<vmem>>, vector<16xf32>,
          %mul3A_801 = arith.constant 5.65685415 : f32
          %mul3A_802 = vector.broadcast %mul3A_801 : f32 to vector<16xf32>
          %mul3A_803 = arith.mulf %get3A_800, %mul3A_802 : vector<16xf32>
          tpu.vector_store_idx %arg10[%broadcast_in_dim3A_109, %select_n3A_60, %select_n3A_108, %add3A_787], %mul3A_803 : memref<4x4x8x129xf32, #tpu.memory_space<vmem>>[vector<16xi32>, vector<16xi32>, vector<16xi32>, vector<16xi32>], vector<16xf32>,
          %add3A_804 = arith.constant 128 : i32
          %add3A_805 = arith.addi %add3A_804, %add3A_783 : i32
          %get3A_806 = arith.index_cast %add3A_805 : i32 to index
          %get3A_807 = arith.constant 0 : index
          %get3A_808 = tpu.vector_load %arg8[%get3A_806, %get3A_807] {strides = array<i32>} : memref<512x32xf32, #tpu.memory_space<vmem>>, vector<16xf32>,
          %mul3A_809 = arith.constant 5.65685415 : f32
          %mul3A_810 = vector.broadcast %mul3A_809 : f32 to vector<16xf32>
          %mul3A_811 = arith.mulf %get3A_808, %mul3A_810 : vector<16xf32>
          tpu.vector_store_idx %arg10[%broadcast_in_dim3A_111, %select_n3A, %select_n3A_83, %add3A_787], %mul3A_811 : memref<4x4x8x129xf32, #tpu.memory_space<vmem>>[vector<16xi32>, vector<16xi32>, vector<16xi32>, vector<16xi32>], vector<16xf32>,
          %add3A_812 = arith.constant 128 : i32
          %add3A_813 = arith.addi %add3A_812, %add3A_783 : i32
          %get3A_814 = arith.index_cast %add3A_813 : i32 to index
          %get3A_815 = arith.constant 16 : index
          %get3A_816 = tpu.vector_load %arg8[%get3A_814, %get3A_815] {strides = array<i32>} : memref<512x32xf32, #tpu.memory_space<vmem>>, vector<16xf32>,
          %mul3A_817 = arith.constant 5.65685415 : f32
          %mul3A_818 = vector.broadcast %mul3A_817 : f32 to vector<16xf32>
          %mul3A_819 = arith.mulf %get3A_816, %mul3A_818 : vector<16xf32>
          tpu.vector_store_idx %arg10[%broadcast_in_dim3A_111, %select_n3A_60, %select_n3A_108, %add3A_787], %mul3A_819 : memref<4x4x8x129xf32, #tpu.memory_space<vmem>>[vector<16xi32>, vector<16xi32>, vector<16xi32>, vector<16xi32>], vector<16xf32>,
          %add3A_820 = arith.constant 256 : i32
          %add3A_821 = arith.addi %add3A_820, %add3A_783 : i32
          %get3A_822 = arith.index_cast %add3A_821 : i32 to index
          %get3A_823 = arith.constant 0 : index
          %get3A_824 = tpu.vector_load %arg8[%get3A_822, %get3A_823] {strides = array<i32>} : memref<512x32xf32, #tpu.memory_space<vmem>>, vector<16xf32>,
          %mul3A_825 = arith.constant 5.65685415 : f32
          %mul3A_826 = vector.broadcast %mul3A_825 : f32 to vector<16xf32>
          %mul3A_827 = arith.mulf %get3A_824, %mul3A_826 : vector<16xf32>
          tpu.vector_store_idx %arg10[%broadcast_in_dim3A_113, %select_n3A, %select_n3A_83, %add3A_787], %mul3A_827 : memref<4x4x8x129xf32, #tpu.memory_space<vmem>>[vector<16xi32>, vector<16xi32>, vector<16xi32>, vector<16xi32>], vector<16xf32>,
          %add3A_828 = arith.constant 256 : i32
          %add3A_829 = arith.addi %add3A_828, %add3A_783 : i32
          %get3A_830 = arith.index_cast %add3A_829 : i32 to index
          %get3A_831 = arith.constant 16 : index
          %get3A_832 = tpu.vector_load %arg8[%get3A_830, %get3A_831] {strides = array<i32>} : memref<512x32xf32, #tpu.memory_space<vmem>>, vector<16xf32>,
          %mul3A_833 = arith.constant 5.65685415 : f32
          %mul3A_834 = vector.broadcast %mul3A_833 : f32 to vector<16xf32>
          %mul3A_835 = arith.mulf %get3A_832, %mul3A_834 : vector<16xf32>
          tpu.vector_store_idx %arg10[%broadcast_in_dim3A_113, %select_n3A_60, %select_n3A_108, %add3A_787], %mul3A_835 : memref<4x4x8x129xf32, #tpu.memory_space<vmem>>[vector<16xi32>, vector<16xi32>, vector<16xi32>, vector<16xi32>], vector<16xf32>,
          %add3A_836 = arith.constant 384 : i32
          %add3A_837 = arith.addi %add3A_836, %add3A_783 : i32
          %get3A_838 = arith.index_cast %add3A_837 : i32 to index
          %get3A_839 = arith.constant 0 : index
          %get3A_840 = tpu.vector_load %arg8[%get3A_838, %get3A_839] {strides = array<i32>} : memref<512x32xf32, #tpu.memory_space<vmem>>, vector<16xf32>,
          %mul3A_841 = arith.constant 5.65685415 : f32
          %mul3A_842 = vector.broadcast %mul3A_841 : f32 to vector<16xf32>
          %mul3A_843 = arith.mulf %get3A_840, %mul3A_842 : vector<16xf32>
          tpu.vector_store_idx %arg10[%broadcast_in_dim3A_115, %select_n3A, %select_n3A_83, %add3A_787], %mul3A_843 : memref<4x4x8x129xf32, #tpu.memory_space<vmem>>[vector<16xi32>, vector<16xi32>, vector<16xi32>, vector<16xi32>], vector<16xf32>,
          %add3A_844 = arith.constant 384 : i32
          %add3A_845 = arith.addi %add3A_844, %add3A_783 : i32
          %get3A_846 = arith.index_cast %add3A_845 : i32 to index
          %get3A_847 = arith.constant 16 : index
          %get3A_848 = tpu.vector_load %arg8[%get3A_846, %get3A_847] {strides = array<i32>} : memref<512x32xf32, #tpu.memory_space<vmem>>, vector<16xf32>,
          %mul3A_849 = arith.constant 5.65685415 : f32
          %mul3A_850 = vector.broadcast %mul3A_849 : f32 to vector<16xf32>
          %mul3A_851 = arith.mulf %get3A_848, %mul3A_850 : vector<16xf32>
          tpu.vector_store_idx %arg10[%broadcast_in_dim3A_115, %select_n3A_60, %select_n3A_108, %add3A_787], %mul3A_851 : memref<4x4x8x129xf32, #tpu.memory_space<vmem>>[vector<16xi32>, vector<16xi32>, vector<16xi32>, vector<16xi32>], vector<16xf32>,
        }
        %scan3A_467 = arith.constant 32 : i32
        %add3A_468 = arith.constant 1 : i32
        %add3A_469 = arith.addi %mul3A_331, %add3A_468 : i32
        %mul3A_470 = arith.constant 4 : i32
        %mul3A_471 = arith.muli %add3A_469, %mul3A_470 : i32
        %add3A_472 = arith.constant 0 : i32
        %add3A_473 = arith.addi %mul3A_471, %add3A_472 : i32
        %dma_start3A_474 = arith.constant 0 : i32
        %dma_start3A_475 = arith.constant 0 : i32
        %dma_start3A_476 = arith.constant 0 : i32
        %dma_start3A_477 = arith.constant 0 : i32
        %dma_start3A_478 = tpu.memref_slice %arg10[%dma_start3A_474, %dma_start3A_475, %dma_start3A_476, %dma_start3A_477] : memref<4x4x8x129xf32, #tpu.memory_space<vmem>> -> memref<1x4x8x128xf32, #tpu.memory_space<vmem>>
        %dma_start3A_479 = tpu.memref_squeeze %dma_start3A_478 : memref<1x4x8x128xf32, #tpu.memory_space<vmem>> -> memref<4x8x128xf32, #tpu.memory_space<vmem>>
        %dma_start3A_480 = arith.constant 0 : i32
        %dma_start3A_481 = arith.constant 0 : i32
        %dma_start3A_482 = arith.constant 0 : i32
        %dma_start3A_483 = tpu.memref_slice %arg4[%add3A_473, %dma_start3A_480, %add3A_129, %dma_start3A_481, %dma_start3A_482] : memref<200x4x128x8x128xf32, #tpu.memory_space<hbm>> -> memref<1x4x1x8x128xf32, #tpu.memory_space<hbm>>
        %dma_start3A_484 = tpu.memref_squeeze %dma_start3A_483 : memref<1x4x1x8x128xf32, #tpu.memory_space<hbm>> -> memref<4x8x128xf32, #tpu.memory_space<hbm>>
        %dma_start3A_485 = arith.constant 0 : i32
        %dma_start3A_486 = arith.constant 0 : i32
        %dma_start3A_487 = arith.constant 0 : i32
        %dma_start3A_488 = tpu.memref_slice %arg4[%add3A_473, %dma_start3A_485, %add3A_129, %dma_start3A_486, %dma_start3A_487] : memref<200x4x128x8x128xf32, #tpu.memory_space<hbm>> -> memref<1x4x1x8x128xf32, #tpu.memory_space<hbm>>
        %dma_start3A_489 = tpu.memref_squeeze %dma_start3A_488 : memref<1x4x1x8x128xf32, #tpu.memory_space<hbm>> -> memref<4x8x128xf32, #tpu.memory_space<hbm>>
        %dma_start3A_490 = arith.constant 0 : i32
        %dma_start3A_491 = arith.constant 0 : i32
        %dma_start3A_492 = arith.constant 0 : i32
        %dma_start3A_493 = tpu.memref_slice %arg10[%dma_start3A_474, %dma_start3A_490, %dma_start3A_491, %dma_start3A_492] : memref<4x4x8x129xf32, #tpu.memory_space<vmem>> -> memref<1x4x8x128xf32, #tpu.memory_space<vmem>>
        %dma_start3A_494 = tpu.memref_squeeze %dma_start3A_493 : memref<1x4x8x128xf32, #tpu.memory_space<vmem>> -> memref<4x8x128xf32, #tpu.memory_space<vmem>>
        tpu.enqueue_dma source(%dma_start3A_494 : memref<4x8x128xf32, #tpu.memory_space<vmem>>) target(%dma_start3A_489 : memref<4x8x128xf32, #tpu.memory_space<hbm>>) target_semaphore(%arg14 : memref<!tpu.dma_semaphore, #tpu.memory_space<semaphore_mem>>)
        %add3A_495 = arith.constant 1 : i32
        %add3A_496 = arith.addi %mul3A_471, %add3A_495 : i32
        %dma_start3A_497 = arith.constant 1 : i32
        %dma_start3A_498 = arith.constant 0 : i32
        %dma_start3A_499 = arith.constant 0 : i32
        %dma_start3A_500 = arith.constant 0 : i32
        %dma_start3A_501 = tpu.memref_slice %arg10[%dma_start3A_497, %dma_start3A_498, %dma_start3A_499, %dma_start3A_500] : memref<4x4x8x129xf32, #tpu.memory_space<vmem>> -> memref<1x4x8x128xf32, #tpu.memory_space<vmem>>
        %dma_start3A_502 = tpu.memref_squeeze %dma_start3A_501 : memref<1x4x8x128xf32, #tpu.memory_space<vmem>> -> memref<4x8x128xf32, #tpu.memory_space<vmem>>
        %dma_start3A_503 = arith.constant 0 : i32
        %dma_start3A_504 = arith.constant 0 : i32
        %dma_start3A_505 = arith.constant 0 : i32
        %dma_start3A_506 = tpu.memref_slice %arg4[%add3A_496, %dma_start3A_503, %add3A_129, %dma_start3A_504, %dma_start3A_505] : memref<200x4x128x8x128xf32, #tpu.memory_space<hbm>> -> memref<1x4x1x8x128xf32, #tpu.memory_space<hbm>>
        %dma_start3A_507 = tpu.memref_squeeze %dma_start3A_506 : memref<1x4x1x8x128xf32, #tpu.memory_space<hbm>> -> memref<4x8x128xf32, #tpu.memory_space<hbm>>
        %dma_start3A_508 = arith.constant 0 : i32
        %dma_start3A_509 = arith.constant 0 : i32
        %dma_start3A_510 = arith.constant 0 : i32
        %dma_start3A_511 = tpu.memref_slice %arg4[%add3A_496, %dma_start3A_508, %add3A_129, %dma_start3A_509, %dma_start3A_510] : memref<200x4x128x8x128xf32, #tpu.memory_space<hbm>> -> memref<1x4x1x8x128xf32, #tpu.memory_space<hbm>>
        %dma_start3A_512 = tpu.memref_squeeze %dma_start3A_511 : memref<1x4x1x8x128xf32, #tpu.memory_space<hbm>> -> memref<4x8x128xf32, #tpu.memory_space<hbm>>
        %dma_start3A_513 = arith.constant 0 : i32
        %dma_start3A_514 = arith.constant 0 : i32
        %dma_start3A_515 = arith.constant 0 : i32
        %dma_start3A_516 = tpu.memref_slice %arg10[%dma_start3A_497, %dma_start3A_513, %dma_start3A_514, %dma_start3A_515] : memref<4x4x8x129xf32, #tpu.memory_space<vmem>> -> memref<1x4x8x128xf32, #tpu.memory_space<vmem>>
        %dma_start3A_517 = tpu.memref_squeeze %dma_start3A_516 : memref<1x4x8x128xf32, #tpu.memory_space<vmem>> -> memref<4x8x128xf32, #tpu.memory_space<vmem>>
        tpu.enqueue_dma source(%dma_start3A_517 : memref<4x8x128xf32, #tpu.memory_space<vmem>>) target(%dma_start3A_512 : memref<4x8x128xf32, #tpu.memory_space<hbm>>) target_semaphore(%arg14 : memref<!tpu.dma_semaphore, #tpu.memory_space<semaphore_mem>>)
        %add3A_518 = arith.constant 2 : i32
        %add3A_519 = arith.addi %mul3A_471, %add3A_518 : i32
        %dma_start3A_520 = arith.constant 2 : i32
        %dma_start3A_521 = arith.constant 0 : i32
        %dma_start3A_522 = arith.constant 0 : i32
        %dma_start3A_523 = arith.constant 0 : i32
        %dma_start3A_524 = tpu.memref_slice %arg10[%dma_start3A_520, %dma_start3A_521, %dma_start3A_522, %dma_start3A_523] : memref<4x4x8x129xf32, #tpu.memory_space<vmem>> -> memref<1x4x8x128xf32, #tpu.memory_space<vmem>>
        %dma_start3A_525 = tpu.memref_squeeze %dma_start3A_524 : memref<1x4x8x128xf32, #tpu.memory_space<vmem>> -> memref<4x8x128xf32, #tpu.memory_space<vmem>>
        %dma_start3A_526 = arith.constant 0 : i32
        %dma_start3A_527 = arith.constant 0 : i32
        %dma_start3A_528 = arith.constant 0 : i32
        %dma_start3A_529 = tpu.memref_slice %arg4[%add3A_519, %dma_start3A_526, %add3A_129, %dma_start3A_527, %dma_start3A_528] : memref<200x4x128x8x128xf32, #tpu.memory_space<hbm>> -> memref<1x4x1x8x128xf32, #tpu.memory_space<hbm>>
        %dma_start3A_530 = tpu.memref_squeeze %dma_start3A_529 : memref<1x4x1x8x128xf32, #tpu.memory_space<hbm>> -> memref<4x8x128xf32, #tpu.memory_space<hbm>>
        %dma_start3A_531 = arith.constant 0 : i32
        %dma_start3A_532 = arith.constant 0 : i32
        %dma_start3A_533 = arith.constant 0 : i32
        %dma_start3A_534 = tpu.memref_slice %arg4[%add3A_519, %dma_start3A_531, %add3A_129, %dma_start3A_532, %dma_start3A_533] : memref<200x4x128x8x128xf32, #tpu.memory_space<hbm>> -> memref<1x4x1x8x128xf32, #tpu.memory_space<hbm>>
        %dma_start3A_535 = tpu.memref_squeeze %dma_start3A_534 : memref<1x4x1x8x128xf32, #tpu.memory_space<hbm>> -> memref<4x8x128xf32, #tpu.memory_space<hbm>>
        %dma_start3A_536 = arith.constant 0 : i32
        %dma_start3A_537 = arith.constant 0 : i32
        %dma_start3A_538 = arith.constant 0 : i32
        %dma_start3A_539 = tpu.memref_slice %arg10[%dma_start3A_520, %dma_start3A_536, %dma_start3A_537, %dma_start3A_538] : memref<4x4x8x129xf32, #tpu.memory_space<vmem>> -> memref<1x4x8x128xf32, #tpu.memory_space<vmem>>
        %dma_start3A_540 = tpu.memref_squeeze %dma_start3A_539 : memref<1x4x8x128xf32, #tpu.memory_space<vmem>> -> memref<4x8x128xf32, #tpu.memory_space<vmem>>
        tpu.enqueue_dma source(%dma_start3A_540 : memref<4x8x128xf32, #tpu.memory_space<vmem>>) target(%dma_start3A_535 : memref<4x8x128xf32, #tpu.memory_space<hbm>>) target_semaphore(%arg14 : memref<!tpu.dma_semaphore, #tpu.memory_space<semaphore_mem>>)
        %add3A_541 = arith.constant 3 : i32
        %add3A_542 = arith.addi %mul3A_471, %add3A_541 : i32
        %dma_start3A_543 = arith.constant 3 : i32
        %dma_start3A_544 = arith.constant 0 : i32
        %dma_start3A_545 = arith.constant 0 : i32
        %dma_start3A_546 = arith.constant 0 : i32
        %dma_start3A_547 = tpu.memref_slice %arg10[%dma_start3A_543, %dma_start3A_544, %dma_start3A_545, %dma_start3A_546] : memref<4x4x8x129xf32, #tpu.memory_space<vmem>> -> memref<1x4x8x128xf32, #tpu.memory_space<vmem>>
        %dma_start3A_548 = tpu.memref_squeeze %dma_start3A_547 : memref<1x4x8x128xf32, #tpu.memory_space<vmem>> -> memref<4x8x128xf32, #tpu.memory_space<vmem>>
        %dma_start3A_549 = arith.constant 0 : i32
        %dma_start3A_550 = arith.constant 0 : i32
        %dma_start3A_551 = arith.constant 0 : i32
        %dma_start3A_552 = tpu.memref_slice %arg4[%add3A_542, %dma_start3A_549, %add3A_129, %dma_start3A_550, %dma_start3A_551] : memref<200x4x128x8x128xf32, #tpu.memory_space<hbm>> -> memref<1x4x1x8x128xf32, #tpu.memory_space<hbm>>
        %dma_start3A_553 = tpu.memref_squeeze %dma_start3A_552 : memref<1x4x1x8x128xf32, #tpu.memory_space<hbm>> -> memref<4x8x128xf32, #tpu.memory_space<hbm>>
        %dma_start3A_554 = arith.constant 0 : i32
        %dma_start3A_555 = arith.constant 0 : i32
        %dma_start3A_556 = arith.constant 0 : i32
        %dma_start3A_557 = tpu.memref_slice %arg4[%add3A_542, %dma_start3A_554, %add3A_129, %dma_start3A_555, %dma_start3A_556] : memref<200x4x128x8x128xf32, #tpu.memory_space<hbm>> -> memref<1x4x1x8x128xf32, #tpu.memory_space<hbm>>
        %dma_start3A_558 = tpu.memref_squeeze %dma_start3A_557 : memref<1x4x1x8x128xf32, #tpu.memory_space<hbm>> -> memref<4x8x128xf32, #tpu.memory_space<hbm>>
        %dma_start3A_559 = arith.constant 0 : i32
        %dma_start3A_560 = arith.constant 0 : i32
        %dma_start3A_561 = arith.constant 0 : i32
        %dma_start3A_562 = tpu.memref_slice %arg10[%dma_start3A_543, %dma_start3A_559, %dma_start3A_560, %dma_start3A_561] : memref<4x4x8x129xf32, #tpu.memory_space<vmem>> -> memref<1x4x8x128xf32, #tpu.memory_space<vmem>>
        %dma_start3A_563 = tpu.memref_squeeze %dma_start3A_562 : memref<1x4x8x128xf32, #tpu.memory_space<vmem>> -> memref<4x8x128xf32, #tpu.memory_space<vmem>>
        tpu.enqueue_dma source(%dma_start3A_563 : memref<4x8x128xf32, #tpu.memory_space<vmem>>) target(%dma_start3A_558 : memref<4x8x128xf32, #tpu.memory_space<hbm>>) target_semaphore(%arg14 : memref<!tpu.dma_semaphore, #tpu.memory_space<semaphore_mem>>)
      }
      %scan3A_145 = arith.constant 25 : i32
      %dma_wait3A = arith.constant 0 : i32
      %dma_wait3A_146 = arith.constant 0 : i32
      %dma_wait3A_147 = arith.constant 0 : i32
      %dma_wait3A_148 = arith.constant 0 : i32
      %dma_wait3A_149 = arith.constant 0 : i32
      %dma_wait3A_150 = arith.constant 0 : i32
      %dma_wait3A_151 = tpu.memref_slice %arg9[%dma_wait3A, %dma_wait3A_148, %dma_wait3A_149, %dma_wait3A_150] : memref<4x4x8x129xf32, #tpu.memory_space<vmem>> -> memref<1x4x8x128xf32, #tpu.memory_space<vmem>>
      %dma_wait3A_152 = tpu.memref_squeeze %dma_wait3A_151 : memref<1x4x8x128xf32, #tpu.memory_space<vmem>> -> memref<4x8x128xf32, #tpu.memory_space<vmem>>
      %dma_wait3A_153 = arith.constant 0 : i32
      %dma_wait3A_154 = arith.constant 0 : i32
      %dma_wait3A_155 = arith.constant 0 : i32
      %dma_wait3A_156 = tpu.memref_slice %arg4[%dma_wait3A_146, %dma_wait3A_153, %dma_wait3A_147, %dma_wait3A_154, %dma_wait3A_155] : memref<200x4x128x8x128xf32, #tpu.memory_space<hbm>> -> memref<1x4x1x8x128xf32, #tpu.memory_space<hbm>>
      %dma_wait3A_157 = tpu.memref_squeeze %dma_wait3A_156 : memref<1x4x1x8x128xf32, #tpu.memory_space<hbm>> -> memref<4x8x128xf32, #tpu.memory_space<hbm>>
      %dma_wait3A_158 = arith.constant 0 : i32
      %dma_wait3A_159 = arith.constant 0 : i32
      %dma_wait3A_160 = arith.constant 0 : i32
      %dma_wait3A_161 = tpu.memref_slice %arg4[%dma_wait3A_146, %dma_wait3A_158, %dma_wait3A_147, %dma_wait3A_159, %dma_wait3A_160] : memref<200x4x128x8x128xf32, #tpu.memory_space<hbm>> -> memref<1x4x1x8x128xf32, #tpu.memory_space<hbm>>
      %dma_wait3A_162 = tpu.memref_squeeze %dma_wait3A_161 : memref<1x4x1x8x128xf32, #tpu.memory_space<hbm>> -> memref<4x8x128xf32, #tpu.memory_space<hbm>>
      %dma_wait3A_163 = arith.constant 0 : i32
      %dma_wait3A_164 = arith.constant 0 : i32
      %dma_wait3A_165 = arith.constant 0 : i32
      %dma_wait3A_166 = tpu.memref_slice %arg9[%dma_wait3A, %dma_wait3A_163, %dma_wait3A_164, %dma_wait3A_165] : memref<4x4x8x129xf32, #tpu.memory_space<vmem>> -> memref<1x4x8x128xf32, #tpu.memory_space<vmem>>
      %dma_wait3A_167 = tpu.memref_squeeze %dma_wait3A_166 : memref<1x4x8x128xf32, #tpu.memory_space<vmem>> -> memref<4x8x128xf32, #tpu.memory_space<vmem>>
      tpu.wait_dma2 semaphore(%arg13 : memref<!tpu.dma_semaphore, #tpu.memory_space<semaphore_mem>>) src(%dma_wait3A_167 : memref<4x8x128xf32, #tpu.memory_space<vmem>>) dst(%dma_wait3A_162 : memref<4x8x128xf32, #tpu.memory_space<hbm>>)
      %dma_wait3A_168 = arith.constant 1 : i32
      %dma_wait3A_169 = arith.constant 0 : i32
      %dma_wait3A_170 = arith.constant 0 : i32
      %dma_wait3A_171 = arith.constant 0 : i32
      %dma_wait3A_172 = arith.constant 0 : i32
      %dma_wait3A_173 = arith.constant 0 : i32
      %dma_wait3A_174 = tpu.memref_slice %arg9[%dma_wait3A_168, %dma_wait3A_171, %dma_wait3A_172, %dma_wait3A_173] : memref<4x4x8x129xf32, #tpu.memory_space<vmem>> -> memref<1x4x8x128xf32, #tpu.memory_space<vmem>>
      %dma_wait3A_175 = tpu.memref_squeeze %dma_wait3A_174 : memref<1x4x8x128xf32, #tpu.memory_space<vmem>> -> memref<4x8x128xf32, #tpu.memory_space<vmem>>
      %dma_wait3A_176 = arith.constant 0 : i32
      %dma_wait3A_177 = arith.constant 0 : i32
      %dma_wait3A_178 = arith.constant 0 : i32
      %dma_wait3A_179 = tpu.memref_slice %arg4[%dma_wait3A_169, %dma_wait3A_176, %dma_wait3A_170, %dma_wait3A_177, %dma_wait3A_178] : memref<200x4x128x8x128xf32, #tpu.memory_space<hbm>> -> memref<1x4x1x8x128xf32, #tpu.memory_space<hbm>>
      %dma_wait3A_180 = tpu.memref_squeeze %dma_wait3A_179 : memref<1x4x1x8x128xf32, #tpu.memory_space<hbm>> -> memref<4x8x128xf32, #tpu.memory_space<hbm>>
      %dma_wait3A_181 = arith.constant 0 : i32
      %dma_wait3A_182 = arith.constant 0 : i32
      %dma_wait3A_183 = arith.constant 0 : i32
      %dma_wait3A_184 = tpu.memref_slice %arg4[%dma_wait3A_169, %dma_wait3A_181, %dma_wait3A_170, %dma_wait3A_182, %dma_wait3A_183] : memref<200x4x128x8x128xf32, #tpu.memory_space<hbm>> -> memref<1x4x1x8x128xf32, #tpu.memory_space<hbm>>
      %dma_wait3A_185 = tpu.memref_squeeze %dma_wait3A_184 : memref<1x4x1x8x128xf32, #tpu.memory_space<hbm>> -> memref<4x8x128xf32, #tpu.memory_space<hbm>>
      %dma_wait3A_186 = arith.constant 0 : i32
      %dma_wait3A_187 = arith.constant 0 : i32
      %dma_wait3A_188 = arith.constant 0 : i32
      %dma_wait3A_189 = tpu.memref_slice %arg9[%dma_wait3A_168, %dma_wait3A_186, %dma_wait3A_187, %dma_wait3A_188] : memref<4x4x8x129xf32, #tpu.memory_space<vmem>> -> memref<1x4x8x128xf32, #tpu.memory_space<vmem>>
      %dma_wait3A_190 = tpu.memref_squeeze %dma_wait3A_189 : memref<1x4x8x128xf32, #tpu.memory_space<vmem>> -> memref<4x8x128xf32, #tpu.memory_space<vmem>>
      tpu.wait_dma2 semaphore(%arg13 : memref<!tpu.dma_semaphore, #tpu.memory_space<semaphore_mem>>) src(%dma_wait3A_190 : memref<4x8x128xf32, #tpu.memory_space<vmem>>) dst(%dma_wait3A_185 : memref<4x8x128xf32, #tpu.memory_space<hbm>>)
      %dma_wait3A_191 = arith.constant 2 : i32
      %dma_wait3A_192 = arith.constant 0 : i32
      %dma_wait3A_193 = arith.constant 0 : i32
      %dma_wait3A_194 = arith.constant 0 : i32
      %dma_wait3A_195 = arith.constant 0 : i32
      %dma_wait3A_196 = arith.constant 0 : i32
      %dma_wait3A_197 = tpu.memref_slice %arg9[%dma_wait3A_191, %dma_wait3A_194, %dma_wait3A_195, %dma_wait3A_196] : memref<4x4x8x129xf32, #tpu.memory_space<vmem>> -> memref<1x4x8x128xf32, #tpu.memory_space<vmem>>
      %dma_wait3A_198 = tpu.memref_squeeze %dma_wait3A_197 : memref<1x4x8x128xf32, #tpu.memory_space<vmem>> -> memref<4x8x128xf32, #tpu.memory_space<vmem>>
      %dma_wait3A_199 = arith.constant 0 : i32
      %dma_wait3A_200 = arith.constant 0 : i32
      %dma_wait3A_201 = arith.constant 0 : i32
      %dma_wait3A_202 = tpu.memref_slice %arg4[%dma_wait3A_192, %dma_wait3A_199, %dma_wait3A_193, %dma_wait3A_200, %dma_wait3A_201] : memref<200x4x128x8x128xf32, #tpu.memory_space<hbm>> -> memref<1x4x1x8x128xf32, #tpu.memory_space<hbm>>
      %dma_wait3A_203 = tpu.memref_squeeze %dma_wait3A_202 : memref<1x4x1x8x128xf32, #tpu.memory_space<hbm>> -> memref<4x8x128xf32, #tpu.memory_space<hbm>>
      %dma_wait3A_204 = arith.constant 0 : i32
      %dma_wait3A_205 = arith.constant 0 : i32
      %dma_wait3A_206 = arith.constant 0 : i32
      %dma_wait3A_207 = tpu.memref_slice %arg4[%dma_wait3A_192, %dma_wait3A_204, %dma_wait3A_193, %dma_wait3A_205, %dma_wait3A_206] : memref<200x4x128x8x128xf32, #tpu.memory_space<hbm>> -> memref<1x4x1x8x128xf32, #tpu.memory_space<hbm>>
      %dma_wait3A_208 = tpu.memref_squeeze %dma_wait3A_207 : memref<1x4x1x8x128xf32, #tpu.memory_space<hbm>> -> memref<4x8x128xf32, #tpu.memory_space<hbm>>
      %dma_wait3A_209 = arith.constant 0 : i32
      %dma_wait3A_210 = arith.constant 0 : i32
      %dma_wait3A_211 = arith.constant 0 : i32
      %dma_wait3A_212 = tpu.memref_slice %arg9[%dma_wait3A_191, %dma_wait3A_209, %dma_wait3A_210, %dma_wait3A_211] : memref<4x4x8x129xf32, #tpu.memory_space<vmem>> -> memref<1x4x8x128xf32, #tpu.memory_space<vmem>>
      %dma_wait3A_213 = tpu.memref_squeeze %dma_wait3A_212 : memref<1x4x8x128xf32, #tpu.memory_space<vmem>> -> memref<4x8x128xf32, #tpu.memory_space<vmem>>
      tpu.wait_dma2 semaphore(%arg13 : memref<!tpu.dma_semaphore, #tpu.memory_space<semaphore_mem>>) src(%dma_wait3A_213 : memref<4x8x128xf32, #tpu.memory_space<vmem>>) dst(%dma_wait3A_208 : memref<4x8x128xf32, #tpu.memory_space<hbm>>)
      %dma_wait3A_214 = arith.constant 3 : i32
      %dma_wait3A_215 = arith.constant 0 : i32
      %dma_wait3A_216 = arith.constant 0 : i32
      %dma_wait3A_217 = arith.constant 0 : i32
      %dma_wait3A_218 = arith.constant 0 : i32
      %dma_wait3A_219 = arith.constant 0 : i32
      %dma_wait3A_220 = tpu.memref_slice %arg9[%dma_wait3A_214, %dma_wait3A_217, %dma_wait3A_218, %dma_wait3A_219] : memref<4x4x8x129xf32, #tpu.memory_space<vmem>> -> memref<1x4x8x128xf32, #tpu.memory_space<vmem>>
      %dma_wait3A_221 = tpu.memref_squeeze %dma_wait3A_220 : memref<1x4x8x128xf32, #tpu.memory_space<vmem>> -> memref<4x8x128xf32, #tpu.memory_space<vmem>>
      %dma_wait3A_222 = arith.constant 0 : i32
      %dma_wait3A_223 = arith.constant 0 : i32
      %dma_wait3A_224 = arith.constant 0 : i32
      %dma_wait3A_225 = tpu.memref_slice %arg4[%dma_wait3A_215, %dma_wait3A_222, %dma_wait3A_216, %dma_wait3A_223, %dma_wait3A_224] : memref<200x4x128x8x128xf32, #tpu.memory_space<hbm>> -> memref<1x4x1x8x128xf32, #tpu.memory_space<hbm>>
      %dma_wait3A_226 = tpu.memref_squeeze %dma_wait3A_225 : memref<1x4x1x8x128xf32, #tpu.memory_space<hbm>> -> memref<4x8x128xf32, #tpu.memory_space<hbm>>
      %dma_wait3A_227 = arith.constant 0 : i32
      %dma_wait3A_228 = arith.constant 0 : i32
      %dma_wait3A_229 = arith.constant 0 : i32
      %dma_wait3A_230 = tpu.memref_slice %arg4[%dma_wait3A_215, %dma_wait3A_227, %dma_wait3A_216, %dma_wait3A_228, %dma_wait3A_229] : memref<200x4x128x8x128xf32, #tpu.memory_space<hbm>> -> memref<1x4x1x8x128xf32, #tpu.memory_space<hbm>>
      %dma_wait3A_231 = tpu.memref_squeeze %dma_wait3A_230 : memref<1x4x1x8x128xf32, #tpu.memory_space<hbm>> -> memref<4x8x128xf32, #tpu.memory_space<hbm>>
      %dma_wait3A_232 = arith.constant 0 : i32
      %dma_wait3A_233 = arith.constant 0 : i32
      %dma_wait3A_234 = arith.constant 0 : i32
      %dma_wait3A_235 = tpu.memref_slice %arg9[%dma_wait3A_214, %dma_wait3A_232, %dma_wait3A_233, %dma_wait3A_234] : memref<4x4x8x129xf32, #tpu.memory_space<vmem>> -> memref<1x4x8x128xf32, #tpu.memory_space<vmem>>
      %dma_wait3A_236 = tpu.memref_squeeze %dma_wait3A_235 : memref<1x4x8x128xf32, #tpu.memory_space<vmem>> -> memref<4x8x128xf32, #tpu.memory_space<vmem>>
      tpu.wait_dma2 semaphore(%arg13 : memref<!tpu.dma_semaphore, #tpu.memory_space<semaphore_mem>>) src(%dma_wait3A_236 : memref<4x8x128xf32, #tpu.memory_space<vmem>>) dst(%dma_wait3A_231 : memref<4x8x128xf32, #tpu.memory_space<hbm>>)
      %dma_wait3A_237 = arith.constant 0 : i32
      %dma_wait3A_238 = arith.constant 0 : i32
      %dma_wait3A_239 = arith.constant 0 : i32
      %dma_wait3A_240 = arith.constant 0 : i32
      %dma_wait3A_241 = arith.constant 0 : i32
      %dma_wait3A_242 = arith.constant 0 : i32
      %dma_wait3A_243 = tpu.memref_slice %arg10[%dma_wait3A_237, %dma_wait3A_240, %dma_wait3A_241, %dma_wait3A_242] : memref<4x4x8x129xf32, #tpu.memory_space<vmem>> -> memref<1x4x8x128xf32, #tpu.memory_space<vmem>>
      %dma_wait3A_244 = tpu.memref_squeeze %dma_wait3A_243 : memref<1x4x8x128xf32, #tpu.memory_space<vmem>> -> memref<4x8x128xf32, #tpu.memory_space<vmem>>
      %dma_wait3A_245 = arith.constant 0 : i32
      %dma_wait3A_246 = arith.constant 0 : i32
      %dma_wait3A_247 = arith.constant 0 : i32
      %dma_wait3A_248 = tpu.memref_slice %arg4[%dma_wait3A_238, %dma_wait3A_245, %dma_wait3A_239, %dma_wait3A_246, %dma_wait3A_247] : memref<200x4x128x8x128xf32, #tpu.memory_space<hbm>> -> memref<1x4x1x8x128xf32, #tpu.memory_space<hbm>>
      %dma_wait3A_249 = tpu.memref_squeeze %dma_wait3A_248 : memref<1x4x1x8x128xf32, #tpu.memory_space<hbm>> -> memref<4x8x128xf32, #tpu.memory_space<hbm>>
      %dma_wait3A_250 = arith.constant 0 : i32
      %dma_wait3A_251 = arith.constant 0 : i32
      %dma_wait3A_252 = arith.constant 0 : i32
      %dma_wait3A_253 = tpu.memref_slice %arg4[%dma_wait3A_238, %dma_wait3A_250, %dma_wait3A_239, %dma_wait3A_251, %dma_wait3A_252] : memref<200x4x128x8x128xf32, #tpu.memory_space<hbm>> -> memref<1x4x1x8x128xf32, #tpu.memory_space<hbm>>
      %dma_wait3A_254 = tpu.memref_squeeze %dma_wait3A_253 : memref<1x4x1x8x128xf32, #tpu.memory_space<hbm>> -> memref<4x8x128xf32, #tpu.memory_space<hbm>>
      %dma_wait3A_255 = arith.constant 0 : i32
      %dma_wait3A_256 = arith.constant 0 : i32
      %dma_wait3A_257 = arith.constant 0 : i32
      %dma_wait3A_258 = tpu.memref_slice %arg10[%dma_wait3A_237, %dma_wait3A_255, %dma_wait3A_256, %dma_wait3A_257] : memref<4x4x8x129xf32, #tpu.memory_space<vmem>> -> memref<1x4x8x128xf32, #tpu.memory_space<vmem>>
      %dma_wait3A_259 = tpu.memref_squeeze %dma_wait3A_258 : memref<1x4x8x128xf32, #tpu.memory_space<vmem>> -> memref<4x8x128xf32, #tpu.memory_space<vmem>>
      tpu.wait_dma2 semaphore(%arg14 : memref<!tpu.dma_semaphore, #tpu.memory_space<semaphore_mem>>) src(%dma_wait3A_259 : memref<4x8x128xf32, #tpu.memory_space<vmem>>) dst(%dma_wait3A_254 : memref<4x8x128xf32, #tpu.memory_space<hbm>>)
      %dma_wait3A_260 = arith.constant 1 : i32
      %dma_wait3A_261 = arith.constant 0 : i32
      %dma_wait3A_262 = arith.constant 0 : i32
      %dma_wait3A_263 = arith.constant 0 : i32
      %dma_wait3A_264 = arith.constant 0 : i32
      %dma_wait3A_265 = arith.constant 0 : i32
      %dma_wait3A_266 = tpu.memref_slice %arg10[%dma_wait3A_260, %dma_wait3A_263, %dma_wait3A_264, %dma_wait3A_265] : memref<4x4x8x129xf32, #tpu.memory_space<vmem>> -> memref<1x4x8x128xf32, #tpu.memory_space<vmem>>
      %dma_wait3A_267 = tpu.memref_squeeze %dma_wait3A_266 : memref<1x4x8x128xf32, #tpu.memory_space<vmem>> -> memref<4x8x128xf32, #tpu.memory_space<vmem>>
      %dma_wait3A_268 = arith.constant 0 : i32
      %dma_wait3A_269 = arith.constant 0 : i32
      %dma_wait3A_270 = arith.constant 0 : i32
      %dma_wait3A_271 = tpu.memref_slice %arg4[%dma_wait3A_261, %dma_wait3A_268, %dma_wait3A_262, %dma_wait3A_269, %dma_wait3A_270] : memref<200x4x128x8x128xf32, #tpu.memory_space<hbm>> -> memref<1x4x1x8x128xf32, #tpu.memory_space<hbm>>
      %dma_wait3A_272 = tpu.memref_squeeze %dma_wait3A_271 : memref<1x4x1x8x128xf32, #tpu.memory_space<hbm>> -> memref<4x8x128xf32, #tpu.memory_space<hbm>>
      %dma_wait3A_273 = arith.constant 0 : i32
      %dma_wait3A_274 = arith.constant 0 : i32
      %dma_wait3A_275 = arith.constant 0 : i32
      %dma_wait3A_276 = tpu.memref_slice %arg4[%dma_wait3A_261, %dma_wait3A_273, %dma_wait3A_262, %dma_wait3A_274, %dma_wait3A_275] : memref<200x4x128x8x128xf32, #tpu.memory_space<hbm>> -> memref<1x4x1x8x128xf32, #tpu.memory_space<hbm>>
      %dma_wait3A_277 = tpu.memref_squeeze %dma_wait3A_276 : memref<1x4x1x8x128xf32, #tpu.memory_space<hbm>> -> memref<4x8x128xf32, #tpu.memory_space<hbm>>
      %dma_wait3A_278 = arith.constant 0 : i32
      %dma_wait3A_279 = arith.constant 0 : i32
      %dma_wait3A_280 = arith.constant 0 : i32
      %dma_wait3A_281 = tpu.memref_slice %arg10[%dma_wait3A_260, %dma_wait3A_278, %dma_wait3A_279, %dma_wait3A_280] : memref<4x4x8x129xf32, #tpu.memory_space<vmem>> -> memref<1x4x8x128xf32, #tpu.memory_space<vmem>>
      %dma_wait3A_282 = tpu.memref_squeeze %dma_wait3A_281 : memref<1x4x8x128xf32, #tpu.memory_space<vmem>> -> memref<4x8x128xf32, #tpu.memory_space<vmem>>
      tpu.wait_dma2 semaphore(%arg14 : memref<!tpu.dma_semaphore, #tpu.memory_space<semaphore_mem>>) src(%dma_wait3A_282 : memref<4x8x128xf32, #tpu.memory_space<vmem>>) dst(%dma_wait3A_277 : memref<4x8x128xf32, #tpu.memory_space<hbm>>)
      %dma_wait3A_283 = arith.constant 2 : i32
      %dma_wait3A_284 = arith.constant 0 : i32
      %dma_wait3A_285 = arith.constant 0 : i32
      %dma_wait3A_286 = arith.constant 0 : i32
      %dma_wait3A_287 = arith.constant 0 : i32
      %dma_wait3A_288 = arith.constant 0 : i32
      %dma_wait3A_289 = tpu.memref_slice %arg10[%dma_wait3A_283, %dma_wait3A_286, %dma_wait3A_287, %dma_wait3A_288] : memref<4x4x8x129xf32, #tpu.memory_space<vmem>> -> memref<1x4x8x128xf32, #tpu.memory_space<vmem>>
      %dma_wait3A_290 = tpu.memref_squeeze %dma_wait3A_289 : memref<1x4x8x128xf32, #tpu.memory_space<vmem>> -> memref<4x8x128xf32, #tpu.memory_space<vmem>>
      %dma_wait3A_291 = arith.constant 0 : i32
      %dma_wait3A_292 = arith.constant 0 : i32
      %dma_wait3A_293 = arith.constant 0 : i32
      %dma_wait3A_294 = tpu.memref_slice %arg4[%dma_wait3A_284, %dma_wait3A_291, %dma_wait3A_285, %dma_wait3A_292, %dma_wait3A_293] : memref<200x4x128x8x128xf32, #tpu.memory_space<hbm>> -> memref<1x4x1x8x128xf32, #tpu.memory_space<hbm>>
      %dma_wait3A_295 = tpu.memref_squeeze %dma_wait3A_294 : memref<1x4x1x8x128xf32, #tpu.memory_space<hbm>> -> memref<4x8x128xf32, #tpu.memory_space<hbm>>
      %dma_wait3A_296 = arith.constant 0 : i32
      %dma_wait3A_297 = arith.constant 0 : i32
      %dma_wait3A_298 = arith.constant 0 : i32
      %dma_wait3A_299 = tpu.memref_slice %arg4[%dma_wait3A_284, %dma_wait3A_296, %dma_wait3A_285, %dma_wait3A_297, %dma_wait3A_298] : memref<200x4x128x8x128xf32, #tpu.memory_space<hbm>> -> memref<1x4x1x8x128xf32, #tpu.memory_space<hbm>>
      %dma_wait3A_300 = tpu.memref_squeeze %dma_wait3A_299 : memref<1x4x1x8x128xf32, #tpu.memory_space<hbm>> -> memref<4x8x128xf32, #tpu.memory_space<hbm>>
      %dma_wait3A_301 = arith.constant 0 : i32
      %dma_wait3A_302 = arith.constant 0 : i32
      %dma_wait3A_303 = arith.constant 0 : i32
      %dma_wait3A_304 = tpu.memref_slice %arg10[%dma_wait3A_283, %dma_wait3A_301, %dma_wait3A_302, %dma_wait3A_303] : memref<4x4x8x129xf32, #tpu.memory_space<vmem>> -> memref<1x4x8x128xf32, #tpu.memory_space<vmem>>
      %dma_wait3A_305 = tpu.memref_squeeze %dma_wait3A_304 : memref<1x4x8x128xf32, #tpu.memory_space<vmem>> -> memref<4x8x128xf32, #tpu.memory_space<vmem>>
      tpu.wait_dma2 semaphore(%arg14 : memref<!tpu.dma_semaphore, #tpu.memory_space<semaphore_mem>>) src(%dma_wait3A_305 : memref<4x8x128xf32, #tpu.memory_space<vmem>>) dst(%dma_wait3A_300 : memref<4x8x128xf32, #tpu.memory_space<hbm>>)
      %dma_wait3A_306 = arith.constant 3 : i32
      %dma_wait3A_307 = arith.constant 0 : i32
      %dma_wait3A_308 = arith.constant 0 : i32
      %dma_wait3A_309 = arith.constant 0 : i32
      %dma_wait3A_310 = arith.constant 0 : i32
      %dma_wait3A_311 = arith.constant 0 : i32
      %dma_wait3A_312 = tpu.memref_slice %arg10[%dma_wait3A_306, %dma_wait3A_309, %dma_wait3A_310, %dma_wait3A_311] : memref<4x4x8x129xf32, #tpu.memory_space<vmem>> -> memref<1x4x8x128xf32, #tpu.memory_space<vmem>>
      %dma_wait3A_313 = tpu.memref_squeeze %dma_wait3A_312 : memref<1x4x8x128xf32, #tpu.memory_space<vmem>> -> memref<4x8x128xf32, #tpu.memory_space<vmem>>
      %dma_wait3A_314 = arith.constant 0 : i32
      %dma_wait3A_315 = arith.constant 0 : i32
      %dma_wait3A_316 = arith.constant 0 : i32
      %dma_wait3A_317 = tpu.memref_slice %arg4[%dma_wait3A_307, %dma_wait3A_314, %dma_wait3A_308, %dma_wait3A_315, %dma_wait3A_316] : memref<200x4x128x8x128xf32, #tpu.memory_space<hbm>> -> memref<1x4x1x8x128xf32, #tpu.memory_space<hbm>>
      %dma_wait3A_318 = tpu.memref_squeeze %dma_wait3A_317 : memref<1x4x1x8x128xf32, #tpu.memory_space<hbm>> -> memref<4x8x128xf32, #tpu.memory_space<hbm>>
      %dma_wait3A_319 = arith.constant 0 : i32
      %dma_wait3A_320 = arith.constant 0 : i32
      %dma_wait3A_321 = arith.constant 0 : i32
      %dma_wait3A_322 = tpu.memref_slice %arg4[%dma_wait3A_307, %dma_wait3A_319, %dma_wait3A_308, %dma_wait3A_320, %dma_wait3A_321] : memref<200x4x128x8x128xf32, #tpu.memory_space<hbm>> -> memref<1x4x1x8x128xf32, #tpu.memory_space<hbm>>
      %dma_wait3A_323 = tpu.memref_squeeze %dma_wait3A_322 : memref<1x4x1x8x128xf32, #tpu.memory_space<hbm>> -> memref<4x8x128xf32, #tpu.memory_space<hbm>>
      %dma_wait3A_324 = arith.constant 0 : i32
      %dma_wait3A_325 = arith.constant 0 : i32
      %dma_wait3A_326 = arith.constant 0 : i32
      %dma_wait3A_327 = tpu.memref_slice %arg10[%dma_wait3A_306, %dma_wait3A_324, %dma_wait3A_325, %dma_wait3A_326] : memref<4x4x8x129xf32, #tpu.memory_space<vmem>> -> memref<1x4x8x128xf32, #tpu.memory_space<vmem>>
      %dma_wait3A_328 = tpu.memref_squeeze %dma_wait3A_327 : memref<1x4x8x128xf32, #tpu.memory_space<vmem>> -> memref<4x8x128xf32, #tpu.memory_space<vmem>>
      tpu.wait_dma2 semaphore(%arg14 : memref<!tpu.dma_semaphore, #tpu.memory_space<semaphore_mem>>) src(%dma_wait3A_328 : memref<4x8x128xf32, #tpu.memory_space<vmem>>) dst(%dma_wait3A_323 : memref<4x8x128xf32, #tpu.memory_space<hbm>>)
    }
    %scan3A_120 = arith.constant 4 : i32
    return
  }
}

</mosaic_0001>

<sc_bundles>
// kernel: kernel.3.cloned.1.call-start
scs
__scs_entry_jumppad:
0x0: {  	(pc) =	sbr.rel $0x88, $3  }
0x1: {  	(tag) =	ssettag $0x0;
	lr =	simm.s32 $0x1  }
0x2: {  	[smem:$0x3F9F] =	sst lr;
	_ =	strace $0xD0000000  }
0x3: {  	_ = 	snop  }
0x4: {  	_ = 	snop  }
0x5: {  	_ = 	snop  }
0x6: {  	_ = 	snop  }
0x7: {  	_ = 	snop  }
__scs_overlays_trampoline_lowered:
0x8: {  	[smem:$0x3FAE] =	sst s0  }
0x9: {  	[smem:$0x3FAF] =	sst s1  }
0xa: {  	[smem:$0x3FB0] =	sst s2  }
0xb: {  	[smem:$0x3FB1] =	sst s3  }
0xc: {  	[smem:$0x3FB2] =	sst s4  }
0xd: {  	[smem:$0x3FB3] =	sst s5  }
0xe: {  	[smem:$0x3FB4] =	sst s6  }
0xf: {  	[smem:$0x3FB5] =	sst s7  }
0x10: {  	[smem:$0x3FB6] =	sst s8  }
0x11: {  	[smem:$0x3FB7] =	sst s9;
	s0 =	simm.s32 @!p0 $0x0  }
0x12: {  	s1 =	sld [smem:$0x3F9D];
	s0 =	simm.s32 @p0 $0x1  }
0x13: {  	[smem:$0x3FB8] =	sst s0;
	s0 =	simm.s32 @!p1 $0x0  }
0x14: {  	s2 =	sld [smem:$0x3F9C];
	s0 =	simm.s32 @p1 $0x1  }
0x15: {  	[smem:$0x3FB9] =	sst s0;
	s0 =	simm.s32 @!p2 $0x0  }
0x16: {  	s3 =	sld [smem:$0x3FDB];
	s0 =	simm.s32 @p2 $0x1  }
0x17: {  	s4 =	simm.s32 $0x1BF5;
	[smem:$0x3FBB] =	sst s0  }
0x18: {  	s0 =	sld [smem:$0x3F9E];
	_ =	swait.ge [sflag:s4], $0x0  }
0x19: {  	s7 =	sld [smem:$0x3F9F]  }
0x1a: {  	s8 =	sadd.s32 $0xFFFFE003, lr  }
0x1b: {  	s9 =	sadd.s32 $0xFFFFFEF7, lr;
	s5 =	simm.s32 $0xFFFFFFFF;
	p2 =	slt.u32 s8, $0xFFFFF086  }
0x1c: {  	p1 =	slt.u32 s9, $0xF7A;
	s5 =	simm.s32 @!p2 $0x0  }
0x1d: {  	s5 =	simm.s32 @p1 $0x1;
	p0 =	seq.s32 s7, s2  }
0x1e: {  	s7 =	smul.u32 @!p0 $0xF7A, s2;
	p2 =	seq.s32 @!p0 s5, $0x0  }
0x1f: {  	s9 =	smul.u32 $0xF7A, s1;
	s8 =	simm.s32 @!p0 $0x1BF5;
	p2 =	por !p2, p0  }
0x20: {  	[sflag:s8] =	ssyncset.s32 @!p0 $0xFFFFF086;
	s6 =	sadd.s32 @!p0 s3, s7;
	s7 =	simm.s32 @!p0 $0x108  }
0x21: {  	s3 =	sadd.s32 s3, s9;
	s6 =	sadd.s32 @!p0 $0x88, s6;
	s7 =	simm.s32 @p2 $0x1082  }
0x22: {  	[simem:s7], [sflag:s8] =	dma.local @!p0 [hbm:s6], $0xF7A  }
0x23: {  	s9 =	sor.u32 $0xD0000000, s2;
	s6 =	simm.s32 $0x108;
	_ =	swait.ge @!p0 [sflag:s8], $0x0  }
0x24: {  	s3 =	sadd.s32 $0x88, s3;
	s6 =	simm.s32 @!p1 $0x1082;
	[sflag:s4] =	ssyncset.s32 $0xFFFFF086  }
0x25: {  	[simem:s6], [sflag:s4] =	dma.local [hbm:s3], $0xF7A  }
0x26: {  	[smem:$0x3F9F] =	sst s1;
	(tag) =	ssettag s2;
	_ =	strace s9  }
0x27: {  	s1 =	sld [smem:$0x3FAF]  }
0x28: {  	s2 =	sld [smem:$0x3FB0]  }
0x29: {  	s4 =	sld [smem:$0x3FB2]  }
0x2a: {  	p0 =	seq.s32 s5, $0x0;
	s5 =	sld [smem:$0x3FB3]  }
0x2b: {  	s6 =	sld [smem:$0x3FB4]  }
0x2c: {  	s7 =	sld [smem:$0x3FB5]  }
0x2d: {  	s3 =	simm.s32 $0x108;
	s8 =	sld [smem:$0x3FB6]  }
0x2e: {  	s3 =	simm.s32 @!p0 $0x1082;
	s9 =	sld [smem:$0x3FB7]  }
0x2f: {  	lr =	sadd.s32 s0, s3;
	s0 =	sld [smem:$0x3FAE]  }
0x30: {  	s3 =	sld [smem:$0x3FB1]  }
0x31: {  	[smem:$0x3FBA] =	sst s10  }
0x32: {  	s10 =	sld [smem:$0x3FB8];
	_ =	sdelay $0x3  }
0x33: {  	p0 =	seq.s32 s10, $0x1;
	s10 =	sld [smem:$0x3FBA];
	_ =	sdelay $0x3  }
0x34: {  	[smem:$0x3FBA] =	sst s10  }
0x35: {  	s10 =	sld [smem:$0x3FB9];
	_ =	sdelay $0x3  }
0x36: {  	p1 =	seq.s32 s10, $0x1;
	s10 =	sld [smem:$0x3FBA];
	_ =	sdelay $0x3  }
0x37: {  	[smem:$0x3FBA] =	sst s10  }
0x38: {  	s10 =	sld [smem:$0x3FBB]  }
0x39: {  	_ = 	snop;
	(pc) =	sbr.ind lr, $3  }
0x3a: {  	_ = 	snop  }
0x3b: {  	_ = 	snop  }
0x3c: {  	p2 =	seq.s32 s10, $0x1;
	s10 =	sld [smem:$0x3FBA]  }
0x3d: {  	_ =	shalt  }
0x3e: {  	_ =	shalt  }
0x3f: {  	_ =	shalt  }
0x40: {  	_ =	shalt  }
0x41: {  	_ =	shalt  }
0x42: {  	_ =	shalt  }
0x43: {  	_ =	shalt  }
0x44: {  	_ =	shalt  }
0x45: {  	_ =	shalt  }
0x46: {  	_ =	shalt  }
0x47: {  	_ =	shalt  }
0x48: {  	_ =	shalt  }
0x49: {  	_ =	shalt  }
0x4a: {  	_ =	shalt  }
0x4b: {  	_ =	shalt  }
0x4c: {  	_ =	shalt  }
0x4d: {  	_ =	shalt  }
0x4e: {  	_ =	shalt  }
0x4f: {  	_ =	shalt  }
0x50: {  	_ =	shalt  }
0x51: {  	_ =	shalt  }
0x52: {  	_ =	shalt  }
0x53: {  	_ =	shalt  }
0x54: {  	_ =	shalt  }
0x55: {  	_ =	shalt  }
0x56: {  	_ =	shalt  }
0x57: {  	_ =	shalt  }
0x58: {  	_ =	shalt  }
0x59: {  	_ =	shalt  }
0x5a: {  	_ =	shalt  }
0x5b: {  	_ =	shalt  }
0x5c: {  	_ =	shalt  }
0x5d: {  	_ =	shalt  }
0x5e: {  	_ =	shalt  }
0x5f: {  	_ =	shalt  }
0x60: {  	_ =	shalt  }
0x61: {  	_ =	shalt  }
0x62: {  	_ =	shalt  }
0x63: {  	_ =	shalt  }
0x64: {  	_ =	shalt  }
0x65: {  	_ =	shalt  }
0x66: {  	_ =	shalt  }
0x67: {  	_ =	shalt  }
0x68: {  	_ =	shalt  }
0x69: {  	_ =	shalt  }
0x6a: {  	_ =	shalt  }
0x6b: {  	_ =	shalt  }
0x6c: {  	_ =	shalt  }
0x6d: {  	_ =	shalt  }
0x6e: {  	_ =	shalt  }
0x6f: {  	_ =	shalt  }
0x70: {  	_ =	shalt  }
0x71: {  	_ =	shalt  }
0x72: {  	_ =	shalt  }
0x73: {  	_ =	shalt  }
0x74: {  	_ =	shalt  }
0x75: {  	_ =	shalt  }
0x76: {  	_ =	shalt  }
0x77: {  	_ =	shalt  }
0x78: {  	_ =	shalt  }
0x79: {  	_ =	shalt  }
0x7a: {  	_ =	shalt  }
0x7b: {  	_ =	shalt  }
0x7c: {  	_ =	shalt  }
0x7d: {  	_ =	shalt  }
0x7e: {  	_ =	shalt  }
0x7f: {  	_ =	shalt  }
0x80: {  	_ =	shalt  }
0x81: {  	_ =	shalt  }
0x82: {  	_ =	shalt  }
0x83: {  	_ =	shalt  }
0x84: {  	_ =	shalt  }
0x85: {  	_ =	shalt  }
0x86: {  	_ =	shalt  }
0x87: {  	_ =	shalt  }
.Lfunc_end0:
.L_simem_size_0:
called_computation_lowered:
.L_overlay_start_0:
0x88: {  	s2 =	sld [smem:$0x3FD9]  }
0x89: {  	s3 =	sld [smem:$0x3FFE];
	_ =	sdelay $0x1  }
0x8a: {  	s1 =	srdreg.scid  }
0x8b: {  	s0 =	sand.u32 $0x1, s1  }
0x8c: {  	s17 =	sshll.u32 s0, $0xA;
	s2 =	sadd.s32 s3, s2  }
0x8d: {  	s2 =	sadd.s32 s2, s17  }
0x8e: {  	[smem:$0x3FC6] =	sst s2  }
0x8f: {  	_ = 	snop  }
0x90: {  	s2 =	sld [smem:$0x3FD0];
	(tm) =	ssettm $0x1  }
0x91: {  	s18 =	sld [smem:$0x3FFB];
	_ =	sdelay $0x3  }
0x92: {  	_ =	strace s18  }
0x93: {  	s3 =	sld [smem:$0x3FFC];
	_ =	sdelay $0x3  }
0x94: {  	_ =	strace s3  }
0x95: {  	s3 =	sld [smem:$0x3FFD];
	_ =	sdelay $0x3  }
0x96: {  	_ =	strace s3  }
0x97: {  	_ =	strace $0x8FFFFFFF  }
0x98: {  	s19 =	sld [smem:$0x3FDB];
	_ =	sdelay $0x1  }
0x99: {  	s4 =	simm.s32 $_scs_section_size  }
0x9a: {  	s5 =	simm.s32 $_size__tile_overlayer_lowered;
	s6 =	simm.s32 $_tile_overlayer_lowered  }
0x9b: {  	s22 =	simm.s32 $0x1BFF;
	s21 =	sshll.u32 s6, $0x1;
	s3 =	sadd.s32 s4, s19  }
0x9c: {  	s7 =	simm.s32 $0x0;
	s20 =	sshll.u32 s5, $0x1;
	s5 =	sadd.s32 s21, s3  }
0x9d: {  	[timem:s7], [sflag:s22] =	dma.local [hbm:s5], s20  }
0x9e: {  	_ =	swait.ge [sflag:s22], s20  }
0x9f: {  	s4 =	ssub.s32 $0x0, s20;
	[sflag:s22] =	ssyncset.done $0x0  }
0xa0: {  	[sflag:s22] =	ssyncadd.s32 s4;
	_ =	sdelay $0x1  }
0xa1: {  	s23 =	simm.s32 $0x1B8B  }
0xa2: {  	_ =	swait.ge [sflag:s23], $0x1  }
0xa3: {  	[sflag:s23] =	ssyncset.done $0x0  }
0xa4: {  	s25 =	simm.s32 $0x1B8E;
	s24 =	sld [smem:$0x3FFE];
	[sflag:s23] =	ssyncadd.s32 $0xFFFFFFFF  }
0xa5: {  	s26 =	simm.s32 $execute0_lowered;
	[smem:$0x3FD2] =	sst s25  }
0xa6: {  	s5 =	sshll.u32 s26, $0x1;
	_ =	strace $0x80000046;
	[dreg:$0x1] =	wrdreg $0xFFFFFFFF  }
0xa7: {  	s28 =	simm.s32 $_size_execute0_lowered;
	s3 =	sadd.s32 s3, s5;
	[dreg:$0x0] =	wrdreg $0x0  }
0xa8: {  	s5 =	sshll.u32 s28, $0x1;
	[dreg:$0x2] =	wrdreg s3  }
0xa9: {  	[dreg:$0x3] =	wrdreg s5  }
0xaa: {  	[dreg:$0x4] =	wrdreg $0xC0  }
0xab: {  	_ =	task [dreg:s7], $0x5FFFF  }
0xac: {  	[dreg:$0x1] =	wrdreg $0xFFFFFFFF  }
0xad: {  	[dreg:$0x0] =	wrdreg $0x60  }
0xae: {  	[dreg:$0x2] =	wrdreg s24  }
0xaf: {  	[dreg:$0x3] =	wrdreg s2  }
0xb0: {  	[dreg:$0x4] =	wrdreg $0x9  }
0xb1: {  	_ =	task.clear_ibuf [dreg:s7], $0x5FFFF;
	_ =	strace $0x90000046  }
0xb2: {  	s29 =	simm.s32 $0x9;
	_ =	strace $0x80000048  }
0xb3: {  	_ =	swait.ge [sflag:s29], $0x1  }
0xb4: {  	[sflag:s29] =	ssyncadd.s32 $0xFFFFFFFF  }
0xb5: {  	_ =	strace $0x90000048  }
0xb6: {  	_ =	sfence  }
0xb7: {  	s30 =	sld [smem:$0x0];
	_ =	sdelay $0x2  }
0xb8: {  	s31 =	sshll.u32 s1, $0xD;
	s1 =	sshrl.u32 s1, $0x2  }
0xb9: {  	s3 =	sand.u32 $0x4000, s31;
	s1 =	sadd.s32 s1, s30  }
0xba: {  	s0 =	sor.u32 s3, s0;
	s1 =	sshll.u32 s1, $0x11  }
0xbb: {  	s0 =	sor.u32 s1, s0  }
0xbc: {  	s0 =	sadd.s32 $0x8F2B, s0  }
0xbd: {  	[sflag:s0] =	ssyncadd.remote.s32 $0x1  }
0xbe: {  	_ =	sfence.sel $0xFFFF  }
0xbf: {  	[dreg:$0x0] =	wrdreg $0xFFFFFFFF;
	(pc) =	sbr.abs _section_cstart, $3  }
0xc0: {  	[dreg:$0x1] =	wrdreg $0xFFFFFFFF  }
0xc1: {  	_ =	task.clear_ibuf [dreg:s7], $0x2FFFF;
	_ =	strace $0x9FFFFFFF  }
0xc2: {  	(tm) =	ssettm $0x7FFFFFFF  }
0xc3: {  	_ =	shalt  }
tec
execute0_lowered:
.L_overlay_start_1:
0x0: {  	(tag) =	ssettag $0x1  }
0x1: {  	s0 =	rddreg [dreg:$0x0]  }
0x2: {  	s1 =	rddreg [dreg:$0x1];
	s3 =	simm.s32 $0x0;
	s2 =	srdreg.scid  }
0x3: {  	s5 =	stileid.u32;
	s10 =	simm.s32 $0x6800;
	s11 =	simm.s32 $0x200  }
0x4: {  	s14 =	simm.s32 $0x1;
	s15 =	simm.s32 $0x14C00;
	s23 =	simm.s32 $0x2  }
0x5: {  	s24 =	simm.s32 $0x4;
	s25 =	simm.s32 $0x19000;
	s7 =	simm.s32 $0x1D2F0  }
0x6: {  	s9 =	simm.s32 $0x1CD18;
	s12 =	simm.s32 $0x1D1E0;
	s13 =	simm.s32 $0x1D158  }
0x7: {  	s16 =	simm.s32 $0x1D0D0;
	s17 =	simm.s32 $0x1CDA0;
	s18 =	simm.s32 $0x1CE28  }
0x8: {  	s19 =	simm.s32 $0x1CEB0;
	s20 =	simm.s32 $0x1CF38;
	s21 =	simm.s32 $0x1CFC0  }
0x9: {  	s22 =	simm.s32 $0x1D048;
	[smem:$0x7FF] =	sst s3;
	s2 =	sand.u32 $0x1, s2  }
0xa: {  	v0 =	vlaneseq.u32;
	s4 =	sadd.s32 $0x600, s0;
	s6 =	sshll.u32 s5, $0x1;
	s5 =	sadd.s32 $0xF42A00, s0  }
0xb: {  	v1 =	vmul.u32 $0x88, v0;
	_ =	strace $0x80000047;
	s29 =	ssub.s32 $0x2, s2;
	s2 =	sor.u32 s2, s6  }
0xc: {  	[dreg:$0x3] =	wrdreg s4;
	s30 =	sshrl.u32 s29, $0x1;
	s31 =	sshll.u32 s2, $0x9  }
0xd: {  	s2 =	sshll.u32 s2, $0xC;
	v2 =	vadd.s32 $0x880, v1;
	s0 =	ssub.s32 s29, s30;
	[dreg:$0x4] =	wrdreg s31  }
0xe: {  	s26 =	simm.s32 $0x1D378;
	v3 =	vadd.s32 $0x1100, v1;
	v4 =	vadd.s32 $0x1980, v1;
	v5 =	vadd.s32 $0x2200, v1;
	[dreg:$0x5] =	wrdreg s2;
	s0 =	smax.u32 s0, $0x1  }
0xf: {  	s6 =	simm.s32 $0x1CC90;
	v6 =	vadd.s32 $0x2A80, v1;
	v7 =	vadd.s32 $0x3300, v1;
	v8 =	vadd.s32 $0x3B80, v1;
	s2 =	simm.s32 $0x0;
	[dreg:$0x6] =	wrdreg s0  }
.LBB2_1:
0x10: {  	[dreg:$0x7] =	wrdreg s2;
	s4 =	simm.s32 $0x0  }
.LBB2_2:
0x11: {  	s0 =	sshll.u32 s4, $0x7;
	s2 =	rddreg [dreg:$0x4]  }
0x12: {  	s0 =	sadd.s32 s2, s0  }
0x13: {  	s0 =	smul.u32 $0x19, s0  }
0x14: {  	s31 =	rddreg [dreg:$0x3]  }
0x15: {  	s8 =	simm.s32 $0x19;
	s0 =	sadd.s32 s31, s0  }
0x16: {  	s28 =	simm.s32 $0xD0;
	s2 =	simm.s32 $0x0;
	s29 =	sadd.s32 $0x0, s0  }
.LBB2_3:
0x17: {  	[tilespmem:s2], [sflag:$0x5] =	stream.linear.gather [hbm4b:s29+s3], $0xC8, $0x38;
	[tilespmem:$0x1D400] =	vst v63  }
0x18: {  	s29 =	smov.u32 s8;
	s2 =	smov.u32 s28;
	p0 =	sne.s32 s8, $0xC67  }
.Ltmp0:
0x19: {  	s8 =	sadd.s32 $0x19, s8;
	(pc) =	sbr.rel @p0 .LBB2_3-.Ltmp0, $2  }
0x1a: {  	_ =	sdelay $0x2  }
0x1b: {  	s28 =	sadd.s32 $0xD0, s28;
	s29 =	sadd.s32 s29, s0  }
0x1c: {  	[tilespmem:s2], [sflag:$0x5] =	stream.linear.gather [hbm4b:s29+s3], $0xC8, $0x38;
	[tilespmem:$0x1D400] =	vst v63  }
0x1d: {  	s0 =	simm.s32 $0x5  }
0x1e: {  	_ =	swait.ge [sflag:s0], $0x6400  }
0x1f: {  	[sflag:s0] =	ssyncset.done $0x0  }
0x20: {  	s2 =	simm.s32 $0x0;
	[sflag:s0] =	ssyncadd.s32 $0xFFFF9C00;
	s0 =	simm.s32 $0x0  }
.LBB2_5:
0x21: {  	v9 =	vor.u32 s0, v0  }
0x22: {  	s28 =	sshra.s32 s2, $0x2;
	vm0 =	vlt.u32 v9, $0xC8  }
0x23: {  	v10 =	vld [tilespmem:s28+$0x0];
	v9 =	vshll.u32 v9, $0x7;
	_ =	sdelay $0x4  }
0x24: {  	[tilespmem:v9+s10+$0x0] =	vst.idx.msk vm0, v10  }
0x25: {  	v11 =	vor.u32 $0x1, v9;
	v10 =	vld [tilespmem:s28+$0xD0];
	_ =	sdelay $0x4  }
0x26: {  	[tilespmem:v11+s10+$0x0] =	vst.idx.msk vm0, v10  }
0x27: {  	v11 =	vor.u32 $0x2, v9;
	v10 =	vld [tilespmem:s28+$0x1A0];
	_ =	sdelay $0x4  }
0x28: {  	[tilespmem:v11+s10+$0x0] =	vst.idx.msk vm0, v10  }
0x29: {  	v11 =	vor.u32 $0x3, v9;
	v10 =	vld [tilespmem:s28+$0x270];
	_ =	sdelay $0x4  }
0x2a: {  	[tilespmem:v11+s10+$0x0] =	vst.idx.msk vm0, v10  }
0x2b: {  	v11 =	vor.u32 $0x4, v9;
	v10 =	vld [tilespmem:s28+$0x340];
	_ =	sdelay $0x4  }
0x2c: {  	[tilespmem:v11+s10+$0x0] =	vst.idx.msk vm0, v10  }
0x2d: {  	v11 =	vor.u32 $0x5, v9;
	v10 =	vld [tilespmem:s28+$0x410];
	_ =	sdelay $0x4  }
0x2e: {  	[tilespmem:v11+s10+$0x0] =	vst.idx.msk vm0, v10  }
0x2f: {  	v11 =	vor.u32 $0x6, v9;
	v10 =	vld [tilespmem:s28+$0x4E0];
	_ =	sdelay $0x4  }
0x30: {  	[tilespmem:v11+s10+$0x0] =	vst.idx.msk vm0, v10  }
0x31: {  	v11 =	vor.u32 $0x7, v9;
	v10 =	vld [tilespmem:s28+$0x5B0];
	_ =	sdelay $0x4  }
0x32: {  	[tilespmem:v11+s10+$0x0] =	vst.idx.msk vm0, v10  }
0x33: {  	v11 =	vor.u32 $0x8, v9;
	v10 =	vld [tilespmem:s28+$0x680];
	_ =	sdelay $0x4  }
0x34: {  	[tilespmem:v11+s10+$0x0] =	vst.idx.msk vm0, v10  }
0x35: {  	v11 =	vor.u32 $0x9, v9;
	v10 =	vld [tilespmem:s28+$0x750];
	_ =	sdelay $0x4  }
0x36: {  	[tilespmem:v11+s10+$0x0] =	vst.idx.msk vm0, v10  }
0x37: {  	v11 =	vor.u32 $0xA, v9;
	v10 =	vld [tilespmem:s28+$0x820];
	_ =	sdelay $0x4  }
0x38: {  	[tilespmem:v11+s10+$0x0] =	vst.idx.msk vm0, v10  }
0x39: {  	v11 =	vor.u32 $0xB, v9;
	v10 =	vld [tilespmem:s28+$0x8F0];
	_ =	sdelay $0x4  }
0x3a: {  	[tilespmem:v11+s10+$0x0] =	vst.idx.msk vm0, v10  }
0x3b: {  	v11 =	vor.u32 $0xC, v9;
	v10 =	vld [tilespmem:s28+$0x9C0];
	_ =	sdelay $0x4  }
0x3c: {  	[tilespmem:v11+s10+$0x0] =	vst.idx.msk vm0, v10  }
0x3d: {  	v11 =	vor.u32 $0xD, v9;
	v10 =	vld [tilespmem:s28+$0xA90];
	_ =	sdelay $0x4  }
0x3e: {  	[tilespmem:v11+s10+$0x0] =	vst.idx.msk vm0, v10  }
0x3f: {  	v11 =	vor.u32 $0xE, v9;
	v10 =	vld [tilespmem:s28+$0xB60];
	_ =	sdelay $0x4  }
0x40: {  	[tilespmem:v11+s10+$0x0] =	vst.idx.msk vm0, v10  }
0x41: {  	v11 =	vor.u32 $0xF, v9;
	v10 =	vld [tilespmem:s28+$0xC30];
	_ =	sdelay $0x4  }
0x42: {  	[tilespmem:v11+s10+$0x0] =	vst.idx.msk vm0, v10  }
0x43: {  	v11 =	vor.u32 $0x10, v9;
	v10 =	vld [tilespmem:s28+$0xD00];
	_ =	sdelay $0x4  }
0x44: {  	[tilespmem:v11+s10+$0x0] =	vst.idx.msk vm0, v10  }
0x45: {  	v11 =	vor.u32 $0x11, v9;
	v10 =	vld [tilespmem:s28+$0xDD0];
	_ =	sdelay $0x4  }
0x46: {  	[tilespmem:v11+s10+$0x0] =	vst.idx.msk vm0, v10  }
0x47: {  	v11 =	vor.u32 $0x12, v9;
	v10 =	vld [tilespmem:s28+$0xEA0];
	_ =	sdelay $0x4  }
0x48: {  	[tilespmem:v11+s10+$0x0] =	vst.idx.msk vm0, v10  }
0x49: {  	v11 =	vor.u32 $0x13, v9;
	v10 =	vld [tilespmem:s28+$0xF70];
	_ =	sdelay $0x4  }
0x4a: {  	[tilespmem:v11+s10+$0x0] =	vst.idx.msk vm0, v10  }
0x4b: {  	v11 =	vor.u32 $0x14, v9;
	v10 =	vld [tilespmem:s28+$0x1040];
	_ =	sdelay $0x4  }
0x4c: {  	[tilespmem:v11+s10+$0x0] =	vst.idx.msk vm0, v10  }
0x4d: {  	v11 =	vor.u32 $0x15, v9;
	v10 =	vld [tilespmem:s28+$0x1110];
	_ =	sdelay $0x4  }
0x4e: {  	[tilespmem:v11+s10+$0x0] =	vst.idx.msk vm0, v10  }
0x4f: {  	v11 =	vor.u32 $0x16, v9;
	v10 =	vld [tilespmem:s28+$0x11E0];
	_ =	sdelay $0x4  }
0x50: {  	[tilespmem:v11+s10+$0x0] =	vst.idx.msk vm0, v10  }
0x51: {  	v11 =	vor.u32 $0x17, v9;
	v10 =	vld [tilespmem:s28+$0x12B0];
	_ =	sdelay $0x4  }
0x52: {  	[tilespmem:v11+s10+$0x0] =	vst.idx.msk vm0, v10  }
0x53: {  	v11 =	vor.u32 $0x18, v9;
	v10 =	vld [tilespmem:s28+$0x1380];
	_ =	sdelay $0x4  }
0x54: {  	[tilespmem:v11+s10+$0x0] =	vst.idx.msk vm0, v10  }
0x55: {  	v11 =	vor.u32 $0x19, v9;
	v10 =	vld [tilespmem:s28+$0x1450];
	_ =	sdelay $0x4  }
0x56: {  	[tilespmem:v11+s10+$0x0] =	vst.idx.msk vm0, v10  }
0x57: {  	v11 =	vor.u32 $0x1A, v9;
	v10 =	vld [tilespmem:s28+$0x1520];
	_ =	sdelay $0x4  }
0x58: {  	[tilespmem:v11+s10+$0x0] =	vst.idx.msk vm0, v10  }
0x59: {  	v11 =	vor.u32 $0x1B, v9;
	v10 =	vld [tilespmem:s28+$0x15F0];
	_ =	sdelay $0x4  }
0x5a: {  	[tilespmem:v11+s10+$0x0] =	vst.idx.msk vm0, v10  }
0x5b: {  	v11 =	vor.u32 $0x1C, v9;
	v10 =	vld [tilespmem:s28+$0x16C0];
	_ =	sdelay $0x4  }
0x5c: {  	[tilespmem:v11+s10+$0x0] =	vst.idx.msk vm0, v10  }
0x5d: {  	v11 =	vor.u32 $0x1D, v9;
	v10 =	vld [tilespmem:s28+$0x1790];
	_ =	sdelay $0x4  }
0x5e: {  	[tilespmem:v11+s10+$0x0] =	vst.idx.msk vm0, v10  }
0x5f: {  	v11 =	vor.u32 $0x1E, v9;
	v10 =	vld [tilespmem:s28+$0x1860];
	_ =	sdelay $0x4  }
0x60: {  	[tilespmem:v11+s10+$0x0] =	vst.idx.msk vm0, v10  }
0x61: {  	v11 =	vor.u32 $0x1F, v9;
	v10 =	vld [tilespmem:s28+$0x1930];
	_ =	sdelay $0x4  }
0x62: {  	[tilespmem:v11+s10+$0x0] =	vst.idx.msk vm0, v10  }
0x63: {  	v11 =	vor.u32 $0x20, v9;
	v10 =	vld [tilespmem:s28+$0x1A00];
	_ =	sdelay $0x4  }
0x64: {  	[tilespmem:v11+s10+$0x0] =	vst.idx.msk vm0, v10  }
0x65: {  	v11 =	vor.u32 $0x21, v9;
	v10 =	vld [tilespmem:s28+$0x1AD0];
	_ =	sdelay $0x4  }
0x66: {  	[tilespmem:v11+s10+$0x0] =	vst.idx.msk vm0, v10  }
0x67: {  	v11 =	vor.u32 $0x22, v9;
	v10 =	vld [tilespmem:s28+$0x1BA0];
	_ =	sdelay $0x4  }
0x68: {  	[tilespmem:v11+s10+$0x0] =	vst.idx.msk vm0, v10  }
0x69: {  	v11 =	vor.u32 $0x23, v9;
	v10 =	vld [tilespmem:s28+$0x1C70];
	_ =	sdelay $0x4  }
0x6a: {  	[tilespmem:v11+s10+$0x0] =	vst.idx.msk vm0, v10  }
0x6b: {  	v11 =	vor.u32 $0x24, v9;
	v10 =	vld [tilespmem:s28+$0x1D40];
	_ =	sdelay $0x4  }
0x6c: {  	[tilespmem:v11+s10+$0x0] =	vst.idx.msk vm0, v10  }
0x6d: {  	v11 =	vor.u32 $0x25, v9;
	v10 =	vld [tilespmem:s28+$0x1E10];
	_ =	sdelay $0x4  }
0x6e: {  	[tilespmem:v11+s10+$0x0] =	vst.idx.msk vm0, v10  }
0x6f: {  	v11 =	vor.u32 $0x26, v9;
	v10 =	vld [tilespmem:s28+$0x1EE0];
	_ =	sdelay $0x4  }
0x70: {  	[tilespmem:v11+s10+$0x0] =	vst.idx.msk vm0, v10  }
0x71: {  	v11 =	vor.u32 $0x27, v9;
	v10 =	vld [tilespmem:s28+$0x1FB0];
	_ =	sdelay $0x4  }
0x72: {  	[tilespmem:v11+s10+$0x0] =	vst.idx.msk vm0, v10  }
0x73: {  	v11 =	vor.u32 $0x28, v9;
	v10 =	vld [tilespmem:s28+$0x2080];
	_ =	sdelay $0x4  }
0x74: {  	[tilespmem:v11+s10+$0x0] =	vst.idx.msk vm0, v10  }
0x75: {  	v11 =	vor.u32 $0x29, v9;
	v10 =	vld [tilespmem:s28+$0x2150];
	_ =	sdelay $0x4  }
0x76: {  	[tilespmem:v11+s10+$0x0] =	vst.idx.msk vm0, v10  }
0x77: {  	v11 =	vor.u32 $0x2A, v9;
	v10 =	vld [tilespmem:s28+$0x2220];
	_ =	sdelay $0x4  }
0x78: {  	[tilespmem:v11+s10+$0x0] =	vst.idx.msk vm0, v10  }
0x79: {  	v11 =	vor.u32 $0x2B, v9;
	v10 =	vld [tilespmem:s28+$0x22F0];
	_ =	sdelay $0x4  }
0x7a: {  	[tilespmem:v11+s10+$0x0] =	vst.idx.msk vm0, v10  }
0x7b: {  	v11 =	vor.u32 $0x2C, v9;
	v10 =	vld [tilespmem:s28+$0x23C0];
	_ =	sdelay $0x4  }
0x7c: {  	[tilespmem:v11+s10+$0x0] =	vst.idx.msk vm0, v10  }
0x7d: {  	v11 =	vor.u32 $0x2D, v9;
	v10 =	vld [tilespmem:s28+$0x2490];
	_ =	sdelay $0x4  }
0x7e: {  	[tilespmem:v11+s10+$0x0] =	vst.idx.msk vm0, v10  }
0x7f: {  	v11 =	vor.u32 $0x2E, v9;
	v10 =	vld [tilespmem:s28+$0x2560];
	_ =	sdelay $0x4  }
0x80: {  	[tilespmem:v11+s10+$0x0] =	vst.idx.msk vm0, v10  }
0x81: {  	v11 =	vor.u32 $0x2F, v9;
	v10 =	vld [tilespmem:s28+$0x2630];
	_ =	sdelay $0x4  }
0x82: {  	[tilespmem:v11+s10+$0x0] =	vst.idx.msk vm0, v10  }
0x83: {  	v11 =	vor.u32 $0x30, v9;
	v10 =	vld [tilespmem:s28+$0x2700];
	_ =	sdelay $0x4  }
0x84: {  	[tilespmem:v11+s10+$0x0] =	vst.idx.msk vm0, v10  }
0x85: {  	v11 =	vor.u32 $0x31, v9;
	v10 =	vld [tilespmem:s28+$0x27D0];
	_ =	sdelay $0x4  }
0x86: {  	[tilespmem:v11+s10+$0x0] =	vst.idx.msk vm0, v10  }
0x87: {  	v11 =	vor.u32 $0x32, v9;
	v10 =	vld [tilespmem:s28+$0x28A0];
	_ =	sdelay $0x4  }
0x88: {  	[tilespmem:v11+s10+$0x0] =	vst.idx.msk vm0, v10  }
0x89: {  	v11 =	vor.u32 $0x33, v9;
	v10 =	vld [tilespmem:s28+$0x2970];
	_ =	sdelay $0x4  }
0x8a: {  	[tilespmem:v11+s10+$0x0] =	vst.idx.msk vm0, v10  }
0x8b: {  	v11 =	vor.u32 $0x34, v9;
	v10 =	vld [tilespmem:s28+$0x2A40];
	_ =	sdelay $0x4  }
0x8c: {  	[tilespmem:v11+s10+$0x0] =	vst.idx.msk vm0, v10  }
0x8d: {  	v11 =	vor.u32 $0x35, v9;
	v10 =	vld [tilespmem:s28+$0x2B10];
	_ =	sdelay $0x4  }
0x8e: {  	[tilespmem:v11+s10+$0x0] =	vst.idx.msk vm0, v10  }
0x8f: {  	v11 =	vor.u32 $0x36, v9;
	v10 =	vld [tilespmem:s28+$0x2BE0];
	_ =	sdelay $0x4  }
0x90: {  	[tilespmem:v11+s10+$0x0] =	vst.idx.msk vm0, v10  }
0x91: {  	v11 =	vor.u32 $0x37, v9;
	v10 =	vld [tilespmem:s28+$0x2CB0];
	_ =	sdelay $0x4  }
0x92: {  	[tilespmem:v11+s10+$0x0] =	vst.idx.msk vm0, v10  }
0x93: {  	v11 =	vor.u32 $0x38, v9;
	v10 =	vld [tilespmem:s28+$0x2D80];
	_ =	sdelay $0x4  }
0x94: {  	[tilespmem:v11+s10+$0x0] =	vst.idx.msk vm0, v10  }
0x95: {  	v11 =	vor.u32 $0x39, v9;
	v10 =	vld [tilespmem:s28+$0x2E50];
	_ =	sdelay $0x4  }
0x96: {  	[tilespmem:v11+s10+$0x0] =	vst.idx.msk vm0, v10  }
0x97: {  	v11 =	vor.u32 $0x3A, v9;
	v10 =	vld [tilespmem:s28+$0x2F20];
	_ =	sdelay $0x4  }
0x98: {  	[tilespmem:v11+s10+$0x0] =	vst.idx.msk vm0, v10  }
0x99: {  	v11 =	vor.u32 $0x3B, v9;
	v10 =	vld [tilespmem:s28+$0x2FF0];
	_ =	sdelay $0x4  }
0x9a: {  	[tilespmem:v11+s10+$0x0] =	vst.idx.msk vm0, v10  }
0x9b: {  	v11 =	vor.u32 $0x3C, v9;
	v10 =	vld [tilespmem:s28+$0x30C0];
	_ =	sdelay $0x4  }
0x9c: {  	[tilespmem:v11+s10+$0x0] =	vst.idx.msk vm0, v10  }
0x9d: {  	v11 =	vor.u32 $0x3D, v9;
	v10 =	vld [tilespmem:s28+$0x3190];
	_ =	sdelay $0x4  }
0x9e: {  	[tilespmem:v11+s10+$0x0] =	vst.idx.msk vm0, v10  }
0x9f: {  	v11 =	vor.u32 $0x3E, v9;
	v10 =	vld [tilespmem:s28+$0x3260];
	_ =	sdelay $0x4  }
0xa0: {  	[tilespmem:v11+s10+$0x0] =	vst.idx.msk vm0, v10  }
0xa1: {  	v11 =	vor.u32 $0x3F, v9;
	v10 =	vld [tilespmem:s28+$0x3330];
	_ =	sdelay $0x4  }
0xa2: {  	[tilespmem:v11+s10+$0x0] =	vst.idx.msk vm0, v10  }
0xa3: {  	v11 =	vor.u32 $0x40, v9;
	v10 =	vld [tilespmem:s28+$0x3400];
	_ =	sdelay $0x4  }
0xa4: {  	[tilespmem:v11+s10+$0x0] =	vst.idx.msk vm0, v10  }
0xa5: {  	v11 =	vor.u32 $0x41, v9;
	v10 =	vld [tilespmem:s28+$0x34D0];
	_ =	sdelay $0x4  }
0xa6: {  	[tilespmem:v11+s10+$0x0] =	vst.idx.msk vm0, v10  }
0xa7: {  	v11 =	vor.u32 $0x42, v9;
	v10 =	vld [tilespmem:s28+$0x35A0];
	_ =	sdelay $0x4  }
0xa8: {  	[tilespmem:v11+s10+$0x0] =	vst.idx.msk vm0, v10  }
0xa9: {  	v11 =	vor.u32 $0x43, v9;
	v10 =	vld [tilespmem:s28+$0x3670];
	_ =	sdelay $0x4  }
0xaa: {  	[tilespmem:v11+s10+$0x0] =	vst.idx.msk vm0, v10  }
0xab: {  	v11 =	vor.u32 $0x44, v9;
	v10 =	vld [tilespmem:s28+$0x3740];
	_ =	sdelay $0x4  }
0xac: {  	[tilespmem:v11+s10+$0x0] =	vst.idx.msk vm0, v10  }
0xad: {  	v11 =	vor.u32 $0x45, v9;
	v10 =	vld [tilespmem:s28+$0x3810];
	_ =	sdelay $0x4  }
0xae: {  	[tilespmem:v11+s10+$0x0] =	vst.idx.msk vm0, v10  }
0xaf: {  	v11 =	vor.u32 $0x46, v9;
	v10 =	vld [tilespmem:s28+$0x38E0];
	_ =	sdelay $0x4  }
0xb0: {  	[tilespmem:v11+s10+$0x0] =	vst.idx.msk vm0, v10  }
0xb1: {  	v11 =	vor.u32 $0x47, v9;
	v10 =	vld [tilespmem:s28+$0x39B0];
	_ =	sdelay $0x4  }
0xb2: {  	[tilespmem:v11+s10+$0x0] =	vst.idx.msk vm0, v10  }
0xb3: {  	v11 =	vor.u32 $0x48, v9;
	v10 =	vld [tilespmem:s28+$0x3A80];
	_ =	sdelay $0x4  }
0xb4: {  	[tilespmem:v11+s10+$0x0] =	vst.idx.msk vm0, v10  }
0xb5: {  	v11 =	vor.u32 $0x49, v9;
	v10 =	vld [tilespmem:s28+$0x3B50];
	_ =	sdelay $0x4  }
0xb6: {  	[tilespmem:v11+s10+$0x0] =	vst.idx.msk vm0, v10  }
0xb7: {  	v11 =	vor.u32 $0x4A, v9;
	v10 =	vld [tilespmem:s28+$0x3C20];
	_ =	sdelay $0x4  }
0xb8: {  	[tilespmem:v11+s10+$0x0] =	vst.idx.msk vm0, v10  }
0xb9: {  	v11 =	vor.u32 $0x4B, v9;
	v10 =	vld [tilespmem:s28+$0x3CF0];
	_ =	sdelay $0x4  }
0xba: {  	[tilespmem:v11+s10+$0x0] =	vst.idx.msk vm0, v10  }
0xbb: {  	v11 =	vor.u32 $0x4C, v9;
	v10 =	vld [tilespmem:s28+$0x3DC0];
	_ =	sdelay $0x4  }
0xbc: {  	[tilespmem:v11+s10+$0x0] =	vst.idx.msk vm0, v10  }
0xbd: {  	v11 =	vor.u32 $0x4D, v9;
	v10 =	vld [tilespmem:s28+$0x3E90];
	_ =	sdelay $0x4  }
0xbe: {  	[tilespmem:v11+s10+$0x0] =	vst.idx.msk vm0, v10  }
0xbf: {  	v11 =	vor.u32 $0x4E, v9;
	v10 =	vld [tilespmem:s28+$0x3F60];
	_ =	sdelay $0x4  }
0xc0: {  	[tilespmem:v11+s10+$0x0] =	vst.idx.msk vm0, v10  }
0xc1: {  	v11 =	vor.u32 $0x4F, v9;
	v10 =	vld [tilespmem:s28+$0x4030];
	_ =	sdelay $0x4  }
0xc2: {  	[tilespmem:v11+s10+$0x0] =	vst.idx.msk vm0, v10  }
0xc3: {  	v11 =	vor.u32 $0x50, v9;
	v10 =	vld [tilespmem:s28+$0x4100];
	_ =	sdelay $0x4  }
0xc4: {  	[tilespmem:v11+s10+$0x0] =	vst.idx.msk vm0, v10  }
0xc5: {  	v11 =	vor.u32 $0x51, v9;
	v10 =	vld [tilespmem:s28+$0x41D0];
	_ =	sdelay $0x4  }
0xc6: {  	[tilespmem:v11+s10+$0x0] =	vst.idx.msk vm0, v10  }
0xc7: {  	v11 =	vor.u32 $0x52, v9;
	v10 =	vld [tilespmem:s28+$0x42A0];
	_ =	sdelay $0x4  }
0xc8: {  	[tilespmem:v11+s10+$0x0] =	vst.idx.msk vm0, v10  }
0xc9: {  	v11 =	vor.u32 $0x53, v9;
	v10 =	vld [tilespmem:s28+$0x4370];
	_ =	sdelay $0x4  }
0xca: {  	[tilespmem:v11+s10+$0x0] =	vst.idx.msk vm0, v10  }
0xcb: {  	v11 =	vor.u32 $0x54, v9;
	v10 =	vld [tilespmem:s28+$0x4440];
	_ =	sdelay $0x4  }
0xcc: {  	[tilespmem:v11+s10+$0x0] =	vst.idx.msk vm0, v10  }
0xcd: {  	v11 =	vor.u32 $0x55, v9;
	v10 =	vld [tilespmem:s28+$0x4510];
	_ =	sdelay $0x4  }
0xce: {  	[tilespmem:v11+s10+$0x0] =	vst.idx.msk vm0, v10  }
0xcf: {  	v11 =	vor.u32 $0x56, v9;
	v10 =	vld [tilespmem:s28+$0x45E0];
	_ =	sdelay $0x4  }
0xd0: {  	[tilespmem:v11+s10+$0x0] =	vst.idx.msk vm0, v10  }
0xd1: {  	v11 =	vor.u32 $0x57, v9;
	v10 =	vld [tilespmem:s28+$0x46B0];
	_ =	sdelay $0x4  }
0xd2: {  	[tilespmem:v11+s10+$0x0] =	vst.idx.msk vm0, v10  }
0xd3: {  	v11 =	vor.u32 $0x58, v9;
	v10 =	vld [tilespmem:s28+$0x4780];
	_ =	sdelay $0x4  }
0xd4: {  	[tilespmem:v11+s10+$0x0] =	vst.idx.msk vm0, v10  }
0xd5: {  	v11 =	vor.u32 $0x59, v9;
	v10 =	vld [tilespmem:s28+$0x4850];
	_ =	sdelay $0x4  }
0xd6: {  	[tilespmem:v11+s10+$0x0] =	vst.idx.msk vm0, v10  }
0xd7: {  	v11 =	vor.u32 $0x5A, v9;
	v10 =	vld [tilespmem:s28+$0x4920];
	_ =	sdelay $0x4  }
0xd8: {  	[tilespmem:v11+s10+$0x0] =	vst.idx.msk vm0, v10  }
0xd9: {  	v11 =	vor.u32 $0x5B, v9;
	v10 =	vld [tilespmem:s28+$0x49F0];
	_ =	sdelay $0x4  }
0xda: {  	[tilespmem:v11+s10+$0x0] =	vst.idx.msk vm0, v10  }
0xdb: {  	v11 =	vor.u32 $0x5C, v9;
	v10 =	vld [tilespmem:s28+$0x4AC0];
	_ =	sdelay $0x4  }
0xdc: {  	[tilespmem:v11+s10+$0x0] =	vst.idx.msk vm0, v10  }
0xdd: {  	v11 =	vor.u32 $0x5D, v9;
	v10 =	vld [tilespmem:s28+$0x4B90];
	_ =	sdelay $0x4  }
0xde: {  	[tilespmem:v11+s10+$0x0] =	vst.idx.msk vm0, v10  }
0xdf: {  	v11 =	vor.u32 $0x5E, v9;
	v10 =	vld [tilespmem:s28+$0x4C60];
	_ =	sdelay $0x4  }
0xe0: {  	[tilespmem:v11+s10+$0x0] =	vst.idx.msk vm0, v10  }
0xe1: {  	v11 =	vor.u32 $0x5F, v9;
	v10 =	vld [tilespmem:s28+$0x4D30];
	_ =	sdelay $0x4  }
0xe2: {  	[tilespmem:v11+s10+$0x0] =	vst.idx.msk vm0, v10  }
0xe3: {  	v11 =	vor.u32 $0x60, v9;
	v10 =	vld [tilespmem:s28+$0x4E00];
	_ =	sdelay $0x4  }
0xe4: {  	[tilespmem:v11+s10+$0x0] =	vst.idx.msk vm0, v10  }
0xe5: {  	v11 =	vor.u32 $0x61, v9;
	v10 =	vld [tilespmem:s28+$0x4ED0];
	_ =	sdelay $0x4  }
0xe6: {  	[tilespmem:v11+s10+$0x0] =	vst.idx.msk vm0, v10  }
0xe7: {  	v11 =	vor.u32 $0x62, v9;
	v10 =	vld [tilespmem:s28+$0x4FA0];
	_ =	sdelay $0x4  }
0xe8: {  	[tilespmem:v11+s10+$0x0] =	vst.idx.msk vm0, v10  }
0xe9: {  	v11 =	vor.u32 $0x63, v9;
	v10 =	vld [tilespmem:s28+$0x5070];
	_ =	sdelay $0x4  }
0xea: {  	[tilespmem:v11+s10+$0x0] =	vst.idx.msk vm0, v10  }
0xeb: {  	v11 =	vor.u32 $0x64, v9;
	v10 =	vld [tilespmem:s28+$0x5140];
	_ =	sdelay $0x4  }
0xec: {  	[tilespmem:v11+s10+$0x0] =	vst.idx.msk vm0, v10  }
0xed: {  	v11 =	vor.u32 $0x65, v9;
	v10 =	vld [tilespmem:s28+$0x5210];
	_ =	sdelay $0x4  }
0xee: {  	[tilespmem:v11+s10+$0x0] =	vst.idx.msk vm0, v10  }
0xef: {  	v11 =	vor.u32 $0x66, v9;
	v10 =	vld [tilespmem:s28+$0x52E0];
	_ =	sdelay $0x4  }
0xf0: {  	[tilespmem:v11+s10+$0x0] =	vst.idx.msk vm0, v10  }
0xf1: {  	v11 =	vor.u32 $0x67, v9;
	v10 =	vld [tilespmem:s28+$0x53B0];
	_ =	sdelay $0x4  }
0xf2: {  	[tilespmem:v11+s10+$0x0] =	vst.idx.msk vm0, v10  }
0xf3: {  	v11 =	vor.u32 $0x68, v9;
	v10 =	vld [tilespmem:s28+$0x5480];
	_ =	sdelay $0x4  }
0xf4: {  	[tilespmem:v11+s10+$0x0] =	vst.idx.msk vm0, v10  }
0xf5: {  	v11 =	vor.u32 $0x69, v9;
	v10 =	vld [tilespmem:s28+$0x5550];
	_ =	sdelay $0x4  }
0xf6: {  	[tilespmem:v11+s10+$0x0] =	vst.idx.msk vm0, v10  }
0xf7: {  	v11 =	vor.u32 $0x6A, v9;
	v10 =	vld [tilespmem:s28+$0x5620];
	_ =	sdelay $0x4  }
0xf8: {  	[tilespmem:v11+s10+$0x0] =	vst.idx.msk vm0, v10  }
0xf9: {  	v11 =	vor.u32 $0x6B, v9;
	v10 =	vld [tilespmem:s28+$0x56F0];
	_ =	sdelay $0x4  }
0xfa: {  	[tilespmem:v11+s10+$0x0] =	vst.idx.msk vm0, v10  }
0xfb: {  	v11 =	vor.u32 $0x6C, v9;
	v10 =	vld [tilespmem:s28+$0x57C0];
	_ =	sdelay $0x4  }
0xfc: {  	[tilespmem:v11+s10+$0x0] =	vst.idx.msk vm0, v10  }
0xfd: {  	v11 =	vor.u32 $0x6D, v9;
	v10 =	vld [tilespmem:s28+$0x5890];
	_ =	sdelay $0x4  }
0xfe: {  	[tilespmem:v11+s10+$0x0] =	vst.idx.msk vm0, v10  }
0xff: {  	v11 =	vor.u32 $0x6E, v9;
	v10 =	vld [tilespmem:s28+$0x5960];
	_ =	sdelay $0x4  }
0x100: {  	[tilespmem:v11+s10+$0x0] =	vst.idx.msk vm0, v10  }
0x101: {  	v11 =	vor.u32 $0x6F, v9;
	v10 =	vld [tilespmem:s28+$0x5A30];
	_ =	sdelay $0x4  }
0x102: {  	[tilespmem:v11+s10+$0x0] =	vst.idx.msk vm0, v10  }
0x103: {  	v11 =	vor.u32 $0x70, v9;
	v10 =	vld [tilespmem:s28+$0x5B00];
	_ =	sdelay $0x4  }
0x104: {  	[tilespmem:v11+s10+$0x0] =	vst.idx.msk vm0, v10  }
0x105: {  	v11 =	vor.u32 $0x71, v9;
	v10 =	vld [tilespmem:s28+$0x5BD0];
	_ =	sdelay $0x4  }
0x106: {  	[tilespmem:v11+s10+$0x0] =	vst.idx.msk vm0, v10  }
0x107: {  	v11 =	vor.u32 $0x72, v9;
	v10 =	vld [tilespmem:s28+$0x5CA0];
	_ =	sdelay $0x4  }
0x108: {  	[tilespmem:v11+s10+$0x0] =	vst.idx.msk vm0, v10  }
0x109: {  	v11 =	vor.u32 $0x73, v9;
	v10 =	vld [tilespmem:s28+$0x5D70];
	_ =	sdelay $0x4  }
0x10a: {  	[tilespmem:v11+s10+$0x0] =	vst.idx.msk vm0, v10  }
0x10b: {  	v11 =	vor.u32 $0x74, v9;
	v10 =	vld [tilespmem:s28+$0x5E40];
	_ =	sdelay $0x4  }
0x10c: {  	[tilespmem:v11+s10+$0x0] =	vst.idx.msk vm0, v10  }
0x10d: {  	v11 =	vor.u32 $0x75, v9;
	v10 =	vld [tilespmem:s28+$0x5F10];
	_ =	sdelay $0x4  }
0x10e: {  	[tilespmem:v11+s10+$0x0] =	vst.idx.msk vm0, v10  }
0x10f: {  	v11 =	vor.u32 $0x76, v9;
	v10 =	vld [tilespmem:s28+$0x5FE0];
	_ =	sdelay $0x4  }
0x110: {  	[tilespmem:v11+s10+$0x0] =	vst.idx.msk vm0, v10  }
0x111: {  	v11 =	vor.u32 $0x77, v9;
	v10 =	vld [tilespmem:s28+$0x60B0];
	_ =	sdelay $0x4  }
0x112: {  	[tilespmem:v11+s10+$0x0] =	vst.idx.msk vm0, v10  }
0x113: {  	v11 =	vor.u32 $0x78, v9;
	v10 =	vld [tilespmem:s28+$0x6180];
	_ =	sdelay $0x4  }
0x114: {  	[tilespmem:v11+s10+$0x0] =	vst.idx.msk vm0, v10  }
0x115: {  	v11 =	vor.u32 $0x79, v9;
	v10 =	vld [tilespmem:s28+$0x6250];
	_ =	sdelay $0x4  }
0x116: {  	[tilespmem:v11+s10+$0x0] =	vst.idx.msk vm0, v10  }
0x117: {  	v11 =	vor.u32 $0x7A, v9;
	v10 =	vld [tilespmem:s28+$0x6320];
	_ =	sdelay $0x4  }
0x118: {  	[tilespmem:v11+s10+$0x0] =	vst.idx.msk vm0, v10  }
0x119: {  	v11 =	vor.u32 $0x7B, v9;
	v10 =	vld [tilespmem:s28+$0x63F0];
	_ =	sdelay $0x4  }
0x11a: {  	[tilespmem:v11+s10+$0x0] =	vst.idx.msk vm0, v10  }
0x11b: {  	v11 =	vor.u32 $0x7C, v9;
	v10 =	vld [tilespmem:s28+$0x64C0];
	_ =	sdelay $0x4  }
0x11c: {  	[tilespmem:v11+s10+$0x0] =	vst.idx.msk vm0, v10  }
0x11d: {  	v11 =	vor.u32 $0x7D, v9;
	v10 =	vld [tilespmem:s28+$0x6590];
	_ =	sdelay $0x4  }
0x11e: {  	[tilespmem:v11+s10+$0x0] =	vst.idx.msk vm0, v10  }
0x11f: {  	v11 =	vor.u32 $0x7E, v9;
	v10 =	vld [tilespmem:s28+$0x6660];
	_ =	sdelay $0x4  }
0x120: {  	[tilespmem:v11+s10+$0x0] =	vst.idx.msk vm0, v10  }
0x121: {  	p0 =	sne.s32 s2, $0x300;
	v9 =	vor.u32 $0x7F, v9;
	v10 =	vld [tilespmem:s28+$0x6730]  }
.Ltmp1:
0x122: {  	_ = 	snop;
	(pc) =	sbr.rel @p0 .LBB2_5-.Ltmp1, $2  }
0x123: {  	_ =	sdelay $0x2  }
0x124: {  	s0 =	sadd.s32 $0x10, s0;
	s2 =	sadd.s32 $0x40, s2;
	[tilespmem:v9+s10+$0x0] =	vst.idx.msk vm0, v10  }
0x125: {  	[dreg:$0x8] =	wrdreg s4  }
0x126: {  	s0 =	simm.s32 $0xCC00;
	s31 =	sshll.u32 s4, $0xA;
	s2 =	rddreg [dreg:$0x5]  }
0x127: {  	[tilespmem:s0], [sflag:$0x1] =	stream.indirect.gather [hbm4b:s5+s11], $0x20, s10, s11, $0xb8;
	[tilespmem:$0x1D400] =	vst v63  }
0x128: {  	s29 =	simm.s32 $0x0;
	s30 =	simm.s32 $0x0;
	s28 =	sadd.s32 s2, s31  }
.LBB2_7:
0x129: {  	s31 =	sshllo.u32 s30, $0x1  }
0x12a: {  	s0 =	sshll.u32 s31, $0x9  }
0x12b: {  	s0 =	sand.u32 $0x3FFFFE00, s0  }
0x12c: {  	s2 =	simm.s32 $0x10C00;
	s0 =	sadd.s32 $0x6800, s0  }
0x12d: {  	[tilespmem:s2], [sflag:$0x2] =	stream.indirect.gather [hbm4b:s5+s11], $0x20, s0, s11, $0xb8;
	[tilespmem:$0x1D400] =	vst v63  }
0x12e: {  	_ =	swait.ge [sflag:s14], $0x4000  }
0x12f: {  	p0 =	seq.s32 s30, $0x0;
	[sflag:s14] =	ssyncset.done $0x0  }
0x130: {  	s0 =	simm.s32 @!p0 $0x3;
	[sflag:s14] =	ssyncadd.s32 $0xFFFFC000  }
0x131: {  	_ =	swait.ge @!p0 [sflag:s0], $0x1000  }
0x132: {  	[sflag:s0] =	ssyncset.done @!p0 $0x0  }
0x133: {  	[sflag:s0] =	ssyncadd.s32 @!p0 $0xFFFFF000  }
0x134: {  	_ =	swait.ge @!p0 [sflag:s0], $0x1000  }
0x135: {  	[sflag:s0] =	ssyncset.done @!p0 $0x0  }
0x136: {  	[sflag:s0] =	ssyncadd.s32 @!p0 $0xFFFFF000  }
0x137: {  	_ =	swait.ge @!p0 [sflag:s0], $0x1000  }
0x138: {  	[sflag:s0] =	ssyncset.done @!p0 $0x0  }
0x139: {  	[sflag:s0] =	ssyncadd.s32 @!p0 $0xFFFFF000  }
0x13a: {  	_ =	swait.ge @!p0 [sflag:s0], $0x1000  }
0x13b: {  	[sflag:s0] =	ssyncset.done @!p0 $0x0  }
0x13c: {  	[sflag:s0] =	ssyncadd.s32 @!p0 $0xFFFFF000;
	s0 =	simm.s32 $0xEC00  }
0x13d: {  	v9 =	vmov s29;
	v10 =	vld [tilespmem:s0+$0xFFFFE000]  }
0x13e: {  	v9 =	vand.u32 $0x7C, v9  }
0x13f: {  	v11 =	vadd.s32 v1, v9;
	_ =	sdelay $0x2  }
0x140: {  	v10 =	vmul.f32 $5.656854150e+00, v10;
	_ =	sdelay $0x1  }
0x141: {  	[tilespmem:v11+s15+$0x0] =	vst.idx.msk $0xffff, v10  }
0x142: {  	v10 =	vld [tilespmem:s0+$0xFFFFE010];
	_ =	sdelay $0x1  }
0x143: {  	v11 =	vadd.s32 v2, v9;
	_ =	sdelay $0x2  }
0x144: {  	v10 =	vmul.f32 $5.656854150e+00, v10;
	_ =	sdelay $0x1  }
0x145: {  	[tilespmem:v11+s15+$0x0] =	vst.idx.msk $0xffff, v10  }
0x146: {  	v10 =	vld [tilespmem:s0+$0xFFFFF000];
	_ =	sdelay $0x1  }
0x147: {  	v11 =	vadd.s32 v3, v9;
	_ =	sdelay $0x2  }
0x148: {  	v10 =	vmul.f32 $5.656854150e+00, v10;
	_ =	sdelay $0x1  }
0x149: {  	[tilespmem:v11+s15+$0x0] =	vst.idx.msk $0xffff, v10  }
0x14a: {  	v10 =	vld [tilespmem:s0+$0xFFFFF010];
	_ =	sdelay $0x1  }
0x14b: {  	v11 =	vadd.s32 v4, v9;
	_ =	sdelay $0x2  }
0x14c: {  	v10 =	vmul.f32 $5.656854150e+00, v10;
	_ =	sdelay $0x1  }
0x14d: {  	[tilespmem:v11+s15+$0x0] =	vst.idx.msk $0xffff, v10  }
0x14e: {  	v10 =	vld [tilespmem:s0+$0x0];
	_ =	sdelay $0x1  }
0x14f: {  	v11 =	vadd.s32 v5, v9;
	_ =	sdelay $0x2  }
0x150: {  	v10 =	vmul.f32 $5.656854150e+00, v10;
	_ =	sdelay $0x1  }
0x151: {  	[tilespmem:v11+s15+$0x0] =	vst.idx.msk $0xffff, v10  }
0x152: {  	v10 =	vld [tilespmem:s0+$0x10];
	_ =	sdelay $0x1  }
0x153: {  	v11 =	vadd.s32 v6, v9;
	_ =	sdelay $0x2  }
0x154: {  	v10 =	vmul.f32 $5.656854150e+00, v10;
	_ =	sdelay $0x1  }
0x155: {  	[tilespmem:v11+s15+$0x0] =	vst.idx.msk $0xffff, v10  }
0x156: {  	v10 =	vld [tilespmem:s0+$0x1000];
	_ =	sdelay $0x1  }
0x157: {  	v11 =	vadd.s32 v7, v9;
	_ =	sdelay $0x2  }
0x158: {  	v10 =	vmul.f32 $5.656854150e+00, v10;
	_ =	sdelay $0x1  }
0x159: {  	[tilespmem:v11+s15+$0x0] =	vst.idx.msk $0xffff, v10  }
0x15a: {  	v10 =	vld [tilespmem:s0+$0x1010];
	_ =	sdelay $0x1  }
0x15b: {  	v9 =	vadd.s32 v8, v9;
	_ =	sdelay $0x2  }
0x15c: {  	v10 =	vmul.f32 $5.656854150e+00, v10;
	_ =	sdelay $0x1  }
0x15d: {  	s8 =	simm.s32 $0x1;
	[tilespmem:v9+s15+$0x0] =	vst.idx.msk $0xffff, v10  }
0x15e: {  	v9 =	vmov s8;
	v10 =	vld [tilespmem:s0+$0xFFFFE020]  }
0x15f: {  	v9 =	vand.u32 $0x7D, v9  }
0x160: {  	v11 =	vadd.s32 v1, v9;
	_ =	sdelay $0x2  }
0x161: {  	v10 =	vmul.f32 $5.656854150e+00, v10;
	_ =	sdelay $0x1  }
0x162: {  	[tilespmem:v11+s15+$0x0] =	vst.idx.msk $0xffff, v10  }
0x163: {  	v10 =	vld [tilespmem:s0+$0xFFFFE030];
	_ =	sdelay $0x1  }
0x164: {  	v11 =	vadd.s32 v2, v9;
	_ =	sdelay $0x2  }
0x165: {  	v10 =	vmul.f32 $5.656854150e+00, v10;
	_ =	sdelay $0x1  }
0x166: {  	[tilespmem:v11+s15+$0x0] =	vst.idx.msk $0xffff, v10  }
0x167: {  	v10 =	vld [tilespmem:s0+$0xFFFFF020];
	_ =	sdelay $0x1  }
0x168: {  	v11 =	vadd.s32 v3, v9;
	_ =	sdelay $0x2  }
0x169: {  	v10 =	vmul.f32 $5.656854150e+00, v10;
	_ =	sdelay $0x1  }
0x16a: {  	[tilespmem:v11+s15+$0x0] =	vst.idx.msk $0xffff, v10  }
0x16b: {  	v10 =	vld [tilespmem:s0+$0xFFFFF030];
	_ =	sdelay $0x1  }
0x16c: {  	v11 =	vadd.s32 v4, v9;
	_ =	sdelay $0x2  }
0x16d: {  	v10 =	vmul.f32 $5.656854150e+00, v10;
	_ =	sdelay $0x1  }
0x16e: {  	[tilespmem:v11+s15+$0x0] =	vst.idx.msk $0xffff, v10  }
0x16f: {  	v10 =	vld [tilespmem:s0+$0x20];
	_ =	sdelay $0x1  }
0x170: {  	v11 =	vadd.s32 v5, v9;
	_ =	sdelay $0x2  }
0x171: {  	v10 =	vmul.f32 $5.656854150e+00, v10;
	_ =	sdelay $0x1  }
0x172: {  	[tilespmem:v11+s15+$0x0] =	vst.idx.msk $0xffff, v10  }
0x173: {  	v10 =	vld [tilespmem:s0+$0x30];
	_ =	sdelay $0x1  }
0x174: {  	v11 =	vadd.s32 v6, v9;
	_ =	sdelay $0x2  }
0x175: {  	v10 =	vmul.f32 $5.656854150e+00, v10;
	_ =	sdelay $0x1  }
0x176: {  	[tilespmem:v11+s15+$0x0] =	vst.idx.msk $0xffff, v10  }
0x177: {  	v10 =	vld [tilespmem:s0+$0x1020];
	_ =	sdelay $0x1  }
0x178: {  	v11 =	vadd.s32 v7, v9;
	_ =	sdelay $0x2  }
0x179: {  	v10 =	vmul.f32 $5.656854150e+00, v10;
	_ =	sdelay $0x1  }
0x17a: {  	[tilespmem:v11+s15+$0x0] =	vst.idx.msk $0xffff, v10  }
0x17b: {  	v10 =	vld [tilespmem:s0+$0x1030];
	_ =	sdelay $0x1  }
0x17c: {  	v9 =	vadd.s32 v8, v9;
	_ =	sdelay $0x2  }
0x17d: {  	v10 =	vmul.f32 $5.656854150e+00, v10;
	_ =	sdelay $0x1  }
0x17e: {  	s4 =	simm.s32 $0x2;
	[tilespmem:v9+s15+$0x0] =	vst.idx.msk $0xffff, v10  }
0x17f: {  	v9 =	vmov s4;
	v10 =	vld [tilespmem:s0+$0xFFFFE040]  }
0x180: {  	v9 =	vand.u32 $0x7E, v9  }
0x181: {  	v11 =	vadd.s32 v1, v9;
	_ =	sdelay $0x2  }
0x182: {  	v10 =	vmul.f32 $5.656854150e+00, v10;
	_ =	sdelay $0x1  }
0x183: {  	[tilespmem:v11+s15+$0x0] =	vst.idx.msk $0xffff, v10  }
0x184: {  	v10 =	vld [tilespmem:s0+$0xFFFFE050];
	_ =	sdelay $0x1  }
0x185: {  	v11 =	vadd.s32 v2, v9;
	_ =	sdelay $0x2  }
0x186: {  	v10 =	vmul.f32 $5.656854150e+00, v10;
	_ =	sdelay $0x1  }
0x187: {  	[tilespmem:v11+s15+$0x0] =	vst.idx.msk $0xffff, v10  }
0x188: {  	v10 =	vld [tilespmem:s0+$0xFFFFF040];
	_ =	sdelay $0x1  }
0x189: {  	v11 =	vadd.s32 v3, v9;
	_ =	sdelay $0x2  }
0x18a: {  	v10 =	vmul.f32 $5.656854150e+00, v10;
	_ =	sdelay $0x1  }
0x18b: {  	[tilespmem:v11+s15+$0x0] =	vst.idx.msk $0xffff, v10  }
0x18c: {  	v10 =	vld [tilespmem:s0+$0xFFFFF050];
	_ =	sdelay $0x1  }
0x18d: {  	v11 =	vadd.s32 v4, v9;
	_ =	sdelay $0x2  }
0x18e: {  	v10 =	vmul.f32 $5.656854150e+00, v10;
	_ =	sdelay $0x1  }
0x18f: {  	[tilespmem:v11+s15+$0x0] =	vst.idx.msk $0xffff, v10  }
0x190: {  	v10 =	vld [tilespmem:s0+$0x40];
	_ =	sdelay $0x1  }
0x191: {  	v11 =	vadd.s32 v5, v9;
	_ =	sdelay $0x2  }
0x192: {  	v10 =	vmul.f32 $5.656854150e+00, v10;
	_ =	sdelay $0x1  }
0x193: {  	[tilespmem:v11+s15+$0x0] =	vst.idx.msk $0xffff, v10  }
0x194: {  	v10 =	vld [tilespmem:s0+$0x50];
	_ =	sdelay $0x1  }
0x195: {  	v11 =	vadd.s32 v6, v9;
	_ =	sdelay $0x2  }
0x196: {  	v10 =	vmul.f32 $5.656854150e+00, v10;
	_ =	sdelay $0x1  }
0x197: {  	[tilespmem:v11+s15+$0x0] =	vst.idx.msk $0xffff, v10  }
0x198: {  	v10 =	vld [tilespmem:s0+$0x1040];
	_ =	sdelay $0x1  }
0x199: {  	v11 =	vadd.s32 v7, v9;
	_ =	sdelay $0x2  }
0x19a: {  	v10 =	vmul.f32 $5.656854150e+00, v10;
	_ =	sdelay $0x1  }
0x19b: {  	[tilespmem:v11+s15+$0x0] =	vst.idx.msk $0xffff, v10  }
0x19c: {  	v10 =	vld [tilespmem:s0+$0x1050];
	_ =	sdelay $0x1  }
0x19d: {  	v9 =	vadd.s32 v8, v9;
	_ =	sdelay $0x2  }
0x19e: {  	v10 =	vmul.f32 $5.656854150e+00, v10;
	_ =	sdelay $0x1  }
0x19f: {  	s8 =	simm.s32 $0x3;
	[tilespmem:v9+s15+$0x0] =	vst.idx.msk $0xffff, v10  }
0x1a0: {  	v9 =	vmov s8;
	v10 =	vld [tilespmem:s0+$0xFFFFE060]  }
0x1a1: {  	v9 =	vand.u32 $0x7F, v9  }
0x1a2: {  	v11 =	vadd.s32 v1, v9;
	_ =	sdelay $0x2  }
0x1a3: {  	v10 =	vmul.f32 $5.656854150e+00, v10;
	_ =	sdelay $0x1  }
0x1a4: {  	[tilespmem:v11+s15+$0x0] =	vst.idx.msk $0xffff, v10  }
0x1a5: {  	v10 =	vld [tilespmem:s0+$0xFFFFE070];
	_ =	sdelay $0x1  }
0x1a6: {  	v11 =	vadd.s32 v2, v9;
	_ =	sdelay $0x2  }
0x1a7: {  	v10 =	vmul.f32 $5.656854150e+00, v10;
	_ =	sdelay $0x1  }
0x1a8: {  	[tilespmem:v11+s15+$0x0] =	vst.idx.msk $0xffff, v10  }
0x1a9: {  	v10 =	vld [tilespmem:s0+$0xFFFFF060];
	_ =	sdelay $0x1  }
0x1aa: {  	v11 =	vadd.s32 v3, v9;
	_ =	sdelay $0x2  }
0x1ab: {  	v10 =	vmul.f32 $5.656854150e+00, v10;
	_ =	sdelay $0x1  }
0x1ac: {  	[tilespmem:v11+s15+$0x0] =	vst.idx.msk $0xffff, v10  }
0x1ad: {  	v10 =	vld [tilespmem:s0+$0xFFFFF070];
	_ =	sdelay $0x1  }
0x1ae: {  	v11 =	vadd.s32 v4, v9;
	_ =	sdelay $0x2  }
0x1af: {  	v10 =	vmul.f32 $5.656854150e+00, v10;
	_ =	sdelay $0x1  }
0x1b0: {  	[tilespmem:v11+s15+$0x0] =	vst.idx.msk $0xffff, v10  }
0x1b1: {  	v10 =	vld [tilespmem:s0+$0x60];
	_ =	sdelay $0x1  }
0x1b2: {  	v11 =	vadd.s32 v5, v9;
	_ =	sdelay $0x2  }
0x1b3: {  	v10 =	vmul.f32 $5.656854150e+00, v10;
	_ =	sdelay $0x1  }
0x1b4: {  	[tilespmem:v11+s15+$0x0] =	vst.idx.msk $0xffff, v10  }
0x1b5: {  	v10 =	vld [tilespmem:s0+$0x70];
	_ =	sdelay $0x1  }
0x1b6: {  	v11 =	vadd.s32 v6, v9;
	_ =	sdelay $0x2  }
0x1b7: {  	v10 =	vmul.f32 $5.656854150e+00, v10;
	_ =	sdelay $0x1  }
0x1b8: {  	[tilespmem:v11+s15+$0x0] =	vst.idx.msk $0xffff, v10  }
0x1b9: {  	v10 =	vld [tilespmem:s0+$0x1060];
	_ =	sdelay $0x1  }
0x1ba: {  	v11 =	vadd.s32 v7, v9;
	_ =	sdelay $0x2  }
0x1bb: {  	v10 =	vmul.f32 $5.656854150e+00, v10;
	_ =	sdelay $0x1  }
0x1bc: {  	[tilespmem:v11+s15+$0x0] =	vst.idx.msk $0xffff, v10  }
0x1bd: {  	v10 =	vld [tilespmem:s0+$0x1070];
	_ =	sdelay $0x1  }
0x1be: {  	v9 =	vadd.s32 v8, v9;
	_ =	sdelay $0x2  }
0x1bf: {  	s2 =	simm.s32 $0x4;
	v10 =	vmul.f32 $5.656854150e+00, v10  }
.LBB2_8:
0x1c0: {  	p1 =	sne.s32 s2, $0x7C  }
0x1c1: {  	s0 =	sadd.s32 $0x80, s0;
	s8 =	smov.u32 s2;
	s2 =	sadd.s32 $0x4, s2;
	[tilespmem:v9+s15+$0x0] =	vst.idx.msk $0xffff, v10  }
0x1c2: {  	v9 =	vmov s8;
	v10 =	vld [tilespmem:s0+$0xFFFFE000]  }
0x1c3: {  	v9 =	vand.u32 $0x7C, v9  }
0x1c4: {  	v11 =	vadd.s32 v1, v9;
	_ =	sdelay $0x2  }
0x1c5: {  	v10 =	vmul.f32 $5.656854150e+00, v10;
	_ =	sdelay $0x1  }
0x1c6: {  	[tilespmem:v11+s15+$0x0] =	vst.idx.msk $0xffff, v10  }
0x1c7: {  	v10 =	vld [tilespmem:s0+$0xFFFFE010];
	_ =	sdelay $0x1  }
0x1c8: {  	v11 =	vadd.s32 v2, v9;
	_ =	sdelay $0x2  }
0x1c9: {  	v10 =	vmul.f32 $5.656854150e+00, v10;
	_ =	sdelay $0x1  }
0x1ca: {  	[tilespmem:v11+s15+$0x0] =	vst.idx.msk $0xffff, v10  }
0x1cb: {  	v10 =	vld [tilespmem:s0+$0xFFFFF000];
	_ =	sdelay $0x1  }
0x1cc: {  	v11 =	vadd.s32 v3, v9;
	_ =	sdelay $0x2  }
0x1cd: {  	v10 =	vmul.f32 $5.656854150e+00, v10;
	_ =	sdelay $0x1  }
0x1ce: {  	[tilespmem:v11+s15+$0x0] =	vst.idx.msk $0xffff, v10  }
0x1cf: {  	v10 =	vld [tilespmem:s0+$0xFFFFF010];
	_ =	sdelay $0x1  }
0x1d0: {  	v11 =	vadd.s32 v4, v9;
	_ =	sdelay $0x2  }
0x1d1: {  	v10 =	vmul.f32 $5.656854150e+00, v10;
	_ =	sdelay $0x1  }
0x1d2: {  	[tilespmem:v11+s15+$0x0] =	vst.idx.msk $0xffff, v10  }
0x1d3: {  	v10 =	vld [tilespmem:s0+$0x0];
	_ =	sdelay $0x1  }
0x1d4: {  	v11 =	vadd.s32 v5, v9;
	_ =	sdelay $0x2  }
0x1d5: {  	v10 =	vmul.f32 $5.656854150e+00, v10;
	_ =	sdelay $0x1  }
0x1d6: {  	[tilespmem:v11+s15+$0x0] =	vst.idx.msk $0xffff, v10  }
0x1d7: {  	v10 =	vld [tilespmem:s0+$0x10];
	_ =	sdelay $0x1  }
0x1d8: {  	v11 =	vadd.s32 v6, v9;
	_ =	sdelay $0x2  }
0x1d9: {  	v10 =	vmul.f32 $5.656854150e+00, v10;
	_ =	sdelay $0x1  }
0x1da: {  	[tilespmem:v11+s15+$0x0] =	vst.idx.msk $0xffff, v10  }
0x1db: {  	v10 =	vld [tilespmem:s0+$0x1000];
	_ =	sdelay $0x1  }
0x1dc: {  	v11 =	vadd.s32 v7, v9;
	_ =	sdelay $0x2  }
0x1dd: {  	v10 =	vmul.f32 $5.656854150e+00, v10;
	_ =	sdelay $0x1  }
0x1de: {  	[tilespmem:v11+s15+$0x0] =	vst.idx.msk $0xffff, v10  }
0x1df: {  	v10 =	vld [tilespmem:s0+$0x1010];
	_ =	sdelay $0x1  }
0x1e0: {  	v9 =	vadd.s32 v8, v9;
	_ =	sdelay $0x2  }
0x1e1: {  	v10 =	vmul.f32 $5.656854150e+00, v10;
	_ =	sdelay $0x1  }
0x1e2: {  	s4 =	sadd.s32 $0x1, s8;
	[tilespmem:v9+s15+$0x0] =	vst.idx.msk $0xffff, v10  }
0x1e3: {  	v9 =	vmov s4;
	v10 =	vld [tilespmem:s0+$0xFFFFE020]  }
0x1e4: {  	v9 =	vand.u32 $0x7D, v9  }
0x1e5: {  	v11 =	vadd.s32 v1, v9;
	_ =	sdelay $0x2  }
0x1e6: {  	v10 =	vmul.f32 $5.656854150e+00, v10;
	_ =	sdelay $0x1  }
0x1e7: {  	[tilespmem:v11+s15+$0x0] =	vst.idx.msk $0xffff, v10  }
0x1e8: {  	v10 =	vld [tilespmem:s0+$0xFFFFE030];
	_ =	sdelay $0x1  }
0x1e9: {  	v11 =	vadd.s32 v2, v9;
	_ =	sdelay $0x2  }
0x1ea: {  	v10 =	vmul.f32 $5.656854150e+00, v10;
	_ =	sdelay $0x1  }
0x1eb: {  	[tilespmem:v11+s15+$0x0] =	vst.idx.msk $0xffff, v10  }
0x1ec: {  	v10 =	vld [tilespmem:s0+$0xFFFFF020];
	_ =	sdelay $0x1  }
0x1ed: {  	v11 =	vadd.s32 v3, v9;
	_ =	sdelay $0x2  }
0x1ee: {  	v10 =	vmul.f32 $5.656854150e+00, v10;
	_ =	sdelay $0x1  }
0x1ef: {  	[tilespmem:v11+s15+$0x0] =	vst.idx.msk $0xffff, v10  }
0x1f0: {  	v10 =	vld [tilespmem:s0+$0xFFFFF030];
	_ =	sdelay $0x1  }
0x1f1: {  	v11 =	vadd.s32 v4, v9;
	_ =	sdelay $0x2  }
0x1f2: {  	v10 =	vmul.f32 $5.656854150e+00, v10;
	_ =	sdelay $0x1  }
0x1f3: {  	[tilespmem:v11+s15+$0x0] =	vst.idx.msk $0xffff, v10  }
0x1f4: {  	v10 =	vld [tilespmem:s0+$0x20];
	_ =	sdelay $0x1  }
0x1f5: {  	v11 =	vadd.s32 v5, v9;
	_ =	sdelay $0x2  }
0x1f6: {  	v10 =	vmul.f32 $5.656854150e+00, v10;
	_ =	sdelay $0x1  }
0x1f7: {  	[tilespmem:v11+s15+$0x0] =	vst.idx.msk $0xffff, v10  }
0x1f8: {  	v10 =	vld [tilespmem:s0+$0x30];
	_ =	sdelay $0x1  }
0x1f9: {  	v11 =	vadd.s32 v6, v9;
	_ =	sdelay $0x2  }
0x1fa: {  	v10 =	vmul.f32 $5.656854150e+00, v10;
	_ =	sdelay $0x1  }
0x1fb: {  	[tilespmem:v11+s15+$0x0] =	vst.idx.msk $0xffff, v10  }
0x1fc: {  	v10 =	vld [tilespmem:s0+$0x1020];
	_ =	sdelay $0x1  }
0x1fd: {  	v11 =	vadd.s32 v7, v9;
	_ =	sdelay $0x2  }
0x1fe: {  	v10 =	vmul.f32 $5.656854150e+00, v10;
	_ =	sdelay $0x1  }
0x1ff: {  	[tilespmem:v11+s15+$0x0] =	vst.idx.msk $0xffff, v10  }
0x200: {  	v10 =	vld [tilespmem:s0+$0x1030];
	_ =	sdelay $0x1  }
0x201: {  	v9 =	vadd.s32 v8, v9;
	_ =	sdelay $0x2  }
0x202: {  	v10 =	vmul.f32 $5.656854150e+00, v10;
	_ =	sdelay $0x1  }
0x203: {  	s4 =	sadd.s32 $0x2, s8;
	[tilespmem:v9+s15+$0x0] =	vst.idx.msk $0xffff, v10  }
0x204: {  	v9 =	vmov s4;
	v10 =	vld [tilespmem:s0+$0xFFFFE040]  }
0x205: {  	v9 =	vand.u32 $0x7E, v9  }
0x206: {  	v11 =	vadd.s32 v1, v9;
	_ =	sdelay $0x2  }
0x207: {  	v10 =	vmul.f32 $5.656854150e+00, v10;
	_ =	sdelay $0x1  }
0x208: {  	[tilespmem:v11+s15+$0x0] =	vst.idx.msk $0xffff, v10  }
0x209: {  	v10 =	vld [tilespmem:s0+$0xFFFFE050];
	_ =	sdelay $0x1  }
0x20a: {  	v11 =	vadd.s32 v2, v9;
	_ =	sdelay $0x2  }
0x20b: {  	v10 =	vmul.f32 $5.656854150e+00, v10;
	_ =	sdelay $0x1  }
0x20c: {  	[tilespmem:v11+s15+$0x0] =	vst.idx.msk $0xffff, v10  }
0x20d: {  	v10 =	vld [tilespmem:s0+$0xFFFFF040];
	_ =	sdelay $0x1  }
0x20e: {  	v11 =	vadd.s32 v3, v9;
	_ =	sdelay $0x2  }
0x20f: {  	v10 =	vmul.f32 $5.656854150e+00, v10;
	_ =	sdelay $0x1  }
0x210: {  	[tilespmem:v11+s15+$0x0] =	vst.idx.msk $0xffff, v10  }
0x211: {  	v10 =	vld [tilespmem:s0+$0xFFFFF050];
	_ =	sdelay $0x1  }
0x212: {  	v11 =	vadd.s32 v4, v9;
	_ =	sdelay $0x2  }
0x213: {  	v10 =	vmul.f32 $5.656854150e+00, v10;
	_ =	sdelay $0x1  }
0x214: {  	[tilespmem:v11+s15+$0x0] =	vst.idx.msk $0xffff, v10  }
0x215: {  	v10 =	vld [tilespmem:s0+$0x40];
	_ =	sdelay $0x1  }
0x216: {  	v11 =	vadd.s32 v5, v9;
	_ =	sdelay $0x2  }
0x217: {  	v10 =	vmul.f32 $5.656854150e+00, v10;
	_ =	sdelay $0x1  }
0x218: {  	[tilespmem:v11+s15+$0x0] =	vst.idx.msk $0xffff, v10  }
0x219: {  	v10 =	vld [tilespmem:s0+$0x50];
	_ =	sdelay $0x1  }
0x21a: {  	v11 =	vadd.s32 v6, v9;
	_ =	sdelay $0x2  }
0x21b: {  	v10 =	vmul.f32 $5.656854150e+00, v10;
	_ =	sdelay $0x1  }
0x21c: {  	[tilespmem:v11+s15+$0x0] =	vst.idx.msk $0xffff, v10  }
0x21d: {  	v10 =	vld [tilespmem:s0+$0x1040];
	_ =	sdelay $0x1  }
0x21e: {  	v11 =	vadd.s32 v7, v9;
	_ =	sdelay $0x2  }
0x21f: {  	v10 =	vmul.f32 $5.656854150e+00, v10;
	_ =	sdelay $0x1  }
0x220: {  	[tilespmem:v11+s15+$0x0] =	vst.idx.msk $0xffff, v10  }
0x221: {  	v10 =	vld [tilespmem:s0+$0x1050];
	_ =	sdelay $0x1  }
0x222: {  	v9 =	vadd.s32 v8, v9;
	_ =	sdelay $0x2  }
0x223: {  	v10 =	vmul.f32 $5.656854150e+00, v10;
	_ =	sdelay $0x1  }
0x224: {  	s4 =	sadd.s32 $0x3, s8;
	[tilespmem:v9+s15+$0x0] =	vst.idx.msk $0xffff, v10  }
0x225: {  	v9 =	vmov s4;
	v10 =	vld [tilespmem:s0+$0xFFFFE060]  }
0x226: {  	v9 =	vand.u32 $0x7F, v9  }
0x227: {  	v11 =	vadd.s32 v1, v9;
	_ =	sdelay $0x2  }
0x228: {  	v10 =	vmul.f32 $5.656854150e+00, v10;
	_ =	sdelay $0x1  }
0x229: {  	[tilespmem:v11+s15+$0x0] =	vst.idx.msk $0xffff, v10  }
0x22a: {  	v10 =	vld [tilespmem:s0+$0xFFFFE070];
	_ =	sdelay $0x1  }
0x22b: {  	v11 =	vadd.s32 v2, v9;
	_ =	sdelay $0x2  }
0x22c: {  	v10 =	vmul.f32 $5.656854150e+00, v10;
	_ =	sdelay $0x1  }
0x22d: {  	[tilespmem:v11+s15+$0x0] =	vst.idx.msk $0xffff, v10  }
0x22e: {  	v10 =	vld [tilespmem:s0+$0xFFFFF060];
	_ =	sdelay $0x1  }
0x22f: {  	v11 =	vadd.s32 v3, v9;
	_ =	sdelay $0x2  }
0x230: {  	v10 =	vmul.f32 $5.656854150e+00, v10;
	_ =	sdelay $0x1  }
0x231: {  	[tilespmem:v11+s15+$0x0] =	vst.idx.msk $0xffff, v10  }
0x232: {  	v10 =	vld [tilespmem:s0+$0xFFFFF070];
	_ =	sdelay $0x1  }
0x233: {  	v11 =	vadd.s32 v4, v9;
	_ =	sdelay $0x2  }
0x234: {  	v10 =	vmul.f32 $5.656854150e+00, v10;
	_ =	sdelay $0x1  }
0x235: {  	[tilespmem:v11+s15+$0x0] =	vst.idx.msk $0xffff, v10  }
0x236: {  	v10 =	vld [tilespmem:s0+$0x60];
	_ =	sdelay $0x1  }
0x237: {  	v11 =	vadd.s32 v5, v9;
	_ =	sdelay $0x2  }
0x238: {  	v10 =	vmul.f32 $5.656854150e+00, v10;
	_ =	sdelay $0x1  }
0x239: {  	[tilespmem:v11+s15+$0x0] =	vst.idx.msk $0xffff, v10  }
0x23a: {  	v10 =	vld [tilespmem:s0+$0x70];
	_ =	sdelay $0x1  }
0x23b: {  	v11 =	vadd.s32 v6, v9;
	_ =	sdelay $0x2  }
0x23c: {  	v10 =	vmul.f32 $5.656854150e+00, v10;
	_ =	sdelay $0x1  }
0x23d: {  	[tilespmem:v11+s15+$0x0] =	vst.idx.msk $0xffff, v10  }
0x23e: {  	v10 =	vld [tilespmem:s0+$0x1060];
	_ =	sdelay $0x1  }
0x23f: {  	v11 =	vadd.s32 v7, v9;
	_ =	sdelay $0x2  }
0x240: {  	v10 =	vmul.f32 $5.656854150e+00, v10;
	_ =	sdelay $0x1  }
0x241: {  	[tilespmem:v11+s15+$0x0] =	vst.idx.msk $0xffff, v10  }
0x242: {  	v10 =	vld [tilespmem:s0+$0x1070]  }
.Ltmp2:
0x243: {  	(pc) =	sbr.rel @p1 .LBB2_8-.Ltmp2, $2  }
0x244: {  	v9 =	vadd.s32 v8, v9;
	_ =	sdelay $0x2  }
0x245: {  	v10 =	vmul.f32 $5.656854150e+00, v10  }
0x246: {  	_ = 	snop  }
0x247: {  	s0 =	sshll.u32 s30, $0x16  }
0x248: {  	s0 =	sadd.s32 s28, s0  }
0x249: {  	s0 =	sshrl.u32 s0, $0x3  }
0x24a: {  	[tilespmem:v9+s15+$0x0] =	vst.idx.msk $0xffff, v10;
	s2 =	sadd.s32 s1, s0  }
0x24b: {  	[hbm4b:s2+s3] =	stream.linear.scatter [tilespmem:s15], [sflag:$0x3], $0x80, $0x38;
	[tilespmem:$0x1D400] =	vst v63  }
0x24c: {  	s8 =	simm.s32 $0x14C88;
	s4 =	sadd.s32 $0x10, s2  }
0x24d: {  	[hbm4b:s4+s3] =	stream.linear.scatter [tilespmem:s8], [sflag:$0x3], $0x80, $0x38;
	[tilespmem:$0x1D400] =	vst v63  }
0x24e: {  	s4 =	sadd.s32 $0x20, s2;
	s8 =	simm.s32 $0x14D10  }
0x24f: {  	[hbm4b:s4+s3] =	stream.linear.scatter [tilespmem:s8], [sflag:$0x3], $0x80, $0x38;
	[tilespmem:$0x1D400] =	vst v63  }
0x250: {  	s4 =	sadd.s32 $0x30, s2;
	s8 =	simm.s32 $0x14D98  }
0x251: {  	[hbm4b:s4+s3] =	stream.linear.scatter [tilespmem:s8], [sflag:$0x3], $0x80, $0x38;
	[tilespmem:$0x1D400] =	vst v63  }
0x252: {  	s4 =	sadd.s32 $0x40, s2;
	s8 =	simm.s32 $0x14E20  }
0x253: {  	[hbm4b:s4+s3] =	stream.linear.scatter [tilespmem:s8], [sflag:$0x3], $0x80, $0x38;
	[tilespmem:$0x1D400] =	vst v63  }
0x254: {  	s4 =	sadd.s32 $0x50, s2;
	s8 =	simm.s32 $0x14EA8  }
0x255: {  	[hbm4b:s4+s3] =	stream.linear.scatter [tilespmem:s8], [sflag:$0x3], $0x80, $0x38;
	[tilespmem:$0x1D400] =	vst v63  }
0x256: {  	s4 =	sadd.s32 $0x60, s2;
	s8 =	simm.s32 $0x14F30  }
0x257: {  	[hbm4b:s4+s3] =	stream.linear.scatter [tilespmem:s8], [sflag:$0x3], $0x80, $0x38;
	[tilespmem:$0x1D400] =	vst v63  }
0x258: {  	s4 =	sadd.s32 $0x70, s2;
	s8 =	simm.s32 $0x14FB8  }
0x259: {  	[hbm4b:s4+s3] =	stream.linear.scatter [tilespmem:s8], [sflag:$0x3], $0x80, $0x38;
	[tilespmem:$0x1D400] =	vst v63  }
0x25a: {  	s4 =	sadd.s32 $0x4000, s2;
	s8 =	simm.s32 $0x15040  }
0x25b: {  	[hbm4b:s4+s3] =	stream.linear.scatter [tilespmem:s8], [sflag:$0x3], $0x80, $0x38;
	[tilespmem:$0x1D400] =	vst v63  }
0x25c: {  	s4 =	sadd.s32 $0x4010, s2;
	s8 =	simm.s32 $0x150C8  }
0x25d: {  	[hbm4b:s4+s3] =	stream.linear.scatter [tilespmem:s8], [sflag:$0x3], $0x80, $0x38;
	[tilespmem:$0x1D400] =	vst v63  }
0x25e: {  	s4 =	sadd.s32 $0x4020, s2;
	s8 =	simm.s32 $0x15150  }
0x25f: {  	[hbm4b:s4+s3] =	stream.linear.scatter [tilespmem:s8], [sflag:$0x3], $0x80, $0x38;
	[tilespmem:$0x1D400] =	vst v63  }
0x260: {  	s4 =	sadd.s32 $0x4030, s2;
	s8 =	simm.s32 $0x151D8  }
0x261: {  	[hbm4b:s4+s3] =	stream.linear.scatter [tilespmem:s8], [sflag:$0x3], $0x80, $0x38;
	[tilespmem:$0x1D400] =	vst v63  }
0x262: {  	s4 =	sadd.s32 $0x4040, s2;
	s8 =	simm.s32 $0x15260  }
0x263: {  	[hbm4b:s4+s3] =	stream.linear.scatter [tilespmem:s8], [sflag:$0x3], $0x80, $0x38;
	[tilespmem:$0x1D400] =	vst v63  }
0x264: {  	s4 =	sadd.s32 $0x4050, s2;
	s8 =	simm.s32 $0x152E8  }
0x265: {  	[hbm4b:s4+s3] =	stream.linear.scatter [tilespmem:s8], [sflag:$0x3], $0x80, $0x38;
	[tilespmem:$0x1D400] =	vst v63  }
0x266: {  	s4 =	sadd.s32 $0x4060, s2;
	s8 =	simm.s32 $0x15370  }
0x267: {  	[hbm4b:s4+s3] =	stream.linear.scatter [tilespmem:s8], [sflag:$0x3], $0x80, $0x38;
	[tilespmem:$0x1D400] =	vst v63  }
0x268: {  	s4 =	sadd.s32 $0x4070, s2;
	s8 =	simm.s32 $0x153F8  }
0x269: {  	[hbm4b:s4+s3] =	stream.linear.scatter [tilespmem:s8], [sflag:$0x3], $0x80, $0x38;
	[tilespmem:$0x1D400] =	vst v63  }
0x26a: {  	s4 =	sadd.s32 $0x8000, s2;
	s8 =	simm.s32 $0x15480  }
0x26b: {  	[hbm4b:s4+s3] =	stream.linear.scatter [tilespmem:s8], [sflag:$0x3], $0x80, $0x38;
	[tilespmem:$0x1D400] =	vst v63  }
0x26c: {  	s4 =	sadd.s32 $0x8010, s2;
	s8 =	simm.s32 $0x15508  }
0x26d: {  	[hbm4b:s4+s3] =	stream.linear.scatter [tilespmem:s8], [sflag:$0x3], $0x80, $0x38;
	[tilespmem:$0x1D400] =	vst v63  }
0x26e: {  	s4 =	sadd.s32 $0x8020, s2;
	s8 =	simm.s32 $0x15590  }
0x26f: {  	[hbm4b:s4+s3] =	stream.linear.scatter [tilespmem:s8], [sflag:$0x3], $0x80, $0x38;
	[tilespmem:$0x1D400] =	vst v63  }
0x270: {  	s4 =	sadd.s32 $0x8030, s2;
	s8 =	simm.s32 $0x15618  }
0x271: {  	[hbm4b:s4+s3] =	stream.linear.scatter [tilespmem:s8], [sflag:$0x3], $0x80, $0x38;
	[tilespmem:$0x1D400] =	vst v63  }
0x272: {  	s4 =	sadd.s32 $0x8040, s2;
	s8 =	simm.s32 $0x156A0  }
0x273: {  	[hbm4b:s4+s3] =	stream.linear.scatter [tilespmem:s8], [sflag:$0x3], $0x80, $0x38;
	[tilespmem:$0x1D400] =	vst v63  }
0x274: {  	s4 =	sadd.s32 $0x8050, s2;
	s8 =	simm.s32 $0x15728  }
0x275: {  	[hbm4b:s4+s3] =	stream.linear.scatter [tilespmem:s8], [sflag:$0x3], $0x80, $0x38;
	[tilespmem:$0x1D400] =	vst v63  }
0x276: {  	s4 =	sadd.s32 $0x8060, s2;
	s8 =	simm.s32 $0x157B0  }
0x277: {  	[hbm4b:s4+s3] =	stream.linear.scatter [tilespmem:s8], [sflag:$0x3], $0x80, $0x38;
	[tilespmem:$0x1D400] =	vst v63  }
0x278: {  	s4 =	sadd.s32 $0x8070, s2;
	s8 =	simm.s32 $0x15838  }
0x279: {  	[hbm4b:s4+s3] =	stream.linear.scatter [tilespmem:s8], [sflag:$0x3], $0x80, $0x38;
	[tilespmem:$0x1D400] =	vst v63  }
0x27a: {  	s4 =	sadd.s32 $0xC000, s2;
	s8 =	simm.s32 $0x158C0  }
0x27b: {  	[hbm4b:s4+s3] =	stream.linear.scatter [tilespmem:s8], [sflag:$0x3], $0x80, $0x38;
	[tilespmem:$0x1D400] =	vst v63  }
0x27c: {  	s4 =	sadd.s32 $0xC010, s2;
	s8 =	simm.s32 $0x15948  }
0x27d: {  	[hbm4b:s4+s3] =	stream.linear.scatter [tilespmem:s8], [sflag:$0x3], $0x80, $0x38;
	[tilespmem:$0x1D400] =	vst v63  }
0x27e: {  	s4 =	sadd.s32 $0xC020, s2;
	s8 =	simm.s32 $0x159D0  }
0x27f: {  	[hbm4b:s4+s3] =	stream.linear.scatter [tilespmem:s8], [sflag:$0x3], $0x80, $0x38;
	[tilespmem:$0x1D400] =	vst v63  }
0x280: {  	s4 =	sadd.s32 $0xC030, s2;
	s8 =	simm.s32 $0x15A58  }
0x281: {  	[hbm4b:s4+s3] =	stream.linear.scatter [tilespmem:s8], [sflag:$0x3], $0x80, $0x38;
	[tilespmem:$0x1D400] =	vst v63  }
0x282: {  	s4 =	sadd.s32 $0xC040, s2;
	s8 =	simm.s32 $0x15AE0  }
0x283: {  	[hbm4b:s4+s3] =	stream.linear.scatter [tilespmem:s8], [sflag:$0x3], $0x80, $0x38;
	[tilespmem:$0x1D400] =	vst v63  }
0x284: {  	s4 =	sadd.s32 $0xC050, s2;
	s8 =	simm.s32 $0x15B68  }
0x285: {  	[hbm4b:s4+s3] =	stream.linear.scatter [tilespmem:s8], [sflag:$0x3], $0x80, $0x38;
	[tilespmem:$0x1D400] =	vst v63  }
0x286: {  	s4 =	sadd.s32 $0xC060, s2;
	s8 =	simm.s32 $0x15BF0  }
0x287: {  	[hbm4b:s4+s3] =	stream.linear.scatter [tilespmem:s8], [sflag:$0x3], $0x80, $0x38;
	[tilespmem:$0x1D400] =	vst v63  }
0x288: {  	s2 =	sadd.s32 $0xC070, s2;
	s8 =	simm.s32 $0x15C78;
	s4 =	sor.u32 $0x10000, s0  }
0x289: {  	[hbm4b:s2+s3] =	stream.linear.scatter [tilespmem:s8], [sflag:$0x3], $0x80, $0x38;
	[tilespmem:$0x1D400] =	vst v63  }
0x28a: {  	s2 =	sadd.s32 s1, s4;
	s8 =	simm.s32 $0x15D00  }
0x28b: {  	[hbm4b:s2+s3] =	stream.linear.scatter [tilespmem:s8], [sflag:$0x3], $0x80, $0x38;
	[tilespmem:$0x1D400] =	vst v63  }
0x28c: {  	s4 =	sadd.s32 $0x10, s2;
	s8 =	simm.s32 $0x15D88  }
0x28d: {  	[hbm4b:s4+s3] =	stream.linear.scatter [tilespmem:s8], [sflag:$0x3], $0x80, $0x38;
	[tilespmem:$0x1D400] =	vst v63  }
0x28e: {  	s4 =	sadd.s32 $0x20, s2;
	s8 =	simm.s32 $0x15E10  }
0x28f: {  	[hbm4b:s4+s3] =	stream.linear.scatter [tilespmem:s8], [sflag:$0x3], $0x80, $0x38;
	[tilespmem:$0x1D400] =	vst v63  }
0x290: {  	s4 =	sadd.s32 $0x30, s2;
	s8 =	simm.s32 $0x15E98  }
0x291: {  	[hbm4b:s4+s3] =	stream.linear.scatter [tilespmem:s8], [sflag:$0x3], $0x80, $0x38;
	[tilespmem:$0x1D400] =	vst v63  }
0x292: {  	s4 =	sadd.s32 $0x40, s2;
	s8 =	simm.s32 $0x15F20  }
0x293: {  	[hbm4b:s4+s3] =	stream.linear.scatter [tilespmem:s8], [sflag:$0x3], $0x80, $0x38;
	[tilespmem:$0x1D400] =	vst v63  }
0x294: {  	s4 =	sadd.s32 $0x50, s2;
	s8 =	simm.s32 $0x15FA8  }
0x295: {  	[hbm4b:s4+s3] =	stream.linear.scatter [tilespmem:s8], [sflag:$0x3], $0x80, $0x38;
	[tilespmem:$0x1D400] =	vst v63  }
0x296: {  	s4 =	sadd.s32 $0x60, s2;
	s8 =	simm.s32 $0x16030  }
0x297: {  	[hbm4b:s4+s3] =	stream.linear.scatter [tilespmem:s8], [sflag:$0x3], $0x80, $0x38;
	[tilespmem:$0x1D400] =	vst v63  }
0x298: {  	s4 =	sadd.s32 $0x70, s2;
	s8 =	simm.s32 $0x160B8  }
0x299: {  	[hbm4b:s4+s3] =	stream.linear.scatter [tilespmem:s8], [sflag:$0x3], $0x80, $0x38;
	[tilespmem:$0x1D400] =	vst v63  }
0x29a: {  	s4 =	sadd.s32 $0x4000, s2;
	s8 =	simm.s32 $0x16140  }
0x29b: {  	[hbm4b:s4+s3] =	stream.linear.scatter [tilespmem:s8], [sflag:$0x3], $0x80, $0x38;
	[tilespmem:$0x1D400] =	vst v63  }
0x29c: {  	s4 =	sadd.s32 $0x4010, s2;
	s8 =	simm.s32 $0x161C8  }
0x29d: {  	[hbm4b:s4+s3] =	stream.linear.scatter [tilespmem:s8], [sflag:$0x3], $0x80, $0x38;
	[tilespmem:$0x1D400] =	vst v63  }
0x29e: {  	s4 =	sadd.s32 $0x4020, s2;
	s8 =	simm.s32 $0x16250  }
0x29f: {  	[hbm4b:s4+s3] =	stream.linear.scatter [tilespmem:s8], [sflag:$0x3], $0x80, $0x38;
	[tilespmem:$0x1D400] =	vst v63  }
0x2a0: {  	s4 =	sadd.s32 $0x4030, s2;
	s8 =	simm.s32 $0x162D8  }
0x2a1: {  	[hbm4b:s4+s3] =	stream.linear.scatter [tilespmem:s8], [sflag:$0x3], $0x80, $0x38;
	[tilespmem:$0x1D400] =	vst v63  }
0x2a2: {  	s4 =	sadd.s32 $0x4040, s2;
	s8 =	simm.s32 $0x16360  }
0x2a3: {  	[hbm4b:s4+s3] =	stream.linear.scatter [tilespmem:s8], [sflag:$0x3], $0x80, $0x38;
	[tilespmem:$0x1D400] =	vst v63  }
0x2a4: {  	s4 =	sadd.s32 $0x4050, s2;
	s8 =	simm.s32 $0x163E8  }
0x2a5: {  	[hbm4b:s4+s3] =	stream.linear.scatter [tilespmem:s8], [sflag:$0x3], $0x80, $0x38;
	[tilespmem:$0x1D400] =	vst v63  }
0x2a6: {  	s4 =	sadd.s32 $0x4060, s2;
	s8 =	simm.s32 $0x16470  }
0x2a7: {  	[hbm4b:s4+s3] =	stream.linear.scatter [tilespmem:s8], [sflag:$0x3], $0x80, $0x38;
	[tilespmem:$0x1D400] =	vst v63  }
0x2a8: {  	s4 =	sadd.s32 $0x4070, s2;
	s8 =	simm.s32 $0x164F8  }
0x2a9: {  	[hbm4b:s4+s3] =	stream.linear.scatter [tilespmem:s8], [sflag:$0x3], $0x80, $0x38;
	[tilespmem:$0x1D400] =	vst v63  }
0x2aa: {  	s4 =	sadd.s32 $0x8000, s2;
	s8 =	simm.s32 $0x16580  }
0x2ab: {  	[hbm4b:s4+s3] =	stream.linear.scatter [tilespmem:s8], [sflag:$0x3], $0x80, $0x38;
	[tilespmem:$0x1D400] =	vst v63  }
0x2ac: {  	s4 =	sadd.s32 $0x8010, s2;
	s8 =	simm.s32 $0x16608  }
0x2ad: {  	[hbm4b:s4+s3] =	stream.linear.scatter [tilespmem:s8], [sflag:$0x3], $0x80, $0x38;
	[tilespmem:$0x1D400] =	vst v63  }
0x2ae: {  	s4 =	sadd.s32 $0x8020, s2;
	s8 =	simm.s32 $0x16690  }
0x2af: {  	[hbm4b:s4+s3] =	stream.linear.scatter [tilespmem:s8], [sflag:$0x3], $0x80, $0x38;
	[tilespmem:$0x1D400] =	vst v63  }
0x2b0: {  	s4 =	sadd.s32 $0x8030, s2;
	s8 =	simm.s32 $0x16718  }
0x2b1: {  	[hbm4b:s4+s3] =	stream.linear.scatter [tilespmem:s8], [sflag:$0x3], $0x80, $0x38;
	[tilespmem:$0x1D400] =	vst v63  }
0x2b2: {  	s4 =	sadd.s32 $0x8040, s2;
	s8 =	simm.s32 $0x167A0  }
0x2b3: {  	[hbm4b:s4+s3] =	stream.linear.scatter [tilespmem:s8], [sflag:$0x3], $0x80, $0x38;
	[tilespmem:$0x1D400] =	vst v63  }
0x2b4: {  	s4 =	sadd.s32 $0x8050, s2;
	s8 =	simm.s32 $0x16828  }
0x2b5: {  	[hbm4b:s4+s3] =	stream.linear.scatter [tilespmem:s8], [sflag:$0x3], $0x80, $0x38;
	[tilespmem:$0x1D400] =	vst v63  }
0x2b6: {  	s4 =	sadd.s32 $0x8060, s2;
	s8 =	simm.s32 $0x168B0  }
0x2b7: {  	[hbm4b:s4+s3] =	stream.linear.scatter [tilespmem:s8], [sflag:$0x3], $0x80, $0x38;
	[tilespmem:$0x1D400] =	vst v63  }
0x2b8: {  	s4 =	sadd.s32 $0x8070, s2;
	s8 =	simm.s32 $0x16938  }
0x2b9: {  	[hbm4b:s4+s3] =	stream.linear.scatter [tilespmem:s8], [sflag:$0x3], $0x80, $0x38;
	[tilespmem:$0x1D400] =	vst v63  }
0x2ba: {  	s4 =	sadd.s32 $0xC000, s2;
	s8 =	simm.s32 $0x169C0  }
0x2bb: {  	[hbm4b:s4+s3] =	stream.linear.scatter [tilespmem:s8], [sflag:$0x3], $0x80, $0x38;
	[tilespmem:$0x1D400] =	vst v63  }
0x2bc: {  	s4 =	sadd.s32 $0xC010, s2;
	s8 =	simm.s32 $0x16A48  }
0x2bd: {  	[hbm4b:s4+s3] =	stream.linear.scatter [tilespmem:s8], [sflag:$0x3], $0x80, $0x38;
	[tilespmem:$0x1D400] =	vst v63  }
0x2be: {  	s4 =	sadd.s32 $0xC020, s2;
	s8 =	simm.s32 $0x16AD0  }
0x2bf: {  	[hbm4b:s4+s3] =	stream.linear.scatter [tilespmem:s8], [sflag:$0x3], $0x80, $0x38;
	[tilespmem:$0x1D400] =	vst v63  }
0x2c0: {  	s4 =	sadd.s32 $0xC030, s2;
	s8 =	simm.s32 $0x16B58  }
0x2c1: {  	[hbm4b:s4+s3] =	stream.linear.scatter [tilespmem:s8], [sflag:$0x3], $0x80, $0x38;
	[tilespmem:$0x1D400] =	vst v63  }
0x2c2: {  	s4 =	sadd.s32 $0xC040, s2;
	s8 =	simm.s32 $0x16BE0  }
0x2c3: {  	[hbm4b:s4+s3] =	stream.linear.scatter [tilespmem:s8], [sflag:$0x3], $0x80, $0x38;
	[tilespmem:$0x1D400] =	vst v63  }
0x2c4: {  	s4 =	sadd.s32 $0xC050, s2;
	s8 =	simm.s32 $0x16C68  }
0x2c5: {  	[hbm4b:s4+s3] =	stream.linear.scatter [tilespmem:s8], [sflag:$0x3], $0x80, $0x38;
	[tilespmem:$0x1D400] =	vst v63  }
0x2c6: {  	s4 =	sadd.s32 $0xC060, s2;
	s8 =	simm.s32 $0x16CF0  }
0x2c7: {  	[hbm4b:s4+s3] =	stream.linear.scatter [tilespmem:s8], [sflag:$0x3], $0x80, $0x38;
	[tilespmem:$0x1D400] =	vst v63  }
0x2c8: {  	s2 =	sadd.s32 $0xC070, s2;
	s8 =	simm.s32 $0x16D78;
	s4 =	sor.u32 $0x20000, s0  }
0x2c9: {  	[hbm4b:s2+s3] =	stream.linear.scatter [tilespmem:s8], [sflag:$0x3], $0x80, $0x38;
	[tilespmem:$0x1D400] =	vst v63  }
0x2ca: {  	s2 =	sadd.s32 s1, s4;
	s8 =	simm.s32 $0x16E00  }
0x2cb: {  	[hbm4b:s2+s3] =	stream.linear.scatter [tilespmem:s8], [sflag:$0x3], $0x80, $0x38;
	[tilespmem:$0x1D400] =	vst v63  }
0x2cc: {  	s4 =	sadd.s32 $0x10, s2;
	s8 =	simm.s32 $0x16E88  }
0x2cd: {  	[hbm4b:s4+s3] =	stream.linear.scatter [tilespmem:s8], [sflag:$0x3], $0x80, $0x38;
	[tilespmem:$0x1D400] =	vst v63  }
0x2ce: {  	s4 =	sadd.s32 $0x20, s2;
	s8 =	simm.s32 $0x16F10  }
0x2cf: {  	[hbm4b:s4+s3] =	stream.linear.scatter [tilespmem:s8], [sflag:$0x3], $0x80, $0x38;
	[tilespmem:$0x1D400] =	vst v63  }
0x2d0: {  	s4 =	sadd.s32 $0x30, s2;
	s8 =	simm.s32 $0x16F98  }
0x2d1: {  	[hbm4b:s4+s3] =	stream.linear.scatter [tilespmem:s8], [sflag:$0x3], $0x80, $0x38;
	[tilespmem:$0x1D400] =	vst v63  }
0x2d2: {  	s4 =	sadd.s32 $0x40, s2;
	s8 =	simm.s32 $0x17020  }
0x2d3: {  	[hbm4b:s4+s3] =	stream.linear.scatter [tilespmem:s8], [sflag:$0x3], $0x80, $0x38;
	[tilespmem:$0x1D400] =	vst v63  }
0x2d4: {  	s4 =	sadd.s32 $0x50, s2;
	s8 =	simm.s32 $0x170A8  }
0x2d5: {  	[hbm4b:s4+s3] =	stream.linear.scatter [tilespmem:s8], [sflag:$0x3], $0x80, $0x38;
	[tilespmem:$0x1D400] =	vst v63  }
0x2d6: {  	s4 =	sadd.s32 $0x60, s2;
	s8 =	simm.s32 $0x17130  }
0x2d7: {  	[hbm4b:s4+s3] =	stream.linear.scatter [tilespmem:s8], [sflag:$0x3], $0x80, $0x38;
	[tilespmem:$0x1D400] =	vst v63  }
0x2d8: {  	s4 =	sadd.s32 $0x70, s2;
	s8 =	simm.s32 $0x171B8  }
0x2d9: {  	[hbm4b:s4+s3] =	stream.linear.scatter [tilespmem:s8], [sflag:$0x3], $0x80, $0x38;
	[tilespmem:$0x1D400] =	vst v63  }
0x2da: {  	s4 =	sadd.s32 $0x4000, s2;
	s8 =	simm.s32 $0x17240  }
0x2db: {  	[hbm4b:s4+s3] =	stream.linear.scatter [tilespmem:s8], [sflag:$0x3], $0x80, $0x38;
	[tilespmem:$0x1D400] =	vst v63  }
0x2dc: {  	s4 =	sadd.s32 $0x4010, s2;
	s8 =	simm.s32 $0x172C8  }
0x2dd: {  	[hbm4b:s4+s3] =	stream.linear.scatter [tilespmem:s8], [sflag:$0x3], $0x80, $0x38;
	[tilespmem:$0x1D400] =	vst v63  }
0x2de: {  	s4 =	sadd.s32 $0x4020, s2;
	s8 =	simm.s32 $0x17350  }
0x2df: {  	[hbm4b:s4+s3] =	stream.linear.scatter [tilespmem:s8], [sflag:$0x3], $0x80, $0x38;
	[tilespmem:$0x1D400] =	vst v63  }
0x2e0: {  	s4 =	sadd.s32 $0x4030, s2;
	s8 =	simm.s32 $0x173D8  }
0x2e1: {  	[hbm4b:s4+s3] =	stream.linear.scatter [tilespmem:s8], [sflag:$0x3], $0x80, $0x38;
	[tilespmem:$0x1D400] =	vst v63  }
0x2e2: {  	s4 =	sadd.s32 $0x4040, s2;
	s8 =	simm.s32 $0x17460  }
0x2e3: {  	[hbm4b:s4+s3] =	stream.linear.scatter [tilespmem:s8], [sflag:$0x3], $0x80, $0x38;
	[tilespmem:$0x1D400] =	vst v63  }
0x2e4: {  	s4 =	sadd.s32 $0x4050, s2;
	s8 =	simm.s32 $0x174E8  }
0x2e5: {  	[hbm4b:s4+s3] =	stream.linear.scatter [tilespmem:s8], [sflag:$0x3], $0x80, $0x38;
	[tilespmem:$0x1D400] =	vst v63  }
0x2e6: {  	s4 =	sadd.s32 $0x4060, s2;
	s8 =	simm.s32 $0x17570  }
0x2e7: {  	[hbm4b:s4+s3] =	stream.linear.scatter [tilespmem:s8], [sflag:$0x3], $0x80, $0x38;
	[tilespmem:$0x1D400] =	vst v63  }
0x2e8: {  	s4 =	sadd.s32 $0x4070, s2;
	s8 =	simm.s32 $0x175F8  }
0x2e9: {  	[hbm4b:s4+s3] =	stream.linear.scatter [tilespmem:s8], [sflag:$0x3], $0x80, $0x38;
	[tilespmem:$0x1D400] =	vst v63  }
0x2ea: {  	s4 =	sadd.s32 $0x8000, s2;
	s8 =	simm.s32 $0x17680  }
0x2eb: {  	[hbm4b:s4+s3] =	stream.linear.scatter [tilespmem:s8], [sflag:$0x3], $0x80, $0x38;
	[tilespmem:$0x1D400] =	vst v63  }
0x2ec: {  	s4 =	sadd.s32 $0x8010, s2;
	s8 =	simm.s32 $0x17708  }
0x2ed: {  	[hbm4b:s4+s3] =	stream.linear.scatter [tilespmem:s8], [sflag:$0x3], $0x80, $0x38;
	[tilespmem:$0x1D400] =	vst v63  }
0x2ee: {  	s4 =	sadd.s32 $0x8020, s2;
	s8 =	simm.s32 $0x17790  }
0x2ef: {  	[hbm4b:s4+s3] =	stream.linear.scatter [tilespmem:s8], [sflag:$0x3], $0x80, $0x38;
	[tilespmem:$0x1D400] =	vst v63  }
0x2f0: {  	s4 =	sadd.s32 $0x8030, s2;
	s8 =	simm.s32 $0x17818  }
0x2f1: {  	[hbm4b:s4+s3] =	stream.linear.scatter [tilespmem:s8], [sflag:$0x3], $0x80, $0x38;
	[tilespmem:$0x1D400] =	vst v63  }
0x2f2: {  	s4 =	sadd.s32 $0x8040, s2;
	s8 =	simm.s32 $0x178A0  }
0x2f3: {  	[hbm4b:s4+s3] =	stream.linear.scatter [tilespmem:s8], [sflag:$0x3], $0x80, $0x38;
	[tilespmem:$0x1D400] =	vst v63  }
0x2f4: {  	s4 =	sadd.s32 $0x8050, s2;
	s8 =	simm.s32 $0x17928  }
0x2f5: {  	[hbm4b:s4+s3] =	stream.linear.scatter [tilespmem:s8], [sflag:$0x3], $0x80, $0x38;
	[tilespmem:$0x1D400] =	vst v63  }
0x2f6: {  	s4 =	sadd.s32 $0x8060, s2;
	s8 =	simm.s32 $0x179B0  }
0x2f7: {  	[hbm4b:s4+s3] =	stream.linear.scatter [tilespmem:s8], [sflag:$0x3], $0x80, $0x38;
	[tilespmem:$0x1D400] =	vst v63  }
0x2f8: {  	s4 =	sadd.s32 $0x8070, s2;
	s8 =	simm.s32 $0x17A38  }
0x2f9: {  	[hbm4b:s4+s3] =	stream.linear.scatter [tilespmem:s8], [sflag:$0x3], $0x80, $0x38;
	[tilespmem:$0x1D400] =	vst v63  }
0x2fa: {  	s4 =	sadd.s32 $0xC000, s2;
	s8 =	simm.s32 $0x17AC0  }
0x2fb: {  	[hbm4b:s4+s3] =	stream.linear.scatter [tilespmem:s8], [sflag:$0x3], $0x80, $0x38;
	[tilespmem:$0x1D400] =	vst v63  }
0x2fc: {  	s4 =	sadd.s32 $0xC010, s2;
	s8 =	simm.s32 $0x17B48  }
0x2fd: {  	[hbm4b:s4+s3] =	stream.linear.scatter [tilespmem:s8], [sflag:$0x3], $0x80, $0x38;
	[tilespmem:$0x1D400] =	vst v63  }
0x2fe: {  	s4 =	sadd.s32 $0xC020, s2;
	s8 =	simm.s32 $0x17BD0  }
0x2ff: {  	[hbm4b:s4+s3] =	stream.linear.scatter [tilespmem:s8], [sflag:$0x3], $0x80, $0x38;
	[tilespmem:$0x1D400] =	vst v63  }
0x300: {  	s4 =	sadd.s32 $0xC030, s2;
	s8 =	simm.s32 $0x17C58  }
0x301: {  	[hbm4b:s4+s3] =	stream.linear.scatter [tilespmem:s8], [sflag:$0x3], $0x80, $0x38;
	[tilespmem:$0x1D400] =	vst v63  }
0x302: {  	s4 =	sadd.s32 $0xC040, s2;
	s8 =	simm.s32 $0x17CE0  }
0x303: {  	[hbm4b:s4+s3] =	stream.linear.scatter [tilespmem:s8], [sflag:$0x3], $0x80, $0x38;
	[tilespmem:$0x1D400] =	vst v63  }
0x304: {  	s4 =	sadd.s32 $0xC050, s2;
	s8 =	simm.s32 $0x17D68  }
0x305: {  	[hbm4b:s4+s3] =	stream.linear.scatter [tilespmem:s8], [sflag:$0x3], $0x80, $0x38;
	[tilespmem:$0x1D400] =	vst v63  }
0x306: {  	s4 =	sadd.s32 $0xC060, s2;
	s8 =	simm.s32 $0x17DF0  }
0x307: {  	[hbm4b:s4+s3] =	stream.linear.scatter [tilespmem:s8], [sflag:$0x3], $0x80, $0x38;
	[tilespmem:$0x1D400] =	vst v63  }
0x308: {  	s0 =	sor.u32 $0x30000, s0;
	s2 =	sadd.s32 $0xC070, s2;
	s8 =	simm.s32 $0x17E78  }
0x309: {  	[hbm4b:s2+s3] =	stream.linear.scatter [tilespmem:s8], [sflag:$0x3], $0x80, $0x38;
	[tilespmem:$0x1D400] =	vst v63  }
0x30a: {  	s0 =	sadd.s32 s1, s0;
	s8 =	simm.s32 $0x17F00  }
0x30b: {  	[hbm4b:s0+s3] =	stream.linear.scatter [tilespmem:s8], [sflag:$0x3], $0x80, $0x38;
	[tilespmem:$0x1D400] =	vst v63  }
0x30c: {  	s4 =	sadd.s32 $0x10, s0;
	s8 =	simm.s32 $0x17F88  }
0x30d: {  	[hbm4b:s4+s3] =	stream.linear.scatter [tilespmem:s8], [sflag:$0x3], $0x80, $0x38;
	[tilespmem:$0x1D400] =	vst v63  }
0x30e: {  	s4 =	sadd.s32 $0x20, s0;
	s8 =	simm.s32 $0x18010  }
0x30f: {  	[hbm4b:s4+s3] =	stream.linear.scatter [tilespmem:s8], [sflag:$0x3], $0x80, $0x38;
	[tilespmem:$0x1D400] =	vst v63  }
0x310: {  	s4 =	sadd.s32 $0x30, s0;
	s8 =	simm.s32 $0x18098  }
0x311: {  	[hbm4b:s4+s3] =	stream.linear.scatter [tilespmem:s8], [sflag:$0x3], $0x80, $0x38;
	[tilespmem:$0x1D400] =	vst v63  }
0x312: {  	s4 =	sadd.s32 $0x40, s0;
	s8 =	simm.s32 $0x18120  }
0x313: {  	[hbm4b:s4+s3] =	stream.linear.scatter [tilespmem:s8], [sflag:$0x3], $0x80, $0x38;
	[tilespmem:$0x1D400] =	vst v63  }
0x314: {  	s4 =	sadd.s32 $0x50, s0;
	s8 =	simm.s32 $0x181A8  }
0x315: {  	[hbm4b:s4+s3] =	stream.linear.scatter [tilespmem:s8], [sflag:$0x3], $0x80, $0x38;
	[tilespmem:$0x1D400] =	vst v63  }
0x316: {  	s4 =	sadd.s32 $0x60, s0;
	s8 =	simm.s32 $0x18230  }
0x317: {  	[hbm4b:s4+s3] =	stream.linear.scatter [tilespmem:s8], [sflag:$0x3], $0x80, $0x38;
	[tilespmem:$0x1D400] =	vst v63  }
0x318: {  	s4 =	sadd.s32 $0x70, s0;
	s8 =	simm.s32 $0x182B8  }
0x319: {  	[hbm4b:s4+s3] =	stream.linear.scatter [tilespmem:s8], [sflag:$0x3], $0x80, $0x38;
	[tilespmem:$0x1D400] =	vst v63  }
0x31a: {  	s4 =	sadd.s32 $0x4000, s0;
	s8 =	simm.s32 $0x18340  }
0x31b: {  	[hbm4b:s4+s3] =	stream.linear.scatter [tilespmem:s8], [sflag:$0x3], $0x80, $0x38;
	[tilespmem:$0x1D400] =	vst v63  }
0x31c: {  	s4 =	sadd.s32 $0x4010, s0;
	s8 =	simm.s32 $0x183C8  }
0x31d: {  	[hbm4b:s4+s3] =	stream.linear.scatter [tilespmem:s8], [sflag:$0x3], $0x80, $0x38;
	[tilespmem:$0x1D400] =	vst v63  }
0x31e: {  	s4 =	sadd.s32 $0x4020, s0;
	s8 =	simm.s32 $0x18450  }
0x31f: {  	[hbm4b:s4+s3] =	stream.linear.scatter [tilespmem:s8], [sflag:$0x3], $0x80, $0x38;
	[tilespmem:$0x1D400] =	vst v63  }
0x320: {  	s4 =	sadd.s32 $0x4030, s0;
	s8 =	simm.s32 $0x184D8  }
0x321: {  	[hbm4b:s4+s3] =	stream.linear.scatter [tilespmem:s8], [sflag:$0x3], $0x80, $0x38;
	[tilespmem:$0x1D400] =	vst v63  }
0x322: {  	s4 =	sadd.s32 $0x4040, s0;
	s8 =	simm.s32 $0x18560  }
0x323: {  	[hbm4b:s4+s3] =	stream.linear.scatter [tilespmem:s8], [sflag:$0x3], $0x80, $0x38;
	[tilespmem:$0x1D400] =	vst v63  }
0x324: {  	s4 =	sadd.s32 $0x4050, s0;
	s8 =	simm.s32 $0x185E8  }
0x325: {  	[hbm4b:s4+s3] =	stream.linear.scatter [tilespmem:s8], [sflag:$0x3], $0x80, $0x38;
	[tilespmem:$0x1D400] =	vst v63  }
0x326: {  	s4 =	sadd.s32 $0x4060, s0;
	s8 =	simm.s32 $0x18670  }
0x327: {  	[hbm4b:s4+s3] =	stream.linear.scatter [tilespmem:s8], [sflag:$0x3], $0x80, $0x38;
	[tilespmem:$0x1D400] =	vst v63  }
0x328: {  	s4 =	sadd.s32 $0x4070, s0;
	s8 =	simm.s32 $0x186F8  }
0x329: {  	[hbm4b:s4+s3] =	stream.linear.scatter [tilespmem:s8], [sflag:$0x3], $0x80, $0x38;
	[tilespmem:$0x1D400] =	vst v63  }
0x32a: {  	s4 =	sadd.s32 $0x8000, s0;
	s8 =	simm.s32 $0x18780  }
0x32b: {  	[hbm4b:s4+s3] =	stream.linear.scatter [tilespmem:s8], [sflag:$0x3], $0x80, $0x38;
	[tilespmem:$0x1D400] =	vst v63  }
0x32c: {  	s4 =	sadd.s32 $0x8010, s0;
	s8 =	simm.s32 $0x18808  }
0x32d: {  	[hbm4b:s4+s3] =	stream.linear.scatter [tilespmem:s8], [sflag:$0x3], $0x80, $0x38;
	[tilespmem:$0x1D400] =	vst v63  }
0x32e: {  	s4 =	sadd.s32 $0x8020, s0;
	s8 =	simm.s32 $0x18890  }
0x32f: {  	[hbm4b:s4+s3] =	stream.linear.scatter [tilespmem:s8], [sflag:$0x3], $0x80, $0x38;
	[tilespmem:$0x1D400] =	vst v63  }
0x330: {  	s4 =	sadd.s32 $0x8030, s0;
	s8 =	simm.s32 $0x18918  }
0x331: {  	[hbm4b:s4+s3] =	stream.linear.scatter [tilespmem:s8], [sflag:$0x3], $0x80, $0x38;
	[tilespmem:$0x1D400] =	vst v63  }
0x332: {  	s4 =	sadd.s32 $0x8040, s0;
	s8 =	simm.s32 $0x189A0  }
0x333: {  	[hbm4b:s4+s3] =	stream.linear.scatter [tilespmem:s8], [sflag:$0x3], $0x80, $0x38;
	[tilespmem:$0x1D400] =	vst v63  }
0x334: {  	s4 =	sadd.s32 $0x8050, s0;
	s8 =	simm.s32 $0x18A28  }
0x335: {  	[hbm4b:s4+s3] =	stream.linear.scatter [tilespmem:s8], [sflag:$0x3], $0x80, $0x38;
	[tilespmem:$0x1D400] =	vst v63  }
0x336: {  	s4 =	sadd.s32 $0x8060, s0;
	s8 =	simm.s32 $0x18AB0  }
0x337: {  	[hbm4b:s4+s3] =	stream.linear.scatter [tilespmem:s8], [sflag:$0x3], $0x80, $0x38;
	[tilespmem:$0x1D400] =	vst v63  }
0x338: {  	s4 =	sadd.s32 $0x8070, s0;
	s8 =	simm.s32 $0x18B38  }
0x339: {  	[hbm4b:s4+s3] =	stream.linear.scatter [tilespmem:s8], [sflag:$0x3], $0x80, $0x38;
	[tilespmem:$0x1D400] =	vst v63  }
0x33a: {  	s4 =	sadd.s32 $0xC000, s0;
	s8 =	simm.s32 $0x18BC0  }
0x33b: {  	[hbm4b:s4+s3] =	stream.linear.scatter [tilespmem:s8], [sflag:$0x3], $0x80, $0x38;
	[tilespmem:$0x1D400] =	vst v63  }
0x33c: {  	s4 =	sadd.s32 $0xC010, s0;
	s8 =	simm.s32 $0x18C48  }
0x33d: {  	[hbm4b:s4+s3] =	stream.linear.scatter [tilespmem:s8], [sflag:$0x3], $0x80, $0x38;
	[tilespmem:$0x1D400] =	vst v63  }
0x33e: {  	s4 =	sadd.s32 $0xC020, s0;
	s8 =	simm.s32 $0x18CD0  }
0x33f: {  	[hbm4b:s4+s3] =	stream.linear.scatter [tilespmem:s8], [sflag:$0x3], $0x80, $0x38;
	[tilespmem:$0x1D400] =	vst v63  }
0x340: {  	s4 =	sadd.s32 $0xC030, s0;
	s8 =	simm.s32 $0x18D58  }
0x341: {  	[hbm4b:s4+s3] =	stream.linear.scatter [tilespmem:s8], [sflag:$0x3], $0x80, $0x38;
	[tilespmem:$0x1D400] =	vst v63  }
0x342: {  	s4 =	sadd.s32 $0xC040, s0;
	s8 =	simm.s32 $0x18DE0  }
0x343: {  	[hbm4b:s4+s3] =	stream.linear.scatter [tilespmem:s8], [sflag:$0x3], $0x80, $0x38;
	[tilespmem:$0x1D400] =	vst v63  }
0x344: {  	p1 =	sne.s32 s30, $0x18;
	s4 =	sadd.s32 $0xC050, s0;
	s8 =	simm.s32 $0x18E68  }
0x345: {  	[hbm4b:s4+s3] =	stream.linear.scatter [tilespmem:s8], [sflag:$0x3], $0x80, $0x38;
	[tilespmem:$0x1D400] =	vst v63  }
.Ltmp3:
0x346: {  	_ = 	snop;
	(pc) =	sbr.rel @p1 .LBB2_11-.Ltmp3, $4  }
0x347: {  	s4 =	sadd.s32 $0xC060, s0;
	s8 =	simm.s32 $0x18EF0  }
0x348: {  	[hbm4b:s4+s3] =	stream.linear.scatter [tilespmem:s8], [sflag:$0x3], $0x80, $0x38;
	[tilespmem:$0x1D400] =	vst v63  }
0x349: {  	s0 =	sadd.s32 $0xC070, s0;
	s8 =	simm.s32 $0x18F78  }
0x34a: {  	[hbm4b:s0+s3] =	stream.linear.scatter [tilespmem:s8], [sflag:$0x3], $0x80, $0x38;
	[tilespmem:$0x1D400] =	vst v63  }
.Ltmp4:
0x34b: {  	(pc) =	sbr.rel .LBB2_12-.Ltmp4, $4  }
0x34c: {  	_ = 	snop  }
0x34d: {  	_ =	swait.ge [sflag:s23], $0x4000  }
0x34e: {  	[sflag:s23] =	ssyncset.done $0x0  }
0x34f: {  	[sflag:s23] =	ssyncadd.s32 $0xFFFFC000  }
.LBB2_11:
0x350: {  	s0 =	sshll.u32 s30, $0xA  }
0x351: {  	s0 =	sand.u32 $0x3FFFFC00, s0  }
.Ltmp5:
0x352: {  	s2 =	simm.s32 $0xCC00;
	s0 =	sadd.s32 $0x6C00, s0;
	(pc) =	sbr.rel @p0 .LBB2_13-.Ltmp5, $4  }
0x353: {  	[tilespmem:s2], [sflag:$0x1] =	stream.indirect.gather [hbm4b:s5+s11], $0x20, s0, s11, $0xb8;
	[tilespmem:$0x1D400] =	vst v63  }
0x354: {  	_ =	swait.ge [sflag:s23], $0x4000  }
0x355: {  	[sflag:s23] =	ssyncset.done $0x0  }
0x356: {  	[sflag:s23] =	ssyncadd.s32 $0xFFFFC000  }
.LBB2_12:
0x357: {  	_ =	swait.ge [sflag:s24], $0x1000  }
0x358: {  	[sflag:s24] =	ssyncset.done $0x0  }
0x359: {  	[sflag:s24] =	ssyncadd.s32 $0xFFFFF000  }
0x35a: {  	_ =	swait.ge [sflag:s24], $0x1000  }
0x35b: {  	[sflag:s24] =	ssyncset.done $0x0  }
0x35c: {  	[sflag:s24] =	ssyncadd.s32 $0xFFFFF000  }
0x35d: {  	_ =	swait.ge [sflag:s24], $0x1000  }
0x35e: {  	[sflag:s24] =	ssyncset.done $0x0  }
0x35f: {  	[sflag:s24] =	ssyncadd.s32 $0xFFFFF000  }
0x360: {  	_ =	swait.ge [sflag:s24], $0x1000  }
0x361: {  	[sflag:s24] =	ssyncset.done $0x0  }
0x362: {  	[sflag:s24] =	ssyncadd.s32 $0xFFFFF000  }
.LBB2_13:
0x363: {  	s2 =	simm.s32 $0x0;
	s0 =	simm.s32 $0x12C00  }
0x364: {  	v9 =	vmov s2;
	v10 =	vld [tilespmem:s0+$0xFFFFE000]  }
0x365: {  	v9 =	vand.u32 $0x7C, v9  }
0x366: {  	v11 =	vadd.s32 v1, v9;
	_ =	sdelay $0x2  }
0x367: {  	v10 =	vmul.f32 $5.656854150e+00, v10;
	_ =	sdelay $0x1  }
0x368: {  	[tilespmem:v11+s25+$0x0] =	vst.idx.msk $0xffff, v10  }
0x369: {  	v10 =	vld [tilespmem:s0+$0xFFFFE010];
	_ =	sdelay $0x1  }
0x36a: {  	v11 =	vadd.s32 v2, v9;
	_ =	sdelay $0x2  }
0x36b: {  	v10 =	vmul.f32 $5.656854150e+00, v10;
	_ =	sdelay $0x1  }
0x36c: {  	[tilespmem:v11+s25+$0x0] =	vst.idx.msk $0xffff, v10  }
0x36d: {  	v10 =	vld [tilespmem:s0+$0xFFFFF000];
	_ =	sdelay $0x1  }
0x36e: {  	v11 =	vadd.s32 v3, v9;
	_ =	sdelay $0x2  }
0x36f: {  	v10 =	vmul.f32 $5.656854150e+00, v10;
	_ =	sdelay $0x1  }
0x370: {  	[tilespmem:v11+s25+$0x0] =	vst.idx.msk $0xffff, v10  }
0x371: {  	v10 =	vld [tilespmem:s0+$0xFFFFF010];
	_ =	sdelay $0x1  }
0x372: {  	v11 =	vadd.s32 v4, v9;
	_ =	sdelay $0x2  }
0x373: {  	v10 =	vmul.f32 $5.656854150e+00, v10;
	_ =	sdelay $0x1  }
0x374: {  	[tilespmem:v11+s25+$0x0] =	vst.idx.msk $0xffff, v10  }
0x375: {  	v10 =	vld [tilespmem:s0+$0x0];
	_ =	sdelay $0x1  }
0x376: {  	v11 =	vadd.s32 v5, v9;
	_ =	sdelay $0x2  }
0x377: {  	v10 =	vmul.f32 $5.656854150e+00, v10;
	_ =	sdelay $0x1  }
0x378: {  	[tilespmem:v11+s25+$0x0] =	vst.idx.msk $0xffff, v10  }
0x379: {  	v10 =	vld [tilespmem:s0+$0x10];
	_ =	sdelay $0x1  }
0x37a: {  	v11 =	vadd.s32 v6, v9;
	_ =	sdelay $0x2  }
0x37b: {  	v10 =	vmul.f32 $5.656854150e+00, v10;
	_ =	sdelay $0x1  }
0x37c: {  	[tilespmem:v11+s25+$0x0] =	vst.idx.msk $0xffff, v10  }
0x37d: {  	v10 =	vld [tilespmem:s0+$0x1000];
	_ =	sdelay $0x1  }
0x37e: {  	v11 =	vadd.s32 v7, v9;
	_ =	sdelay $0x2  }
0x37f: {  	v10 =	vmul.f32 $5.656854150e+00, v10;
	_ =	sdelay $0x1  }
0x380: {  	[tilespmem:v11+s25+$0x0] =	vst.idx.msk $0xffff, v10  }
0x381: {  	v10 =	vld [tilespmem:s0+$0x1010];
	_ =	sdelay $0x1  }
0x382: {  	v9 =	vadd.s32 v8, v9;
	_ =	sdelay $0x2  }
0x383: {  	v10 =	vmul.f32 $5.656854150e+00, v10;
	_ =	sdelay $0x1  }
0x384: {  	s8 =	simm.s32 $0x1;
	[tilespmem:v9+s25+$0x0] =	vst.idx.msk $0xffff, v10  }
0x385: {  	v9 =	vmov s8;
	v10 =	vld [tilespmem:s0+$0xFFFFE020]  }
0x386: {  	v9 =	vand.u32 $0x7D, v9  }
0x387: {  	v11 =	vadd.s32 v1, v9;
	_ =	sdelay $0x2  }
0x388: {  	v10 =	vmul.f32 $5.656854150e+00, v10;
	_ =	sdelay $0x1  }
0x389: {  	[tilespmem:v11+s25+$0x0] =	vst.idx.msk $0xffff, v10  }
0x38a: {  	v10 =	vld [tilespmem:s0+$0xFFFFE030];
	_ =	sdelay $0x1  }
0x38b: {  	v11 =	vadd.s32 v2, v9;
	_ =	sdelay $0x2  }
0x38c: {  	v10 =	vmul.f32 $5.656854150e+00, v10;
	_ =	sdelay $0x1  }
0x38d: {  	[tilespmem:v11+s25+$0x0] =	vst.idx.msk $0xffff, v10  }
0x38e: {  	v10 =	vld [tilespmem:s0+$0xFFFFF020];
	_ =	sdelay $0x1  }
0x38f: {  	v11 =	vadd.s32 v3, v9;
	_ =	sdelay $0x2  }
0x390: {  	v10 =	vmul.f32 $5.656854150e+00, v10;
	_ =	sdelay $0x1  }
0x391: {  	[tilespmem:v11+s25+$0x0] =	vst.idx.msk $0xffff, v10  }
0x392: {  	v10 =	vld [tilespmem:s0+$0xFFFFF030];
	_ =	sdelay $0x1  }
0x393: {  	v11 =	vadd.s32 v4, v9;
	_ =	sdelay $0x2  }
0x394: {  	v10 =	vmul.f32 $5.656854150e+00, v10;
	_ =	sdelay $0x1  }
0x395: {  	[tilespmem:v11+s25+$0x0] =	vst.idx.msk $0xffff, v10  }
0x396: {  	v10 =	vld [tilespmem:s0+$0x20];
	_ =	sdelay $0x1  }
0x397: {  	v11 =	vadd.s32 v5, v9;
	_ =	sdelay $0x2  }
0x398: {  	v10 =	vmul.f32 $5.656854150e+00, v10;
	_ =	sdelay $0x1  }
0x399: {  	[tilespmem:v11+s25+$0x0] =	vst.idx.msk $0xffff, v10  }
0x39a: {  	v10 =	vld [tilespmem:s0+$0x30];
	_ =	sdelay $0x1  }
0x39b: {  	v11 =	vadd.s32 v6, v9;
	_ =	sdelay $0x2  }
0x39c: {  	v10 =	vmul.f32 $5.656854150e+00, v10;
	_ =	sdelay $0x1  }
0x39d: {  	[tilespmem:v11+s25+$0x0] =	vst.idx.msk $0xffff, v10  }
0x39e: {  	v10 =	vld [tilespmem:s0+$0x1020];
	_ =	sdelay $0x1  }
0x39f: {  	v11 =	vadd.s32 v7, v9;
	_ =	sdelay $0x2  }
0x3a0: {  	v10 =	vmul.f32 $5.656854150e+00, v10;
	_ =	sdelay $0x1  }
0x3a1: {  	[tilespmem:v11+s25+$0x0] =	vst.idx.msk $0xffff, v10  }
0x3a2: {  	v10 =	vld [tilespmem:s0+$0x1030];
	_ =	sdelay $0x1  }
0x3a3: {  	v9 =	vadd.s32 v8, v9;
	_ =	sdelay $0x2  }
0x3a4: {  	v10 =	vmul.f32 $5.656854150e+00, v10;
	_ =	sdelay $0x1  }
0x3a5: {  	s4 =	simm.s32 $0x2;
	[tilespmem:v9+s25+$0x0] =	vst.idx.msk $0xffff, v10  }
0x3a6: {  	v9 =	vmov s4;
	v10 =	vld [tilespmem:s0+$0xFFFFE040]  }
0x3a7: {  	v9 =	vand.u32 $0x7E, v9  }
0x3a8: {  	v11 =	vadd.s32 v1, v9;
	_ =	sdelay $0x2  }
0x3a9: {  	v10 =	vmul.f32 $5.656854150e+00, v10;
	_ =	sdelay $0x1  }
0x3aa: {  	[tilespmem:v11+s25+$0x0] =	vst.idx.msk $0xffff, v10  }
0x3ab: {  	v10 =	vld [tilespmem:s0+$0xFFFFE050];
	_ =	sdelay $0x1  }
0x3ac: {  	v11 =	vadd.s32 v2, v9;
	_ =	sdelay $0x2  }
0x3ad: {  	v10 =	vmul.f32 $5.656854150e+00, v10;
	_ =	sdelay $0x1  }
0x3ae: {  	[tilespmem:v11+s25+$0x0] =	vst.idx.msk $0xffff, v10  }
0x3af: {  	v10 =	vld [tilespmem:s0+$0xFFFFF040];
	_ =	sdelay $0x1  }
0x3b0: {  	v11 =	vadd.s32 v3, v9;
	_ =	sdelay $0x2  }
0x3b1: {  	v10 =	vmul.f32 $5.656854150e+00, v10;
	_ =	sdelay $0x1  }
0x3b2: {  	[tilespmem:v11+s25+$0x0] =	vst.idx.msk $0xffff, v10  }
0x3b3: {  	v10 =	vld [tilespmem:s0+$0xFFFFF050];
	_ =	sdelay $0x1  }
0x3b4: {  	v11 =	vadd.s32 v4, v9;
	_ =	sdelay $0x2  }
0x3b5: {  	v10 =	vmul.f32 $5.656854150e+00, v10;
	_ =	sdelay $0x1  }
0x3b6: {  	[tilespmem:v11+s25+$0x0] =	vst.idx.msk $0xffff, v10  }
0x3b7: {  	v10 =	vld [tilespmem:s0+$0x40];
	_ =	sdelay $0x1  }
0x3b8: {  	v11 =	vadd.s32 v5, v9;
	_ =	sdelay $0x2  }
0x3b9: {  	v10 =	vmul.f32 $5.656854150e+00, v10;
	_ =	sdelay $0x1  }
0x3ba: {  	[tilespmem:v11+s25+$0x0] =	vst.idx.msk $0xffff, v10  }
0x3bb: {  	v10 =	vld [tilespmem:s0+$0x50];
	_ =	sdelay $0x1  }
0x3bc: {  	v11 =	vadd.s32 v6, v9;
	_ =	sdelay $0x2  }
0x3bd: {  	v10 =	vmul.f32 $5.656854150e+00, v10;
	_ =	sdelay $0x1  }
0x3be: {  	[tilespmem:v11+s25+$0x0] =	vst.idx.msk $0xffff, v10  }
0x3bf: {  	v10 =	vld [tilespmem:s0+$0x1040];
	_ =	sdelay $0x1  }
0x3c0: {  	v11 =	vadd.s32 v7, v9;
	_ =	sdelay $0x2  }
0x3c1: {  	v10 =	vmul.f32 $5.656854150e+00, v10;
	_ =	sdelay $0x1  }
0x3c2: {  	[tilespmem:v11+s25+$0x0] =	vst.idx.msk $0xffff, v10  }
0x3c3: {  	v10 =	vld [tilespmem:s0+$0x1050];
	_ =	sdelay $0x1  }
0x3c4: {  	v9 =	vadd.s32 v8, v9;
	_ =	sdelay $0x2  }
0x3c5: {  	v10 =	vmul.f32 $5.656854150e+00, v10;
	_ =	sdelay $0x1  }
0x3c6: {  	s8 =	simm.s32 $0x3;
	[tilespmem:v9+s25+$0x0] =	vst.idx.msk $0xffff, v10  }
0x3c7: {  	v9 =	vmov s8;
	v10 =	vld [tilespmem:s0+$0xFFFFE060]  }
0x3c8: {  	v9 =	vand.u32 $0x7F, v9  }
0x3c9: {  	v11 =	vadd.s32 v1, v9;
	_ =	sdelay $0x2  }
0x3ca: {  	v10 =	vmul.f32 $5.656854150e+00, v10;
	_ =	sdelay $0x1  }
0x3cb: {  	[tilespmem:v11+s25+$0x0] =	vst.idx.msk $0xffff, v10  }
0x3cc: {  	v10 =	vld [tilespmem:s0+$0xFFFFE070];
	_ =	sdelay $0x1  }
0x3cd: {  	v11 =	vadd.s32 v2, v9;
	_ =	sdelay $0x2  }
0x3ce: {  	v10 =	vmul.f32 $5.656854150e+00, v10;
	_ =	sdelay $0x1  }
0x3cf: {  	[tilespmem:v11+s25+$0x0] =	vst.idx.msk $0xffff, v10  }
0x3d0: {  	v10 =	vld [tilespmem:s0+$0xFFFFF060];
	_ =	sdelay $0x1  }
0x3d1: {  	v11 =	vadd.s32 v3, v9;
	_ =	sdelay $0x2  }
0x3d2: {  	v10 =	vmul.f32 $5.656854150e+00, v10;
	_ =	sdelay $0x1  }
0x3d3: {  	[tilespmem:v11+s25+$0x0] =	vst.idx.msk $0xffff, v10  }
0x3d4: {  	v10 =	vld [tilespmem:s0+$0xFFFFF070];
	_ =	sdelay $0x1  }
0x3d5: {  	v11 =	vadd.s32 v4, v9;
	_ =	sdelay $0x2  }
0x3d6: {  	v10 =	vmul.f32 $5.656854150e+00, v10;
	_ =	sdelay $0x1  }
0x3d7: {  	[tilespmem:v11+s25+$0x0] =	vst.idx.msk $0xffff, v10  }
0x3d8: {  	v10 =	vld [tilespmem:s0+$0x60];
	_ =	sdelay $0x1  }
0x3d9: {  	v11 =	vadd.s32 v5, v9;
	_ =	sdelay $0x2  }
0x3da: {  	v10 =	vmul.f32 $5.656854150e+00, v10;
	_ =	sdelay $0x1  }
0x3db: {  	[tilespmem:v11+s25+$0x0] =	vst.idx.msk $0xffff, v10  }
0x3dc: {  	v10 =	vld [tilespmem:s0+$0x70];
	_ =	sdelay $0x1  }
0x3dd: {  	v11 =	vadd.s32 v6, v9;
	_ =	sdelay $0x2  }
0x3de: {  	v10 =	vmul.f32 $5.656854150e+00, v10;
	_ =	sdelay $0x1  }
0x3df: {  	[tilespmem:v11+s25+$0x0] =	vst.idx.msk $0xffff, v10  }
0x3e0: {  	v10 =	vld [tilespmem:s0+$0x1060];
	_ =	sdelay $0x1  }
0x3e1: {  	v11 =	vadd.s32 v7, v9;
	_ =	sdelay $0x2  }
0x3e2: {  	v10 =	vmul.f32 $5.656854150e+00, v10;
	_ =	sdelay $0x1  }
0x3e3: {  	[tilespmem:v11+s25+$0x0] =	vst.idx.msk $0xffff, v10  }
0x3e4: {  	v10 =	vld [tilespmem:s0+$0x1070];
	_ =	sdelay $0x1  }
0x3e5: {  	v9 =	vadd.s32 v8, v9;
	_ =	sdelay $0x2  }
0x3e6: {  	s2 =	simm.s32 $0x4;
	v10 =	vmul.f32 $5.656854150e+00, v10  }
.LBB2_14:
0x3e7: {  	p0 =	sne.s32 s2, $0x7C  }
0x3e8: {  	s0 =	sadd.s32 $0x80, s0;
	s8 =	smov.u32 s2;
	s2 =	sadd.s32 $0x4, s2;
	[tilespmem:v9+s25+$0x0] =	vst.idx.msk $0xffff, v10  }
0x3e9: {  	v9 =	vmov s8;
	v10 =	vld [tilespmem:s0+$0xFFFFE000]  }
0x3ea: {  	v9 =	vand.u32 $0x7C, v9  }
0x3eb: {  	v11 =	vadd.s32 v1, v9;
	_ =	sdelay $0x2  }
0x3ec: {  	v10 =	vmul.f32 $5.656854150e+00, v10;
	_ =	sdelay $0x1  }
0x3ed: {  	[tilespmem:v11+s25+$0x0] =	vst.idx.msk $0xffff, v10  }
0x3ee: {  	v10 =	vld [tilespmem:s0+$0xFFFFE010];
	_ =	sdelay $0x1  }
0x3ef: {  	v11 =	vadd.s32 v2, v9;
	_ =	sdelay $0x2  }
0x3f0: {  	v10 =	vmul.f32 $5.656854150e+00, v10;
	_ =	sdelay $0x1  }
0x3f1: {  	[tilespmem:v11+s25+$0x0] =	vst.idx.msk $0xffff, v10  }
0x3f2: {  	v10 =	vld [tilespmem:s0+$0xFFFFF000];
	_ =	sdelay $0x1  }
0x3f3: {  	v11 =	vadd.s32 v3, v9;
	_ =	sdelay $0x2  }
0x3f4: {  	v10 =	vmul.f32 $5.656854150e+00, v10;
	_ =	sdelay $0x1  }
0x3f5: {  	[tilespmem:v11+s25+$0x0] =	vst.idx.msk $0xffff, v10  }
0x3f6: {  	v10 =	vld [tilespmem:s0+$0xFFFFF010];
	_ =	sdelay $0x1  }
0x3f7: {  	v11 =	vadd.s32 v4, v9;
	_ =	sdelay $0x2  }
0x3f8: {  	v10 =	vmul.f32 $5.656854150e+00, v10;
	_ =	sdelay $0x1  }
0x3f9: {  	[tilespmem:v11+s25+$0x0] =	vst.idx.msk $0xffff, v10  }
0x3fa: {  	v10 =	vld [tilespmem:s0+$0x0];
	_ =	sdelay $0x1  }
0x3fb: {  	v11 =	vadd.s32 v5, v9;
	_ =	sdelay $0x2  }
0x3fc: {  	v10 =	vmul.f32 $5.656854150e+00, v10;
	_ =	sdelay $0x1  }
0x3fd: {  	[tilespmem:v11+s25+$0x0] =	vst.idx.msk $0xffff, v10  }
0x3fe: {  	v10 =	vld [tilespmem:s0+$0x10];
	_ =	sdelay $0x1  }
0x3ff: {  	v11 =	vadd.s32 v6, v9;
	_ =	sdelay $0x2  }
0x400: {  	v10 =	vmul.f32 $5.656854150e+00, v10;
	_ =	sdelay $0x1  }
0x401: {  	[tilespmem:v11+s25+$0x0] =	vst.idx.msk $0xffff, v10  }
0x402: {  	v10 =	vld [tilespmem:s0+$0x1000];
	_ =	sdelay $0x1  }
0x403: {  	v11 =	vadd.s32 v7, v9;
	_ =	sdelay $0x2  }
0x404: {  	v10 =	vmul.f32 $5.656854150e+00, v10;
	_ =	sdelay $0x1  }
0x405: {  	[tilespmem:v11+s25+$0x0] =	vst.idx.msk $0xffff, v10  }
0x406: {  	v10 =	vld [tilespmem:s0+$0x1010];
	_ =	sdelay $0x1  }
0x407: {  	v9 =	vadd.s32 v8, v9;
	_ =	sdelay $0x2  }
0x408: {  	v10 =	vmul.f32 $5.656854150e+00, v10;
	_ =	sdelay $0x1  }
0x409: {  	s4 =	sadd.s32 $0x1, s8;
	[tilespmem:v9+s25+$0x0] =	vst.idx.msk $0xffff, v10  }
0x40a: {  	v9 =	vmov s4;
	v10 =	vld [tilespmem:s0+$0xFFFFE020]  }
0x40b: {  	v9 =	vand.u32 $0x7D, v9  }
0x40c: {  	v11 =	vadd.s32 v1, v9;
	_ =	sdelay $0x2  }
0x40d: {  	v10 =	vmul.f32 $5.656854150e+00, v10;
	_ =	sdelay $0x1  }
0x40e: {  	[tilespmem:v11+s25+$0x0] =	vst.idx.msk $0xffff, v10  }
0x40f: {  	v10 =	vld [tilespmem:s0+$0xFFFFE030];
	_ =	sdelay $0x1  }
0x410: {  	v11 =	vadd.s32 v2, v9;
	_ =	sdelay $0x2  }
0x411: {  	v10 =	vmul.f32 $5.656854150e+00, v10;
	_ =	sdelay $0x1  }
0x412: {  	[tilespmem:v11+s25+$0x0] =	vst.idx.msk $0xffff, v10  }
0x413: {  	v10 =	vld [tilespmem:s0+$0xFFFFF020];
	_ =	sdelay $0x1  }
0x414: {  	v11 =	vadd.s32 v3, v9;
	_ =	sdelay $0x2  }
0x415: {  	v10 =	vmul.f32 $5.656854150e+00, v10;
	_ =	sdelay $0x1  }
0x416: {  	[tilespmem:v11+s25+$0x0] =	vst.idx.msk $0xffff, v10  }
0x417: {  	v10 =	vld [tilespmem:s0+$0xFFFFF030];
	_ =	sdelay $0x1  }
0x418: {  	v11 =	vadd.s32 v4, v9;
	_ =	sdelay $0x2  }
0x419: {  	v10 =	vmul.f32 $5.656854150e+00, v10;
	_ =	sdelay $0x1  }
0x41a: {  	[tilespmem:v11+s25+$0x0] =	vst.idx.msk $0xffff, v10  }
0x41b: {  	v10 =	vld [tilespmem:s0+$0x20];
	_ =	sdelay $0x1  }
0x41c: {  	v11 =	vadd.s32 v5, v9;
	_ =	sdelay $0x2  }
0x41d: {  	v10 =	vmul.f32 $5.656854150e+00, v10;
	_ =	sdelay $0x1  }
0x41e: {  	[tilespmem:v11+s25+$0x0] =	vst.idx.msk $0xffff, v10  }
0x41f: {  	v10 =	vld [tilespmem:s0+$0x30];
	_ =	sdelay $0x1  }
0x420: {  	v11 =	vadd.s32 v6, v9;
	_ =	sdelay $0x2  }
0x421: {  	v10 =	vmul.f32 $5.656854150e+00, v10;
	_ =	sdelay $0x1  }
0x422: {  	[tilespmem:v11+s25+$0x0] =	vst.idx.msk $0xffff, v10  }
0x423: {  	v10 =	vld [tilespmem:s0+$0x1020];
	_ =	sdelay $0x1  }
0x424: {  	v11 =	vadd.s32 v7, v9;
	_ =	sdelay $0x2  }
0x425: {  	v10 =	vmul.f32 $5.656854150e+00, v10;
	_ =	sdelay $0x1  }
0x426: {  	[tilespmem:v11+s25+$0x0] =	vst.idx.msk $0xffff, v10  }
0x427: {  	v10 =	vld [tilespmem:s0+$0x1030];
	_ =	sdelay $0x1  }
0x428: {  	v9 =	vadd.s32 v8, v9;
	_ =	sdelay $0x2  }
0x429: {  	v10 =	vmul.f32 $5.656854150e+00, v10;
	_ =	sdelay $0x1  }
0x42a: {  	s4 =	sadd.s32 $0x2, s8;
	[tilespmem:v9+s25+$0x0] =	vst.idx.msk $0xffff, v10  }
0x42b: {  	v9 =	vmov s4;
	v10 =	vld [tilespmem:s0+$0xFFFFE040]  }
0x42c: {  	v9 =	vand.u32 $0x7E, v9  }
0x42d: {  	v11 =	vadd.s32 v1, v9;
	_ =	sdelay $0x2  }
0x42e: {  	v10 =	vmul.f32 $5.656854150e+00, v10;
	_ =	sdelay $0x1  }
0x42f: {  	[tilespmem:v11+s25+$0x0] =	vst.idx.msk $0xffff, v10  }
0x430: {  	v10 =	vld [tilespmem:s0+$0xFFFFE050];
	_ =	sdelay $0x1  }
0x431: {  	v11 =	vadd.s32 v2, v9;
	_ =	sdelay $0x2  }
0x432: {  	v10 =	vmul.f32 $5.656854150e+00, v10;
	_ =	sdelay $0x1  }
0x433: {  	[tilespmem:v11+s25+$0x0] =	vst.idx.msk $0xffff, v10  }
0x434: {  	v10 =	vld [tilespmem:s0+$0xFFFFF040];
	_ =	sdelay $0x1  }
0x435: {  	v11 =	vadd.s32 v3, v9;
	_ =	sdelay $0x2  }
0x436: {  	v10 =	vmul.f32 $5.656854150e+00, v10;
	_ =	sdelay $0x1  }
0x437: {  	[tilespmem:v11+s25+$0x0] =	vst.idx.msk $0xffff, v10  }
0x438: {  	v10 =	vld [tilespmem:s0+$0xFFFFF050];
	_ =	sdelay $0x1  }
0x439: {  	v11 =	vadd.s32 v4, v9;
	_ =	sdelay $0x2  }
0x43a: {  	v10 =	vmul.f32 $5.656854150e+00, v10;
	_ =	sdelay $0x1  }
0x43b: {  	[tilespmem:v11+s25+$0x0] =	vst.idx.msk $0xffff, v10  }
0x43c: {  	v10 =	vld [tilespmem:s0+$0x40];
	_ =	sdelay $0x1  }
0x43d: {  	v11 =	vadd.s32 v5, v9;
	_ =	sdelay $0x2  }
0x43e: {  	v10 =	vmul.f32 $5.656854150e+00, v10;
	_ =	sdelay $0x1  }
0x43f: {  	[tilespmem:v11+s25+$0x0] =	vst.idx.msk $0xffff, v10  }
0x440: {  	v10 =	vld [tilespmem:s0+$0x50];
	_ =	sdelay $0x1  }
0x441: {  	v11 =	vadd.s32 v6, v9;
	_ =	sdelay $0x2  }
0x442: {  	v10 =	vmul.f32 $5.656854150e+00, v10;
	_ =	sdelay $0x1  }
0x443: {  	[tilespmem:v11+s25+$0x0] =	vst.idx.msk $0xffff, v10  }
0x444: {  	v10 =	vld [tilespmem:s0+$0x1040];
	_ =	sdelay $0x1  }
0x445: {  	v11 =	vadd.s32 v7, v9;
	_ =	sdelay $0x2  }
0x446: {  	v10 =	vmul.f32 $5.656854150e+00, v10;
	_ =	sdelay $0x1  }
0x447: {  	[tilespmem:v11+s25+$0x0] =	vst.idx.msk $0xffff, v10  }
0x448: {  	v10 =	vld [tilespmem:s0+$0x1050];
	_ =	sdelay $0x1  }
0x449: {  	v9 =	vadd.s32 v8, v9;
	_ =	sdelay $0x2  }
0x44a: {  	v10 =	vmul.f32 $5.656854150e+00, v10;
	_ =	sdelay $0x1  }
0x44b: {  	s4 =	sadd.s32 $0x3, s8;
	[tilespmem:v9+s25+$0x0] =	vst.idx.msk $0xffff, v10  }
0x44c: {  	v9 =	vmov s4;
	v10 =	vld [tilespmem:s0+$0xFFFFE060]  }
0x44d: {  	v9 =	vand.u32 $0x7F, v9  }
0x44e: {  	v11 =	vadd.s32 v1, v9;
	_ =	sdelay $0x2  }
0x44f: {  	v10 =	vmul.f32 $5.656854150e+00, v10;
	_ =	sdelay $0x1  }
0x450: {  	[tilespmem:v11+s25+$0x0] =	vst.idx.msk $0xffff, v10  }
0x451: {  	v10 =	vld [tilespmem:s0+$0xFFFFE070];
	_ =	sdelay $0x1  }
0x452: {  	v11 =	vadd.s32 v2, v9;
	_ =	sdelay $0x2  }
0x453: {  	v10 =	vmul.f32 $5.656854150e+00, v10;
	_ =	sdelay $0x1  }
0x454: {  	[tilespmem:v11+s25+$0x0] =	vst.idx.msk $0xffff, v10  }
0x455: {  	v10 =	vld [tilespmem:s0+$0xFFFFF060];
	_ =	sdelay $0x1  }
0x456: {  	v11 =	vadd.s32 v3, v9;
	_ =	sdelay $0x2  }
0x457: {  	v10 =	vmul.f32 $5.656854150e+00, v10;
	_ =	sdelay $0x1  }
0x458: {  	[tilespmem:v11+s25+$0x0] =	vst.idx.msk $0xffff, v10  }
0x459: {  	v10 =	vld [tilespmem:s0+$0xFFFFF070];
	_ =	sdelay $0x1  }
0x45a: {  	v11 =	vadd.s32 v4, v9;
	_ =	sdelay $0x2  }
0x45b: {  	v10 =	vmul.f32 $5.656854150e+00, v10;
	_ =	sdelay $0x1  }
0x45c: {  	[tilespmem:v11+s25+$0x0] =	vst.idx.msk $0xffff, v10  }
0x45d: {  	v10 =	vld [tilespmem:s0+$0x60];
	_ =	sdelay $0x1  }
0x45e: {  	v11 =	vadd.s32 v5, v9;
	_ =	sdelay $0x2  }
0x45f: {  	v10 =	vmul.f32 $5.656854150e+00, v10;
	_ =	sdelay $0x1  }
0x460: {  	[tilespmem:v11+s25+$0x0] =	vst.idx.msk $0xffff, v10  }
0x461: {  	v10 =	vld [tilespmem:s0+$0x70];
	_ =	sdelay $0x1  }
0x462: {  	v11 =	vadd.s32 v6, v9;
	_ =	sdelay $0x2  }
0x463: {  	v10 =	vmul.f32 $5.656854150e+00, v10;
	_ =	sdelay $0x1  }
0x464: {  	[tilespmem:v11+s25+$0x0] =	vst.idx.msk $0xffff, v10  }
0x465: {  	v10 =	vld [tilespmem:s0+$0x1060];
	_ =	sdelay $0x1  }
0x466: {  	v11 =	vadd.s32 v7, v9;
	_ =	sdelay $0x2  }
0x467: {  	v10 =	vmul.f32 $5.656854150e+00, v10;
	_ =	sdelay $0x1  }
0x468: {  	[tilespmem:v11+s25+$0x0] =	vst.idx.msk $0xffff, v10  }
0x469: {  	v10 =	vld [tilespmem:s0+$0x1070]  }
.Ltmp6:
0x46a: {  	(pc) =	sbr.rel @p0 .LBB2_14-.Ltmp6, $2  }
0x46b: {  	v9 =	vadd.s32 v8, v9;
	_ =	sdelay $0x2  }
0x46c: {  	v10 =	vmul.f32 $5.656854150e+00, v10  }
0x46d: {  	_ = 	snop  }
0x46e: {  	s0 =	sshll.u32 s31, $0x15  }
0x46f: {  	s0 =	sadd.s32 s28, s0  }
0x470: {  	s0 =	sshrl.u32 s0, $0x3  }
0x471: {  	[tilespmem:v9+s25+$0x0] =	vst.idx.msk $0xffff, v10;
	s2 =	sadd.s32 s1, s0  }
0x472: {  	[hbm4b:s2+s3] =	stream.linear.scatter [tilespmem:s25], [sflag:$0x4], $0x80, $0x38;
	[tilespmem:$0x1D400] =	vst v63  }
0x473: {  	s8 =	simm.s32 $0x19088;
	s4 =	sadd.s32 $0x10, s2  }
0x474: {  	[hbm4b:s4+s3] =	stream.linear.scatter [tilespmem:s8], [sflag:$0x4], $0x80, $0x38;
	[tilespmem:$0x1D400] =	vst v63  }
0x475: {  	s31 =	simm.s32 $0x19110;
	s8 =	sadd.s32 $0x20, s2  }
0x476: {  	[hbm4b:s8+s3] =	stream.linear.scatter [tilespmem:s31], [sflag:$0x4], $0x80, $0x38;
	[tilespmem:$0x1D400] =	vst v63  }
0x477: {  	s8 =	sadd.s32 $0x30, s2;
	s31 =	simm.s32 $0x19198  }
0x478: {  	[hbm4b:s8+s3] =	stream.linear.scatter [tilespmem:s31], [sflag:$0x4], $0x80, $0x38;
	[tilespmem:$0x1D400] =	vst v63  }
0x479: {  	s8 =	sadd.s32 $0x40, s2;
	s31 =	simm.s32 $0x19220  }
0x47a: {  	[hbm4b:s8+s3] =	stream.linear.scatter [tilespmem:s31], [sflag:$0x4], $0x80, $0x38;
	[tilespmem:$0x1D400] =	vst v63  }
0x47b: {  	s8 =	sadd.s32 $0x50, s2;
	s31 =	simm.s32 $0x192A8  }
0x47c: {  	[hbm4b:s8+s3] =	stream.linear.scatter [tilespmem:s31], [sflag:$0x4], $0x80, $0x38;
	[tilespmem:$0x1D400] =	vst v63  }
0x47d: {  	s8 =	sadd.s32 $0x60, s2;
	s31 =	simm.s32 $0x19330  }
0x47e: {  	[hbm4b:s8+s3] =	stream.linear.scatter [tilespmem:s31], [sflag:$0x4], $0x80, $0x38;
	[tilespmem:$0x1D400] =	vst v63  }
0x47f: {  	s8 =	sadd.s32 $0x70, s2;
	s31 =	simm.s32 $0x193B8  }
0x480: {  	[hbm4b:s8+s3] =	stream.linear.scatter [tilespmem:s31], [sflag:$0x4], $0x80, $0x38;
	[tilespmem:$0x1D400] =	vst v63  }
0x481: {  	s8 =	sadd.s32 $0x4000, s2;
	s31 =	simm.s32 $0x19440  }
0x482: {  	[hbm4b:s8+s3] =	stream.linear.scatter [tilespmem:s31], [sflag:$0x4], $0x80, $0x38;
	[tilespmem:$0x1D400] =	vst v63  }
0x483: {  	s8 =	sadd.s32 $0x4010, s2;
	s31 =	simm.s32 $0x194C8  }
0x484: {  	[hbm4b:s8+s3] =	stream.linear.scatter [tilespmem:s31], [sflag:$0x4], $0x80, $0x38;
	[tilespmem:$0x1D400] =	vst v63  }
0x485: {  	s8 =	sadd.s32 $0x4020, s2;
	s31 =	simm.s32 $0x19550  }
0x486: {  	[hbm4b:s8+s3] =	stream.linear.scatter [tilespmem:s31], [sflag:$0x4], $0x80, $0x38;
	[tilespmem:$0x1D400] =	vst v63  }
0x487: {  	s8 =	sadd.s32 $0x4030, s2;
	s31 =	simm.s32 $0x195D8  }
0x488: {  	[hbm4b:s8+s3] =	stream.linear.scatter [tilespmem:s31], [sflag:$0x4], $0x80, $0x38;
	[tilespmem:$0x1D400] =	vst v63  }
0x489: {  	s8 =	sadd.s32 $0x4040, s2;
	s31 =	simm.s32 $0x19660  }
0x48a: {  	[hbm4b:s8+s3] =	stream.linear.scatter [tilespmem:s31], [sflag:$0x4], $0x80, $0x38;
	[tilespmem:$0x1D400] =	vst v63  }
0x48b: {  	s8 =	sadd.s32 $0x4050, s2;
	s31 =	simm.s32 $0x196E8  }
0x48c: {  	[hbm4b:s8+s3] =	stream.linear.scatter [tilespmem:s31], [sflag:$0x4], $0x80, $0x38;
	[tilespmem:$0x1D400] =	vst v63  }
0x48d: {  	s8 =	sadd.s32 $0x4060, s2;
	s31 =	simm.s32 $0x19770  }
0x48e: {  	[hbm4b:s8+s3] =	stream.linear.scatter [tilespmem:s31], [sflag:$0x4], $0x80, $0x38;
	[tilespmem:$0x1D400] =	vst v63  }
0x48f: {  	s8 =	sadd.s32 $0x4070, s2;
	s31 =	simm.s32 $0x197F8  }
0x490: {  	[hbm4b:s8+s3] =	stream.linear.scatter [tilespmem:s31], [sflag:$0x4], $0x80, $0x38;
	[tilespmem:$0x1D400] =	vst v63  }
0x491: {  	s8 =	sadd.s32 $0x8000, s2;
	s31 =	simm.s32 $0x19880  }
0x492: {  	[hbm4b:s8+s3] =	stream.linear.scatter [tilespmem:s31], [sflag:$0x4], $0x80, $0x38;
	[tilespmem:$0x1D400] =	vst v63  }
0x493: {  	s8 =	sadd.s32 $0x8010, s2;
	s31 =	simm.s32 $0x19908  }
0x494: {  	[hbm4b:s8+s3] =	stream.linear.scatter [tilespmem:s31], [sflag:$0x4], $0x80, $0x38;
	[tilespmem:$0x1D400] =	vst v63  }
0x495: {  	s8 =	sadd.s32 $0x8020, s2;
	s31 =	simm.s32 $0x19990  }
0x496: {  	[hbm4b:s8+s3] =	stream.linear.scatter [tilespmem:s31], [sflag:$0x4], $0x80, $0x38;
	[tilespmem:$0x1D400] =	vst v63  }
0x497: {  	s8 =	sadd.s32 $0x8030, s2;
	s31 =	simm.s32 $0x19A18  }
0x498: {  	[hbm4b:s8+s3] =	stream.linear.scatter [tilespmem:s31], [sflag:$0x4], $0x80, $0x38;
	[tilespmem:$0x1D400] =	vst v63  }
0x499: {  	s8 =	sadd.s32 $0x8040, s2;
	s31 =	simm.s32 $0x19AA0  }
0x49a: {  	[hbm4b:s8+s3] =	stream.linear.scatter [tilespmem:s31], [sflag:$0x4], $0x80, $0x38;
	[tilespmem:$0x1D400] =	vst v63  }
0x49b: {  	s8 =	sadd.s32 $0x8050, s2;
	s31 =	simm.s32 $0x19B28  }
0x49c: {  	[hbm4b:s8+s3] =	stream.linear.scatter [tilespmem:s31], [sflag:$0x4], $0x80, $0x38;
	[tilespmem:$0x1D400] =	vst v63  }
0x49d: {  	s8 =	sadd.s32 $0x8060, s2;
	s31 =	simm.s32 $0x19BB0  }
0x49e: {  	[hbm4b:s8+s3] =	stream.linear.scatter [tilespmem:s31], [sflag:$0x4], $0x80, $0x38;
	[tilespmem:$0x1D400] =	vst v63  }
0x49f: {  	s8 =	sadd.s32 $0x8070, s2;
	s31 =	simm.s32 $0x19C38  }
0x4a0: {  	[hbm4b:s8+s3] =	stream.linear.scatter [tilespmem:s31], [sflag:$0x4], $0x80, $0x38;
	[tilespmem:$0x1D400] =	vst v63  }
0x4a1: {  	s8 =	sadd.s32 $0xC000, s2;
	s31 =	simm.s32 $0x19CC0  }
0x4a2: {  	[hbm4b:s8+s3] =	stream.linear.scatter [tilespmem:s31], [sflag:$0x4], $0x80, $0x38;
	[tilespmem:$0x1D400] =	vst v63  }
0x4a3: {  	s8 =	sadd.s32 $0xC010, s2;
	s31 =	simm.s32 $0x19D48  }
0x4a4: {  	[hbm4b:s8+s3] =	stream.linear.scatter [tilespmem:s31], [sflag:$0x4], $0x80, $0x38;
	[tilespmem:$0x1D400] =	vst v63  }
0x4a5: {  	s8 =	sadd.s32 $0xC020, s2;
	s31 =	simm.s32 $0x19DD0  }
0x4a6: {  	[hbm4b:s8+s3] =	stream.linear.scatter [tilespmem:s31], [sflag:$0x4], $0x80, $0x38;
	[tilespmem:$0x1D400] =	vst v63  }
0x4a7: {  	s8 =	sadd.s32 $0xC030, s2;
	s31 =	simm.s32 $0x19E58  }
0x4a8: {  	[hbm4b:s8+s3] =	stream.linear.scatter [tilespmem:s31], [sflag:$0x4], $0x80, $0x38;
	[tilespmem:$0x1D400] =	vst v63  }
0x4a9: {  	s8 =	sadd.s32 $0xC040, s2;
	s31 =	simm.s32 $0x19EE0  }
0x4aa: {  	[hbm4b:s8+s3] =	stream.linear.scatter [tilespmem:s31], [sflag:$0x4], $0x80, $0x38;
	[tilespmem:$0x1D400] =	vst v63  }
0x4ab: {  	s8 =	sadd.s32 $0xC050, s2;
	s31 =	simm.s32 $0x19F68  }
0x4ac: {  	[hbm4b:s8+s3] =	stream.linear.scatter [tilespmem:s31], [sflag:$0x4], $0x80, $0x38;
	[tilespmem:$0x1D400] =	vst v63  }
0x4ad: {  	s8 =	sadd.s32 $0xC060, s2;
	s31 =	simm.s32 $0x19FF0  }
0x4ae: {  	[hbm4b:s8+s3] =	stream.linear.scatter [tilespmem:s31], [sflag:$0x4], $0x80, $0x38;
	[tilespmem:$0x1D400] =	vst v63  }
0x4af: {  	s2 =	sadd.s32 $0xC070, s2;
	s31 =	simm.s32 $0x1A078;
	s8 =	sor.u32 $0x10000, s0  }
0x4b0: {  	[hbm4b:s2+s3] =	stream.linear.scatter [tilespmem:s31], [sflag:$0x4], $0x80, $0x38;
	[tilespmem:$0x1D400] =	vst v63  }
0x4b1: {  	s2 =	sadd.s32 s1, s8;
	s31 =	simm.s32 $0x1A100  }
0x4b2: {  	[hbm4b:s2+s3] =	stream.linear.scatter [tilespmem:s31], [sflag:$0x4], $0x80, $0x38;
	[tilespmem:$0x1D400] =	vst v63  }
0x4b3: {  	s8 =	sadd.s32 $0x10, s2;
	s31 =	simm.s32 $0x1A188  }
0x4b4: {  	[hbm4b:s8+s3] =	stream.linear.scatter [tilespmem:s31], [sflag:$0x4], $0x80, $0x38;
	[tilespmem:$0x1D400] =	vst v63  }
0x4b5: {  	s8 =	sadd.s32 $0x20, s2;
	s31 =	simm.s32 $0x1A210  }
0x4b6: {  	[hbm4b:s8+s3] =	stream.linear.scatter [tilespmem:s31], [sflag:$0x4], $0x80, $0x38;
	[tilespmem:$0x1D400] =	vst v63  }
0x4b7: {  	s8 =	sadd.s32 $0x30, s2;
	s31 =	simm.s32 $0x1A298  }
0x4b8: {  	[hbm4b:s8+s3] =	stream.linear.scatter [tilespmem:s31], [sflag:$0x4], $0x80, $0x38;
	[tilespmem:$0x1D400] =	vst v63  }
0x4b9: {  	s8 =	sadd.s32 $0x40, s2;
	s31 =	simm.s32 $0x1A320  }
0x4ba: {  	[hbm4b:s8+s3] =	stream.linear.scatter [tilespmem:s31], [sflag:$0x4], $0x80, $0x38;
	[tilespmem:$0x1D400] =	vst v63  }
0x4bb: {  	s8 =	sadd.s32 $0x50, s2;
	s31 =	simm.s32 $0x1A3A8  }
0x4bc: {  	[hbm4b:s8+s3] =	stream.linear.scatter [tilespmem:s31], [sflag:$0x4], $0x80, $0x38;
	[tilespmem:$0x1D400] =	vst v63  }
0x4bd: {  	s8 =	sadd.s32 $0x60, s2;
	s31 =	simm.s32 $0x1A430  }
0x4be: {  	[hbm4b:s8+s3] =	stream.linear.scatter [tilespmem:s31], [sflag:$0x4], $0x80, $0x38;
	[tilespmem:$0x1D400] =	vst v63  }
0x4bf: {  	s8 =	sadd.s32 $0x70, s2;
	s31 =	simm.s32 $0x1A4B8  }
0x4c0: {  	[hbm4b:s8+s3] =	stream.linear.scatter [tilespmem:s31], [sflag:$0x4], $0x80, $0x38;
	[tilespmem:$0x1D400] =	vst v63  }
0x4c1: {  	s8 =	sadd.s32 $0x4000, s2;
	s31 =	simm.s32 $0x1A540  }
0x4c2: {  	[hbm4b:s8+s3] =	stream.linear.scatter [tilespmem:s31], [sflag:$0x4], $0x80, $0x38;
	[tilespmem:$0x1D400] =	vst v63  }
0x4c3: {  	s8 =	sadd.s32 $0x4010, s2;
	s31 =	simm.s32 $0x1A5C8  }
0x4c4: {  	[hbm4b:s8+s3] =	stream.linear.scatter [tilespmem:s31], [sflag:$0x4], $0x80, $0x38;
	[tilespmem:$0x1D400] =	vst v63  }
0x4c5: {  	s8 =	sadd.s32 $0x4020, s2;
	s31 =	simm.s32 $0x1A650  }
0x4c6: {  	[hbm4b:s8+s3] =	stream.linear.scatter [tilespmem:s31], [sflag:$0x4], $0x80, $0x38;
	[tilespmem:$0x1D400] =	vst v63  }
0x4c7: {  	s8 =	sadd.s32 $0x4030, s2;
	s31 =	simm.s32 $0x1A6D8  }
0x4c8: {  	[hbm4b:s8+s3] =	stream.linear.scatter [tilespmem:s31], [sflag:$0x4], $0x80, $0x38;
	[tilespmem:$0x1D400] =	vst v63  }
0x4c9: {  	s8 =	sadd.s32 $0x4040, s2;
	s31 =	simm.s32 $0x1A760  }
0x4ca: {  	[hbm4b:s8+s3] =	stream.linear.scatter [tilespmem:s31], [sflag:$0x4], $0x80, $0x38;
	[tilespmem:$0x1D400] =	vst v63  }
0x4cb: {  	s8 =	sadd.s32 $0x4050, s2;
	s31 =	simm.s32 $0x1A7E8  }
0x4cc: {  	[hbm4b:s8+s3] =	stream.linear.scatter [tilespmem:s31], [sflag:$0x4], $0x80, $0x38;
	[tilespmem:$0x1D400] =	vst v63  }
0x4cd: {  	s8 =	sadd.s32 $0x4060, s2;
	s31 =	simm.s32 $0x1A870  }
0x4ce: {  	[hbm4b:s8+s3] =	stream.linear.scatter [tilespmem:s31], [sflag:$0x4], $0x80, $0x38;
	[tilespmem:$0x1D400] =	vst v63  }
0x4cf: {  	s8 =	sadd.s32 $0x4070, s2;
	s31 =	simm.s32 $0x1A8F8  }
0x4d0: {  	[hbm4b:s8+s3] =	stream.linear.scatter [tilespmem:s31], [sflag:$0x4], $0x80, $0x38;
	[tilespmem:$0x1D400] =	vst v63  }
0x4d1: {  	s8 =	sadd.s32 $0x8000, s2;
	s31 =	simm.s32 $0x1A980  }
0x4d2: {  	[hbm4b:s8+s3] =	stream.linear.scatter [tilespmem:s31], [sflag:$0x4], $0x80, $0x38;
	[tilespmem:$0x1D400] =	vst v63  }
0x4d3: {  	s8 =	sadd.s32 $0x8010, s2;
	s31 =	simm.s32 $0x1AA08  }
0x4d4: {  	[hbm4b:s8+s3] =	stream.linear.scatter [tilespmem:s31], [sflag:$0x4], $0x80, $0x38;
	[tilespmem:$0x1D400] =	vst v63  }
0x4d5: {  	s8 =	sadd.s32 $0x8020, s2;
	s31 =	simm.s32 $0x1AA90  }
0x4d6: {  	[hbm4b:s8+s3] =	stream.linear.scatter [tilespmem:s31], [sflag:$0x4], $0x80, $0x38;
	[tilespmem:$0x1D400] =	vst v63  }
0x4d7: {  	s8 =	sadd.s32 $0x8030, s2;
	s31 =	simm.s32 $0x1AB18  }
0x4d8: {  	[hbm4b:s8+s3] =	stream.linear.scatter [tilespmem:s31], [sflag:$0x4], $0x80, $0x38;
	[tilespmem:$0x1D400] =	vst v63  }
0x4d9: {  	s8 =	sadd.s32 $0x8040, s2;
	s31 =	simm.s32 $0x1ABA0  }
0x4da: {  	[hbm4b:s8+s3] =	stream.linear.scatter [tilespmem:s31], [sflag:$0x4], $0x80, $0x38;
	[tilespmem:$0x1D400] =	vst v63  }
0x4db: {  	s8 =	sadd.s32 $0x8050, s2;
	s31 =	simm.s32 $0x1AC28  }
0x4dc: {  	[hbm4b:s8+s3] =	stream.linear.scatter [tilespmem:s31], [sflag:$0x4], $0x80, $0x38;
	[tilespmem:$0x1D400] =	vst v63  }
0x4dd: {  	s8 =	sadd.s32 $0x8060, s2;
	s31 =	simm.s32 $0x1ACB0  }
0x4de: {  	[hbm4b:s8+s3] =	stream.linear.scatter [tilespmem:s31], [sflag:$0x4], $0x80, $0x38;
	[tilespmem:$0x1D400] =	vst v63  }
0x4df: {  	s8 =	sadd.s32 $0x8070, s2;
	s31 =	simm.s32 $0x1AD38  }
0x4e0: {  	[hbm4b:s8+s3] =	stream.linear.scatter [tilespmem:s31], [sflag:$0x4], $0x80, $0x38;
	[tilespmem:$0x1D400] =	vst v63  }
0x4e1: {  	s8 =	sadd.s32 $0xC000, s2;
	s31 =	simm.s32 $0x1ADC0  }
0x4e2: {  	[hbm4b:s8+s3] =	stream.linear.scatter [tilespmem:s31], [sflag:$0x4], $0x80, $0x38;
	[tilespmem:$0x1D400] =	vst v63  }
0x4e3: {  	s8 =	sadd.s32 $0xC010, s2;
	s31 =	simm.s32 $0x1AE48  }
0x4e4: {  	[hbm4b:s8+s3] =	stream.linear.scatter [tilespmem:s31], [sflag:$0x4], $0x80, $0x38;
	[tilespmem:$0x1D400] =	vst v63  }
0x4e5: {  	s8 =	sadd.s32 $0xC020, s2;
	s31 =	simm.s32 $0x1AED0  }
0x4e6: {  	[hbm4b:s8+s3] =	stream.linear.scatter [tilespmem:s31], [sflag:$0x4], $0x80, $0x38;
	[tilespmem:$0x1D400] =	vst v63  }
0x4e7: {  	s8 =	sadd.s32 $0xC030, s2;
	s31 =	simm.s32 $0x1AF58  }
0x4e8: {  	[hbm4b:s8+s3] =	stream.linear.scatter [tilespmem:s31], [sflag:$0x4], $0x80, $0x38;
	[tilespmem:$0x1D400] =	vst v63  }
0x4e9: {  	s8 =	sadd.s32 $0xC040, s2;
	s31 =	simm.s32 $0x1AFE0  }
0x4ea: {  	[hbm4b:s8+s3] =	stream.linear.scatter [tilespmem:s31], [sflag:$0x4], $0x80, $0x38;
	[tilespmem:$0x1D400] =	vst v63  }
0x4eb: {  	s8 =	sadd.s32 $0xC050, s2;
	s31 =	simm.s32 $0x1B068  }
0x4ec: {  	[hbm4b:s8+s3] =	stream.linear.scatter [tilespmem:s31], [sflag:$0x4], $0x80, $0x38;
	[tilespmem:$0x1D400] =	vst v63  }
0x4ed: {  	s8 =	sadd.s32 $0xC060, s2;
	s31 =	simm.s32 $0x1B0F0  }
0x4ee: {  	[hbm4b:s8+s3] =	stream.linear.scatter [tilespmem:s31], [sflag:$0x4], $0x80, $0x38;
	[tilespmem:$0x1D400] =	vst v63  }
0x4ef: {  	s2 =	sadd.s32 $0xC070, s2;
	s31 =	simm.s32 $0x1B178;
	s8 =	sor.u32 $0x20000, s0  }
0x4f0: {  	[hbm4b:s2+s3] =	stream.linear.scatter [tilespmem:s31], [sflag:$0x4], $0x80, $0x38;
	[tilespmem:$0x1D400] =	vst v63  }
0x4f1: {  	s2 =	sadd.s32 s1, s8;
	s31 =	simm.s32 $0x1B200  }
0x4f2: {  	[hbm4b:s2+s3] =	stream.linear.scatter [tilespmem:s31], [sflag:$0x4], $0x80, $0x38;
	[tilespmem:$0x1D400] =	vst v63  }
0x4f3: {  	s8 =	sadd.s32 $0x10, s2;
	s31 =	simm.s32 $0x1B288  }
0x4f4: {  	[hbm4b:s8+s3] =	stream.linear.scatter [tilespmem:s31], [sflag:$0x4], $0x80, $0x38;
	[tilespmem:$0x1D400] =	vst v63  }
0x4f5: {  	s8 =	sadd.s32 $0x20, s2;
	s31 =	simm.s32 $0x1B310  }
0x4f6: {  	[hbm4b:s8+s3] =	stream.linear.scatter [tilespmem:s31], [sflag:$0x4], $0x80, $0x38;
	[tilespmem:$0x1D400] =	vst v63  }
0x4f7: {  	s8 =	sadd.s32 $0x30, s2;
	s31 =	simm.s32 $0x1B398  }
0x4f8: {  	[hbm4b:s8+s3] =	stream.linear.scatter [tilespmem:s31], [sflag:$0x4], $0x80, $0x38;
	[tilespmem:$0x1D400] =	vst v63  }
0x4f9: {  	s8 =	sadd.s32 $0x40, s2;
	s31 =	simm.s32 $0x1B420  }
0x4fa: {  	[hbm4b:s8+s3] =	stream.linear.scatter [tilespmem:s31], [sflag:$0x4], $0x80, $0x38;
	[tilespmem:$0x1D400] =	vst v63  }
0x4fb: {  	s8 =	sadd.s32 $0x50, s2;
	s31 =	simm.s32 $0x1B4A8  }
0x4fc: {  	[hbm4b:s8+s3] =	stream.linear.scatter [tilespmem:s31], [sflag:$0x4], $0x80, $0x38;
	[tilespmem:$0x1D400] =	vst v63  }
0x4fd: {  	s8 =	sadd.s32 $0x60, s2;
	s31 =	simm.s32 $0x1B530  }
0x4fe: {  	[hbm4b:s8+s3] =	stream.linear.scatter [tilespmem:s31], [sflag:$0x4], $0x80, $0x38;
	[tilespmem:$0x1D400] =	vst v63  }
0x4ff: {  	s8 =	sadd.s32 $0x70, s2;
	s31 =	simm.s32 $0x1B5B8  }
0x500: {  	[hbm4b:s8+s3] =	stream.linear.scatter [tilespmem:s31], [sflag:$0x4], $0x80, $0x38;
	[tilespmem:$0x1D400] =	vst v63  }
0x501: {  	s8 =	sadd.s32 $0x4000, s2;
	s31 =	simm.s32 $0x1B640  }
0x502: {  	[hbm4b:s8+s3] =	stream.linear.scatter [tilespmem:s31], [sflag:$0x4], $0x80, $0x38;
	[tilespmem:$0x1D400] =	vst v63  }
0x503: {  	s8 =	sadd.s32 $0x4010, s2;
	s31 =	simm.s32 $0x1B6C8  }
0x504: {  	[hbm4b:s8+s3] =	stream.linear.scatter [tilespmem:s31], [sflag:$0x4], $0x80, $0x38;
	[tilespmem:$0x1D400] =	vst v63  }
0x505: {  	s8 =	sadd.s32 $0x4020, s2;
	s31 =	simm.s32 $0x1B750  }
0x506: {  	[hbm4b:s8+s3] =	stream.linear.scatter [tilespmem:s31], [sflag:$0x4], $0x80, $0x38;
	[tilespmem:$0x1D400] =	vst v63  }
0x507: {  	s8 =	sadd.s32 $0x4030, s2;
	s31 =	simm.s32 $0x1B7D8  }
0x508: {  	[hbm4b:s8+s3] =	stream.linear.scatter [tilespmem:s31], [sflag:$0x4], $0x80, $0x38;
	[tilespmem:$0x1D400] =	vst v63  }
0x509: {  	s8 =	sadd.s32 $0x4040, s2;
	s31 =	simm.s32 $0x1B860  }
0x50a: {  	[hbm4b:s8+s3] =	stream.linear.scatter [tilespmem:s31], [sflag:$0x4], $0x80, $0x38;
	[tilespmem:$0x1D400] =	vst v63  }
0x50b: {  	s8 =	sadd.s32 $0x4050, s2;
	s31 =	simm.s32 $0x1B8E8  }
0x50c: {  	[hbm4b:s8+s3] =	stream.linear.scatter [tilespmem:s31], [sflag:$0x4], $0x80, $0x38;
	[tilespmem:$0x1D400] =	vst v63  }
0x50d: {  	s8 =	sadd.s32 $0x4060, s2;
	s31 =	simm.s32 $0x1B970  }
0x50e: {  	[hbm4b:s8+s3] =	stream.linear.scatter [tilespmem:s31], [sflag:$0x4], $0x80, $0x38;
	[tilespmem:$0x1D400] =	vst v63  }
0x50f: {  	s8 =	sadd.s32 $0x4070, s2;
	s31 =	simm.s32 $0x1B9F8  }
0x510: {  	[hbm4b:s8+s3] =	stream.linear.scatter [tilespmem:s31], [sflag:$0x4], $0x80, $0x38;
	[tilespmem:$0x1D400] =	vst v63  }
0x511: {  	s8 =	sadd.s32 $0x8000, s2;
	s31 =	simm.s32 $0x1BA80  }
0x512: {  	[hbm4b:s8+s3] =	stream.linear.scatter [tilespmem:s31], [sflag:$0x4], $0x80, $0x38;
	[tilespmem:$0x1D400] =	vst v63  }
0x513: {  	s8 =	sadd.s32 $0x8010, s2;
	s31 =	simm.s32 $0x1BB08  }
0x514: {  	[hbm4b:s8+s3] =	stream.linear.scatter [tilespmem:s31], [sflag:$0x4], $0x80, $0x38;
	[tilespmem:$0x1D400] =	vst v63  }
0x515: {  	s8 =	sadd.s32 $0x8020, s2;
	s31 =	simm.s32 $0x1BB90  }
0x516: {  	[hbm4b:s8+s3] =	stream.linear.scatter [tilespmem:s31], [sflag:$0x4], $0x80, $0x38;
	[tilespmem:$0x1D400] =	vst v63  }
0x517: {  	s8 =	sadd.s32 $0x8030, s2;
	s31 =	simm.s32 $0x1BC18  }
0x518: {  	[hbm4b:s8+s3] =	stream.linear.scatter [tilespmem:s31], [sflag:$0x4], $0x80, $0x38;
	[tilespmem:$0x1D400] =	vst v63  }
0x519: {  	s8 =	sadd.s32 $0x8040, s2;
	s31 =	simm.s32 $0x1BCA0  }
0x51a: {  	[hbm4b:s8+s3] =	stream.linear.scatter [tilespmem:s31], [sflag:$0x4], $0x80, $0x38;
	[tilespmem:$0x1D400] =	vst v63  }
0x51b: {  	s8 =	sadd.s32 $0x8050, s2;
	s31 =	simm.s32 $0x1BD28  }
0x51c: {  	[hbm4b:s8+s3] =	stream.linear.scatter [tilespmem:s31], [sflag:$0x4], $0x80, $0x38;
	[tilespmem:$0x1D400] =	vst v63  }
0x51d: {  	s8 =	sadd.s32 $0x8060, s2;
	s31 =	simm.s32 $0x1BDB0  }
0x51e: {  	[hbm4b:s8+s3] =	stream.linear.scatter [tilespmem:s31], [sflag:$0x4], $0x80, $0x38;
	[tilespmem:$0x1D400] =	vst v63  }
0x51f: {  	s8 =	sadd.s32 $0x8070, s2;
	s31 =	simm.s32 $0x1BE38  }
0x520: {  	[hbm4b:s8+s3] =	stream.linear.scatter [tilespmem:s31], [sflag:$0x4], $0x80, $0x38;
	[tilespmem:$0x1D400] =	vst v63  }
0x521: {  	s8 =	sadd.s32 $0xC000, s2;
	s31 =	simm.s32 $0x1BEC0  }
0x522: {  	[hbm4b:s8+s3] =	stream.linear.scatter [tilespmem:s31], [sflag:$0x4], $0x80, $0x38;
	[tilespmem:$0x1D400] =	vst v63  }
0x523: {  	s8 =	sadd.s32 $0xC010, s2;
	s31 =	simm.s32 $0x1BF48  }
0x524: {  	[hbm4b:s8+s3] =	stream.linear.scatter [tilespmem:s31], [sflag:$0x4], $0x80, $0x38;
	[tilespmem:$0x1D400] =	vst v63  }
0x525: {  	s8 =	sadd.s32 $0xC020, s2;
	s31 =	simm.s32 $0x1BFD0  }
0x526: {  	[hbm4b:s8+s3] =	stream.linear.scatter [tilespmem:s31], [sflag:$0x4], $0x80, $0x38;
	[tilespmem:$0x1D400] =	vst v63  }
0x527: {  	s8 =	sadd.s32 $0xC030, s2;
	s31 =	simm.s32 $0x1C058  }
0x528: {  	[hbm4b:s8+s3] =	stream.linear.scatter [tilespmem:s31], [sflag:$0x4], $0x80, $0x38;
	[tilespmem:$0x1D400] =	vst v63  }
0x529: {  	s8 =	sadd.s32 $0xC040, s2;
	s31 =	simm.s32 $0x1C0E0  }
0x52a: {  	[hbm4b:s8+s3] =	stream.linear.scatter [tilespmem:s31], [sflag:$0x4], $0x80, $0x38;
	[tilespmem:$0x1D400] =	vst v63  }
0x52b: {  	s8 =	sadd.s32 $0xC050, s2;
	s31 =	simm.s32 $0x1C168  }
0x52c: {  	[hbm4b:s8+s3] =	stream.linear.scatter [tilespmem:s31], [sflag:$0x4], $0x80, $0x38;
	[tilespmem:$0x1D400] =	vst v63  }
0x52d: {  	s8 =	sadd.s32 $0xC060, s2;
	s31 =	simm.s32 $0x1C1F0  }
0x52e: {  	[hbm4b:s8+s3] =	stream.linear.scatter [tilespmem:s31], [sflag:$0x4], $0x80, $0x38;
	[tilespmem:$0x1D400] =	vst v63  }
0x52f: {  	s0 =	sor.u32 $0x30000, s0;
	s2 =	sadd.s32 $0xC070, s2;
	s31 =	simm.s32 $0x1C278  }
0x530: {  	[hbm4b:s2+s3] =	stream.linear.scatter [tilespmem:s31], [sflag:$0x4], $0x80, $0x38;
	[tilespmem:$0x1D400] =	vst v63  }
0x531: {  	s4 =	simm.s32 $0x1C300;
	s0 =	sadd.s32 s1, s0  }
0x532: {  	[hbm4b:s0+s3] =	stream.linear.scatter [tilespmem:s4], [sflag:$0x4], $0x80, $0x38;
	[tilespmem:$0x1D400] =	vst v63  }
0x533: {  	s8 =	sadd.s32 $0x10, s0;
	s31 =	simm.s32 $0x1C388  }
0x534: {  	[hbm4b:s8+s3] =	stream.linear.scatter [tilespmem:s31], [sflag:$0x4], $0x80, $0x38;
	[tilespmem:$0x1D400] =	vst v63  }
0x535: {  	s8 =	sadd.s32 $0x20, s0;
	s31 =	simm.s32 $0x1C410  }
0x536: {  	[hbm4b:s8+s3] =	stream.linear.scatter [tilespmem:s31], [sflag:$0x4], $0x80, $0x38;
	[tilespmem:$0x1D400] =	vst v63  }
0x537: {  	s8 =	sadd.s32 $0x30, s0;
	s31 =	simm.s32 $0x1C498  }
0x538: {  	[hbm4b:s8+s3] =	stream.linear.scatter [tilespmem:s31], [sflag:$0x4], $0x80, $0x38;
	[tilespmem:$0x1D400] =	vst v63  }
0x539: {  	s8 =	sadd.s32 $0x40, s0;
	s31 =	simm.s32 $0x1C520  }
0x53a: {  	[hbm4b:s8+s3] =	stream.linear.scatter [tilespmem:s31], [sflag:$0x4], $0x80, $0x38;
	[tilespmem:$0x1D400] =	vst v63  }
0x53b: {  	s8 =	sadd.s32 $0x50, s0;
	s31 =	simm.s32 $0x1C5A8  }
0x53c: {  	[hbm4b:s8+s3] =	stream.linear.scatter [tilespmem:s31], [sflag:$0x4], $0x80, $0x38;
	[tilespmem:$0x1D400] =	vst v63  }
0x53d: {  	s8 =	sadd.s32 $0x60, s0;
	s31 =	simm.s32 $0x1C630  }
0x53e: {  	[hbm4b:s8+s3] =	stream.linear.scatter [tilespmem:s31], [sflag:$0x4], $0x80, $0x38;
	[tilespmem:$0x1D400] =	vst v63  }
0x53f: {  	s8 =	sadd.s32 $0x70, s0;
	s31 =	simm.s32 $0x1C6B8  }
0x540: {  	[hbm4b:s8+s3] =	stream.linear.scatter [tilespmem:s31], [sflag:$0x4], $0x80, $0x38;
	[tilespmem:$0x1D400] =	vst v63  }
0x541: {  	s8 =	sadd.s32 $0x4000, s0;
	s31 =	simm.s32 $0x1C740  }
0x542: {  	[hbm4b:s8+s3] =	stream.linear.scatter [tilespmem:s31], [sflag:$0x4], $0x80, $0x38;
	[tilespmem:$0x1D400] =	vst v63  }
0x543: {  	s8 =	sadd.s32 $0x4010, s0;
	s31 =	simm.s32 $0x1C7C8  }
0x544: {  	[hbm4b:s8+s3] =	stream.linear.scatter [tilespmem:s31], [sflag:$0x4], $0x80, $0x38;
	[tilespmem:$0x1D400] =	vst v63  }
0x545: {  	s8 =	sadd.s32 $0x4020, s0;
	s31 =	simm.s32 $0x1C850  }
0x546: {  	[hbm4b:s8+s3] =	stream.linear.scatter [tilespmem:s31], [sflag:$0x4], $0x80, $0x38;
	[tilespmem:$0x1D400] =	vst v63  }
0x547: {  	s8 =	sadd.s32 $0x4030, s0;
	s31 =	simm.s32 $0x1C8D8  }
0x548: {  	[hbm4b:s8+s3] =	stream.linear.scatter [tilespmem:s31], [sflag:$0x4], $0x80, $0x38;
	[tilespmem:$0x1D400] =	vst v63  }
0x549: {  	s8 =	sadd.s32 $0x4040, s0;
	s31 =	simm.s32 $0x1C960  }
0x54a: {  	[hbm4b:s8+s3] =	stream.linear.scatter [tilespmem:s31], [sflag:$0x4], $0x80, $0x38;
	[tilespmem:$0x1D400] =	vst v63  }
0x54b: {  	s8 =	sadd.s32 $0x4050, s0;
	s31 =	simm.s32 $0x1C9E8  }
0x54c: {  	[hbm4b:s8+s3] =	stream.linear.scatter [tilespmem:s31], [sflag:$0x4], $0x80, $0x38;
	[tilespmem:$0x1D400] =	vst v63  }
0x54d: {  	s8 =	sadd.s32 $0x4060, s0;
	s31 =	simm.s32 $0x1CA70  }
0x54e: {  	[hbm4b:s8+s3] =	stream.linear.scatter [tilespmem:s31], [sflag:$0x4], $0x80, $0x38;
	[tilespmem:$0x1D400] =	vst v63  }
0x54f: {  	s8 =	sadd.s32 $0x4070, s0;
	s31 =	simm.s32 $0x1CAF8  }
0x550: {  	[hbm4b:s8+s3] =	stream.linear.scatter [tilespmem:s31], [sflag:$0x4], $0x80, $0x38;
	[tilespmem:$0x1D400] =	vst v63  }
0x551: {  	s8 =	sadd.s32 $0x8000, s0;
	s31 =	simm.s32 $0x1CB80  }
0x552: {  	[hbm4b:s8+s3] =	stream.linear.scatter [tilespmem:s31], [sflag:$0x4], $0x80, $0x38;
	[tilespmem:$0x1D400] =	vst v63  }
0x553: {  	s8 =	sadd.s32 $0x8010, s0;
	s31 =	simm.s32 $0x1CC08  }
0x554: {  	[hbm4b:s8+s3] =	stream.linear.scatter [tilespmem:s31], [sflag:$0x4], $0x80, $0x38;
	[tilespmem:$0x1D400] =	vst v63  }
0x555: {  	s8 =	sadd.s32 $0x8020, s0  }
0x556: {  	[hbm4b:s8+s3] =	stream.linear.scatter [tilespmem:s6], [sflag:$0x4], $0x80, $0x38;
	[tilespmem:$0x1D400] =	vst v63  }
0x557: {  	s31 =	sadd.s32 $0x8030, s0  }
0x558: {  	[hbm4b:s31+s3] =	stream.linear.scatter [tilespmem:s9], [sflag:$0x4], $0x80, $0x38;
	[tilespmem:$0x1D400] =	vst v63  }
0x559: {  	s4 =	sadd.s32 $0x8040, s0  }
0x55a: {  	[hbm4b:s4+s3] =	stream.linear.scatter [tilespmem:s17], [sflag:$0x4], $0x80, $0x38;
	[tilespmem:$0x1D400] =	vst v63  }
0x55b: {  	s8 =	sadd.s32 $0x8050, s0  }
0x55c: {  	[hbm4b:s8+s3] =	stream.linear.scatter [tilespmem:s18], [sflag:$0x4], $0x80, $0x38;
	[tilespmem:$0x1D400] =	vst v63  }
0x55d: {  	s31 =	sadd.s32 $0x8060, s0  }
0x55e: {  	[hbm4b:s31+s3] =	stream.linear.scatter [tilespmem:s19], [sflag:$0x4], $0x80, $0x38;
	[tilespmem:$0x1D400] =	vst v63  }
0x55f: {  	s4 =	sadd.s32 $0x8070, s0  }
0x560: {  	[hbm4b:s4+s3] =	stream.linear.scatter [tilespmem:s20], [sflag:$0x4], $0x80, $0x38;
	[tilespmem:$0x1D400] =	vst v63  }
0x561: {  	s8 =	sadd.s32 $0xC000, s0  }
0x562: {  	[hbm4b:s8+s3] =	stream.linear.scatter [tilespmem:s21], [sflag:$0x4], $0x80, $0x38;
	[tilespmem:$0x1D400] =	vst v63  }
0x563: {  	s31 =	sadd.s32 $0xC010, s0  }
0x564: {  	[hbm4b:s31+s3] =	stream.linear.scatter [tilespmem:s22], [sflag:$0x4], $0x80, $0x38;
	[tilespmem:$0x1D400] =	vst v63  }
0x565: {  	s4 =	sadd.s32 $0xC020, s0  }
0x566: {  	[hbm4b:s4+s3] =	stream.linear.scatter [tilespmem:s16], [sflag:$0x4], $0x80, $0x38;
	[tilespmem:$0x1D400] =	vst v63  }
0x567: {  	s8 =	sadd.s32 $0xC030, s0  }
0x568: {  	[hbm4b:s8+s3] =	stream.linear.scatter [tilespmem:s13], [sflag:$0x4], $0x80, $0x38;
	[tilespmem:$0x1D400] =	vst v63  }
0x569: {  	s30 =	sadd.s32 $0x1, s30;
	s31 =	sadd.s32 $0xC040, s0  }
0x56a: {  	[hbm4b:s31+s3] =	stream.linear.scatter [tilespmem:s12], [sflag:$0x4], $0x80, $0x38;
	[tilespmem:$0x1D400] =	vst v63  }
0x56b: {  	p0 =	sne.s32 s30, $0x19;
	s4 =	sadd.s32 $0xC050, s0;
	s8 =	simm.s32 $0x1D268  }
0x56c: {  	[hbm4b:s4+s3] =	stream.linear.scatter [tilespmem:s8], [sflag:$0x4], $0x80, $0x38;
	[tilespmem:$0x1D400] =	vst v63  }
.Ltmp7:
0x56d: {  	_ = 	snop;
	(pc) =	sbr.rel @p0 .LBB2_7-.Ltmp7, $4  }
0x56e: {  	s31 =	sadd.s32 $0xC060, s0  }
0x56f: {  	[hbm4b:s31+s3] =	stream.linear.scatter [tilespmem:s7], [sflag:$0x4], $0x80, $0x38;
	[tilespmem:$0x1D400] =	vst v63  }
0x570: {  	s0 =	sadd.s32 $0xC070, s0  }
0x571: {  	[hbm4b:s0+s3] =	stream.linear.scatter [tilespmem:s26], [sflag:$0x4], $0x80, $0x38;
	[tilespmem:$0x1D400] =	vst v63  }
0x572: {  	s0 =	simm.s32 $0x3  }
0x573: {  	_ =	swait.ge [sflag:s0], $0x1000  }
0x574: {  	[sflag:s0] =	ssyncset.done $0x0  }
0x575: {  	[sflag:s0] =	ssyncadd.s32 $0xFFFFF000  }
0x576: {  	_ =	swait.ge [sflag:s0], $0x1000  }
0x577: {  	[sflag:s0] =	ssyncset.done $0x0  }
0x578: {  	[sflag:s0] =	ssyncadd.s32 $0xFFFFF000  }
0x579: {  	_ =	swait.ge [sflag:s0], $0x1000  }
0x57a: {  	[sflag:s0] =	ssyncset.done $0x0  }
0x57b: {  	[sflag:s0] =	ssyncadd.s32 $0xFFFFF000  }
0x57c: {  	_ =	swait.ge [sflag:s0], $0x1000  }
0x57d: {  	[sflag:s0] =	ssyncset.done $0x0  }
0x57e: {  	[sflag:s0] =	ssyncadd.s32 $0xFFFFF000  }
0x57f: {  	_ =	swait.ge [sflag:s24], $0x1000  }
0x580: {  	[sflag:s24] =	ssyncset.done $0x0  }
0x581: {  	[sflag:s24] =	ssyncadd.s32 $0xFFFFF000  }
0x582: {  	_ =	swait.ge [sflag:s24], $0x1000  }
0x583: {  	[sflag:s24] =	ssyncset.done $0x0  }
0x584: {  	[sflag:s24] =	ssyncadd.s32 $0xFFFFF000  }
0x585: {  	_ =	swait.ge [sflag:s24], $0x1000  }
0x586: {  	[sflag:s24] =	ssyncset.done $0x0  }
0x587: {  	[sflag:s24] =	ssyncadd.s32 $0xFFFFF000  }
0x588: {  	_ =	swait.ge [sflag:s24], $0x1000  }
0x589: {  	s4 =	rddreg [dreg:$0x8]  }
0x58a: {  	s4 =	sadd.s32 $0x1, s4  }
0x58b: {  	p0 =	sne.s32 s4, $0x4  }
.Ltmp8:
0x58c: {  	_ = 	snop;
	(pc) =	sbr.rel @p0 .LBB2_2-.Ltmp8, $3  }
0x58d: {  	_ =	sdelay $0x1  }
0x58e: {  	[sflag:s24] =	ssyncset.done $0x0  }
0x58f: {  	[sflag:s24] =	ssyncadd.s32 $0xFFFFF000  }
0x590: {  	s2 =	rddreg [dreg:$0x7]  }
0x591: {  	s0 =	rddreg [dreg:$0x6];
	s2 =	sadd.s32 $0x1, s2  }
0x592: {  	p0 =	sne.s32 s2, s0  }
.Ltmp9:
0x593: {  	_ = 	snop;
	(pc) =	sbr.rel @p0 .LBB2_1-.Ltmp9, $1  }
0x594: {  	_ =	sdelay $0x3  }
0x595: {  	_ =	sfence.sel $0x180000  }
0x596: {  	[bflag:$0x0] =	sbarrier.arrive $0xFFFF  }
0x597: {  	_ =	strace $0x90000047  }
0x598: {  	s0 =	stileid.u32;
	[bflag:$0x2] =	sbarrier.arrive $0xFFFF  }
0x599: {  	p0 =	sne.s32 s0, $0x0;
	s0 =	rddreg [dreg:$0x2]  }
0x59a: {  	s0 =	sadd.s32 @!p0 $0x100000, s0  }
0x59b: {  	[sflag:s0] =	ssyncadd.tile.s32 @!p0 $0x1;
	_ =	shalt  }
.Lfunc_end2:
_tile_overlayer_lowered:
.L_overlay_start_2:
0x59c: {  	(tag) =	ssettag $0x2  }
0x59d: {  	s0 =	rddreg [dreg:$0x0];
	s2 =	stileid.u32  }
0x59e: {  	s1 =	rddreg [dreg:$0x1];
	p0 =	sne.s32 s2, $0x0  }
0x59f: {  	s3 =	rddreg [dreg:$0x2];
	[bflag:$0x3] =	sbarrier.arrive $0xFFFF;
	s2 =	simm.s32 @!p0 $0x1C05  }
0x5a0: {  	[timem:s3], [sflag:s2] =	dma.local @!p0 [hbm:s0], s1  }
0x5a1: {  	s0 =	simm.s32 @!p0 $0x5  }
0x5a2: {  	_ =	swait.ge @!p0 [sflag:s0], s1  }
0x5a3: {  	s1 =	ssub.s32 @!p0 $0x0, s1;
	[sflag:s0] =	ssyncset.done @!p0 $0x0  }
0x5a4: {  	[sflag:s0] =	ssyncadd.s32 @!p0 s1  }
0x5a5: {  	[bflag:$0x3] =	sbarrier.arrive $0xFFFF  }
0x5a6: {  	_ =	shalt  }

</sc_bundles>
